<compile_context>
chip_gen: v7x
topology: tpu7x:2x2x1
jax: 0.10.2.dev20260603
libtpu: 0.0.44.dev20260713+nightly
codegen_flags: <defaults>
</compile_context>

<pallas_src>
import functools

import jax
import jax.numpy as jnp
from jax import lax
from jax.experimental import pallas as pl
from jax.experimental.pallas import tpu as pltpu
from jax.experimental.pallas import tpu_sc as plsc

N = 10000
NP = 10240
E = 320000
F = 128
FH = F // 2
OUT = 64
EPS = 1e-5

ROW = 80
NCORES = 2
NSUB = 16
NCH = E // (ROW * NSUB)
NSLOT = 5
RT = NP // NSUB

_SC_PARAMS = pltpu.CompilerParams(use_tc_tiling_on_sc=False)


def _agg_body(with_deg, *refs):
    nin = 4 if with_deg else 3
    x_hbm, ei_hbm, p_hbm = refs[0], refs[1], refs[2]
    degp_hbm = refs[3] if with_deg else None
    accum, sidx, didx, rows, rows2 = refs[nin:nin + 5]
    sems = refs[nin + 5:nin + 5 + 4 * NSLOT]
    sg1 = sems[0:NSLOT]
    sg2 = sems[NSLOT:2 * NSLOT]
    ss1 = sems[2 * NSLOT:3 * NSLOT]
    ss2 = sems[3 * NSLOT:4 * NSLOT]
    if with_deg:
        degacc, zbuf, ones, sdg = refs[nin + 5 + 4 * NSLOT:]

    cid = lax.axis_index("c")
    sid = lax.axis_index("s")

    pltpu.sync_copy(x_hbm.at[cid, pl.ds(sid * RT, RT)],
                    accum.at[pl.ds(sid * RT, RT)])
    pltpu.sync_copy(ei_hbm.at[cid, sid], sidx)
    pltpu.sync_copy(ei_hbm.at[1 - cid, sid], didx)
    if with_deg:
        for i in range(RT // 16):
            zbuf[pl.ds(i * 16, 16)] = jnp.zeros((16,), jnp.float32)
        for i in range(ROW // 16):
            ones[pl.ds(i * 16, 16)] = jnp.full((16,), 1.0, jnp.float32)
        pltpu.sync_copy(zbuf, degacc.at[pl.ds(sid * RT, RT)])
    plsc.subcore_barrier()

    def fire_g(i, b):
        pltpu.make_async_copy(x_hbm.at[cid].at[sidx.at[i]],
                              rows.at[b], sg1[b]).start()
        pltpu.make_async_copy(x_hbm.at[cid].at[didx.at[i]],
                              rows2.at[b], sg2[b]).start()
        if with_deg:
            pltpu.make_async_copy(ones, degacc.at[didx.at[i]],
                                  sdg).start(add=True)

    def fire_s(i, b):
        pltpu.make_async_copy(x_hbm.at[cid].at[sidx.at[i]],
                              rows.at[b], sg1[b]).wait()
        pltpu.make_async_copy(rows.at[b], accum.at[didx.at[i]],
                              ss1[b]).start(add=True)
        pltpu.make_async_copy(x_hbm.at[cid].at[didx.at[i]],
                              rows2.at[b], sg2[b]).wait()
        pltpu.make_async_copy(rows2.at[b], accum.at[sidx.at[i]],
                              ss2[b]).start(add=True)

    def wait_s(i, b):
        pltpu.make_async_copy(rows.at[b], accum.at[didx.at[i]],
                              ss1[b]).wait()
        pltpu.make_async_copy(rows2.at[b], accum.at[sidx.at[i]],
                              ss2[b]).wait()
        if with_deg:
            pltpu.make_async_copy(ones, degacc.at[didx.at[i]], sdg).wait()

    fire_g(0, 0)
    for b in range(1, NSLOT):
        fire_g(b, b)
        fire_s(b - 1, b - 1)

    def step(p, carry):
        for b in range(NSLOT):
            i = NSLOT * p + b
            wait_s(i - NSLOT, b)
            fire_g(i, b)
            fire_s(i - 1, (b - 1) % NSLOT)
        return carry

    lax.fori_loop(1, NCH // NSLOT, step, 0)
    fire_s(NCH - 1, NSLOT - 1)
    for b in range(NSLOT):
        wait_s(NCH - NSLOT + b, b)
    plsc.subcore_barrier()

    pltpu.sync_copy(accum.at[pl.ds(sid * RT, RT)],
                    p_hbm.at[cid, pl.ds(sid * RT, RT)])
    if with_deg:
        pltpu.sync_copy(degacc.at[pl.ds(sid * RT, RT)],
                        degp_hbm.at[cid, sid, 0])


def _make_agg(with_deg):
    mesh = plsc.VectorSubcoreMesh(core_axis_name="c", subcore_axis_name="s",
                                  num_cores=NCORES, num_subcores=NSUB)
    out_type = [jax.ShapeDtypeStruct((NCORES, NP, FH), jnp.bfloat16)]
    scratch = [
        pltpu.VMEM_SHARED((NP, FH), jnp.bfloat16),
        pltpu.VMEM((NCH, ROW), jnp.int32),
        pltpu.VMEM((NCH, ROW), jnp.int32),
        pltpu.VMEM((NSLOT, ROW, FH), jnp.bfloat16),
        pltpu.VMEM((NSLOT, ROW, FH), jnp.bfloat16),
    ] + [pltpu.SemaphoreType.DMA] * (4 * NSLOT)
    if with_deg:
        out_type.append(
            jax.ShapeDtypeStruct((NCORES, NSUB, 1, RT), jnp.float32))
        scratch += [
            pltpu.VMEM_SHARED((NP,), jnp.float32),
            pltpu.VMEM((RT,), jnp.float32),
            pltpu.VMEM((ROW,), jnp.float32),
            pltpu.SemaphoreType.DMA,
        ]
    return pl.kernel(
        functools.partial(_agg_body, with_deg),
        out_type=out_type,
        mesh=mesh,
        scratch_types=scratch,
        compiler_params=_SC_PARAMS,
    )


_agg_with_deg = _make_agg(True)
_agg_no_deg = _make_agg(False)


def _dot_t(a, w):
    return lax.dot_general(a, w, (((1,), (1,)), ((), ())),
                           preferred_element_type=jnp.float32)


def _bn_relu(t, gamma, beta):
    mask = lax.broadcasted_iota(jnp.int32, (NP, 1), 0) < N
    m = jnp.sum(jnp.where(mask, t, 0.0), axis=0, keepdims=True) / N
    d = jnp.where(mask, t - m, 0.0)
    v = jnp.sum(d * d, axis=0, keepdims=True) / N
    h = (t - m) * lax.rsqrt(v + EPS) * gamma[None, :] + beta[None, :]
    return jnp.maximum(h, 0.0)


def _layer1_body(x_ref, p_ref, dp_ref, ws_ref, bs_ref, wn_ref, bn_ref,
                 g_ref, b_ref, h1f_ref, h1s_ref):
    x = x_ref[...]
    agg = jnp.concatenate([p_ref[0], p_ref[1]], axis=1).astype(jnp.float32)
    deg = dp_ref[:, 0:1] + dp_ref[:, 1:2] + 1.0
    t = (_dot_t(x, ws_ref[...]) + _dot_t(agg / deg, wn_ref[...])
         + (bs_ref[...] + bn_ref[...])[None, :])
    h1 = _bn_relu(t, g_ref[...], b_ref[...])
    h1f_ref[...] = h1
    h1b = h1.astype(jnp.bfloat16)
    h1s_ref[0] = h1b[:, :FH]
    h1s_ref[1] = h1b[:, FH:]


def _layer2_body(h1f_ref, p_ref, dp_ref, ws_ref, bs_ref, wn_ref, bn_ref,
                 g_ref, b_ref, wh_ref, bh_ref, out_ref):
    h1 = h1f_ref[...]
    agg = jnp.concatenate([p_ref[0], p_ref[1]], axis=1).astype(jnp.float32)
    deg = dp_ref[:, 0:1] + dp_ref[:, 1:2] + 1.0
    t = (_dot_t(h1, ws_ref[...]) + _dot_t(agg / deg, wn_ref[...])
         + (bs_ref[...] + bn_ref[...])[None, :])
    h2 = _bn_relu(t, g_ref[...], b_ref[...])
    out_ref[...] = _dot_t(h2[:N], wh_ref[...]) + bh_ref[...][None, :]


_layer1 = pl.pallas_call(
    _layer1_body, out_shape=[jax.ShapeDtypeStruct((NP, F), jnp.float32),
                             jax.ShapeDtypeStruct((NCORES, NP, FH),
                                                  jnp.bfloat16)])
_layer2 = pl.pallas_call(
    _layer2_body, out_shape=jax.ShapeDtypeStruct((N, OUT), jnp.float32))


def kernel(x, edge_index, W_self1, b_self1, W_neigh1, b_neigh1, gamma1, beta1,
           W_self2, b_self2, W_neigh2, b_neigh2, gamma2, beta2, W_head, b_head):
    x_pad = jnp.pad(x, ((0, NP - N), (0, 0)))
    xb = x_pad.astype(jnp.bfloat16)
    x2 = jnp.stack([xb[:, :FH], xb[:, FH:]])
    ei4 = edge_index.reshape(2, NSUB, NCH, ROW)
    p1, degp = _agg_with_deg(x2, ei4)
    dp_t = degp.reshape(NCORES, NP).T
    h1f, h1s = _layer1(x_pad, p1, dp_t, W_self1, b_self1, W_neigh1,
                       b_neigh1, gamma1, beta1)
    (p2,) = _agg_no_deg(h1s, ei4)
    return _layer2(h1f, p2, dp_t, W_self2, b_self2, W_neigh2, b_neigh2,
                   gamma2, beta2, W_head, b_head)

# --- scband reference (transcript-rebuilt; emitter-appended) ---
"""Pipeline reference for scband-graph-sage-88888643158267 (READ-ONLY COPY).

The authoritative reference and input builder live on the scoring server;
editing this copy changes nothing except your own understanding.
"""

import jax, jax.numpy as jnp
import numpy as np

N = 10000
E = 320000
IN_DIM = 128
HID = 128
OUT = 64
EPS = 1e-5


def setup_inputs(seed: int = 0) -> dict:
    key = jax.random.key(seed)
    ks = jax.random.split(key, 18)
    x = jax.random.normal(ks[0], (N, IN_DIM), dtype=jnp.float32)
    edge_index = jax.random.randint(ks[1], (2, E), 0, N, dtype=jnp.int32)

    def lin(k, out_d, in_d):
        k1, k2 = jax.random.split(k)
        bound = 1.0 / np.sqrt(in_d)
        W = jax.random.uniform(k1, (out_d, in_d), minval=-bound, maxval=bound, dtype=jnp.float32)
        b = jax.random.uniform(k2, (out_d,), minval=-bound, maxval=bound, dtype=jnp.float32)
        return W, b

    W_self1, b_self1 = lin(ks[2], HID, IN_DIM)
    W_neigh1, b_neigh1 = lin(ks[3], HID, IN_DIM)
    gamma1 = jnp.ones((HID,), jnp.float32)
    beta1 = jnp.zeros((HID,), jnp.float32)
    W_self2, b_self2 = lin(ks[4], HID, HID)
    W_neigh2, b_neigh2 = lin(ks[5], HID, HID)
    gamma2 = jnp.ones((HID,), jnp.float32)
    beta2 = jnp.zeros((HID,), jnp.float32)
    W_head, b_head = lin(ks[6], OUT, HID)
    return {
        'x': x, 'edge_index': edge_index,
        'W_self1': W_self1, 'b_self1': b_self1,
        'W_neigh1': W_neigh1, 'b_neigh1': b_neigh1,
        'gamma1': gamma1, 'beta1': beta1,
        'W_self2': W_self2, 'b_self2': b_self2,
        'W_neigh2': W_neigh2, 'b_neigh2': b_neigh2,
        'gamma2': gamma2, 'beta2': beta2,
        'W_head': W_head, 'b_head': b_head,
    }


def _mean_aggregate(ei, x):
    n = x.shape[0]
    ar = jnp.arange(n, dtype=ei.dtype)
    ei_sl = jnp.concatenate([ei, jnp.stack([ar, ar])], axis=1)
    src, dst = ei_sl[0], ei_sl[1]
    deg_in = jnp.bincount(dst, length=n).astype(x.dtype)
    agg = jnp.zeros_like(x).at[dst].add(x[src])
    return agg / jnp.clip(deg_in, 1.0)[:, None]


def _batchnorm(h, gamma, beta):
    m = jnp.mean(h, axis=0)
    v = jnp.mean((h - m) ** 2, axis=0)
    return (h - m) / jnp.sqrt(v + EPS) * gamma + beta


def reference(x, edge_index, W_self1, b_self1, W_neigh1, b_neigh1, gamma1, beta1,
              W_self2, b_self2, W_neigh2, b_neigh2, gamma2, beta2, W_head, b_head):
    # symmetrize edges
    rev = edge_index[::-1]
    ei = jnp.concatenate([edge_index, rev], axis=1)
    # layer 1
    neigh1 = _mean_aggregate(ei, x)
    h1 = x @ W_self1.T + b_self1 + neigh1 @ W_neigh1.T + b_neigh1
    h1 = jax.nn.relu(_batchnorm(h1, gamma1, beta1))
    # dropout: identity (eval / deterministic)
    # layer 2
    neigh2 = _mean_aggregate(ei, h1)
    h2 = h1 @ W_self2.T + b_self2 + neigh2 @ W_neigh2.T + b_neigh2
    h2 = jax.nn.relu(_batchnorm(h2, gamma2, beta2))
    logits = h2 @ W_head.T + b_head
    return logits

if __name__ == "__main__":
    import jax
    _d = setup_inputs()
    print(jax.jit(kernel)(*tuple(_d.values())))

</pallas_src>

<mosaic_0001>
#map = affine_map<(d0, d1) -> (0, 0, 0)>
#map1 = affine_map<(d0, d1) -> (0, 0, 0, 0)>
module attributes {stable_mosaic.version = 14 : i64} {
  func.func @_agg_body(%arg0: i32, %arg1: i32, %arg2: memref<2x10240x64xbf16, #tpu.memory_space<hbm>>, %arg3: memref<2x16x250x80xi32, #tpu.memory_space<hbm>>, %arg4: memref<2x10240x64xbf16, #tpu.memory_space<hbm>>, %arg5: memref<10240x64xbf16, #tpu.memory_space<vmem_shared>>, %arg6: memref<250x80xi32, #tpu.memory_space<vmem>>, %arg7: memref<250x80xi32, #tpu.memory_space<vmem>>, %arg8: memref<5x80x64xbf16, #tpu.memory_space<vmem>>, %arg9: memref<5x80x64xbf16, #tpu.memory_space<vmem>>, %arg10: memref<!tpu.dma_semaphore, #tpu.memory_space<semaphore_mem>>, %arg11: memref<!tpu.dma_semaphore, #tpu.memory_space<semaphore_mem>>, %arg12: memref<!tpu.dma_semaphore, #tpu.memory_space<semaphore_mem>>, %arg13: memref<!tpu.dma_semaphore, #tpu.memory_space<semaphore_mem>>, %arg14: memref<!tpu.dma_semaphore, #tpu.memory_space<semaphore_mem>>, %arg15: memref<!tpu.dma_semaphore, #tpu.memory_space<semaphore_mem>>, %arg16: memref<!tpu.dma_semaphore, #tpu.memory_space<semaphore_mem>>, %arg17: memref<!tpu.dma_semaphore, #tpu.memory_space<semaphore_mem>>, %arg18: memref<!tpu.dma_semaphore, #tpu.memory_space<semaphore_mem>>, %arg19: memref<!tpu.dma_semaphore, #tpu.memory_space<semaphore_mem>>, %arg20: memref<!tpu.dma_semaphore, #tpu.memory_space<semaphore_mem>>, %arg21: memref<!tpu.dma_semaphore, #tpu.memory_space<semaphore_mem>>, %arg22: memref<!tpu.dma_semaphore, #tpu.memory_space<semaphore_mem>>, %arg23: memref<!tpu.dma_semaphore, #tpu.memory_space<semaphore_mem>>, %arg24: memref<!tpu.dma_semaphore, #tpu.memory_space<semaphore_mem>>, %arg25: memref<!tpu.dma_semaphore, #tpu.memory_space<semaphore_mem>>, %arg26: memref<!tpu.dma_semaphore, #tpu.memory_space<semaphore_mem>>, %arg27: memref<!tpu.dma_semaphore, #tpu.memory_space<semaphore_mem>>, %arg28: memref<!tpu.dma_semaphore, #tpu.memory_space<semaphore_mem>>, %arg29: memref<!tpu.dma_semaphore, #tpu.memory_space<semaphore_mem>>) attributes {dimension_semantics = [#tpu.dimension_semantics<core_parallel>, #tpu.dimension_semantics<subcore_parallel>], iteration_bounds = array<i64: 2, 16>, scalar_prefetch = 0 : i64, scratch_operands = 25 : i64, tpu.core_type = #tpu.core_type<sc_vector_subcore>, window_params = [{transform_indices = #map}, {transform_indices = #map1}, {transform_indices = #map}]} {
    %mul3A = arith.constant 640 : i32
    %mul3A_0 = arith.muli %arg1, %mul3A : i32
    %mul3A_1 = arith.constant 640 : i32
    %mul3A_2 = arith.muli %arg1, %mul3A_1 : i32
    "tpu.region"() ({
      %run_scoped3A = tpu.sem_alloc : memref<!tpu.dma_semaphore, #tpu.memory_space<semaphore_mem>>
      %dma_start3A_572 = arith.constant 0 : i32
      %dma_start3A_573 = tpu.memref_slice %arg5[%mul3A_2, %dma_start3A_572] : memref<10240x64xbf16, #tpu.memory_space<vmem_shared>> -> memref<640x64xbf16, #tpu.memory_space<vmem_shared>>
      %dma_start3A_574 = arith.constant 0 : i32
      %dma_start3A_575 = tpu.memref_slice %arg2[%arg0, %mul3A_0, %dma_start3A_574] : memref<2x10240x64xbf16, #tpu.memory_space<hbm>> -> memref<1x640x64xbf16, #tpu.memory_space<hbm>>
      %dma_start3A_576 = tpu.memref_squeeze %dma_start3A_575 : memref<1x640x64xbf16, #tpu.memory_space<hbm>> -> memref<640x64xbf16, #tpu.memory_space<hbm>>
      tpu.enqueue_dma source(%dma_start3A_576 : memref<640x64xbf16, #tpu.memory_space<hbm>>) target(%dma_start3A_573 : memref<640x64xbf16, #tpu.memory_space<vmem_shared>>) target_semaphore(%run_scoped3A : memref<!tpu.dma_semaphore, #tpu.memory_space<semaphore_mem>>)
      %dma_wait3A_577 = arith.constant 0 : i32
      %dma_wait3A_578 = tpu.memref_slice %arg5[%mul3A_2, %dma_wait3A_577] : memref<10240x64xbf16, #tpu.memory_space<vmem_shared>> -> memref<640x64xbf16, #tpu.memory_space<vmem_shared>>
      %dma_wait3A_579 = arith.constant 0 : i32
      %dma_wait3A_580 = tpu.memref_slice %arg2[%arg0, %mul3A_0, %dma_wait3A_579] : memref<2x10240x64xbf16, #tpu.memory_space<hbm>> -> memref<1x640x64xbf16, #tpu.memory_space<hbm>>
      %dma_wait3A_581 = tpu.memref_squeeze %dma_wait3A_580 : memref<1x640x64xbf16, #tpu.memory_space<hbm>> -> memref<640x64xbf16, #tpu.memory_space<hbm>>
      tpu.wait_dma2 semaphore(%run_scoped3A : memref<!tpu.dma_semaphore, #tpu.memory_space<semaphore_mem>>) src(%dma_wait3A_581 : memref<640x64xbf16, #tpu.memory_space<hbm>>) dst(%dma_wait3A_578 : memref<640x64xbf16, #tpu.memory_space<vmem_shared>>)
      tpu.yield
    }) : () -> ()
    "tpu.region"() ({
      %run_scoped3A = tpu.sem_alloc : memref<!tpu.dma_semaphore, #tpu.memory_space<semaphore_mem>>
      %dma_start3A_572 = arith.constant 0 : i32
      %dma_start3A_573 = arith.constant 0 : i32
      %dma_start3A_574 = tpu.memref_slice %arg3[%arg0, %arg1, %dma_start3A_572, %dma_start3A_573] : memref<2x16x250x80xi32, #tpu.memory_space<hbm>> -> memref<1x1x250x80xi32, #tpu.memory_space<hbm>>
      %dma_start3A_575 = tpu.memref_squeeze %dma_start3A_574 : memref<1x1x250x80xi32, #tpu.memory_space<hbm>> -> memref<250x80xi32, #tpu.memory_space<hbm>>
      %dma_start3A_576 = arith.constant 0 : i32
      %dma_start3A_577 = arith.constant 0 : i32
      %dma_start3A_578 = tpu.memref_slice %arg3[%arg0, %arg1, %dma_start3A_576, %dma_start3A_577] : memref<2x16x250x80xi32, #tpu.memory_space<hbm>> -> memref<1x1x250x80xi32, #tpu.memory_space<hbm>>
      %dma_start3A_579 = tpu.memref_squeeze %dma_start3A_578 : memref<1x1x250x80xi32, #tpu.memory_space<hbm>> -> memref<250x80xi32, #tpu.memory_space<hbm>>
      tpu.enqueue_dma source(%dma_start3A_579 : memref<250x80xi32, #tpu.memory_space<hbm>>) target(%arg6 : memref<250x80xi32, #tpu.memory_space<vmem>>) target_semaphore(%run_scoped3A : memref<!tpu.dma_semaphore, #tpu.memory_space<semaphore_mem>>)
      %dma_wait3A_580 = arith.constant 0 : i32
      %dma_wait3A_581 = arith.constant 0 : i32
      %dma_wait3A_582 = tpu.memref_slice %arg3[%arg0, %arg1, %dma_wait3A_580, %dma_wait3A_581] : memref<2x16x250x80xi32, #tpu.memory_space<hbm>> -> memref<1x1x250x80xi32, #tpu.memory_space<hbm>>
      %dma_wait3A_583 = tpu.memref_squeeze %dma_wait3A_582 : memref<1x1x250x80xi32, #tpu.memory_space<hbm>> -> memref<250x80xi32, #tpu.memory_space<hbm>>
      %dma_wait3A_584 = arith.constant 0 : i32
      %dma_wait3A_585 = arith.constant 0 : i32
      %dma_wait3A_586 = tpu.memref_slice %arg3[%arg0, %arg1, %dma_wait3A_584, %dma_wait3A_585] : memref<2x16x250x80xi32, #tpu.memory_space<hbm>> -> memref<1x1x250x80xi32, #tpu.memory_space<hbm>>
      %dma_wait3A_587 = tpu.memref_squeeze %dma_wait3A_586 : memref<1x1x250x80xi32, #tpu.memory_space<hbm>> -> memref<250x80xi32, #tpu.memory_space<hbm>>
      tpu.wait_dma2 semaphore(%run_scoped3A : memref<!tpu.dma_semaphore, #tpu.memory_space<semaphore_mem>>) src(%dma_wait3A_587 : memref<250x80xi32, #tpu.memory_space<hbm>>) dst(%arg6 : memref<250x80xi32, #tpu.memory_space<vmem>>)
      tpu.yield
    }) : () -> ()
    %sub3A = arith.constant 1 : i32
    %sub3A_3 = arith.subi %sub3A, %arg0 : i32
    "tpu.region"() ({
      %run_scoped3A = tpu.sem_alloc : memref<!tpu.dma_semaphore, #tpu.memory_space<semaphore_mem>>
      %dma_start3A_572 = arith.constant 0 : i32
      %dma_start3A_573 = arith.constant 0 : i32
      %dma_start3A_574 = tpu.memref_slice %arg3[%sub3A_3, %arg1, %dma_start3A_572, %dma_start3A_573] : memref<2x16x250x80xi32, #tpu.memory_space<hbm>> -> memref<1x1x250x80xi32, #tpu.memory_space<hbm>>
      %dma_start3A_575 = tpu.memref_squeeze %dma_start3A_574 : memref<1x1x250x80xi32, #tpu.memory_space<hbm>> -> memref<250x80xi32, #tpu.memory_space<hbm>>
      %dma_start3A_576 = arith.constant 0 : i32
      %dma_start3A_577 = arith.constant 0 : i32
      %dma_start3A_578 = tpu.memref_slice %arg3[%sub3A_3, %arg1, %dma_start3A_576, %dma_start3A_577] : memref<2x16x250x80xi32, #tpu.memory_space<hbm>> -> memref<1x1x250x80xi32, #tpu.memory_space<hbm>>
      %dma_start3A_579 = tpu.memref_squeeze %dma_start3A_578 : memref<1x1x250x80xi32, #tpu.memory_space<hbm>> -> memref<250x80xi32, #tpu.memory_space<hbm>>
      tpu.enqueue_dma source(%dma_start3A_579 : memref<250x80xi32, #tpu.memory_space<hbm>>) target(%arg7 : memref<250x80xi32, #tpu.memory_space<vmem>>) target_semaphore(%run_scoped3A : memref<!tpu.dma_semaphore, #tpu.memory_space<semaphore_mem>>)
      %dma_wait3A_580 = arith.constant 0 : i32
      %dma_wait3A_581 = arith.constant 0 : i32
      %dma_wait3A_582 = tpu.memref_slice %arg3[%sub3A_3, %arg1, %dma_wait3A_580, %dma_wait3A_581] : memref<2x16x250x80xi32, #tpu.memory_space<hbm>> -> memref<1x1x250x80xi32, #tpu.memory_space<hbm>>
      %dma_wait3A_583 = tpu.memref_squeeze %dma_wait3A_582 : memref<1x1x250x80xi32, #tpu.memory_space<hbm>> -> memref<250x80xi32, #tpu.memory_space<hbm>>
      %dma_wait3A_584 = arith.constant 0 : i32
      %dma_wait3A_585 = arith.constant 0 : i32
      %dma_wait3A_586 = tpu.memref_slice %arg3[%sub3A_3, %arg1, %dma_wait3A_584, %dma_wait3A_585] : memref<2x16x250x80xi32, #tpu.memory_space<hbm>> -> memref<1x1x250x80xi32, #tpu.memory_space<hbm>>
      %dma_wait3A_587 = tpu.memref_squeeze %dma_wait3A_586 : memref<1x1x250x80xi32, #tpu.memory_space<hbm>> -> memref<250x80xi32, #tpu.memory_space<hbm>>
      tpu.wait_dma2 semaphore(%run_scoped3A : memref<!tpu.dma_semaphore, #tpu.memory_space<semaphore_mem>>) src(%dma_wait3A_587 : memref<250x80xi32, #tpu.memory_space<hbm>>) dst(%arg7 : memref<250x80xi32, #tpu.memory_space<vmem>>)
      tpu.yield
    }) : () -> ()
    %barrier3A = arith.constant 0 : index
    tpu.barrier barrier_id(%barrier3A)
    %dma_start3A = arith.constant 0 : i32
    %dma_start3A_4 = arith.constant 0 : i32
    %dma_start3A_5 = arith.constant 0 : i32
    %dma_start3A_6 = arith.constant 0 : i32
    %dma_start3A_7 = tpu.memref_slice %arg8[%dma_start3A_4, %dma_start3A_5, %dma_start3A_6] : memref<5x80x64xbf16, #tpu.memory_space<vmem>> -> memref<1x80x64xbf16, #tpu.memory_space<vmem>>
    %dma_start3A_8 = tpu.memref_squeeze %dma_start3A_7 : memref<1x80x64xbf16, #tpu.memory_space<vmem>> -> memref<80x64xbf16, #tpu.memory_space<vmem>>
    %dma_start3A_9 = arith.constant 0 : i32
    %dma_start3A_10 = tpu.memref_slice %arg6[%dma_start3A, %dma_start3A_9] : memref<250x80xi32, #tpu.memory_space<vmem>> -> memref<1x80xi32, #tpu.memory_space<vmem>>
    %dma_start3A_11 = tpu.memref_squeeze %dma_start3A_10 : memref<1x80xi32, #tpu.memory_space<vmem>> -> memref<80xi32, #tpu.memory_space<vmem>>
    %dma_start3A_12 = arith.constant 0 : i32
    %dma_start3A_13 = arith.constant 0 : i32
    %dma_start3A_14 = tpu.memref_slice %arg2[%arg0, %dma_start3A_12, %dma_start3A_13] : memref<2x10240x64xbf16, #tpu.memory_space<hbm>> -> memref<1x10240x64xbf16, #tpu.memory_space<hbm>>
    %dma_start3A_15 = tpu.memref_squeeze %dma_start3A_14 : memref<1x10240x64xbf16, #tpu.memory_space<hbm>> -> memref<10240x64xbf16, #tpu.memory_space<hbm>>
    %dma_start3A_16 = arith.constant 0 : i32
    %dma_start3A_17 = arith.constant 0 : i32
    %dma_start3A_18 = tpu.memref_slice %dma_start3A_15[%dma_start3A_16, %dma_start3A_17] : memref<10240x64xbf16, #tpu.memory_space<hbm>> -> memref<10240x64xbf16, #tpu.memory_space<hbm>>
    tpu.enqueue_indirect_dma source(%dma_start3A_18 : memref<10240x64xbf16, #tpu.memory_space<hbm>>) target(%dma_start3A_8 : memref<80x64xbf16, #tpu.memory_space<vmem>>) offsets(%dma_start3A_11 : memref<80xi32, #tpu.memory_space<vmem>>) semaphore(%arg10 : memref<!tpu.dma_semaphore, #tpu.memory_space<semaphore_mem>>)
    %dma_start3A_19 = arith.constant 0 : i32
    %dma_start3A_20 = arith.constant 0 : i32
    %dma_start3A_21 = arith.constant 0 : i32
    %dma_start3A_22 = arith.constant 0 : i32
    %dma_start3A_23 = tpu.memref_slice %arg9[%dma_start3A_20, %dma_start3A_21, %dma_start3A_22] : memref<5x80x64xbf16, #tpu.memory_space<vmem>> -> memref<1x80x64xbf16, #tpu.memory_space<vmem>>
    %dma_start3A_24 = tpu.memref_squeeze %dma_start3A_23 : memref<1x80x64xbf16, #tpu.memory_space<vmem>> -> memref<80x64xbf16, #tpu.memory_space<vmem>>
    %dma_start3A_25 = arith.constant 0 : i32
    %dma_start3A_26 = tpu.memref_slice %arg7[%dma_start3A_19, %dma_start3A_25] : memref<250x80xi32, #tpu.memory_space<vmem>> -> memref<1x80xi32, #tpu.memory_space<vmem>>
    %dma_start3A_27 = tpu.memref_squeeze %dma_start3A_26 : memref<1x80xi32, #tpu.memory_space<vmem>> -> memref<80xi32, #tpu.memory_space<vmem>>
    %dma_start3A_28 = arith.constant 0 : i32
    %dma_start3A_29 = arith.constant 0 : i32
    %dma_start3A_30 = tpu.memref_slice %arg2[%arg0, %dma_start3A_28, %dma_start3A_29] : memref<2x10240x64xbf16, #tpu.memory_space<hbm>> -> memref<1x10240x64xbf16, #tpu.memory_space<hbm>>
    %dma_start3A_31 = tpu.memref_squeeze %dma_start3A_30 : memref<1x10240x64xbf16, #tpu.memory_space<hbm>> -> memref<10240x64xbf16, #tpu.memory_space<hbm>>
    %dma_start3A_32 = arith.constant 0 : i32
    %dma_start3A_33 = arith.constant 0 : i32
    %dma_start3A_34 = tpu.memref_slice %dma_start3A_31[%dma_start3A_32, %dma_start3A_33] : memref<10240x64xbf16, #tpu.memory_space<hbm>> -> memref<10240x64xbf16, #tpu.memory_space<hbm>>
    tpu.enqueue_indirect_dma source(%dma_start3A_34 : memref<10240x64xbf16, #tpu.memory_space<hbm>>) target(%dma_start3A_24 : memref<80x64xbf16, #tpu.memory_space<vmem>>) offsets(%dma_start3A_27 : memref<80xi32, #tpu.memory_space<vmem>>) semaphore(%arg15 : memref<!tpu.dma_semaphore, #tpu.memory_space<semaphore_mem>>)
    %dma_start3A_35 = arith.constant 1 : i32
    %dma_start3A_36 = arith.constant 1 : i32
    %dma_start3A_37 = arith.constant 0 : i32
    %dma_start3A_38 = arith.constant 0 : i32
    %dma_start3A_39 = tpu.memref_slice %arg8[%dma_start3A_36, %dma_start3A_37, %dma_start3A_38] : memref<5x80x64xbf16, #tpu.memory_space<vmem>> -> memref<1x80x64xbf16, #tpu.memory_space<vmem>>
    %dma_start3A_40 = tpu.memref_squeeze %dma_start3A_39 : memref<1x80x64xbf16, #tpu.memory_space<vmem>> -> memref<80x64xbf16, #tpu.memory_space<vmem>>
    %dma_start3A_41 = arith.constant 0 : i32
    %dma_start3A_42 = tpu.memref_slice %arg6[%dma_start3A_35, %dma_start3A_41] : memref<250x80xi32, #tpu.memory_space<vmem>> -> memref<1x80xi32, #tpu.memory_space<vmem>>
    %dma_start3A_43 = tpu.memref_squeeze %dma_start3A_42 : memref<1x80xi32, #tpu.memory_space<vmem>> -> memref<80xi32, #tpu.memory_space<vmem>>
    %dma_start3A_44 = arith.constant 0 : i32
    %dma_start3A_45 = arith.constant 0 : i32
    %dma_start3A_46 = tpu.memref_slice %arg2[%arg0, %dma_start3A_44, %dma_start3A_45] : memref<2x10240x64xbf16, #tpu.memory_space<hbm>> -> memref<1x10240x64xbf16, #tpu.memory_space<hbm>>
    %dma_start3A_47 = tpu.memref_squeeze %dma_start3A_46 : memref<1x10240x64xbf16, #tpu.memory_space<hbm>> -> memref<10240x64xbf16, #tpu.memory_space<hbm>>
    %dma_start3A_48 = arith.constant 0 : i32
    %dma_start3A_49 = arith.constant 0 : i32
    %dma_start3A_50 = tpu.memref_slice %dma_start3A_47[%dma_start3A_48, %dma_start3A_49] : memref<10240x64xbf16, #tpu.memory_space<hbm>> -> memref<10240x64xbf16, #tpu.memory_space<hbm>>
    tpu.enqueue_indirect_dma source(%dma_start3A_50 : memref<10240x64xbf16, #tpu.memory_space<hbm>>) target(%dma_start3A_40 : memref<80x64xbf16, #tpu.memory_space<vmem>>) offsets(%dma_start3A_43 : memref<80xi32, #tpu.memory_space<vmem>>) semaphore(%arg11 : memref<!tpu.dma_semaphore, #tpu.memory_space<semaphore_mem>>)
    %dma_start3A_51 = arith.constant 1 : i32
    %dma_start3A_52 = arith.constant 1 : i32
    %dma_start3A_53 = arith.constant 0 : i32
    %dma_start3A_54 = arith.constant 0 : i32
    %dma_start3A_55 = tpu.memref_slice %arg9[%dma_start3A_52, %dma_start3A_53, %dma_start3A_54] : memref<5x80x64xbf16, #tpu.memory_space<vmem>> -> memref<1x80x64xbf16, #tpu.memory_space<vmem>>
    %dma_start3A_56 = tpu.memref_squeeze %dma_start3A_55 : memref<1x80x64xbf16, #tpu.memory_space<vmem>> -> memref<80x64xbf16, #tpu.memory_space<vmem>>
    %dma_start3A_57 = arith.constant 0 : i32
    %dma_start3A_58 = tpu.memref_slice %arg7[%dma_start3A_51, %dma_start3A_57] : memref<250x80xi32, #tpu.memory_space<vmem>> -> memref<1x80xi32, #tpu.memory_space<vmem>>
    %dma_start3A_59 = tpu.memref_squeeze %dma_start3A_58 : memref<1x80xi32, #tpu.memory_space<vmem>> -> memref<80xi32, #tpu.memory_space<vmem>>
    %dma_start3A_60 = arith.constant 0 : i32
    %dma_start3A_61 = arith.constant 0 : i32
    %dma_start3A_62 = tpu.memref_slice %arg2[%arg0, %dma_start3A_60, %dma_start3A_61] : memref<2x10240x64xbf16, #tpu.memory_space<hbm>> -> memref<1x10240x64xbf16, #tpu.memory_space<hbm>>
    %dma_start3A_63 = tpu.memref_squeeze %dma_start3A_62 : memref<1x10240x64xbf16, #tpu.memory_space<hbm>> -> memref<10240x64xbf16, #tpu.memory_space<hbm>>
    %dma_start3A_64 = arith.constant 0 : i32
    %dma_start3A_65 = arith.constant 0 : i32
    %dma_start3A_66 = tpu.memref_slice %dma_start3A_63[%dma_start3A_64, %dma_start3A_65] : memref<10240x64xbf16, #tpu.memory_space<hbm>> -> memref<10240x64xbf16, #tpu.memory_space<hbm>>
    tpu.enqueue_indirect_dma source(%dma_start3A_66 : memref<10240x64xbf16, #tpu.memory_space<hbm>>) target(%dma_start3A_56 : memref<80x64xbf16, #tpu.memory_space<vmem>>) offsets(%dma_start3A_59 : memref<80xi32, #tpu.memory_space<vmem>>) semaphore(%arg16 : memref<!tpu.dma_semaphore, #tpu.memory_space<semaphore_mem>>)
    %dma_wait3A = arith.constant 0 : i32
    %dma_wait3A_67 = arith.constant 0 : i32
    %dma_wait3A_68 = arith.constant 0 : i32
    %dma_wait3A_69 = arith.constant 0 : i32
    %dma_wait3A_70 = tpu.memref_slice %arg8[%dma_wait3A_67, %dma_wait3A_68, %dma_wait3A_69] : memref<5x80x64xbf16, #tpu.memory_space<vmem>> -> memref<1x80x64xbf16, #tpu.memory_space<vmem>>
    %dma_wait3A_71 = tpu.memref_squeeze %dma_wait3A_70 : memref<1x80x64xbf16, #tpu.memory_space<vmem>> -> memref<80x64xbf16, #tpu.memory_space<vmem>>
    %dma_wait3A_72 = arith.constant 0 : i32
    %dma_wait3A_73 = tpu.memref_slice %arg6[%dma_wait3A, %dma_wait3A_72] : memref<250x80xi32, #tpu.memory_space<vmem>> -> memref<1x80xi32, #tpu.memory_space<vmem>>
    %dma_wait3A_74 = tpu.memref_squeeze %dma_wait3A_73 : memref<1x80xi32, #tpu.memory_space<vmem>> -> memref<80xi32, #tpu.memory_space<vmem>>
    %dma_wait3A_75 = arith.constant 0 : i32
    %dma_wait3A_76 = arith.constant 0 : i32
    %dma_wait3A_77 = tpu.memref_slice %arg2[%arg0, %dma_wait3A_75, %dma_wait3A_76] : memref<2x10240x64xbf16, #tpu.memory_space<hbm>> -> memref<1x10240x64xbf16, #tpu.memory_space<hbm>>
    %dma_wait3A_78 = tpu.memref_squeeze %dma_wait3A_77 : memref<1x10240x64xbf16, #tpu.memory_space<hbm>> -> memref<10240x64xbf16, #tpu.memory_space<hbm>>
    %dma_wait3A_79 = arith.constant 0 : i32
    %dma_wait3A_80 = arith.constant 0 : i32
    %dma_wait3A_81 = tpu.memref_slice %dma_wait3A_78[%dma_wait3A_79, %dma_wait3A_80] : memref<10240x64xbf16, #tpu.memory_space<hbm>> -> memref<10240x64xbf16, #tpu.memory_space<hbm>>
    tpu.wait_indirect_dma semaphore(%arg10 : memref<!tpu.dma_semaphore, #tpu.memory_space<semaphore_mem>>) src(%dma_wait3A_81 : memref<10240x64xbf16, #tpu.memory_space<hbm>>) dst(%dma_wait3A_71 : memref<80x64xbf16, #tpu.memory_space<vmem>>)
    %dma_start3A_82 = arith.constant 0 : i32
    %dma_start3A_83 = arith.constant 0 : i32
    %dma_start3A_84 = arith.constant 0 : i32
    %dma_start3A_85 = arith.constant 0 : i32
    %dma_start3A_86 = tpu.memref_slice %arg8[%dma_start3A_82, %dma_start3A_84, %dma_start3A_85] : memref<5x80x64xbf16, #tpu.memory_space<vmem>> -> memref<1x80x64xbf16, #tpu.memory_space<vmem>>
    %dma_start3A_87 = tpu.memref_squeeze %dma_start3A_86 : memref<1x80x64xbf16, #tpu.memory_space<vmem>> -> memref<80x64xbf16, #tpu.memory_space<vmem>>
    %dma_start3A_88 = arith.constant 0 : i32
    %dma_start3A_89 = tpu.memref_slice %arg7[%dma_start3A_83, %dma_start3A_88] : memref<250x80xi32, #tpu.memory_space<vmem>> -> memref<1x80xi32, #tpu.memory_space<vmem>>
    %dma_start3A_90 = tpu.memref_squeeze %dma_start3A_89 : memref<1x80xi32, #tpu.memory_space<vmem>> -> memref<80xi32, #tpu.memory_space<vmem>>
    %dma_start3A_91 = arith.constant 0 : i32
    %dma_start3A_92 = arith.constant 0 : i32
    %dma_start3A_93 = tpu.memref_slice %arg5[%dma_start3A_91, %dma_start3A_92] : memref<10240x64xbf16, #tpu.memory_space<vmem_shared>> -> memref<10240x64xbf16, #tpu.memory_space<vmem_shared>>
    tpu.enqueue_indirect_dma source(%dma_start3A_87 : memref<80x64xbf16, #tpu.memory_space<vmem>>) target(%dma_start3A_93 : memref<10240x64xbf16, #tpu.memory_space<vmem_shared>>) offsets(%dma_start3A_90 : memref<80xi32, #tpu.memory_space<vmem>>) semaphore(%arg20 : memref<!tpu.dma_semaphore, #tpu.memory_space<semaphore_mem>>) {add = true}
    %dma_wait3A_94 = arith.constant 0 : i32
    %dma_wait3A_95 = arith.constant 0 : i32
    %dma_wait3A_96 = arith.constant 0 : i32
    %dma_wait3A_97 = arith.constant 0 : i32
    %dma_wait3A_98 = tpu.memref_slice %arg9[%dma_wait3A_95, %dma_wait3A_96, %dma_wait3A_97] : memref<5x80x64xbf16, #tpu.memory_space<vmem>> -> memref<1x80x64xbf16, #tpu.memory_space<vmem>>
    %dma_wait3A_99 = tpu.memref_squeeze %dma_wait3A_98 : memref<1x80x64xbf16, #tpu.memory_space<vmem>> -> memref<80x64xbf16, #tpu.memory_space<vmem>>
    %dma_wait3A_100 = arith.constant 0 : i32
    %dma_wait3A_101 = tpu.memref_slice %arg7[%dma_wait3A_94, %dma_wait3A_100] : memref<250x80xi32, #tpu.memory_space<vmem>> -> memref<1x80xi32, #tpu.memory_space<vmem>>
    %dma_wait3A_102 = tpu.memref_squeeze %dma_wait3A_101 : memref<1x80xi32, #tpu.memory_space<vmem>> -> memref<80xi32, #tpu.memory_space<vmem>>
    %dma_wait3A_103 = arith.constant 0 : i32
    %dma_wait3A_104 = arith.constant 0 : i32
    %dma_wait3A_105 = tpu.memref_slice %arg2[%arg0, %dma_wait3A_103, %dma_wait3A_104] : memref<2x10240x64xbf16, #tpu.memory_space<hbm>> -> memref<1x10240x64xbf16, #tpu.memory_space<hbm>>
    %dma_wait3A_106 = tpu.memref_squeeze %dma_wait3A_105 : memref<1x10240x64xbf16, #tpu.memory_space<hbm>> -> memref<10240x64xbf16, #tpu.memory_space<hbm>>
    %dma_wait3A_107 = arith.constant 0 : i32
    %dma_wait3A_108 = arith.constant 0 : i32
    %dma_wait3A_109 = tpu.memref_slice %dma_wait3A_106[%dma_wait3A_107, %dma_wait3A_108] : memref<10240x64xbf16, #tpu.memory_space<hbm>> -> memref<10240x64xbf16, #tpu.memory_space<hbm>>
    tpu.wait_indirect_dma semaphore(%arg15 : memref<!tpu.dma_semaphore, #tpu.memory_space<semaphore_mem>>) src(%dma_wait3A_109 : memref<10240x64xbf16, #tpu.memory_space<hbm>>) dst(%dma_wait3A_99 : memref<80x64xbf16, #tpu.memory_space<vmem>>)
    %dma_start3A_110 = arith.constant 0 : i32
    %dma_start3A_111 = arith.constant 0 : i32
    %dma_start3A_112 = arith.constant 0 : i32
    %dma_start3A_113 = arith.constant 0 : i32
    %dma_start3A_114 = tpu.memref_slice %arg9[%dma_start3A_110, %dma_start3A_112, %dma_start3A_113] : memref<5x80x64xbf16, #tpu.memory_space<vmem>> -> memref<1x80x64xbf16, #tpu.memory_space<vmem>>
    %dma_start3A_115 = tpu.memref_squeeze %dma_start3A_114 : memref<1x80x64xbf16, #tpu.memory_space<vmem>> -> memref<80x64xbf16, #tpu.memory_space<vmem>>
    %dma_start3A_116 = arith.constant 0 : i32
    %dma_start3A_117 = tpu.memref_slice %arg6[%dma_start3A_111, %dma_start3A_116] : memref<250x80xi32, #tpu.memory_space<vmem>> -> memref<1x80xi32, #tpu.memory_space<vmem>>
    %dma_start3A_118 = tpu.memref_squeeze %dma_start3A_117 : memref<1x80xi32, #tpu.memory_space<vmem>> -> memref<80xi32, #tpu.memory_space<vmem>>
    %dma_start3A_119 = arith.constant 0 : i32
    %dma_start3A_120 = arith.constant 0 : i32
    %dma_start3A_121 = tpu.memref_slice %arg5[%dma_start3A_119, %dma_start3A_120] : memref<10240x64xbf16, #tpu.memory_space<vmem_shared>> -> memref<10240x64xbf16, #tpu.memory_space<vmem_shared>>
    tpu.enqueue_indirect_dma source(%dma_start3A_115 : memref<80x64xbf16, #tpu.memory_space<vmem>>) target(%dma_start3A_121 : memref<10240x64xbf16, #tpu.memory_space<vmem_shared>>) offsets(%dma_start3A_118 : memref<80xi32, #tpu.memory_space<vmem>>) semaphore(%arg25 : memref<!tpu.dma_semaphore, #tpu.memory_space<semaphore_mem>>) {add = true}
    %dma_start3A_122 = arith.constant 2 : i32
    %dma_start3A_123 = arith.constant 2 : i32
    %dma_start3A_124 = arith.constant 0 : i32
    %dma_start3A_125 = arith.constant 0 : i32
    %dma_start3A_126 = tpu.memref_slice %arg8[%dma_start3A_123, %dma_start3A_124, %dma_start3A_125] : memref<5x80x64xbf16, #tpu.memory_space<vmem>> -> memref<1x80x64xbf16, #tpu.memory_space<vmem>>
    %dma_start3A_127 = tpu.memref_squeeze %dma_start3A_126 : memref<1x80x64xbf16, #tpu.memory_space<vmem>> -> memref<80x64xbf16, #tpu.memory_space<vmem>>
    %dma_start3A_128 = arith.constant 0 : i32
    %dma_start3A_129 = tpu.memref_slice %arg6[%dma_start3A_122, %dma_start3A_128] : memref<250x80xi32, #tpu.memory_space<vmem>> -> memref<1x80xi32, #tpu.memory_space<vmem>>
    %dma_start3A_130 = tpu.memref_squeeze %dma_start3A_129 : memref<1x80xi32, #tpu.memory_space<vmem>> -> memref<80xi32, #tpu.memory_space<vmem>>
    %dma_start3A_131 = arith.constant 0 : i32
    %dma_start3A_132 = arith.constant 0 : i32
    %dma_start3A_133 = tpu.memref_slice %arg2[%arg0, %dma_start3A_131, %dma_start3A_132] : memref<2x10240x64xbf16, #tpu.memory_space<hbm>> -> memref<1x10240x64xbf16, #tpu.memory_space<hbm>>
    %dma_start3A_134 = tpu.memref_squeeze %dma_start3A_133 : memref<1x10240x64xbf16, #tpu.memory_space<hbm>> -> memref<10240x64xbf16, #tpu.memory_space<hbm>>
    %dma_start3A_135 = arith.constant 0 : i32
    %dma_start3A_136 = arith.constant 0 : i32
    %dma_start3A_137 = tpu.memref_slice %dma_start3A_134[%dma_start3A_135, %dma_start3A_136] : memref<10240x64xbf16, #tpu.memory_space<hbm>> -> memref<10240x64xbf16, #tpu.memory_space<hbm>>
    tpu.enqueue_indirect_dma source(%dma_start3A_137 : memref<10240x64xbf16, #tpu.memory_space<hbm>>) target(%dma_start3A_127 : memref<80x64xbf16, #tpu.memory_space<vmem>>) offsets(%dma_start3A_130 : memref<80xi32, #tpu.memory_space<vmem>>) semaphore(%arg12 : memref<!tpu.dma_semaphore, #tpu.memory_space<semaphore_mem>>)
    %dma_start3A_138 = arith.constant 2 : i32
    %dma_start3A_139 = arith.constant 2 : i32
    %dma_start3A_140 = arith.constant 0 : i32
    %dma_start3A_141 = arith.constant 0 : i32
    %dma_start3A_142 = tpu.memref_slice %arg9[%dma_start3A_139, %dma_start3A_140, %dma_start3A_141] : memref<5x80x64xbf16, #tpu.memory_space<vmem>> -> memref<1x80x64xbf16, #tpu.memory_space<vmem>>
    %dma_start3A_143 = tpu.memref_squeeze %dma_start3A_142 : memref<1x80x64xbf16, #tpu.memory_space<vmem>> -> memref<80x64xbf16, #tpu.memory_space<vmem>>
    %dma_start3A_144 = arith.constant 0 : i32
    %dma_start3A_145 = tpu.memref_slice %arg7[%dma_start3A_138, %dma_start3A_144] : memref<250x80xi32, #tpu.memory_space<vmem>> -> memref<1x80xi32, #tpu.memory_space<vmem>>
    %dma_start3A_146 = tpu.memref_squeeze %dma_start3A_145 : memref<1x80xi32, #tpu.memory_space<vmem>> -> memref<80xi32, #tpu.memory_space<vmem>>
    %dma_start3A_147 = arith.constant 0 : i32
    %dma_start3A_148 = arith.constant 0 : i32
    %dma_start3A_149 = tpu.memref_slice %arg2[%arg0, %dma_start3A_147, %dma_start3A_148] : memref<2x10240x64xbf16, #tpu.memory_space<hbm>> -> memref<1x10240x64xbf16, #tpu.memory_space<hbm>>
    %dma_start3A_150 = tpu.memref_squeeze %dma_start3A_149 : memref<1x10240x64xbf16, #tpu.memory_space<hbm>> -> memref<10240x64xbf16, #tpu.memory_space<hbm>>
    %dma_start3A_151 = arith.constant 0 : i32
    %dma_start3A_152 = arith.constant 0 : i32
    %dma_start3A_153 = tpu.memref_slice %dma_start3A_150[%dma_start3A_151, %dma_start3A_152] : memref<10240x64xbf16, #tpu.memory_space<hbm>> -> memref<10240x64xbf16, #tpu.memory_space<hbm>>
    tpu.enqueue_indirect_dma source(%dma_start3A_153 : memref<10240x64xbf16, #tpu.memory_space<hbm>>) target(%dma_start3A_143 : memref<80x64xbf16, #tpu.memory_space<vmem>>) offsets(%dma_start3A_146 : memref<80xi32, #tpu.memory_space<vmem>>) semaphore(%arg17 : memref<!tpu.dma_semaphore, #tpu.memory_space<semaphore_mem>>)
    %dma_wait3A_154 = arith.constant 1 : i32
    %dma_wait3A_155 = arith.constant 1 : i32
    %dma_wait3A_156 = arith.constant 0 : i32
    %dma_wait3A_157 = arith.constant 0 : i32
    %dma_wait3A_158 = tpu.memref_slice %arg8[%dma_wait3A_155, %dma_wait3A_156, %dma_wait3A_157] : memref<5x80x64xbf16, #tpu.memory_space<vmem>> -> memref<1x80x64xbf16, #tpu.memory_space<vmem>>
    %dma_wait3A_159 = tpu.memref_squeeze %dma_wait3A_158 : memref<1x80x64xbf16, #tpu.memory_space<vmem>> -> memref<80x64xbf16, #tpu.memory_space<vmem>>
    %dma_wait3A_160 = arith.constant 0 : i32
    %dma_wait3A_161 = tpu.memref_slice %arg6[%dma_wait3A_154, %dma_wait3A_160] : memref<250x80xi32, #tpu.memory_space<vmem>> -> memref<1x80xi32, #tpu.memory_space<vmem>>
    %dma_wait3A_162 = tpu.memref_squeeze %dma_wait3A_161 : memref<1x80xi32, #tpu.memory_space<vmem>> -> memref<80xi32, #tpu.memory_space<vmem>>
    %dma_wait3A_163 = arith.constant 0 : i32
    %dma_wait3A_164 = arith.constant 0 : i32
    %dma_wait3A_165 = tpu.memref_slice %arg2[%arg0, %dma_wait3A_163, %dma_wait3A_164] : memref<2x10240x64xbf16, #tpu.memory_space<hbm>> -> memref<1x10240x64xbf16, #tpu.memory_space<hbm>>
    %dma_wait3A_166 = tpu.memref_squeeze %dma_wait3A_165 : memref<1x10240x64xbf16, #tpu.memory_space<hbm>> -> memref<10240x64xbf16, #tpu.memory_space<hbm>>
    %dma_wait3A_167 = arith.constant 0 : i32
    %dma_wait3A_168 = arith.constant 0 : i32
    %dma_wait3A_169 = tpu.memref_slice %dma_wait3A_166[%dma_wait3A_167, %dma_wait3A_168] : memref<10240x64xbf16, #tpu.memory_space<hbm>> -> memref<10240x64xbf16, #tpu.memory_space<hbm>>
    tpu.wait_indirect_dma semaphore(%arg11 : memref<!tpu.dma_semaphore, #tpu.memory_space<semaphore_mem>>) src(%dma_wait3A_169 : memref<10240x64xbf16, #tpu.memory_space<hbm>>) dst(%dma_wait3A_159 : memref<80x64xbf16, #tpu.memory_space<vmem>>)
    %dma_start3A_170 = arith.constant 1 : i32
    %dma_start3A_171 = arith.constant 1 : i32
    %dma_start3A_172 = arith.constant 0 : i32
    %dma_start3A_173 = arith.constant 0 : i32
    %dma_start3A_174 = tpu.memref_slice %arg8[%dma_start3A_170, %dma_start3A_172, %dma_start3A_173] : memref<5x80x64xbf16, #tpu.memory_space<vmem>> -> memref<1x80x64xbf16, #tpu.memory_space<vmem>>
    %dma_start3A_175 = tpu.memref_squeeze %dma_start3A_174 : memref<1x80x64xbf16, #tpu.memory_space<vmem>> -> memref<80x64xbf16, #tpu.memory_space<vmem>>
    %dma_start3A_176 = arith.constant 0 : i32
    %dma_start3A_177 = tpu.memref_slice %arg7[%dma_start3A_171, %dma_start3A_176] : memref<250x80xi32, #tpu.memory_space<vmem>> -> memref<1x80xi32, #tpu.memory_space<vmem>>
    %dma_start3A_178 = tpu.memref_squeeze %dma_start3A_177 : memref<1x80xi32, #tpu.memory_space<vmem>> -> memref<80xi32, #tpu.memory_space<vmem>>
    %dma_start3A_179 = arith.constant 0 : i32
    %dma_start3A_180 = arith.constant 0 : i32
    %dma_start3A_181 = tpu.memref_slice %arg5[%dma_start3A_179, %dma_start3A_180] : memref<10240x64xbf16, #tpu.memory_space<vmem_shared>> -> memref<10240x64xbf16, #tpu.memory_space<vmem_shared>>
    tpu.enqueue_indirect_dma source(%dma_start3A_175 : memref<80x64xbf16, #tpu.memory_space<vmem>>) target(%dma_start3A_181 : memref<10240x64xbf16, #tpu.memory_space<vmem_shared>>) offsets(%dma_start3A_178 : memref<80xi32, #tpu.memory_space<vmem>>) semaphore(%arg21 : memref<!tpu.dma_semaphore, #tpu.memory_space<semaphore_mem>>) {add = true}
    %dma_wait3A_182 = arith.constant 1 : i32
    %dma_wait3A_183 = arith.constant 1 : i32
    %dma_wait3A_184 = arith.constant 0 : i32
    %dma_wait3A_185 = arith.constant 0 : i32
    %dma_wait3A_186 = tpu.memref_slice %arg9[%dma_wait3A_183, %dma_wait3A_184, %dma_wait3A_185] : memref<5x80x64xbf16, #tpu.memory_space<vmem>> -> memref<1x80x64xbf16, #tpu.memory_space<vmem>>
    %dma_wait3A_187 = tpu.memref_squeeze %dma_wait3A_186 : memref<1x80x64xbf16, #tpu.memory_space<vmem>> -> memref<80x64xbf16, #tpu.memory_space<vmem>>
    %dma_wait3A_188 = arith.constant 0 : i32
    %dma_wait3A_189 = tpu.memref_slice %arg7[%dma_wait3A_182, %dma_wait3A_188] : memref<250x80xi32, #tpu.memory_space<vmem>> -> memref<1x80xi32, #tpu.memory_space<vmem>>
    %dma_wait3A_190 = tpu.memref_squeeze %dma_wait3A_189 : memref<1x80xi32, #tpu.memory_space<vmem>> -> memref<80xi32, #tpu.memory_space<vmem>>
    %dma_wait3A_191 = arith.constant 0 : i32
    %dma_wait3A_192 = arith.constant 0 : i32
    %dma_wait3A_193 = tpu.memref_slice %arg2[%arg0, %dma_wait3A_191, %dma_wait3A_192] : memref<2x10240x64xbf16, #tpu.memory_space<hbm>> -> memref<1x10240x64xbf16, #tpu.memory_space<hbm>>
    %dma_wait3A_194 = tpu.memref_squeeze %dma_wait3A_193 : memref<1x10240x64xbf16, #tpu.memory_space<hbm>> -> memref<10240x64xbf16, #tpu.memory_space<hbm>>
    %dma_wait3A_195 = arith.constant 0 : i32
    %dma_wait3A_196 = arith.constant 0 : i32
    %dma_wait3A_197 = tpu.memref_slice %dma_wait3A_194[%dma_wait3A_195, %dma_wait3A_196] : memref<10240x64xbf16, #tpu.memory_space<hbm>> -> memref<10240x64xbf16, #tpu.memory_space<hbm>>
    tpu.wait_indirect_dma semaphore(%arg16 : memref<!tpu.dma_semaphore, #tpu.memory_space<semaphore_mem>>) src(%dma_wait3A_197 : memref<10240x64xbf16, #tpu.memory_space<hbm>>) dst(%dma_wait3A_187 : memref<80x64xbf16, #tpu.memory_space<vmem>>)
    %dma_start3A_198 = arith.constant 1 : i32
    %dma_start3A_199 = arith.constant 1 : i32
    %dma_start3A_200 = arith.constant 0 : i32
    %dma_start3A_201 = arith.constant 0 : i32
    %dma_start3A_202 = tpu.memref_slice %arg9[%dma_start3A_198, %dma_start3A_200, %dma_start3A_201] : memref<5x80x64xbf16, #tpu.memory_space<vmem>> -> memref<1x80x64xbf16, #tpu.memory_space<vmem>>
    %dma_start3A_203 = tpu.memref_squeeze %dma_start3A_202 : memref<1x80x64xbf16, #tpu.memory_space<vmem>> -> memref<80x64xbf16, #tpu.memory_space<vmem>>
    %dma_start3A_204 = arith.constant 0 : i32
    %dma_start3A_205 = tpu.memref_slice %arg6[%dma_start3A_199, %dma_start3A_204] : memref<250x80xi32, #tpu.memory_space<vmem>> -> memref<1x80xi32, #tpu.memory_space<vmem>>
    %dma_start3A_206 = tpu.memref_squeeze %dma_start3A_205 : memref<1x80xi32, #tpu.memory_space<vmem>> -> memref<80xi32, #tpu.memory_space<vmem>>
    %dma_start3A_207 = arith.constant 0 : i32
    %dma_start3A_208 = arith.constant 0 : i32
    %dma_start3A_209 = tpu.memref_slice %arg5[%dma_start3A_207, %dma_start3A_208] : memref<10240x64xbf16, #tpu.memory_space<vmem_shared>> -> memref<10240x64xbf16, #tpu.memory_space<vmem_shared>>
    tpu.enqueue_indirect_dma source(%dma_start3A_203 : memref<80x64xbf16, #tpu.memory_space<vmem>>) target(%dma_start3A_209 : memref<10240x64xbf16, #tpu.memory_space<vmem_shared>>) offsets(%dma_start3A_206 : memref<80xi32, #tpu.memory_space<vmem>>) semaphore(%arg26 : memref<!tpu.dma_semaphore, #tpu.memory_space<semaphore_mem>>) {add = true}
    %dma_start3A_210 = arith.constant 3 : i32
    %dma_start3A_211 = arith.constant 3 : i32
    %dma_start3A_212 = arith.constant 0 : i32
    %dma_start3A_213 = arith.constant 0 : i32
    %dma_start3A_214 = tpu.memref_slice %arg8[%dma_start3A_211, %dma_start3A_212, %dma_start3A_213] : memref<5x80x64xbf16, #tpu.memory_space<vmem>> -> memref<1x80x64xbf16, #tpu.memory_space<vmem>>
    %dma_start3A_215 = tpu.memref_squeeze %dma_start3A_214 : memref<1x80x64xbf16, #tpu.memory_space<vmem>> -> memref<80x64xbf16, #tpu.memory_space<vmem>>
    %dma_start3A_216 = arith.constant 0 : i32
    %dma_start3A_217 = tpu.memref_slice %arg6[%dma_start3A_210, %dma_start3A_216] : memref<250x80xi32, #tpu.memory_space<vmem>> -> memref<1x80xi32, #tpu.memory_space<vmem>>
    %dma_start3A_218 = tpu.memref_squeeze %dma_start3A_217 : memref<1x80xi32, #tpu.memory_space<vmem>> -> memref<80xi32, #tpu.memory_space<vmem>>
    %dma_start3A_219 = arith.constant 0 : i32
    %dma_start3A_220 = arith.constant 0 : i32
    %dma_start3A_221 = tpu.memref_slice %arg2[%arg0, %dma_start3A_219, %dma_start3A_220] : memref<2x10240x64xbf16, #tpu.memory_space<hbm>> -> memref<1x10240x64xbf16, #tpu.memory_space<hbm>>
    %dma_start3A_222 = tpu.memref_squeeze %dma_start3A_221 : memref<1x10240x64xbf16, #tpu.memory_space<hbm>> -> memref<10240x64xbf16, #tpu.memory_space<hbm>>
    %dma_start3A_223 = arith.constant 0 : i32
    %dma_start3A_224 = arith.constant 0 : i32
    %dma_start3A_225 = tpu.memref_slice %dma_start3A_222[%dma_start3A_223, %dma_start3A_224] : memref<10240x64xbf16, #tpu.memory_space<hbm>> -> memref<10240x64xbf16, #tpu.memory_space<hbm>>
    tpu.enqueue_indirect_dma source(%dma_start3A_225 : memref<10240x64xbf16, #tpu.memory_space<hbm>>) target(%dma_start3A_215 : memref<80x64xbf16, #tpu.memory_space<vmem>>) offsets(%dma_start3A_218 : memref<80xi32, #tpu.memory_space<vmem>>) semaphore(%arg13 : memref<!tpu.dma_semaphore, #tpu.memory_space<semaphore_mem>>)
    %dma_start3A_226 = arith.constant 3 : i32
    %dma_start3A_227 = arith.constant 3 : i32
    %dma_start3A_228 = arith.constant 0 : i32
    %dma_start3A_229 = arith.constant 0 : i32
    %dma_start3A_230 = tpu.memref_slice %arg9[%dma_start3A_227, %dma_start3A_228, %dma_start3A_229] : memref<5x80x64xbf16, #tpu.memory_space<vmem>> -> memref<1x80x64xbf16, #tpu.memory_space<vmem>>
    %dma_start3A_231 = tpu.memref_squeeze %dma_start3A_230 : memref<1x80x64xbf16, #tpu.memory_space<vmem>> -> memref<80x64xbf16, #tpu.memory_space<vmem>>
    %dma_start3A_232 = arith.constant 0 : i32
    %dma_start3A_233 = tpu.memref_slice %arg7[%dma_start3A_226, %dma_start3A_232] : memref<250x80xi32, #tpu.memory_space<vmem>> -> memref<1x80xi32, #tpu.memory_space<vmem>>
    %dma_start3A_234 = tpu.memref_squeeze %dma_start3A_233 : memref<1x80xi32, #tpu.memory_space<vmem>> -> memref<80xi32, #tpu.memory_space<vmem>>
    %dma_start3A_235 = arith.constant 0 : i32
    %dma_start3A_236 = arith.constant 0 : i32
    %dma_start3A_237 = tpu.memref_slice %arg2[%arg0, %dma_start3A_235, %dma_start3A_236] : memref<2x10240x64xbf16, #tpu.memory_space<hbm>> -> memref<1x10240x64xbf16, #tpu.memory_space<hbm>>
    %dma_start3A_238 = tpu.memref_squeeze %dma_start3A_237 : memref<1x10240x64xbf16, #tpu.memory_space<hbm>> -> memref<10240x64xbf16, #tpu.memory_space<hbm>>
    %dma_start3A_239 = arith.constant 0 : i32
    %dma_start3A_240 = arith.constant 0 : i32
    %dma_start3A_241 = tpu.memref_slice %dma_start3A_238[%dma_start3A_239, %dma_start3A_240] : memref<10240x64xbf16, #tpu.memory_space<hbm>> -> memref<10240x64xbf16, #tpu.memory_space<hbm>>
    tpu.enqueue_indirect_dma source(%dma_start3A_241 : memref<10240x64xbf16, #tpu.memory_space<hbm>>) target(%dma_start3A_231 : memref<80x64xbf16, #tpu.memory_space<vmem>>) offsets(%dma_start3A_234 : memref<80xi32, #tpu.memory_space<vmem>>) semaphore(%arg18 : memref<!tpu.dma_semaphore, #tpu.memory_space<semaphore_mem>>)
    %dma_wait3A_242 = arith.constant 2 : i32
    %dma_wait3A_243 = arith.constant 2 : i32
    %dma_wait3A_244 = arith.constant 0 : i32
    %dma_wait3A_245 = arith.constant 0 : i32
    %dma_wait3A_246 = tpu.memref_slice %arg8[%dma_wait3A_243, %dma_wait3A_244, %dma_wait3A_245] : memref<5x80x64xbf16, #tpu.memory_space<vmem>> -> memref<1x80x64xbf16, #tpu.memory_space<vmem>>
    %dma_wait3A_247 = tpu.memref_squeeze %dma_wait3A_246 : memref<1x80x64xbf16, #tpu.memory_space<vmem>> -> memref<80x64xbf16, #tpu.memory_space<vmem>>
    %dma_wait3A_248 = arith.constant 0 : i32
    %dma_wait3A_249 = tpu.memref_slice %arg6[%dma_wait3A_242, %dma_wait3A_248] : memref<250x80xi32, #tpu.memory_space<vmem>> -> memref<1x80xi32, #tpu.memory_space<vmem>>
    %dma_wait3A_250 = tpu.memref_squeeze %dma_wait3A_249 : memref<1x80xi32, #tpu.memory_space<vmem>> -> memref<80xi32, #tpu.memory_space<vmem>>
    %dma_wait3A_251 = arith.constant 0 : i32
    %dma_wait3A_252 = arith.constant 0 : i32
    %dma_wait3A_253 = tpu.memref_slice %arg2[%arg0, %dma_wait3A_251, %dma_wait3A_252] : memref<2x10240x64xbf16, #tpu.memory_space<hbm>> -> memref<1x10240x64xbf16, #tpu.memory_space<hbm>>
    %dma_wait3A_254 = tpu.memref_squeeze %dma_wait3A_253 : memref<1x10240x64xbf16, #tpu.memory_space<hbm>> -> memref<10240x64xbf16, #tpu.memory_space<hbm>>
    %dma_wait3A_255 = arith.constant 0 : i32
    %dma_wait3A_256 = arith.constant 0 : i32
    %dma_wait3A_257 = tpu.memref_slice %dma_wait3A_254[%dma_wait3A_255, %dma_wait3A_256] : memref<10240x64xbf16, #tpu.memory_space<hbm>> -> memref<10240x64xbf16, #tpu.memory_space<hbm>>
    tpu.wait_indirect_dma semaphore(%arg12 : memref<!tpu.dma_semaphore, #tpu.memory_space<semaphore_mem>>) src(%dma_wait3A_257 : memref<10240x64xbf16, #tpu.memory_space<hbm>>) dst(%dma_wait3A_247 : memref<80x64xbf16, #tpu.memory_space<vmem>>)
    %dma_start3A_258 = arith.constant 2 : i32
    %dma_start3A_259 = arith.constant 2 : i32
    %dma_start3A_260 = arith.constant 0 : i32
    %dma_start3A_261 = arith.constant 0 : i32
    %dma_start3A_262 = tpu.memref_slice %arg8[%dma_start3A_258, %dma_start3A_260, %dma_start3A_261] : memref<5x80x64xbf16, #tpu.memory_space<vmem>> -> memref<1x80x64xbf16, #tpu.memory_space<vmem>>
    %dma_start3A_263 = tpu.memref_squeeze %dma_start3A_262 : memref<1x80x64xbf16, #tpu.memory_space<vmem>> -> memref<80x64xbf16, #tpu.memory_space<vmem>>
    %dma_start3A_264 = arith.constant 0 : i32
    %dma_start3A_265 = tpu.memref_slice %arg7[%dma_start3A_259, %dma_start3A_264] : memref<250x80xi32, #tpu.memory_space<vmem>> -> memref<1x80xi32, #tpu.memory_space<vmem>>
    %dma_start3A_266 = tpu.memref_squeeze %dma_start3A_265 : memref<1x80xi32, #tpu.memory_space<vmem>> -> memref<80xi32, #tpu.memory_space<vmem>>
    %dma_start3A_267 = arith.constant 0 : i32
    %dma_start3A_268 = arith.constant 0 : i32
    %dma_start3A_269 = tpu.memref_slice %arg5[%dma_start3A_267, %dma_start3A_268] : memref<10240x64xbf16, #tpu.memory_space<vmem_shared>> -> memref<10240x64xbf16, #tpu.memory_space<vmem_shared>>
    tpu.enqueue_indirect_dma source(%dma_start3A_263 : memref<80x64xbf16, #tpu.memory_space<vmem>>) target(%dma_start3A_269 : memref<10240x64xbf16, #tpu.memory_space<vmem_shared>>) offsets(%dma_start3A_266 : memref<80xi32, #tpu.memory_space<vmem>>) semaphore(%arg22 : memref<!tpu.dma_semaphore, #tpu.memory_space<semaphore_mem>>) {add = true}
    %dma_wait3A_270 = arith.constant 2 : i32
    %dma_wait3A_271 = arith.constant 2 : i32
    %dma_wait3A_272 = arith.constant 0 : i32
    %dma_wait3A_273 = arith.constant 0 : i32
    %dma_wait3A_274 = tpu.memref_slice %arg9[%dma_wait3A_271, %dma_wait3A_272, %dma_wait3A_273] : memref<5x80x64xbf16, #tpu.memory_space<vmem>> -> memref<1x80x64xbf16, #tpu.memory_space<vmem>>
    %dma_wait3A_275 = tpu.memref_squeeze %dma_wait3A_274 : memref<1x80x64xbf16, #tpu.memory_space<vmem>> -> memref<80x64xbf16, #tpu.memory_space<vmem>>
    %dma_wait3A_276 = arith.constant 0 : i32
    %dma_wait3A_277 = tpu.memref_slice %arg7[%dma_wait3A_270, %dma_wait3A_276] : memref<250x80xi32, #tpu.memory_space<vmem>> -> memref<1x80xi32, #tpu.memory_space<vmem>>
    %dma_wait3A_278 = tpu.memref_squeeze %dma_wait3A_277 : memref<1x80xi32, #tpu.memory_space<vmem>> -> memref<80xi32, #tpu.memory_space<vmem>>
    %dma_wait3A_279 = arith.constant 0 : i32
    %dma_wait3A_280 = arith.constant 0 : i32
    %dma_wait3A_281 = tpu.memref_slice %arg2[%arg0, %dma_wait3A_279, %dma_wait3A_280] : memref<2x10240x64xbf16, #tpu.memory_space<hbm>> -> memref<1x10240x64xbf16, #tpu.memory_space<hbm>>
    %dma_wait3A_282 = tpu.memref_squeeze %dma_wait3A_281 : memref<1x10240x64xbf16, #tpu.memory_space<hbm>> -> memref<10240x64xbf16, #tpu.memory_space<hbm>>
    %dma_wait3A_283 = arith.constant 0 : i32
    %dma_wait3A_284 = arith.constant 0 : i32
    %dma_wait3A_285 = tpu.memref_slice %dma_wait3A_282[%dma_wait3A_283, %dma_wait3A_284] : memref<10240x64xbf16, #tpu.memory_space<hbm>> -> memref<10240x64xbf16, #tpu.memory_space<hbm>>
    tpu.wait_indirect_dma semaphore(%arg17 : memref<!tpu.dma_semaphore, #tpu.memory_space<semaphore_mem>>) src(%dma_wait3A_285 : memref<10240x64xbf16, #tpu.memory_space<hbm>>) dst(%dma_wait3A_275 : memref<80x64xbf16, #tpu.memory_space<vmem>>)
    %dma_start3A_286 = arith.constant 2 : i32
    %dma_start3A_287 = arith.constant 2 : i32
    %dma_start3A_288 = arith.constant 0 : i32
    %dma_start3A_289 = arith.constant 0 : i32
    %dma_start3A_290 = tpu.memref_slice %arg9[%dma_start3A_286, %dma_start3A_288, %dma_start3A_289] : memref<5x80x64xbf16, #tpu.memory_space<vmem>> -> memref<1x80x64xbf16, #tpu.memory_space<vmem>>
    %dma_start3A_291 = tpu.memref_squeeze %dma_start3A_290 : memref<1x80x64xbf16, #tpu.memory_space<vmem>> -> memref<80x64xbf16, #tpu.memory_space<vmem>>
    %dma_start3A_292 = arith.constant 0 : i32
    %dma_start3A_293 = tpu.memref_slice %arg6[%dma_start3A_287, %dma_start3A_292] : memref<250x80xi32, #tpu.memory_space<vmem>> -> memref<1x80xi32, #tpu.memory_space<vmem>>
    %dma_start3A_294 = tpu.memref_squeeze %dma_start3A_293 : memref<1x80xi32, #tpu.memory_space<vmem>> -> memref<80xi32, #tpu.memory_space<vmem>>
    %dma_start3A_295 = arith.constant 0 : i32
    %dma_start3A_296 = arith.constant 0 : i32
    %dma_start3A_297 = tpu.memref_slice %arg5[%dma_start3A_295, %dma_start3A_296] : memref<10240x64xbf16, #tpu.memory_space<vmem_shared>> -> memref<10240x64xbf16, #tpu.memory_space<vmem_shared>>
    tpu.enqueue_indirect_dma source(%dma_start3A_291 : memref<80x64xbf16, #tpu.memory_space<vmem>>) target(%dma_start3A_297 : memref<10240x64xbf16, #tpu.memory_space<vmem_shared>>) offsets(%dma_start3A_294 : memref<80xi32, #tpu.memory_space<vmem>>) semaphore(%arg27 : memref<!tpu.dma_semaphore, #tpu.memory_space<semaphore_mem>>) {add = true}
    %dma_start3A_298 = arith.constant 4 : i32
    %dma_start3A_299 = arith.constant 4 : i32
    %dma_start3A_300 = arith.constant 0 : i32
    %dma_start3A_301 = arith.constant 0 : i32
    %dma_start3A_302 = tpu.memref_slice %arg8[%dma_start3A_299, %dma_start3A_300, %dma_start3A_301] : memref<5x80x64xbf16, #tpu.memory_space<vmem>> -> memref<1x80x64xbf16, #tpu.memory_space<vmem>>
    %dma_start3A_303 = tpu.memref_squeeze %dma_start3A_302 : memref<1x80x64xbf16, #tpu.memory_space<vmem>> -> memref<80x64xbf16, #tpu.memory_space<vmem>>
    %dma_start3A_304 = arith.constant 0 : i32
    %dma_start3A_305 = tpu.memref_slice %arg6[%dma_start3A_298, %dma_start3A_304] : memref<250x80xi32, #tpu.memory_space<vmem>> -> memref<1x80xi32, #tpu.memory_space<vmem>>
    %dma_start3A_306 = tpu.memref_squeeze %dma_start3A_305 : memref<1x80xi32, #tpu.memory_space<vmem>> -> memref<80xi32, #tpu.memory_space<vmem>>
    %dma_start3A_307 = arith.constant 0 : i32
    %dma_start3A_308 = arith.constant 0 : i32
    %dma_start3A_309 = tpu.memref_slice %arg2[%arg0, %dma_start3A_307, %dma_start3A_308] : memref<2x10240x64xbf16, #tpu.memory_space<hbm>> -> memref<1x10240x64xbf16, #tpu.memory_space<hbm>>
    %dma_start3A_310 = tpu.memref_squeeze %dma_start3A_309 : memref<1x10240x64xbf16, #tpu.memory_space<hbm>> -> memref<10240x64xbf16, #tpu.memory_space<hbm>>
    %dma_start3A_311 = arith.constant 0 : i32
    %dma_start3A_312 = arith.constant 0 : i32
    %dma_start3A_313 = tpu.memref_slice %dma_start3A_310[%dma_start3A_311, %dma_start3A_312] : memref<10240x64xbf16, #tpu.memory_space<hbm>> -> memref<10240x64xbf16, #tpu.memory_space<hbm>>
    tpu.enqueue_indirect_dma source(%dma_start3A_313 : memref<10240x64xbf16, #tpu.memory_space<hbm>>) target(%dma_start3A_303 : memref<80x64xbf16, #tpu.memory_space<vmem>>) offsets(%dma_start3A_306 : memref<80xi32, #tpu.memory_space<vmem>>) semaphore(%arg14 : memref<!tpu.dma_semaphore, #tpu.memory_space<semaphore_mem>>)
    %dma_start3A_314 = arith.constant 4 : i32
    %dma_start3A_315 = arith.constant 4 : i32
    %dma_start3A_316 = arith.constant 0 : i32
    %dma_start3A_317 = arith.constant 0 : i32
    %dma_start3A_318 = tpu.memref_slice %arg9[%dma_start3A_315, %dma_start3A_316, %dma_start3A_317] : memref<5x80x64xbf16, #tpu.memory_space<vmem>> -> memref<1x80x64xbf16, #tpu.memory_space<vmem>>
    %dma_start3A_319 = tpu.memref_squeeze %dma_start3A_318 : memref<1x80x64xbf16, #tpu.memory_space<vmem>> -> memref<80x64xbf16, #tpu.memory_space<vmem>>
    %dma_start3A_320 = arith.constant 0 : i32
    %dma_start3A_321 = tpu.memref_slice %arg7[%dma_start3A_314, %dma_start3A_320] : memref<250x80xi32, #tpu.memory_space<vmem>> -> memref<1x80xi32, #tpu.memory_space<vmem>>
    %dma_start3A_322 = tpu.memref_squeeze %dma_start3A_321 : memref<1x80xi32, #tpu.memory_space<vmem>> -> memref<80xi32, #tpu.memory_space<vmem>>
    %dma_start3A_323 = arith.constant 0 : i32
    %dma_start3A_324 = arith.constant 0 : i32
    %dma_start3A_325 = tpu.memref_slice %arg2[%arg0, %dma_start3A_323, %dma_start3A_324] : memref<2x10240x64xbf16, #tpu.memory_space<hbm>> -> memref<1x10240x64xbf16, #tpu.memory_space<hbm>>
    %dma_start3A_326 = tpu.memref_squeeze %dma_start3A_325 : memref<1x10240x64xbf16, #tpu.memory_space<hbm>> -> memref<10240x64xbf16, #tpu.memory_space<hbm>>
    %dma_start3A_327 = arith.constant 0 : i32
    %dma_start3A_328 = arith.constant 0 : i32
    %dma_start3A_329 = tpu.memref_slice %dma_start3A_326[%dma_start3A_327, %dma_start3A_328] : memref<10240x64xbf16, #tpu.memory_space<hbm>> -> memref<10240x64xbf16, #tpu.memory_space<hbm>>
    tpu.enqueue_indirect_dma source(%dma_start3A_329 : memref<10240x64xbf16, #tpu.memory_space<hbm>>) target(%dma_start3A_319 : memref<80x64xbf16, #tpu.memory_space<vmem>>) offsets(%dma_start3A_322 : memref<80xi32, #tpu.memory_space<vmem>>) semaphore(%arg19 : memref<!tpu.dma_semaphore, #tpu.memory_space<semaphore_mem>>)
    %dma_wait3A_330 = arith.constant 3 : i32
    %dma_wait3A_331 = arith.constant 3 : i32
    %dma_wait3A_332 = arith.constant 0 : i32
    %dma_wait3A_333 = arith.constant 0 : i32
    %dma_wait3A_334 = tpu.memref_slice %arg8[%dma_wait3A_331, %dma_wait3A_332, %dma_wait3A_333] : memref<5x80x64xbf16, #tpu.memory_space<vmem>> -> memref<1x80x64xbf16, #tpu.memory_space<vmem>>
    %dma_wait3A_335 = tpu.memref_squeeze %dma_wait3A_334 : memref<1x80x64xbf16, #tpu.memory_space<vmem>> -> memref<80x64xbf16, #tpu.memory_space<vmem>>
    %dma_wait3A_336 = arith.constant 0 : i32
    %dma_wait3A_337 = tpu.memref_slice %arg6[%dma_wait3A_330, %dma_wait3A_336] : memref<250x80xi32, #tpu.memory_space<vmem>> -> memref<1x80xi32, #tpu.memory_space<vmem>>
    %dma_wait3A_338 = tpu.memref_squeeze %dma_wait3A_337 : memref<1x80xi32, #tpu.memory_space<vmem>> -> memref<80xi32, #tpu.memory_space<vmem>>
    %dma_wait3A_339 = arith.constant 0 : i32
    %dma_wait3A_340 = arith.constant 0 : i32
    %dma_wait3A_341 = tpu.memref_slice %arg2[%arg0, %dma_wait3A_339, %dma_wait3A_340] : memref<2x10240x64xbf16, #tpu.memory_space<hbm>> -> memref<1x10240x64xbf16, #tpu.memory_space<hbm>>
    %dma_wait3A_342 = tpu.memref_squeeze %dma_wait3A_341 : memref<1x10240x64xbf16, #tpu.memory_space<hbm>> -> memref<10240x64xbf16, #tpu.memory_space<hbm>>
    %dma_wait3A_343 = arith.constant 0 : i32
    %dma_wait3A_344 = arith.constant 0 : i32
    %dma_wait3A_345 = tpu.memref_slice %dma_wait3A_342[%dma_wait3A_343, %dma_wait3A_344] : memref<10240x64xbf16, #tpu.memory_space<hbm>> -> memref<10240x64xbf16, #tpu.memory_space<hbm>>
    tpu.wait_indirect_dma semaphore(%arg13 : memref<!tpu.dma_semaphore, #tpu.memory_space<semaphore_mem>>) src(%dma_wait3A_345 : memref<10240x64xbf16, #tpu.memory_space<hbm>>) dst(%dma_wait3A_335 : memref<80x64xbf16, #tpu.memory_space<vmem>>)
    %dma_start3A_346 = arith.constant 3 : i32
    %dma_start3A_347 = arith.constant 3 : i32
    %dma_start3A_348 = arith.constant 0 : i32
    %dma_start3A_349 = arith.constant 0 : i32
    %dma_start3A_350 = tpu.memref_slice %arg8[%dma_start3A_346, %dma_start3A_348, %dma_start3A_349] : memref<5x80x64xbf16, #tpu.memory_space<vmem>> -> memref<1x80x64xbf16, #tpu.memory_space<vmem>>
    %dma_start3A_351 = tpu.memref_squeeze %dma_start3A_350 : memref<1x80x64xbf16, #tpu.memory_space<vmem>> -> memref<80x64xbf16, #tpu.memory_space<vmem>>
    %dma_start3A_352 = arith.constant 0 : i32
    %dma_start3A_353 = tpu.memref_slice %arg7[%dma_start3A_347, %dma_start3A_352] : memref<250x80xi32, #tpu.memory_space<vmem>> -> memref<1x80xi32, #tpu.memory_space<vmem>>
    %dma_start3A_354 = tpu.memref_squeeze %dma_start3A_353 : memref<1x80xi32, #tpu.memory_space<vmem>> -> memref<80xi32, #tpu.memory_space<vmem>>
    %dma_start3A_355 = arith.constant 0 : i32
    %dma_start3A_356 = arith.constant 0 : i32
    %dma_start3A_357 = tpu.memref_slice %arg5[%dma_start3A_355, %dma_start3A_356] : memref<10240x64xbf16, #tpu.memory_space<vmem_shared>> -> memref<10240x64xbf16, #tpu.memory_space<vmem_shared>>
    tpu.enqueue_indirect_dma source(%dma_start3A_351 : memref<80x64xbf16, #tpu.memory_space<vmem>>) target(%dma_start3A_357 : memref<10240x64xbf16, #tpu.memory_space<vmem_shared>>) offsets(%dma_start3A_354 : memref<80xi32, #tpu.memory_space<vmem>>) semaphore(%arg23 : memref<!tpu.dma_semaphore, #tpu.memory_space<semaphore_mem>>) {add = true}
    %dma_wait3A_358 = arith.constant 3 : i32
    %dma_wait3A_359 = arith.constant 3 : i32
    %dma_wait3A_360 = arith.constant 0 : i32
    %dma_wait3A_361 = arith.constant 0 : i32
    %dma_wait3A_362 = tpu.memref_slice %arg9[%dma_wait3A_359, %dma_wait3A_360, %dma_wait3A_361] : memref<5x80x64xbf16, #tpu.memory_space<vmem>> -> memref<1x80x64xbf16, #tpu.memory_space<vmem>>
    %dma_wait3A_363 = tpu.memref_squeeze %dma_wait3A_362 : memref<1x80x64xbf16, #tpu.memory_space<vmem>> -> memref<80x64xbf16, #tpu.memory_space<vmem>>
    %dma_wait3A_364 = arith.constant 0 : i32
    %dma_wait3A_365 = tpu.memref_slice %arg7[%dma_wait3A_358, %dma_wait3A_364] : memref<250x80xi32, #tpu.memory_space<vmem>> -> memref<1x80xi32, #tpu.memory_space<vmem>>
    %dma_wait3A_366 = tpu.memref_squeeze %dma_wait3A_365 : memref<1x80xi32, #tpu.memory_space<vmem>> -> memref<80xi32, #tpu.memory_space<vmem>>
    %dma_wait3A_367 = arith.constant 0 : i32
    %dma_wait3A_368 = arith.constant 0 : i32
    %dma_wait3A_369 = tpu.memref_slice %arg2[%arg0, %dma_wait3A_367, %dma_wait3A_368] : memref<2x10240x64xbf16, #tpu.memory_space<hbm>> -> memref<1x10240x64xbf16, #tpu.memory_space<hbm>>
    %dma_wait3A_370 = tpu.memref_squeeze %dma_wait3A_369 : memref<1x10240x64xbf16, #tpu.memory_space<hbm>> -> memref<10240x64xbf16, #tpu.memory_space<hbm>>
    %dma_wait3A_371 = arith.constant 0 : i32
    %dma_wait3A_372 = arith.constant 0 : i32
    %dma_wait3A_373 = tpu.memref_slice %dma_wait3A_370[%dma_wait3A_371, %dma_wait3A_372] : memref<10240x64xbf16, #tpu.memory_space<hbm>> -> memref<10240x64xbf16, #tpu.memory_space<hbm>>
    tpu.wait_indirect_dma semaphore(%arg18 : memref<!tpu.dma_semaphore, #tpu.memory_space<semaphore_mem>>) src(%dma_wait3A_373 : memref<10240x64xbf16, #tpu.memory_space<hbm>>) dst(%dma_wait3A_363 : memref<80x64xbf16, #tpu.memory_space<vmem>>)
    %dma_start3A_374 = arith.constant 3 : i32
    %dma_start3A_375 = arith.constant 3 : i32
    %dma_start3A_376 = arith.constant 0 : i32
    %dma_start3A_377 = arith.constant 0 : i32
    %dma_start3A_378 = tpu.memref_slice %arg9[%dma_start3A_374, %dma_start3A_376, %dma_start3A_377] : memref<5x80x64xbf16, #tpu.memory_space<vmem>> -> memref<1x80x64xbf16, #tpu.memory_space<vmem>>
    %dma_start3A_379 = tpu.memref_squeeze %dma_start3A_378 : memref<1x80x64xbf16, #tpu.memory_space<vmem>> -> memref<80x64xbf16, #tpu.memory_space<vmem>>
    %dma_start3A_380 = arith.constant 0 : i32
    %dma_start3A_381 = tpu.memref_slice %arg6[%dma_start3A_375, %dma_start3A_380] : memref<250x80xi32, #tpu.memory_space<vmem>> -> memref<1x80xi32, #tpu.memory_space<vmem>>
    %dma_start3A_382 = tpu.memref_squeeze %dma_start3A_381 : memref<1x80xi32, #tpu.memory_space<vmem>> -> memref<80xi32, #tpu.memory_space<vmem>>
    %dma_start3A_383 = arith.constant 0 : i32
    %dma_start3A_384 = arith.constant 0 : i32
    %dma_start3A_385 = tpu.memref_slice %arg5[%dma_start3A_383, %dma_start3A_384] : memref<10240x64xbf16, #tpu.memory_space<vmem_shared>> -> memref<10240x64xbf16, #tpu.memory_space<vmem_shared>>
    tpu.enqueue_indirect_dma source(%dma_start3A_379 : memref<80x64xbf16, #tpu.memory_space<vmem>>) target(%dma_start3A_385 : memref<10240x64xbf16, #tpu.memory_space<vmem_shared>>) offsets(%dma_start3A_382 : memref<80xi32, #tpu.memory_space<vmem>>) semaphore(%arg28 : memref<!tpu.dma_semaphore, #tpu.memory_space<semaphore_mem>>) {add = true}
    %scan3A = arith.constant 0 : i32
    %scan3A_386 = arith.constant 1 : i32
    %scan3A_387 = arith.constant 49 : i32
    %scan3A_388 = arith.addi %scan3A_386, %scan3A_387 : i32
    %scan3A_389 = arith.constant 1 : i32
    scf.for %scan3A_572 = %scan3A_386 to %scan3A_388 step %scan3A_389  : i32 {
      %mul3A_573 = arith.constant 5 : i32
      %mul3A_574 = arith.muli %mul3A_573, %scan3A_572 : i32
      %add3A = arith.constant 0 : i32
      %add3A_575 = arith.addi %mul3A_574, %add3A : i32
      %sub3A_576 = arith.constant 5 : i32
      %sub3A_577 = arith.subi %add3A_575, %sub3A_576 : i32
      %dma_wait3A_578 = arith.constant 0 : i32
      %dma_wait3A_579 = arith.constant 0 : i32
      %dma_wait3A_580 = arith.constant 0 : i32
      %dma_wait3A_581 = tpu.memref_slice %arg8[%dma_wait3A_578, %dma_wait3A_579, %dma_wait3A_580] : memref<5x80x64xbf16, #tpu.memory_space<vmem>> -> memref<1x80x64xbf16, #tpu.memory_space<vmem>>
      %dma_wait3A_582 = tpu.memref_squeeze %dma_wait3A_581 : memref<1x80x64xbf16, #tpu.memory_space<vmem>> -> memref<80x64xbf16, #tpu.memory_space<vmem>>
      %dma_wait3A_583 = arith.constant 0 : i32
      %dma_wait3A_584 = tpu.memref_slice %arg7[%sub3A_577, %dma_wait3A_583] : memref<250x80xi32, #tpu.memory_space<vmem>> -> memref<1x80xi32, #tpu.memory_space<vmem>>
      %dma_wait3A_585 = tpu.memref_squeeze %dma_wait3A_584 : memref<1x80xi32, #tpu.memory_space<vmem>> -> memref<80xi32, #tpu.memory_space<vmem>>
      %dma_wait3A_586 = arith.constant 0 : i32
      %dma_wait3A_587 = arith.constant 0 : i32
      %dma_wait3A_588 = tpu.memref_slice %arg5[%dma_wait3A_586, %dma_wait3A_587] : memref<10240x64xbf16, #tpu.memory_space<vmem_shared>> -> memref<10240x64xbf16, #tpu.memory_space<vmem_shared>>
      tpu.wait_indirect_dma semaphore(%arg20 : memref<!tpu.dma_semaphore, #tpu.memory_space<semaphore_mem>>) src(%dma_wait3A_582 : memref<80x64xbf16, #tpu.memory_space<vmem>>) dst(%dma_wait3A_588 : memref<10240x64xbf16, #tpu.memory_space<vmem_shared>>)
      %dma_wait3A_589 = arith.constant 0 : i32
      %dma_wait3A_590 = arith.constant 0 : i32
      %dma_wait3A_591 = arith.constant 0 : i32
      %dma_wait3A_592 = tpu.memref_slice %arg9[%dma_wait3A_589, %dma_wait3A_590, %dma_wait3A_591] : memref<5x80x64xbf16, #tpu.memory_space<vmem>> -> memref<1x80x64xbf16, #tpu.memory_space<vmem>>
      %dma_wait3A_593 = tpu.memref_squeeze %dma_wait3A_592 : memref<1x80x64xbf16, #tpu.memory_space<vmem>> -> memref<80x64xbf16, #tpu.memory_space<vmem>>
      %dma_wait3A_594 = arith.constant 0 : i32
      %dma_wait3A_595 = tpu.memref_slice %arg6[%sub3A_577, %dma_wait3A_594] : memref<250x80xi32, #tpu.memory_space<vmem>> -> memref<1x80xi32, #tpu.memory_space<vmem>>
      %dma_wait3A_596 = tpu.memref_squeeze %dma_wait3A_595 : memref<1x80xi32, #tpu.memory_space<vmem>> -> memref<80xi32, #tpu.memory_space<vmem>>
      %dma_wait3A_597 = arith.constant 0 : i32
      %dma_wait3A_598 = arith.constant 0 : i32
      %dma_wait3A_599 = tpu.memref_slice %arg5[%dma_wait3A_597, %dma_wait3A_598] : memref<10240x64xbf16, #tpu.memory_space<vmem_shared>> -> memref<10240x64xbf16, #tpu.memory_space<vmem_shared>>
      tpu.wait_indirect_dma semaphore(%arg25 : memref<!tpu.dma_semaphore, #tpu.memory_space<semaphore_mem>>) src(%dma_wait3A_593 : memref<80x64xbf16, #tpu.memory_space<vmem>>) dst(%dma_wait3A_599 : memref<10240x64xbf16, #tpu.memory_space<vmem_shared>>)
      %dma_start3A_600 = arith.constant 0 : i32
      %dma_start3A_601 = arith.constant 0 : i32
      %dma_start3A_602 = arith.constant 0 : i32
      %dma_start3A_603 = tpu.memref_slice %arg8[%dma_start3A_600, %dma_start3A_601, %dma_start3A_602] : memref<5x80x64xbf16, #tpu.memory_space<vmem>> -> memref<1x80x64xbf16, #tpu.memory_space<vmem>>
      %dma_start3A_604 = tpu.memref_squeeze %dma_start3A_603 : memref<1x80x64xbf16, #tpu.memory_space<vmem>> -> memref<80x64xbf16, #tpu.memory_space<vmem>>
      %dma_start3A_605 = arith.constant 0 : i32
      %dma_start3A_606 = tpu.memref_slice %arg6[%add3A_575, %dma_start3A_605] : memref<250x80xi32, #tpu.memory_space<vmem>> -> memref<1x80xi32, #tpu.memory_space<vmem>>
      %dma_start3A_607 = tpu.memref_squeeze %dma_start3A_606 : memref<1x80xi32, #tpu.memory_space<vmem>> -> memref<80xi32, #tpu.memory_space<vmem>>
      %dma_start3A_608 = arith.constant 0 : i32
      %dma_start3A_609 = arith.constant 0 : i32
      %dma_start3A_610 = tpu.memref_slice %arg2[%arg0, %dma_start3A_608, %dma_start3A_609] : memref<2x10240x64xbf16, #tpu.memory_space<hbm>> -> memref<1x10240x64xbf16, #tpu.memory_space<hbm>>
      %dma_start3A_611 = tpu.memref_squeeze %dma_start3A_610 : memref<1x10240x64xbf16, #tpu.memory_space<hbm>> -> memref<10240x64xbf16, #tpu.memory_space<hbm>>
      %dma_start3A_612 = arith.constant 0 : i32
      %dma_start3A_613 = arith.constant 0 : i32
      %dma_start3A_614 = tpu.memref_slice %dma_start3A_611[%dma_start3A_612, %dma_start3A_613] : memref<10240x64xbf16, #tpu.memory_space<hbm>> -> memref<10240x64xbf16, #tpu.memory_space<hbm>>
      tpu.enqueue_indirect_dma source(%dma_start3A_614 : memref<10240x64xbf16, #tpu.memory_space<hbm>>) target(%dma_start3A_604 : memref<80x64xbf16, #tpu.memory_space<vmem>>) offsets(%dma_start3A_607 : memref<80xi32, #tpu.memory_space<vmem>>) semaphore(%arg10 : memref<!tpu.dma_semaphore, #tpu.memory_space<semaphore_mem>>)
      %dma_start3A_615 = arith.constant 0 : i32
      %dma_start3A_616 = arith.constant 0 : i32
      %dma_start3A_617 = arith.constant 0 : i32
      %dma_start3A_618 = tpu.memref_slice %arg9[%dma_start3A_615, %dma_start3A_616, %dma_start3A_617] : memref<5x80x64xbf16, #tpu.memory_space<vmem>> -> memref<1x80x64xbf16, #tpu.memory_space<vmem>>
      %dma_start3A_619 = tpu.memref_squeeze %dma_start3A_618 : memref<1x80x64xbf16, #tpu.memory_space<vmem>> -> memref<80x64xbf16, #tpu.memory_space<vmem>>
      %dma_start3A_620 = arith.constant 0 : i32
      %dma_start3A_621 = tpu.memref_slice %arg7[%add3A_575, %dma_start3A_620] : memref<250x80xi32, #tpu.memory_space<vmem>> -> memref<1x80xi32, #tpu.memory_space<vmem>>
      %dma_start3A_622 = tpu.memref_squeeze %dma_start3A_621 : memref<1x80xi32, #tpu.memory_space<vmem>> -> memref<80xi32, #tpu.memory_space<vmem>>
      %dma_start3A_623 = arith.constant 0 : i32
      %dma_start3A_624 = arith.constant 0 : i32
      %dma_start3A_625 = tpu.memref_slice %arg2[%arg0, %dma_start3A_623, %dma_start3A_624] : memref<2x10240x64xbf16, #tpu.memory_space<hbm>> -> memref<1x10240x64xbf16, #tpu.memory_space<hbm>>
      %dma_start3A_626 = tpu.memref_squeeze %dma_start3A_625 : memref<1x10240x64xbf16, #tpu.memory_space<hbm>> -> memref<10240x64xbf16, #tpu.memory_space<hbm>>
      %dma_start3A_627 = arith.constant 0 : i32
      %dma_start3A_628 = arith.constant 0 : i32
      %dma_start3A_629 = tpu.memref_slice %dma_start3A_626[%dma_start3A_627, %dma_start3A_628] : memref<10240x64xbf16, #tpu.memory_space<hbm>> -> memref<10240x64xbf16, #tpu.memory_space<hbm>>
      tpu.enqueue_indirect_dma source(%dma_start3A_629 : memref<10240x64xbf16, #tpu.memory_space<hbm>>) target(%dma_start3A_619 : memref<80x64xbf16, #tpu.memory_space<vmem>>) offsets(%dma_start3A_622 : memref<80xi32, #tpu.memory_space<vmem>>) semaphore(%arg15 : memref<!tpu.dma_semaphore, #tpu.memory_space<semaphore_mem>>)
      %sub3A_630 = arith.constant 1 : i32
      %sub3A_631 = arith.subi %add3A_575, %sub3A_630 : i32
      %dma_wait3A_632 = arith.constant 4 : i32
      %dma_wait3A_633 = arith.constant 0 : i32
      %dma_wait3A_634 = arith.constant 0 : i32
      %dma_wait3A_635 = tpu.memref_slice %arg8[%dma_wait3A_632, %dma_wait3A_633, %dma_wait3A_634] : memref<5x80x64xbf16, #tpu.memory_space<vmem>> -> memref<1x80x64xbf16, #tpu.memory_space<vmem>>
      %dma_wait3A_636 = tpu.memref_squeeze %dma_wait3A_635 : memref<1x80x64xbf16, #tpu.memory_space<vmem>> -> memref<80x64xbf16, #tpu.memory_space<vmem>>
      %dma_wait3A_637 = arith.constant 0 : i32
      %dma_wait3A_638 = tpu.memref_slice %arg6[%sub3A_631, %dma_wait3A_637] : memref<250x80xi32, #tpu.memory_space<vmem>> -> memref<1x80xi32, #tpu.memory_space<vmem>>
      %dma_wait3A_639 = tpu.memref_squeeze %dma_wait3A_638 : memref<1x80xi32, #tpu.memory_space<vmem>> -> memref<80xi32, #tpu.memory_space<vmem>>
      %dma_wait3A_640 = arith.constant 0 : i32
      %dma_wait3A_641 = arith.constant 0 : i32
      %dma_wait3A_642 = tpu.memref_slice %arg2[%arg0, %dma_wait3A_640, %dma_wait3A_641] : memref<2x10240x64xbf16, #tpu.memory_space<hbm>> -> memref<1x10240x64xbf16, #tpu.memory_space<hbm>>
      %dma_wait3A_643 = tpu.memref_squeeze %dma_wait3A_642 : memref<1x10240x64xbf16, #tpu.memory_space<hbm>> -> memref<10240x64xbf16, #tpu.memory_space<hbm>>
      %dma_wait3A_644 = arith.constant 0 : i32
      %dma_wait3A_645 = arith.constant 0 : i32
      %dma_wait3A_646 = tpu.memref_slice %dma_wait3A_643[%dma_wait3A_644, %dma_wait3A_645] : memref<10240x64xbf16, #tpu.memory_space<hbm>> -> memref<10240x64xbf16, #tpu.memory_space<hbm>>
      tpu.wait_indirect_dma semaphore(%arg14 : memref<!tpu.dma_semaphore, #tpu.memory_space<semaphore_mem>>) src(%dma_wait3A_646 : memref<10240x64xbf16, #tpu.memory_space<hbm>>) dst(%dma_wait3A_636 : memref<80x64xbf16, #tpu.memory_space<vmem>>)
      %dma_start3A_647 = arith.constant 4 : i32
      %dma_start3A_648 = arith.constant 0 : i32
      %dma_start3A_649 = arith.constant 0 : i32
      %dma_start3A_650 = tpu.memref_slice %arg8[%dma_start3A_647, %dma_start3A_648, %dma_start3A_649] : memref<5x80x64xbf16, #tpu.memory_space<vmem>> -> memref<1x80x64xbf16, #tpu.memory_space<vmem>>
      %dma_start3A_651 = tpu.memref_squeeze %dma_start3A_650 : memref<1x80x64xbf16, #tpu.memory_space<vmem>> -> memref<80x64xbf16, #tpu.memory_space<vmem>>
      %dma_start3A_652 = arith.constant 0 : i32
      %dma_start3A_653 = tpu.memref_slice %arg7[%sub3A_631, %dma_start3A_652] : memref<250x80xi32, #tpu.memory_space<vmem>> -> memref<1x80xi32, #tpu.memory_space<vmem>>
      %dma_start3A_654 = tpu.memref_squeeze %dma_start3A_653 : memref<1x80xi32, #tpu.memory_space<vmem>> -> memref<80xi32, #tpu.memory_space<vmem>>
      %dma_start3A_655 = arith.constant 0 : i32
      %dma_start3A_656 = arith.constant 0 : i32
      %dma_start3A_657 = tpu.memref_slice %arg5[%dma_start3A_655, %dma_start3A_656] : memref<10240x64xbf16, #tpu.memory_space<vmem_shared>> -> memref<10240x64xbf16, #tpu.memory_space<vmem_shared>>
      tpu.enqueue_indirect_dma source(%dma_start3A_651 : memref<80x64xbf16, #tpu.memory_space<vmem>>) target(%dma_start3A_657 : memref<10240x64xbf16, #tpu.memory_space<vmem_shared>>) offsets(%dma_start3A_654 : memref<80xi32, #tpu.memory_space<vmem>>) semaphore(%arg24 : memref<!tpu.dma_semaphore, #tpu.memory_space<semaphore_mem>>) {add = true}
      %dma_wait3A_658 = arith.constant 4 : i32
      %dma_wait3A_659 = arith.constant 0 : i32
      %dma_wait3A_660 = arith.constant 0 : i32
      %dma_wait3A_661 = tpu.memref_slice %arg9[%dma_wait3A_658, %dma_wait3A_659, %dma_wait3A_660] : memref<5x80x64xbf16, #tpu.memory_space<vmem>> -> memref<1x80x64xbf16, #tpu.memory_space<vmem>>
      %dma_wait3A_662 = tpu.memref_squeeze %dma_wait3A_661 : memref<1x80x64xbf16, #tpu.memory_space<vmem>> -> memref<80x64xbf16, #tpu.memory_space<vmem>>
      %dma_wait3A_663 = arith.constant 0 : i32
      %dma_wait3A_664 = tpu.memref_slice %arg7[%sub3A_631, %dma_wait3A_663] : memref<250x80xi32, #tpu.memory_space<vmem>> -> memref<1x80xi32, #tpu.memory_space<vmem>>
      %dma_wait3A_665 = tpu.memref_squeeze %dma_wait3A_664 : memref<1x80xi32, #tpu.memory_space<vmem>> -> memref<80xi32, #tpu.memory_space<vmem>>
      %dma_wait3A_666 = arith.constant 0 : i32
      %dma_wait3A_667 = arith.constant 0 : i32
      %dma_wait3A_668 = tpu.memref_slice %arg2[%arg0, %dma_wait3A_666, %dma_wait3A_667] : memref<2x10240x64xbf16, #tpu.memory_space<hbm>> -> memref<1x10240x64xbf16, #tpu.memory_space<hbm>>
      %dma_wait3A_669 = tpu.memref_squeeze %dma_wait3A_668 : memref<1x10240x64xbf16, #tpu.memory_space<hbm>> -> memref<10240x64xbf16, #tpu.memory_space<hbm>>
      %dma_wait3A_670 = arith.constant 0 : i32
      %dma_wait3A_671 = arith.constant 0 : i32
      %dma_wait3A_672 = tpu.memref_slice %dma_wait3A_669[%dma_wait3A_670, %dma_wait3A_671] : memref<10240x64xbf16, #tpu.memory_space<hbm>> -> memref<10240x64xbf16, #tpu.memory_space<hbm>>
      tpu.wait_indirect_dma semaphore(%arg19 : memref<!tpu.dma_semaphore, #tpu.memory_space<semaphore_mem>>) src(%dma_wait3A_672 : memref<10240x64xbf16, #tpu.memory_space<hbm>>) dst(%dma_wait3A_662 : memref<80x64xbf16, #tpu.memory_space<vmem>>)
      %dma_start3A_673 = arith.constant 4 : i32
      %dma_start3A_674 = arith.constant 0 : i32
      %dma_start3A_675 = arith.constant 0 : i32
      %dma_start3A_676 = tpu.memref_slice %arg9[%dma_start3A_673, %dma_start3A_674, %dma_start3A_675] : memref<5x80x64xbf16, #tpu.memory_space<vmem>> -> memref<1x80x64xbf16, #tpu.memory_space<vmem>>
      %dma_start3A_677 = tpu.memref_squeeze %dma_start3A_676 : memref<1x80x64xbf16, #tpu.memory_space<vmem>> -> memref<80x64xbf16, #tpu.memory_space<vmem>>
      %dma_start3A_678 = arith.constant 0 : i32
      %dma_start3A_679 = tpu.memref_slice %arg6[%sub3A_631, %dma_start3A_678] : memref<250x80xi32, #tpu.memory_space<vmem>> -> memref<1x80xi32, #tpu.memory_space<vmem>>
      %dma_start3A_680 = tpu.memref_squeeze %dma_start3A_679 : memref<1x80xi32, #tpu.memory_space<vmem>> -> memref<80xi32, #tpu.memory_space<vmem>>
      %dma_start3A_681 = arith.constant 0 : i32
      %dma_start3A_682 = arith.constant 0 : i32
      %dma_start3A_683 = tpu.memref_slice %arg5[%dma_start3A_681, %dma_start3A_682] : memref<10240x64xbf16, #tpu.memory_space<vmem_shared>> -> memref<10240x64xbf16, #tpu.memory_space<vmem_shared>>
      tpu.enqueue_indirect_dma source(%dma_start3A_677 : memref<80x64xbf16, #tpu.memory_space<vmem>>) target(%dma_start3A_683 : memref<10240x64xbf16, #tpu.memory_space<vmem_shared>>) offsets(%dma_start3A_680 : memref<80xi32, #tpu.memory_space<vmem>>) semaphore(%arg29 : memref<!tpu.dma_semaphore, #tpu.memory_space<semaphore_mem>>) {add = true}
      %mul3A_684 = arith.constant 5 : i32
      %mul3A_685 = arith.muli %mul3A_684, %scan3A_572 : i32
      %add3A_686 = arith.constant 1 : i32
      %add3A_687 = arith.addi %mul3A_685, %add3A_686 : i32
      %sub3A_688 = arith.constant 5 : i32
      %sub3A_689 = arith.subi %add3A_687, %sub3A_688 : i32
      %dma_wait3A_690 = arith.constant 1 : i32
      %dma_wait3A_691 = arith.constant 0 : i32
      %dma_wait3A_692 = arith.constant 0 : i32
      %dma_wait3A_693 = tpu.memref_slice %arg8[%dma_wait3A_690, %dma_wait3A_691, %dma_wait3A_692] : memref<5x80x64xbf16, #tpu.memory_space<vmem>> -> memref<1x80x64xbf16, #tpu.memory_space<vmem>>
      %dma_wait3A_694 = tpu.memref_squeeze %dma_wait3A_693 : memref<1x80x64xbf16, #tpu.memory_space<vmem>> -> memref<80x64xbf16, #tpu.memory_space<vmem>>
      %dma_wait3A_695 = arith.constant 0 : i32
      %dma_wait3A_696 = tpu.memref_slice %arg7[%sub3A_689, %dma_wait3A_695] : memref<250x80xi32, #tpu.memory_space<vmem>> -> memref<1x80xi32, #tpu.memory_space<vmem>>
      %dma_wait3A_697 = tpu.memref_squeeze %dma_wait3A_696 : memref<1x80xi32, #tpu.memory_space<vmem>> -> memref<80xi32, #tpu.memory_space<vmem>>
      %dma_wait3A_698 = arith.constant 0 : i32
      %dma_wait3A_699 = arith.constant 0 : i32
      %dma_wait3A_700 = tpu.memref_slice %arg5[%dma_wait3A_698, %dma_wait3A_699] : memref<10240x64xbf16, #tpu.memory_space<vmem_shared>> -> memref<10240x64xbf16, #tpu.memory_space<vmem_shared>>
      tpu.wait_indirect_dma semaphore(%arg21 : memref<!tpu.dma_semaphore, #tpu.memory_space<semaphore_mem>>) src(%dma_wait3A_694 : memref<80x64xbf16, #tpu.memory_space<vmem>>) dst(%dma_wait3A_700 : memref<10240x64xbf16, #tpu.memory_space<vmem_shared>>)
      %dma_wait3A_701 = arith.constant 1 : i32
      %dma_wait3A_702 = arith.constant 0 : i32
      %dma_wait3A_703 = arith.constant 0 : i32
      %dma_wait3A_704 = tpu.memref_slice %arg9[%dma_wait3A_701, %dma_wait3A_702, %dma_wait3A_703] : memref<5x80x64xbf16, #tpu.memory_space<vmem>> -> memref<1x80x64xbf16, #tpu.memory_space<vmem>>
      %dma_wait3A_705 = tpu.memref_squeeze %dma_wait3A_704 : memref<1x80x64xbf16, #tpu.memory_space<vmem>> -> memref<80x64xbf16, #tpu.memory_space<vmem>>
      %dma_wait3A_706 = arith.constant 0 : i32
      %dma_wait3A_707 = tpu.memref_slice %arg6[%sub3A_689, %dma_wait3A_706] : memref<250x80xi32, #tpu.memory_space<vmem>> -> memref<1x80xi32, #tpu.memory_space<vmem>>
      %dma_wait3A_708 = tpu.memref_squeeze %dma_wait3A_707 : memref<1x80xi32, #tpu.memory_space<vmem>> -> memref<80xi32, #tpu.memory_space<vmem>>
      %dma_wait3A_709 = arith.constant 0 : i32
      %dma_wait3A_710 = arith.constant 0 : i32
      %dma_wait3A_711 = tpu.memref_slice %arg5[%dma_wait3A_709, %dma_wait3A_710] : memref<10240x64xbf16, #tpu.memory_space<vmem_shared>> -> memref<10240x64xbf16, #tpu.memory_space<vmem_shared>>
      tpu.wait_indirect_dma semaphore(%arg26 : memref<!tpu.dma_semaphore, #tpu.memory_space<semaphore_mem>>) src(%dma_wait3A_705 : memref<80x64xbf16, #tpu.memory_space<vmem>>) dst(%dma_wait3A_711 : memref<10240x64xbf16, #tpu.memory_space<vmem_shared>>)
      %dma_start3A_712 = arith.constant 1 : i32
      %dma_start3A_713 = arith.constant 0 : i32
      %dma_start3A_714 = arith.constant 0 : i32
      %dma_start3A_715 = tpu.memref_slice %arg8[%dma_start3A_712, %dma_start3A_713, %dma_start3A_714] : memref<5x80x64xbf16, #tpu.memory_space<vmem>> -> memref<1x80x64xbf16, #tpu.memory_space<vmem>>
      %dma_start3A_716 = tpu.memref_squeeze %dma_start3A_715 : memref<1x80x64xbf16, #tpu.memory_space<vmem>> -> memref<80x64xbf16, #tpu.memory_space<vmem>>
      %dma_start3A_717 = arith.constant 0 : i32
      %dma_start3A_718 = tpu.memref_slice %arg6[%add3A_687, %dma_start3A_717] : memref<250x80xi32, #tpu.memory_space<vmem>> -> memref<1x80xi32, #tpu.memory_space<vmem>>
      %dma_start3A_719 = tpu.memref_squeeze %dma_start3A_718 : memref<1x80xi32, #tpu.memory_space<vmem>> -> memref<80xi32, #tpu.memory_space<vmem>>
      %dma_start3A_720 = arith.constant 0 : i32
      %dma_start3A_721 = arith.constant 0 : i32
      %dma_start3A_722 = tpu.memref_slice %arg2[%arg0, %dma_start3A_720, %dma_start3A_721] : memref<2x10240x64xbf16, #tpu.memory_space<hbm>> -> memref<1x10240x64xbf16, #tpu.memory_space<hbm>>
      %dma_start3A_723 = tpu.memref_squeeze %dma_start3A_722 : memref<1x10240x64xbf16, #tpu.memory_space<hbm>> -> memref<10240x64xbf16, #tpu.memory_space<hbm>>
      %dma_start3A_724 = arith.constant 0 : i32
      %dma_start3A_725 = arith.constant 0 : i32
      %dma_start3A_726 = tpu.memref_slice %dma_start3A_723[%dma_start3A_724, %dma_start3A_725] : memref<10240x64xbf16, #tpu.memory_space<hbm>> -> memref<10240x64xbf16, #tpu.memory_space<hbm>>
      tpu.enqueue_indirect_dma source(%dma_start3A_726 : memref<10240x64xbf16, #tpu.memory_space<hbm>>) target(%dma_start3A_716 : memref<80x64xbf16, #tpu.memory_space<vmem>>) offsets(%dma_start3A_719 : memref<80xi32, #tpu.memory_space<vmem>>) semaphore(%arg11 : memref<!tpu.dma_semaphore, #tpu.memory_space<semaphore_mem>>)
      %dma_start3A_727 = arith.constant 1 : i32
      %dma_start3A_728 = arith.constant 0 : i32
      %dma_start3A_729 = arith.constant 0 : i32
      %dma_start3A_730 = tpu.memref_slice %arg9[%dma_start3A_727, %dma_start3A_728, %dma_start3A_729] : memref<5x80x64xbf16, #tpu.memory_space<vmem>> -> memref<1x80x64xbf16, #tpu.memory_space<vmem>>
      %dma_start3A_731 = tpu.memref_squeeze %dma_start3A_730 : memref<1x80x64xbf16, #tpu.memory_space<vmem>> -> memref<80x64xbf16, #tpu.memory_space<vmem>>
      %dma_start3A_732 = arith.constant 0 : i32
      %dma_start3A_733 = tpu.memref_slice %arg7[%add3A_687, %dma_start3A_732] : memref<250x80xi32, #tpu.memory_space<vmem>> -> memref<1x80xi32, #tpu.memory_space<vmem>>
      %dma_start3A_734 = tpu.memref_squeeze %dma_start3A_733 : memref<1x80xi32, #tpu.memory_space<vmem>> -> memref<80xi32, #tpu.memory_space<vmem>>
      %dma_start3A_735 = arith.constant 0 : i32
      %dma_start3A_736 = arith.constant 0 : i32
      %dma_start3A_737 = tpu.memref_slice %arg2[%arg0, %dma_start3A_735, %dma_start3A_736] : memref<2x10240x64xbf16, #tpu.memory_space<hbm>> -> memref<1x10240x64xbf16, #tpu.memory_space<hbm>>
      %dma_start3A_738 = tpu.memref_squeeze %dma_start3A_737 : memref<1x10240x64xbf16, #tpu.memory_space<hbm>> -> memref<10240x64xbf16, #tpu.memory_space<hbm>>
      %dma_start3A_739 = arith.constant 0 : i32
      %dma_start3A_740 = arith.constant 0 : i32
      %dma_start3A_741 = tpu.memref_slice %dma_start3A_738[%dma_start3A_739, %dma_start3A_740] : memref<10240x64xbf16, #tpu.memory_space<hbm>> -> memref<10240x64xbf16, #tpu.memory_space<hbm>>
      tpu.enqueue_indirect_dma source(%dma_start3A_741 : memref<10240x64xbf16, #tpu.memory_space<hbm>>) target(%dma_start3A_731 : memref<80x64xbf16, #tpu.memory_space<vmem>>) offsets(%dma_start3A_734 : memref<80xi32, #tpu.memory_space<vmem>>) semaphore(%arg16 : memref<!tpu.dma_semaphore, #tpu.memory_space<semaphore_mem>>)
      %sub3A_742 = arith.constant 1 : i32
      %sub3A_743 = arith.subi %add3A_687, %sub3A_742 : i32
      %dma_wait3A_744 = arith.constant 0 : i32
      %dma_wait3A_745 = arith.constant 0 : i32
      %dma_wait3A_746 = arith.constant 0 : i32
      %dma_wait3A_747 = tpu.memref_slice %arg8[%dma_wait3A_744, %dma_wait3A_745, %dma_wait3A_746] : memref<5x80x64xbf16, #tpu.memory_space<vmem>> -> memref<1x80x64xbf16, #tpu.memory_space<vmem>>
      %dma_wait3A_748 = tpu.memref_squeeze %dma_wait3A_747 : memref<1x80x64xbf16, #tpu.memory_space<vmem>> -> memref<80x64xbf16, #tpu.memory_space<vmem>>
      %dma_wait3A_749 = arith.constant 0 : i32
      %dma_wait3A_750 = tpu.memref_slice %arg6[%sub3A_743, %dma_wait3A_749] : memref<250x80xi32, #tpu.memory_space<vmem>> -> memref<1x80xi32, #tpu.memory_space<vmem>>
      %dma_wait3A_751 = tpu.memref_squeeze %dma_wait3A_750 : memref<1x80xi32, #tpu.memory_space<vmem>> -> memref<80xi32, #tpu.memory_space<vmem>>
      %dma_wait3A_752 = arith.constant 0 : i32
      %dma_wait3A_753 = arith.constant 0 : i32
      %dma_wait3A_754 = tpu.memref_slice %arg2[%arg0, %dma_wait3A_752, %dma_wait3A_753] : memref<2x10240x64xbf16, #tpu.memory_space<hbm>> -> memref<1x10240x64xbf16, #tpu.memory_space<hbm>>
      %dma_wait3A_755 = tpu.memref_squeeze %dma_wait3A_754 : memref<1x10240x64xbf16, #tpu.memory_space<hbm>> -> memref<10240x64xbf16, #tpu.memory_space<hbm>>
      %dma_wait3A_756 = arith.constant 0 : i32
      %dma_wait3A_757 = arith.constant 0 : i32
      %dma_wait3A_758 = tpu.memref_slice %dma_wait3A_755[%dma_wait3A_756, %dma_wait3A_757] : memref<10240x64xbf16, #tpu.memory_space<hbm>> -> memref<10240x64xbf16, #tpu.memory_space<hbm>>
      tpu.wait_indirect_dma semaphore(%arg10 : memref<!tpu.dma_semaphore, #tpu.memory_space<semaphore_mem>>) src(%dma_wait3A_758 : memref<10240x64xbf16, #tpu.memory_space<hbm>>) dst(%dma_wait3A_748 : memref<80x64xbf16, #tpu.memory_space<vmem>>)
      %dma_start3A_759 = arith.constant 0 : i32
      %dma_start3A_760 = arith.constant 0 : i32
      %dma_start3A_761 = arith.constant 0 : i32
      %dma_start3A_762 = tpu.memref_slice %arg8[%dma_start3A_759, %dma_start3A_760, %dma_start3A_761] : memref<5x80x64xbf16, #tpu.memory_space<vmem>> -> memref<1x80x64xbf16, #tpu.memory_space<vmem>>
      %dma_start3A_763 = tpu.memref_squeeze %dma_start3A_762 : memref<1x80x64xbf16, #tpu.memory_space<vmem>> -> memref<80x64xbf16, #tpu.memory_space<vmem>>
      %dma_start3A_764 = arith.constant 0 : i32
      %dma_start3A_765 = tpu.memref_slice %arg7[%sub3A_743, %dma_start3A_764] : memref<250x80xi32, #tpu.memory_space<vmem>> -> memref<1x80xi32, #tpu.memory_space<vmem>>
      %dma_start3A_766 = tpu.memref_squeeze %dma_start3A_765 : memref<1x80xi32, #tpu.memory_space<vmem>> -> memref<80xi32, #tpu.memory_space<vmem>>
      %dma_start3A_767 = arith.constant 0 : i32
      %dma_start3A_768 = arith.constant 0 : i32
      %dma_start3A_769 = tpu.memref_slice %arg5[%dma_start3A_767, %dma_start3A_768] : memref<10240x64xbf16, #tpu.memory_space<vmem_shared>> -> memref<10240x64xbf16, #tpu.memory_space<vmem_shared>>
      tpu.enqueue_indirect_dma source(%dma_start3A_763 : memref<80x64xbf16, #tpu.memory_space<vmem>>) target(%dma_start3A_769 : memref<10240x64xbf16, #tpu.memory_space<vmem_shared>>) offsets(%dma_start3A_766 : memref<80xi32, #tpu.memory_space<vmem>>) semaphore(%arg20 : memref<!tpu.dma_semaphore, #tpu.memory_space<semaphore_mem>>) {add = true}
      %dma_wait3A_770 = arith.constant 0 : i32
      %dma_wait3A_771 = arith.constant 0 : i32
      %dma_wait3A_772 = arith.constant 0 : i32
      %dma_wait3A_773 = tpu.memref_slice %arg9[%dma_wait3A_770, %dma_wait3A_771, %dma_wait3A_772] : memref<5x80x64xbf16, #tpu.memory_space<vmem>> -> memref<1x80x64xbf16, #tpu.memory_space<vmem>>
      %dma_wait3A_774 = tpu.memref_squeeze %dma_wait3A_773 : memref<1x80x64xbf16, #tpu.memory_space<vmem>> -> memref<80x64xbf16, #tpu.memory_space<vmem>>
      %dma_wait3A_775 = arith.constant 0 : i32
      %dma_wait3A_776 = tpu.memref_slice %arg7[%sub3A_743, %dma_wait3A_775] : memref<250x80xi32, #tpu.memory_space<vmem>> -> memref<1x80xi32, #tpu.memory_space<vmem>>
      %dma_wait3A_777 = tpu.memref_squeeze %dma_wait3A_776 : memref<1x80xi32, #tpu.memory_space<vmem>> -> memref<80xi32, #tpu.memory_space<vmem>>
      %dma_wait3A_778 = arith.constant 0 : i32
      %dma_wait3A_779 = arith.constant 0 : i32
      %dma_wait3A_780 = tpu.memref_slice %arg2[%arg0, %dma_wait3A_778, %dma_wait3A_779] : memref<2x10240x64xbf16, #tpu.memory_space<hbm>> -> memref<1x10240x64xbf16, #tpu.memory_space<hbm>>
      %dma_wait3A_781 = tpu.memref_squeeze %dma_wait3A_780 : memref<1x10240x64xbf16, #tpu.memory_space<hbm>> -> memref<10240x64xbf16, #tpu.memory_space<hbm>>
      %dma_wait3A_782 = arith.constant 0 : i32
      %dma_wait3A_783 = arith.constant 0 : i32
      %dma_wait3A_784 = tpu.memref_slice %dma_wait3A_781[%dma_wait3A_782, %dma_wait3A_783] : memref<10240x64xbf16, #tpu.memory_space<hbm>> -> memref<10240x64xbf16, #tpu.memory_space<hbm>>
      tpu.wait_indirect_dma semaphore(%arg15 : memref<!tpu.dma_semaphore, #tpu.memory_space<semaphore_mem>>) src(%dma_wait3A_784 : memref<10240x64xbf16, #tpu.memory_space<hbm>>) dst(%dma_wait3A_774 : memref<80x64xbf16, #tpu.memory_space<vmem>>)
      %dma_start3A_785 = arith.constant 0 : i32
      %dma_start3A_786 = arith.constant 0 : i32
      %dma_start3A_787 = arith.constant 0 : i32
      %dma_start3A_788 = tpu.memref_slice %arg9[%dma_start3A_785, %dma_start3A_786, %dma_start3A_787] : memref<5x80x64xbf16, #tpu.memory_space<vmem>> -> memref<1x80x64xbf16, #tpu.memory_space<vmem>>
      %dma_start3A_789 = tpu.memref_squeeze %dma_start3A_788 : memref<1x80x64xbf16, #tpu.memory_space<vmem>> -> memref<80x64xbf16, #tpu.memory_space<vmem>>
      %dma_start3A_790 = arith.constant 0 : i32
      %dma_start3A_791 = tpu.memref_slice %arg6[%sub3A_743, %dma_start3A_790] : memref<250x80xi32, #tpu.memory_space<vmem>> -> memref<1x80xi32, #tpu.memory_space<vmem>>
      %dma_start3A_792 = tpu.memref_squeeze %dma_start3A_791 : memref<1x80xi32, #tpu.memory_space<vmem>> -> memref<80xi32, #tpu.memory_space<vmem>>
      %dma_start3A_793 = arith.constant 0 : i32
      %dma_start3A_794 = arith.constant 0 : i32
      %dma_start3A_795 = tpu.memref_slice %arg5[%dma_start3A_793, %dma_start3A_794] : memref<10240x64xbf16, #tpu.memory_space<vmem_shared>> -> memref<10240x64xbf16, #tpu.memory_space<vmem_shared>>
      tpu.enqueue_indirect_dma source(%dma_start3A_789 : memref<80x64xbf16, #tpu.memory_space<vmem>>) target(%dma_start3A_795 : memref<10240x64xbf16, #tpu.memory_space<vmem_shared>>) offsets(%dma_start3A_792 : memref<80xi32, #tpu.memory_space<vmem>>) semaphore(%arg25 : memref<!tpu.dma_semaphore, #tpu.memory_space<semaphore_mem>>) {add = true}
      %mul3A_796 = arith.constant 5 : i32
      %mul3A_797 = arith.muli %mul3A_796, %scan3A_572 : i32
      %add3A_798 = arith.constant 2 : i32
      %add3A_799 = arith.addi %mul3A_797, %add3A_798 : i32
      %sub3A_800 = arith.constant 5 : i32
      %sub3A_801 = arith.subi %add3A_799, %sub3A_800 : i32
      %dma_wait3A_802 = arith.constant 2 : i32
      %dma_wait3A_803 = arith.constant 0 : i32
      %dma_wait3A_804 = arith.constant 0 : i32
      %dma_wait3A_805 = tpu.memref_slice %arg8[%dma_wait3A_802, %dma_wait3A_803, %dma_wait3A_804] : memref<5x80x64xbf16, #tpu.memory_space<vmem>> -> memref<1x80x64xbf16, #tpu.memory_space<vmem>>
      %dma_wait3A_806 = tpu.memref_squeeze %dma_wait3A_805 : memref<1x80x64xbf16, #tpu.memory_space<vmem>> -> memref<80x64xbf16, #tpu.memory_space<vmem>>
      %dma_wait3A_807 = arith.constant 0 : i32
      %dma_wait3A_808 = tpu.memref_slice %arg7[%sub3A_801, %dma_wait3A_807] : memref<250x80xi32, #tpu.memory_space<vmem>> -> memref<1x80xi32, #tpu.memory_space<vmem>>
      %dma_wait3A_809 = tpu.memref_squeeze %dma_wait3A_808 : memref<1x80xi32, #tpu.memory_space<vmem>> -> memref<80xi32, #tpu.memory_space<vmem>>
      %dma_wait3A_810 = arith.constant 0 : i32
      %dma_wait3A_811 = arith.constant 0 : i32
      %dma_wait3A_812 = tpu.memref_slice %arg5[%dma_wait3A_810, %dma_wait3A_811] : memref<10240x64xbf16, #tpu.memory_space<vmem_shared>> -> memref<10240x64xbf16, #tpu.memory_space<vmem_shared>>
      tpu.wait_indirect_dma semaphore(%arg22 : memref<!tpu.dma_semaphore, #tpu.memory_space<semaphore_mem>>) src(%dma_wait3A_806 : memref<80x64xbf16, #tpu.memory_space<vmem>>) dst(%dma_wait3A_812 : memref<10240x64xbf16, #tpu.memory_space<vmem_shared>>)
      %dma_wait3A_813 = arith.constant 2 : i32
      %dma_wait3A_814 = arith.constant 0 : i32
      %dma_wait3A_815 = arith.constant 0 : i32
      %dma_wait3A_816 = tpu.memref_slice %arg9[%dma_wait3A_813, %dma_wait3A_814, %dma_wait3A_815] : memref<5x80x64xbf16, #tpu.memory_space<vmem>> -> memref<1x80x64xbf16, #tpu.memory_space<vmem>>
      %dma_wait3A_817 = tpu.memref_squeeze %dma_wait3A_816 : memref<1x80x64xbf16, #tpu.memory_space<vmem>> -> memref<80x64xbf16, #tpu.memory_space<vmem>>
      %dma_wait3A_818 = arith.constant 0 : i32
      %dma_wait3A_819 = tpu.memref_slice %arg6[%sub3A_801, %dma_wait3A_818] : memref<250x80xi32, #tpu.memory_space<vmem>> -> memref<1x80xi32, #tpu.memory_space<vmem>>
      %dma_wait3A_820 = tpu.memref_squeeze %dma_wait3A_819 : memref<1x80xi32, #tpu.memory_space<vmem>> -> memref<80xi32, #tpu.memory_space<vmem>>
      %dma_wait3A_821 = arith.constant 0 : i32
      %dma_wait3A_822 = arith.constant 0 : i32
      %dma_wait3A_823 = tpu.memref_slice %arg5[%dma_wait3A_821, %dma_wait3A_822] : memref<10240x64xbf16, #tpu.memory_space<vmem_shared>> -> memref<10240x64xbf16, #tpu.memory_space<vmem_shared>>
      tpu.wait_indirect_dma semaphore(%arg27 : memref<!tpu.dma_semaphore, #tpu.memory_space<semaphore_mem>>) src(%dma_wait3A_817 : memref<80x64xbf16, #tpu.memory_space<vmem>>) dst(%dma_wait3A_823 : memref<10240x64xbf16, #tpu.memory_space<vmem_shared>>)
      %dma_start3A_824 = arith.constant 2 : i32
      %dma_start3A_825 = arith.constant 0 : i32
      %dma_start3A_826 = arith.constant 0 : i32
      %dma_start3A_827 = tpu.memref_slice %arg8[%dma_start3A_824, %dma_start3A_825, %dma_start3A_826] : memref<5x80x64xbf16, #tpu.memory_space<vmem>> -> memref<1x80x64xbf16, #tpu.memory_space<vmem>>
      %dma_start3A_828 = tpu.memref_squeeze %dma_start3A_827 : memref<1x80x64xbf16, #tpu.memory_space<vmem>> -> memref<80x64xbf16, #tpu.memory_space<vmem>>
      %dma_start3A_829 = arith.constant 0 : i32
      %dma_start3A_830 = tpu.memref_slice %arg6[%add3A_799, %dma_start3A_829] : memref<250x80xi32, #tpu.memory_space<vmem>> -> memref<1x80xi32, #tpu.memory_space<vmem>>
      %dma_start3A_831 = tpu.memref_squeeze %dma_start3A_830 : memref<1x80xi32, #tpu.memory_space<vmem>> -> memref<80xi32, #tpu.memory_space<vmem>>
      %dma_start3A_832 = arith.constant 0 : i32
      %dma_start3A_833 = arith.constant 0 : i32
      %dma_start3A_834 = tpu.memref_slice %arg2[%arg0, %dma_start3A_832, %dma_start3A_833] : memref<2x10240x64xbf16, #tpu.memory_space<hbm>> -> memref<1x10240x64xbf16, #tpu.memory_space<hbm>>
      %dma_start3A_835 = tpu.memref_squeeze %dma_start3A_834 : memref<1x10240x64xbf16, #tpu.memory_space<hbm>> -> memref<10240x64xbf16, #tpu.memory_space<hbm>>
      %dma_start3A_836 = arith.constant 0 : i32
      %dma_start3A_837 = arith.constant 0 : i32
      %dma_start3A_838 = tpu.memref_slice %dma_start3A_835[%dma_start3A_836, %dma_start3A_837] : memref<10240x64xbf16, #tpu.memory_space<hbm>> -> memref<10240x64xbf16, #tpu.memory_space<hbm>>
      tpu.enqueue_indirect_dma source(%dma_start3A_838 : memref<10240x64xbf16, #tpu.memory_space<hbm>>) target(%dma_start3A_828 : memref<80x64xbf16, #tpu.memory_space<vmem>>) offsets(%dma_start3A_831 : memref<80xi32, #tpu.memory_space<vmem>>) semaphore(%arg12 : memref<!tpu.dma_semaphore, #tpu.memory_space<semaphore_mem>>)
      %dma_start3A_839 = arith.constant 2 : i32
      %dma_start3A_840 = arith.constant 0 : i32
      %dma_start3A_841 = arith.constant 0 : i32
      %dma_start3A_842 = tpu.memref_slice %arg9[%dma_start3A_839, %dma_start3A_840, %dma_start3A_841] : memref<5x80x64xbf16, #tpu.memory_space<vmem>> -> memref<1x80x64xbf16, #tpu.memory_space<vmem>>
      %dma_start3A_843 = tpu.memref_squeeze %dma_start3A_842 : memref<1x80x64xbf16, #tpu.memory_space<vmem>> -> memref<80x64xbf16, #tpu.memory_space<vmem>>
      %dma_start3A_844 = arith.constant 0 : i32
      %dma_start3A_845 = tpu.memref_slice %arg7[%add3A_799, %dma_start3A_844] : memref<250x80xi32, #tpu.memory_space<vmem>> -> memref<1x80xi32, #tpu.memory_space<vmem>>
      %dma_start3A_846 = tpu.memref_squeeze %dma_start3A_845 : memref<1x80xi32, #tpu.memory_space<vmem>> -> memref<80xi32, #tpu.memory_space<vmem>>
      %dma_start3A_847 = arith.constant 0 : i32
      %dma_start3A_848 = arith.constant 0 : i32
      %dma_start3A_849 = tpu.memref_slice %arg2[%arg0, %dma_start3A_847, %dma_start3A_848] : memref<2x10240x64xbf16, #tpu.memory_space<hbm>> -> memref<1x10240x64xbf16, #tpu.memory_space<hbm>>
      %dma_start3A_850 = tpu.memref_squeeze %dma_start3A_849 : memref<1x10240x64xbf16, #tpu.memory_space<hbm>> -> memref<10240x64xbf16, #tpu.memory_space<hbm>>
      %dma_start3A_851 = arith.constant 0 : i32
      %dma_start3A_852 = arith.constant 0 : i32
      %dma_start3A_853 = tpu.memref_slice %dma_start3A_850[%dma_start3A_851, %dma_start3A_852] : memref<10240x64xbf16, #tpu.memory_space<hbm>> -> memref<10240x64xbf16, #tpu.memory_space<hbm>>
      tpu.enqueue_indirect_dma source(%dma_start3A_853 : memref<10240x64xbf16, #tpu.memory_space<hbm>>) target(%dma_start3A_843 : memref<80x64xbf16, #tpu.memory_space<vmem>>) offsets(%dma_start3A_846 : memref<80xi32, #tpu.memory_space<vmem>>) semaphore(%arg17 : memref<!tpu.dma_semaphore, #tpu.memory_space<semaphore_mem>>)
      %sub3A_854 = arith.constant 1 : i32
      %sub3A_855 = arith.subi %add3A_799, %sub3A_854 : i32
      %dma_wait3A_856 = arith.constant 1 : i32
      %dma_wait3A_857 = arith.constant 0 : i32
      %dma_wait3A_858 = arith.constant 0 : i32
      %dma_wait3A_859 = tpu.memref_slice %arg8[%dma_wait3A_856, %dma_wait3A_857, %dma_wait3A_858] : memref<5x80x64xbf16, #tpu.memory_space<vmem>> -> memref<1x80x64xbf16, #tpu.memory_space<vmem>>
      %dma_wait3A_860 = tpu.memref_squeeze %dma_wait3A_859 : memref<1x80x64xbf16, #tpu.memory_space<vmem>> -> memref<80x64xbf16, #tpu.memory_space<vmem>>
      %dma_wait3A_861 = arith.constant 0 : i32
      %dma_wait3A_862 = tpu.memref_slice %arg6[%sub3A_855, %dma_wait3A_861] : memref<250x80xi32, #tpu.memory_space<vmem>> -> memref<1x80xi32, #tpu.memory_space<vmem>>
      %dma_wait3A_863 = tpu.memref_squeeze %dma_wait3A_862 : memref<1x80xi32, #tpu.memory_space<vmem>> -> memref<80xi32, #tpu.memory_space<vmem>>
      %dma_wait3A_864 = arith.constant 0 : i32
      %dma_wait3A_865 = arith.constant 0 : i32
      %dma_wait3A_866 = tpu.memref_slice %arg2[%arg0, %dma_wait3A_864, %dma_wait3A_865] : memref<2x10240x64xbf16, #tpu.memory_space<hbm>> -> memref<1x10240x64xbf16, #tpu.memory_space<hbm>>
      %dma_wait3A_867 = tpu.memref_squeeze %dma_wait3A_866 : memref<1x10240x64xbf16, #tpu.memory_space<hbm>> -> memref<10240x64xbf16, #tpu.memory_space<hbm>>
      %dma_wait3A_868 = arith.constant 0 : i32
      %dma_wait3A_869 = arith.constant 0 : i32
      %dma_wait3A_870 = tpu.memref_slice %dma_wait3A_867[%dma_wait3A_868, %dma_wait3A_869] : memref<10240x64xbf16, #tpu.memory_space<hbm>> -> memref<10240x64xbf16, #tpu.memory_space<hbm>>
      tpu.wait_indirect_dma semaphore(%arg11 : memref<!tpu.dma_semaphore, #tpu.memory_space<semaphore_mem>>) src(%dma_wait3A_870 : memref<10240x64xbf16, #tpu.memory_space<hbm>>) dst(%dma_wait3A_860 : memref<80x64xbf16, #tpu.memory_space<vmem>>)
      %dma_start3A_871 = arith.constant 1 : i32
      %dma_start3A_872 = arith.constant 0 : i32
      %dma_start3A_873 = arith.constant 0 : i32
      %dma_start3A_874 = tpu.memref_slice %arg8[%dma_start3A_871, %dma_start3A_872, %dma_start3A_873] : memref<5x80x64xbf16, #tpu.memory_space<vmem>> -> memref<1x80x64xbf16, #tpu.memory_space<vmem>>
      %dma_start3A_875 = tpu.memref_squeeze %dma_start3A_874 : memref<1x80x64xbf16, #tpu.memory_space<vmem>> -> memref<80x64xbf16, #tpu.memory_space<vmem>>
      %dma_start3A_876 = arith.constant 0 : i32
      %dma_start3A_877 = tpu.memref_slice %arg7[%sub3A_855, %dma_start3A_876] : memref<250x80xi32, #tpu.memory_space<vmem>> -> memref<1x80xi32, #tpu.memory_space<vmem>>
      %dma_start3A_878 = tpu.memref_squeeze %dma_start3A_877 : memref<1x80xi32, #tpu.memory_space<vmem>> -> memref<80xi32, #tpu.memory_space<vmem>>
      %dma_start3A_879 = arith.constant 0 : i32
      %dma_start3A_880 = arith.constant 0 : i32
      %dma_start3A_881 = tpu.memref_slice %arg5[%dma_start3A_879, %dma_start3A_880] : memref<10240x64xbf16, #tpu.memory_space<vmem_shared>> -> memref<10240x64xbf16, #tpu.memory_space<vmem_shared>>
      tpu.enqueue_indirect_dma source(%dma_start3A_875 : memref<80x64xbf16, #tpu.memory_space<vmem>>) target(%dma_start3A_881 : memref<10240x64xbf16, #tpu.memory_space<vmem_shared>>) offsets(%dma_start3A_878 : memref<80xi32, #tpu.memory_space<vmem>>) semaphore(%arg21 : memref<!tpu.dma_semaphore, #tpu.memory_space<semaphore_mem>>) {add = true}
      %dma_wait3A_882 = arith.constant 1 : i32
      %dma_wait3A_883 = arith.constant 0 : i32
      %dma_wait3A_884 = arith.constant 0 : i32
      %dma_wait3A_885 = tpu.memref_slice %arg9[%dma_wait3A_882, %dma_wait3A_883, %dma_wait3A_884] : memref<5x80x64xbf16, #tpu.memory_space<vmem>> -> memref<1x80x64xbf16, #tpu.memory_space<vmem>>
      %dma_wait3A_886 = tpu.memref_squeeze %dma_wait3A_885 : memref<1x80x64xbf16, #tpu.memory_space<vmem>> -> memref<80x64xbf16, #tpu.memory_space<vmem>>
      %dma_wait3A_887 = arith.constant 0 : i32
      %dma_wait3A_888 = tpu.memref_slice %arg7[%sub3A_855, %dma_wait3A_887] : memref<250x80xi32, #tpu.memory_space<vmem>> -> memref<1x80xi32, #tpu.memory_space<vmem>>
      %dma_wait3A_889 = tpu.memref_squeeze %dma_wait3A_888 : memref<1x80xi32, #tpu.memory_space<vmem>> -> memref<80xi32, #tpu.memory_space<vmem>>
      %dma_wait3A_890 = arith.constant 0 : i32
      %dma_wait3A_891 = arith.constant 0 : i32
      %dma_wait3A_892 = tpu.memref_slice %arg2[%arg0, %dma_wait3A_890, %dma_wait3A_891] : memref<2x10240x64xbf16, #tpu.memory_space<hbm>> -> memref<1x10240x64xbf16, #tpu.memory_space<hbm>>
      %dma_wait3A_893 = tpu.memref_squeeze %dma_wait3A_892 : memref<1x10240x64xbf16, #tpu.memory_space<hbm>> -> memref<10240x64xbf16, #tpu.memory_space<hbm>>
      %dma_wait3A_894 = arith.constant 0 : i32
      %dma_wait3A_895 = arith.constant 0 : i32
      %dma_wait3A_896 = tpu.memref_slice %dma_wait3A_893[%dma_wait3A_894, %dma_wait3A_895] : memref<10240x64xbf16, #tpu.memory_space<hbm>> -> memref<10240x64xbf16, #tpu.memory_space<hbm>>
      tpu.wait_indirect_dma semaphore(%arg16 : memref<!tpu.dma_semaphore, #tpu.memory_space<semaphore_mem>>) src(%dma_wait3A_896 : memref<10240x64xbf16, #tpu.memory_space<hbm>>) dst(%dma_wait3A_886 : memref<80x64xbf16, #tpu.memory_space<vmem>>)
      %dma_start3A_897 = arith.constant 1 : i32
      %dma_start3A_898 = arith.constant 0 : i32
      %dma_start3A_899 = arith.constant 0 : i32
      %dma_start3A_900 = tpu.memref_slice %arg9[%dma_start3A_897, %dma_start3A_898, %dma_start3A_899] : memref<5x80x64xbf16, #tpu.memory_space<vmem>> -> memref<1x80x64xbf16, #tpu.memory_space<vmem>>
      %dma_start3A_901 = tpu.memref_squeeze %dma_start3A_900 : memref<1x80x64xbf16, #tpu.memory_space<vmem>> -> memref<80x64xbf16, #tpu.memory_space<vmem>>
      %dma_start3A_902 = arith.constant 0 : i32
      %dma_start3A_903 = tpu.memref_slice %arg6[%sub3A_855, %dma_start3A_902] : memref<250x80xi32, #tpu.memory_space<vmem>> -> memref<1x80xi32, #tpu.memory_space<vmem>>
      %dma_start3A_904 = tpu.memref_squeeze %dma_start3A_903 : memref<1x80xi32, #tpu.memory_space<vmem>> -> memref<80xi32, #tpu.memory_space<vmem>>
      %dma_start3A_905 = arith.constant 0 : i32
      %dma_start3A_906 = arith.constant 0 : i32
      %dma_start3A_907 = tpu.memref_slice %arg5[%dma_start3A_905, %dma_start3A_906] : memref<10240x64xbf16, #tpu.memory_space<vmem_shared>> -> memref<10240x64xbf16, #tpu.memory_space<vmem_shared>>
      tpu.enqueue_indirect_dma source(%dma_start3A_901 : memref<80x64xbf16, #tpu.memory_space<vmem>>) target(%dma_start3A_907 : memref<10240x64xbf16, #tpu.memory_space<vmem_shared>>) offsets(%dma_start3A_904 : memref<80xi32, #tpu.memory_space<vmem>>) semaphore(%arg26 : memref<!tpu.dma_semaphore, #tpu.memory_space<semaphore_mem>>) {add = true}
      %mul3A_908 = arith.constant 5 : i32
      %mul3A_909 = arith.muli %mul3A_908, %scan3A_572 : i32
      %add3A_910 = arith.constant 3 : i32
      %add3A_911 = arith.addi %mul3A_909, %add3A_910 : i32
      %sub3A_912 = arith.constant 5 : i32
      %sub3A_913 = arith.subi %add3A_911, %sub3A_912 : i32
      %dma_wait3A_914 = arith.constant 3 : i32
      %dma_wait3A_915 = arith.constant 0 : i32
      %dma_wait3A_916 = arith.constant 0 : i32
      %dma_wait3A_917 = tpu.memref_slice %arg8[%dma_wait3A_914, %dma_wait3A_915, %dma_wait3A_916] : memref<5x80x64xbf16, #tpu.memory_space<vmem>> -> memref<1x80x64xbf16, #tpu.memory_space<vmem>>
      %dma_wait3A_918 = tpu.memref_squeeze %dma_wait3A_917 : memref<1x80x64xbf16, #tpu.memory_space<vmem>> -> memref<80x64xbf16, #tpu.memory_space<vmem>>
      %dma_wait3A_919 = arith.constant 0 : i32
      %dma_wait3A_920 = tpu.memref_slice %arg7[%sub3A_913, %dma_wait3A_919] : memref<250x80xi32, #tpu.memory_space<vmem>> -> memref<1x80xi32, #tpu.memory_space<vmem>>
      %dma_wait3A_921 = tpu.memref_squeeze %dma_wait3A_920 : memref<1x80xi32, #tpu.memory_space<vmem>> -> memref<80xi32, #tpu.memory_space<vmem>>
      %dma_wait3A_922 = arith.constant 0 : i32
      %dma_wait3A_923 = arith.constant 0 : i32
      %dma_wait3A_924 = tpu.memref_slice %arg5[%dma_wait3A_922, %dma_wait3A_923] : memref<10240x64xbf16, #tpu.memory_space<vmem_shared>> -> memref<10240x64xbf16, #tpu.memory_space<vmem_shared>>
      tpu.wait_indirect_dma semaphore(%arg23 : memref<!tpu.dma_semaphore, #tpu.memory_space<semaphore_mem>>) src(%dma_wait3A_918 : memref<80x64xbf16, #tpu.memory_space<vmem>>) dst(%dma_wait3A_924 : memref<10240x64xbf16, #tpu.memory_space<vmem_shared>>)
      %dma_wait3A_925 = arith.constant 3 : i32
      %dma_wait3A_926 = arith.constant 0 : i32
      %dma_wait3A_927 = arith.constant 0 : i32
      %dma_wait3A_928 = tpu.memref_slice %arg9[%dma_wait3A_925, %dma_wait3A_926, %dma_wait3A_927] : memref<5x80x64xbf16, #tpu.memory_space<vmem>> -> memref<1x80x64xbf16, #tpu.memory_space<vmem>>
      %dma_wait3A_929 = tpu.memref_squeeze %dma_wait3A_928 : memref<1x80x64xbf16, #tpu.memory_space<vmem>> -> memref<80x64xbf16, #tpu.memory_space<vmem>>
      %dma_wait3A_930 = arith.constant 0 : i32
      %dma_wait3A_931 = tpu.memref_slice %arg6[%sub3A_913, %dma_wait3A_930] : memref<250x80xi32, #tpu.memory_space<vmem>> -> memref<1x80xi32, #tpu.memory_space<vmem>>
      %dma_wait3A_932 = tpu.memref_squeeze %dma_wait3A_931 : memref<1x80xi32, #tpu.memory_space<vmem>> -> memref<80xi32, #tpu.memory_space<vmem>>
      %dma_wait3A_933 = arith.constant 0 : i32
      %dma_wait3A_934 = arith.constant 0 : i32
      %dma_wait3A_935 = tpu.memref_slice %arg5[%dma_wait3A_933, %dma_wait3A_934] : memref<10240x64xbf16, #tpu.memory_space<vmem_shared>> -> memref<10240x64xbf16, #tpu.memory_space<vmem_shared>>
      tpu.wait_indirect_dma semaphore(%arg28 : memref<!tpu.dma_semaphore, #tpu.memory_space<semaphore_mem>>) src(%dma_wait3A_929 : memref<80x64xbf16, #tpu.memory_space<vmem>>) dst(%dma_wait3A_935 : memref<10240x64xbf16, #tpu.memory_space<vmem_shared>>)
      %dma_start3A_936 = arith.constant 3 : i32
      %dma_start3A_937 = arith.constant 0 : i32
      %dma_start3A_938 = arith.constant 0 : i32
      %dma_start3A_939 = tpu.memref_slice %arg8[%dma_start3A_936, %dma_start3A_937, %dma_start3A_938] : memref<5x80x64xbf16, #tpu.memory_space<vmem>> -> memref<1x80x64xbf16, #tpu.memory_space<vmem>>
      %dma_start3A_940 = tpu.memref_squeeze %dma_start3A_939 : memref<1x80x64xbf16, #tpu.memory_space<vmem>> -> memref<80x64xbf16, #tpu.memory_space<vmem>>
      %dma_start3A_941 = arith.constant 0 : i32
      %dma_start3A_942 = tpu.memref_slice %arg6[%add3A_911, %dma_start3A_941] : memref<250x80xi32, #tpu.memory_space<vmem>> -> memref<1x80xi32, #tpu.memory_space<vmem>>
      %dma_start3A_943 = tpu.memref_squeeze %dma_start3A_942 : memref<1x80xi32, #tpu.memory_space<vmem>> -> memref<80xi32, #tpu.memory_space<vmem>>
      %dma_start3A_944 = arith.constant 0 : i32
      %dma_start3A_945 = arith.constant 0 : i32
      %dma_start3A_946 = tpu.memref_slice %arg2[%arg0, %dma_start3A_944, %dma_start3A_945] : memref<2x10240x64xbf16, #tpu.memory_space<hbm>> -> memref<1x10240x64xbf16, #tpu.memory_space<hbm>>
      %dma_start3A_947 = tpu.memref_squeeze %dma_start3A_946 : memref<1x10240x64xbf16, #tpu.memory_space<hbm>> -> memref<10240x64xbf16, #tpu.memory_space<hbm>>
      %dma_start3A_948 = arith.constant 0 : i32
      %dma_start3A_949 = arith.constant 0 : i32
      %dma_start3A_950 = tpu.memref_slice %dma_start3A_947[%dma_start3A_948, %dma_start3A_949] : memref<10240x64xbf16, #tpu.memory_space<hbm>> -> memref<10240x64xbf16, #tpu.memory_space<hbm>>
      tpu.enqueue_indirect_dma source(%dma_start3A_950 : memref<10240x64xbf16, #tpu.memory_space<hbm>>) target(%dma_start3A_940 : memref<80x64xbf16, #tpu.memory_space<vmem>>) offsets(%dma_start3A_943 : memref<80xi32, #tpu.memory_space<vmem>>) semaphore(%arg13 : memref<!tpu.dma_semaphore, #tpu.memory_space<semaphore_mem>>)
      %dma_start3A_951 = arith.constant 3 : i32
      %dma_start3A_952 = arith.constant 0 : i32
      %dma_start3A_953 = arith.constant 0 : i32
      %dma_start3A_954 = tpu.memref_slice %arg9[%dma_start3A_951, %dma_start3A_952, %dma_start3A_953] : memref<5x80x64xbf16, #tpu.memory_space<vmem>> -> memref<1x80x64xbf16, #tpu.memory_space<vmem>>
      %dma_start3A_955 = tpu.memref_squeeze %dma_start3A_954 : memref<1x80x64xbf16, #tpu.memory_space<vmem>> -> memref<80x64xbf16, #tpu.memory_space<vmem>>
      %dma_start3A_956 = arith.constant 0 : i32
      %dma_start3A_957 = tpu.memref_slice %arg7[%add3A_911, %dma_start3A_956] : memref<250x80xi32, #tpu.memory_space<vmem>> -> memref<1x80xi32, #tpu.memory_space<vmem>>
      %dma_start3A_958 = tpu.memref_squeeze %dma_start3A_957 : memref<1x80xi32, #tpu.memory_space<vmem>> -> memref<80xi32, #tpu.memory_space<vmem>>
      %dma_start3A_959 = arith.constant 0 : i32
      %dma_start3A_960 = arith.constant 0 : i32
      %dma_start3A_961 = tpu.memref_slice %arg2[%arg0, %dma_start3A_959, %dma_start3A_960] : memref<2x10240x64xbf16, #tpu.memory_space<hbm>> -> memref<1x10240x64xbf16, #tpu.memory_space<hbm>>
      %dma_start3A_962 = tpu.memref_squeeze %dma_start3A_961 : memref<1x10240x64xbf16, #tpu.memory_space<hbm>> -> memref<10240x64xbf16, #tpu.memory_space<hbm>>
      %dma_start3A_963 = arith.constant 0 : i32
      %dma_start3A_964 = arith.constant 0 : i32
      %dma_start3A_965 = tpu.memref_slice %dma_start3A_962[%dma_start3A_963, %dma_start3A_964] : memref<10240x64xbf16, #tpu.memory_space<hbm>> -> memref<10240x64xbf16, #tpu.memory_space<hbm>>
      tpu.enqueue_indirect_dma source(%dma_start3A_965 : memref<10240x64xbf16, #tpu.memory_space<hbm>>) target(%dma_start3A_955 : memref<80x64xbf16, #tpu.memory_space<vmem>>) offsets(%dma_start3A_958 : memref<80xi32, #tpu.memory_space<vmem>>) semaphore(%arg18 : memref<!tpu.dma_semaphore, #tpu.memory_space<semaphore_mem>>)
      %sub3A_966 = arith.constant 1 : i32
      %sub3A_967 = arith.subi %add3A_911, %sub3A_966 : i32
      %dma_wait3A_968 = arith.constant 2 : i32
      %dma_wait3A_969 = arith.constant 0 : i32
      %dma_wait3A_970 = arith.constant 0 : i32
      %dma_wait3A_971 = tpu.memref_slice %arg8[%dma_wait3A_968, %dma_wait3A_969, %dma_wait3A_970] : memref<5x80x64xbf16, #tpu.memory_space<vmem>> -> memref<1x80x64xbf16, #tpu.memory_space<vmem>>
      %dma_wait3A_972 = tpu.memref_squeeze %dma_wait3A_971 : memref<1x80x64xbf16, #tpu.memory_space<vmem>> -> memref<80x64xbf16, #tpu.memory_space<vmem>>
      %dma_wait3A_973 = arith.constant 0 : i32
      %dma_wait3A_974 = tpu.memref_slice %arg6[%sub3A_967, %dma_wait3A_973] : memref<250x80xi32, #tpu.memory_space<vmem>> -> memref<1x80xi32, #tpu.memory_space<vmem>>
      %dma_wait3A_975 = tpu.memref_squeeze %dma_wait3A_974 : memref<1x80xi32, #tpu.memory_space<vmem>> -> memref<80xi32, #tpu.memory_space<vmem>>
      %dma_wait3A_976 = arith.constant 0 : i32
      %dma_wait3A_977 = arith.constant 0 : i32
      %dma_wait3A_978 = tpu.memref_slice %arg2[%arg0, %dma_wait3A_976, %dma_wait3A_977] : memref<2x10240x64xbf16, #tpu.memory_space<hbm>> -> memref<1x10240x64xbf16, #tpu.memory_space<hbm>>
      %dma_wait3A_979 = tpu.memref_squeeze %dma_wait3A_978 : memref<1x10240x64xbf16, #tpu.memory_space<hbm>> -> memref<10240x64xbf16, #tpu.memory_space<hbm>>
      %dma_wait3A_980 = arith.constant 0 : i32
      %dma_wait3A_981 = arith.constant 0 : i32
      %dma_wait3A_982 = tpu.memref_slice %dma_wait3A_979[%dma_wait3A_980, %dma_wait3A_981] : memref<10240x64xbf16, #tpu.memory_space<hbm>> -> memref<10240x64xbf16, #tpu.memory_space<hbm>>
      tpu.wait_indirect_dma semaphore(%arg12 : memref<!tpu.dma_semaphore, #tpu.memory_space<semaphore_mem>>) src(%dma_wait3A_982 : memref<10240x64xbf16, #tpu.memory_space<hbm>>) dst(%dma_wait3A_972 : memref<80x64xbf16, #tpu.memory_space<vmem>>)
      %dma_start3A_983 = arith.constant 2 : i32
      %dma_start3A_984 = arith.constant 0 : i32
      %dma_start3A_985 = arith.constant 0 : i32
      %dma_start3A_986 = tpu.memref_slice %arg8[%dma_start3A_983, %dma_start3A_984, %dma_start3A_985] : memref<5x80x64xbf16, #tpu.memory_space<vmem>> -> memref<1x80x64xbf16, #tpu.memory_space<vmem>>
      %dma_start3A_987 = tpu.memref_squeeze %dma_start3A_986 : memref<1x80x64xbf16, #tpu.memory_space<vmem>> -> memref<80x64xbf16, #tpu.memory_space<vmem>>
      %dma_start3A_988 = arith.constant 0 : i32
      %dma_start3A_989 = tpu.memref_slice %arg7[%sub3A_967, %dma_start3A_988] : memref<250x80xi32, #tpu.memory_space<vmem>> -> memref<1x80xi32, #tpu.memory_space<vmem>>
      %dma_start3A_990 = tpu.memref_squeeze %dma_start3A_989 : memref<1x80xi32, #tpu.memory_space<vmem>> -> memref<80xi32, #tpu.memory_space<vmem>>
      %dma_start3A_991 = arith.constant 0 : i32
      %dma_start3A_992 = arith.constant 0 : i32
      %dma_start3A_993 = tpu.memref_slice %arg5[%dma_start3A_991, %dma_start3A_992] : memref<10240x64xbf16, #tpu.memory_space<vmem_shared>> -> memref<10240x64xbf16, #tpu.memory_space<vmem_shared>>
      tpu.enqueue_indirect_dma source(%dma_start3A_987 : memref<80x64xbf16, #tpu.memory_space<vmem>>) target(%dma_start3A_993 : memref<10240x64xbf16, #tpu.memory_space<vmem_shared>>) offsets(%dma_start3A_990 : memref<80xi32, #tpu.memory_space<vmem>>) semaphore(%arg22 : memref<!tpu.dma_semaphore, #tpu.memory_space<semaphore_mem>>) {add = true}
      %dma_wait3A_994 = arith.constant 2 : i32
      %dma_wait3A_995 = arith.constant 0 : i32
      %dma_wait3A_996 = arith.constant 0 : i32
      %dma_wait3A_997 = tpu.memref_slice %arg9[%dma_wait3A_994, %dma_wait3A_995, %dma_wait3A_996] : memref<5x80x64xbf16, #tpu.memory_space<vmem>> -> memref<1x80x64xbf16, #tpu.memory_space<vmem>>
      %dma_wait3A_998 = tpu.memref_squeeze %dma_wait3A_997 : memref<1x80x64xbf16, #tpu.memory_space<vmem>> -> memref<80x64xbf16, #tpu.memory_space<vmem>>
      %dma_wait3A_999 = arith.constant 0 : i32
      %dma_wait3A_1000 = tpu.memref_slice %arg7[%sub3A_967, %dma_wait3A_999] : memref<250x80xi32, #tpu.memory_space<vmem>> -> memref<1x80xi32, #tpu.memory_space<vmem>>
      %dma_wait3A_1001 = tpu.memref_squeeze %dma_wait3A_1000 : memref<1x80xi32, #tpu.memory_space<vmem>> -> memref<80xi32, #tpu.memory_space<vmem>>
      %dma_wait3A_1002 = arith.constant 0 : i32
      %dma_wait3A_1003 = arith.constant 0 : i32
      %dma_wait3A_1004 = tpu.memref_slice %arg2[%arg0, %dma_wait3A_1002, %dma_wait3A_1003] : memref<2x10240x64xbf16, #tpu.memory_space<hbm>> -> memref<1x10240x64xbf16, #tpu.memory_space<hbm>>
      %dma_wait3A_1005 = tpu.memref_squeeze %dma_wait3A_1004 : memref<1x10240x64xbf16, #tpu.memory_space<hbm>> -> memref<10240x64xbf16, #tpu.memory_space<hbm>>
      %dma_wait3A_1006 = arith.constant 0 : i32
      %dma_wait3A_1007 = arith.constant 0 : i32
      %dma_wait3A_1008 = tpu.memref_slice %dma_wait3A_1005[%dma_wait3A_1006, %dma_wait3A_1007] : memref<10240x64xbf16, #tpu.memory_space<hbm>> -> memref<10240x64xbf16, #tpu.memory_space<hbm>>
      tpu.wait_indirect_dma semaphore(%arg17 : memref<!tpu.dma_semaphore, #tpu.memory_space<semaphore_mem>>) src(%dma_wait3A_1008 : memref<10240x64xbf16, #tpu.memory_space<hbm>>) dst(%dma_wait3A_998 : memref<80x64xbf16, #tpu.memory_space<vmem>>)
      %dma_start3A_1009 = arith.constant 2 : i32
      %dma_start3A_1010 = arith.constant 0 : i32
      %dma_start3A_1011 = arith.constant 0 : i32
      %dma_start3A_1012 = tpu.memref_slice %arg9[%dma_start3A_1009, %dma_start3A_1010, %dma_start3A_1011] : memref<5x80x64xbf16, #tpu.memory_space<vmem>> -> memref<1x80x64xbf16, #tpu.memory_space<vmem>>
      %dma_start3A_1013 = tpu.memref_squeeze %dma_start3A_1012 : memref<1x80x64xbf16, #tpu.memory_space<vmem>> -> memref<80x64xbf16, #tpu.memory_space<vmem>>
      %dma_start3A_1014 = arith.constant 0 : i32
      %dma_start3A_1015 = tpu.memref_slice %arg6[%sub3A_967, %dma_start3A_1014] : memref<250x80xi32, #tpu.memory_space<vmem>> -> memref<1x80xi32, #tpu.memory_space<vmem>>
      %dma_start3A_1016 = tpu.memref_squeeze %dma_start3A_1015 : memref<1x80xi32, #tpu.memory_space<vmem>> -> memref<80xi32, #tpu.memory_space<vmem>>
      %dma_start3A_1017 = arith.constant 0 : i32
      %dma_start3A_1018 = arith.constant 0 : i32
      %dma_start3A_1019 = tpu.memref_slice %arg5[%dma_start3A_1017, %dma_start3A_1018] : memref<10240x64xbf16, #tpu.memory_space<vmem_shared>> -> memref<10240x64xbf16, #tpu.memory_space<vmem_shared>>
      tpu.enqueue_indirect_dma source(%dma_start3A_1013 : memref<80x64xbf16, #tpu.memory_space<vmem>>) target(%dma_start3A_1019 : memref<10240x64xbf16, #tpu.memory_space<vmem_shared>>) offsets(%dma_start3A_1016 : memref<80xi32, #tpu.memory_space<vmem>>) semaphore(%arg27 : memref<!tpu.dma_semaphore, #tpu.memory_space<semaphore_mem>>) {add = true}
      %mul3A_1020 = arith.constant 5 : i32
      %mul3A_1021 = arith.muli %mul3A_1020, %scan3A_572 : i32
      %add3A_1022 = arith.constant 4 : i32
      %add3A_1023 = arith.addi %mul3A_1021, %add3A_1022 : i32
      %sub3A_1024 = arith.constant 5 : i32
      %sub3A_1025 = arith.subi %add3A_1023, %sub3A_1024 : i32
      %dma_wait3A_1026 = arith.constant 4 : i32
      %dma_wait3A_1027 = arith.constant 0 : i32
      %dma_wait3A_1028 = arith.constant 0 : i32
      %dma_wait3A_1029 = tpu.memref_slice %arg8[%dma_wait3A_1026, %dma_wait3A_1027, %dma_wait3A_1028] : memref<5x80x64xbf16, #tpu.memory_space<vmem>> -> memref<1x80x64xbf16, #tpu.memory_space<vmem>>
      %dma_wait3A_1030 = tpu.memref_squeeze %dma_wait3A_1029 : memref<1x80x64xbf16, #tpu.memory_space<vmem>> -> memref<80x64xbf16, #tpu.memory_space<vmem>>
      %dma_wait3A_1031 = arith.constant 0 : i32
      %dma_wait3A_1032 = tpu.memref_slice %arg7[%sub3A_1025, %dma_wait3A_1031] : memref<250x80xi32, #tpu.memory_space<vmem>> -> memref<1x80xi32, #tpu.memory_space<vmem>>
      %dma_wait3A_1033 = tpu.memref_squeeze %dma_wait3A_1032 : memref<1x80xi32, #tpu.memory_space<vmem>> -> memref<80xi32, #tpu.memory_space<vmem>>
      %dma_wait3A_1034 = arith.constant 0 : i32
      %dma_wait3A_1035 = arith.constant 0 : i32
      %dma_wait3A_1036 = tpu.memref_slice %arg5[%dma_wait3A_1034, %dma_wait3A_1035] : memref<10240x64xbf16, #tpu.memory_space<vmem_shared>> -> memref<10240x64xbf16, #tpu.memory_space<vmem_shared>>
      tpu.wait_indirect_dma semaphore(%arg24 : memref<!tpu.dma_semaphore, #tpu.memory_space<semaphore_mem>>) src(%dma_wait3A_1030 : memref<80x64xbf16, #tpu.memory_space<vmem>>) dst(%dma_wait3A_1036 : memref<10240x64xbf16, #tpu.memory_space<vmem_shared>>)
      %dma_wait3A_1037 = arith.constant 4 : i32
      %dma_wait3A_1038 = arith.constant 0 : i32
      %dma_wait3A_1039 = arith.constant 0 : i32
      %dma_wait3A_1040 = tpu.memref_slice %arg9[%dma_wait3A_1037, %dma_wait3A_1038, %dma_wait3A_1039] : memref<5x80x64xbf16, #tpu.memory_space<vmem>> -> memref<1x80x64xbf16, #tpu.memory_space<vmem>>
      %dma_wait3A_1041 = tpu.memref_squeeze %dma_wait3A_1040 : memref<1x80x64xbf16, #tpu.memory_space<vmem>> -> memref<80x64xbf16, #tpu.memory_space<vmem>>
      %dma_wait3A_1042 = arith.constant 0 : i32
      %dma_wait3A_1043 = tpu.memref_slice %arg6[%sub3A_1025, %dma_wait3A_1042] : memref<250x80xi32, #tpu.memory_space<vmem>> -> memref<1x80xi32, #tpu.memory_space<vmem>>
      %dma_wait3A_1044 = tpu.memref_squeeze %dma_wait3A_1043 : memref<1x80xi32, #tpu.memory_space<vmem>> -> memref<80xi32, #tpu.memory_space<vmem>>
      %dma_wait3A_1045 = arith.constant 0 : i32
      %dma_wait3A_1046 = arith.constant 0 : i32
      %dma_wait3A_1047 = tpu.memref_slice %arg5[%dma_wait3A_1045, %dma_wait3A_1046] : memref<10240x64xbf16, #tpu.memory_space<vmem_shared>> -> memref<10240x64xbf16, #tpu.memory_space<vmem_shared>>
      tpu.wait_indirect_dma semaphore(%arg29 : memref<!tpu.dma_semaphore, #tpu.memory_space<semaphore_mem>>) src(%dma_wait3A_1041 : memref<80x64xbf16, #tpu.memory_space<vmem>>) dst(%dma_wait3A_1047 : memref<10240x64xbf16, #tpu.memory_space<vmem_shared>>)
      %dma_start3A_1048 = arith.constant 4 : i32
      %dma_start3A_1049 = arith.constant 0 : i32
      %dma_start3A_1050 = arith.constant 0 : i32
      %dma_start3A_1051 = tpu.memref_slice %arg8[%dma_start3A_1048, %dma_start3A_1049, %dma_start3A_1050] : memref<5x80x64xbf16, #tpu.memory_space<vmem>> -> memref<1x80x64xbf16, #tpu.memory_space<vmem>>
      %dma_start3A_1052 = tpu.memref_squeeze %dma_start3A_1051 : memref<1x80x64xbf16, #tpu.memory_space<vmem>> -> memref<80x64xbf16, #tpu.memory_space<vmem>>
      %dma_start3A_1053 = arith.constant 0 : i32
      %dma_start3A_1054 = tpu.memref_slice %arg6[%add3A_1023, %dma_start3A_1053] : memref<250x80xi32, #tpu.memory_space<vmem>> -> memref<1x80xi32, #tpu.memory_space<vmem>>
      %dma_start3A_1055 = tpu.memref_squeeze %dma_start3A_1054 : memref<1x80xi32, #tpu.memory_space<vmem>> -> memref<80xi32, #tpu.memory_space<vmem>>
      %dma_start3A_1056 = arith.constant 0 : i32
      %dma_start3A_1057 = arith.constant 0 : i32
      %dma_start3A_1058 = tpu.memref_slice %arg2[%arg0, %dma_start3A_1056, %dma_start3A_1057] : memref<2x10240x64xbf16, #tpu.memory_space<hbm>> -> memref<1x10240x64xbf16, #tpu.memory_space<hbm>>
      %dma_start3A_1059 = tpu.memref_squeeze %dma_start3A_1058 : memref<1x10240x64xbf16, #tpu.memory_space<hbm>> -> memref<10240x64xbf16, #tpu.memory_space<hbm>>
      %dma_start3A_1060 = arith.constant 0 : i32
      %dma_start3A_1061 = arith.constant 0 : i32
      %dma_start3A_1062 = tpu.memref_slice %dma_start3A_1059[%dma_start3A_1060, %dma_start3A_1061] : memref<10240x64xbf16, #tpu.memory_space<hbm>> -> memref<10240x64xbf16, #tpu.memory_space<hbm>>
      tpu.enqueue_indirect_dma source(%dma_start3A_1062 : memref<10240x64xbf16, #tpu.memory_space<hbm>>) target(%dma_start3A_1052 : memref<80x64xbf16, #tpu.memory_space<vmem>>) offsets(%dma_start3A_1055 : memref<80xi32, #tpu.memory_space<vmem>>) semaphore(%arg14 : memref<!tpu.dma_semaphore, #tpu.memory_space<semaphore_mem>>)
      %dma_start3A_1063 = arith.constant 4 : i32
      %dma_start3A_1064 = arith.constant 0 : i32
      %dma_start3A_1065 = arith.constant 0 : i32
      %dma_start3A_1066 = tpu.memref_slice %arg9[%dma_start3A_1063, %dma_start3A_1064, %dma_start3A_1065] : memref<5x80x64xbf16, #tpu.memory_space<vmem>> -> memref<1x80x64xbf16, #tpu.memory_space<vmem>>
      %dma_start3A_1067 = tpu.memref_squeeze %dma_start3A_1066 : memref<1x80x64xbf16, #tpu.memory_space<vmem>> -> memref<80x64xbf16, #tpu.memory_space<vmem>>
      %dma_start3A_1068 = arith.constant 0 : i32
      %dma_start3A_1069 = tpu.memref_slice %arg7[%add3A_1023, %dma_start3A_1068] : memref<250x80xi32, #tpu.memory_space<vmem>> -> memref<1x80xi32, #tpu.memory_space<vmem>>
      %dma_start3A_1070 = tpu.memref_squeeze %dma_start3A_1069 : memref<1x80xi32, #tpu.memory_space<vmem>> -> memref<80xi32, #tpu.memory_space<vmem>>
      %dma_start3A_1071 = arith.constant 0 : i32
      %dma_start3A_1072 = arith.constant 0 : i32
      %dma_start3A_1073 = tpu.memref_slice %arg2[%arg0, %dma_start3A_1071, %dma_start3A_1072] : memref<2x10240x64xbf16, #tpu.memory_space<hbm>> -> memref<1x10240x64xbf16, #tpu.memory_space<hbm>>
      %dma_start3A_1074 = tpu.memref_squeeze %dma_start3A_1073 : memref<1x10240x64xbf16, #tpu.memory_space<hbm>> -> memref<10240x64xbf16, #tpu.memory_space<hbm>>
      %dma_start3A_1075 = arith.constant 0 : i32
      %dma_start3A_1076 = arith.constant 0 : i32
      %dma_start3A_1077 = tpu.memref_slice %dma_start3A_1074[%dma_start3A_1075, %dma_start3A_1076] : memref<10240x64xbf16, #tpu.memory_space<hbm>> -> memref<10240x64xbf16, #tpu.memory_space<hbm>>
      tpu.enqueue_indirect_dma source(%dma_start3A_1077 : memref<10240x64xbf16, #tpu.memory_space<hbm>>) target(%dma_start3A_1067 : memref<80x64xbf16, #tpu.memory_space<vmem>>) offsets(%dma_start3A_1070 : memref<80xi32, #tpu.memory_space<vmem>>) semaphore(%arg19 : memref<!tpu.dma_semaphore, #tpu.memory_space<semaphore_mem>>)
      %sub3A_1078 = arith.constant 1 : i32
      %sub3A_1079 = arith.subi %add3A_1023, %sub3A_1078 : i32
      %dma_wait3A_1080 = arith.constant 3 : i32
      %dma_wait3A_1081 = arith.constant 0 : i32
      %dma_wait3A_1082 = arith.constant 0 : i32
      %dma_wait3A_1083 = tpu.memref_slice %arg8[%dma_wait3A_1080, %dma_wait3A_1081, %dma_wait3A_1082] : memref<5x80x64xbf16, #tpu.memory_space<vmem>> -> memref<1x80x64xbf16, #tpu.memory_space<vmem>>
      %dma_wait3A_1084 = tpu.memref_squeeze %dma_wait3A_1083 : memref<1x80x64xbf16, #tpu.memory_space<vmem>> -> memref<80x64xbf16, #tpu.memory_space<vmem>>
      %dma_wait3A_1085 = arith.constant 0 : i32
      %dma_wait3A_1086 = tpu.memref_slice %arg6[%sub3A_1079, %dma_wait3A_1085] : memref<250x80xi32, #tpu.memory_space<vmem>> -> memref<1x80xi32, #tpu.memory_space<vmem>>
      %dma_wait3A_1087 = tpu.memref_squeeze %dma_wait3A_1086 : memref<1x80xi32, #tpu.memory_space<vmem>> -> memref<80xi32, #tpu.memory_space<vmem>>
      %dma_wait3A_1088 = arith.constant 0 : i32
      %dma_wait3A_1089 = arith.constant 0 : i32
      %dma_wait3A_1090 = tpu.memref_slice %arg2[%arg0, %dma_wait3A_1088, %dma_wait3A_1089] : memref<2x10240x64xbf16, #tpu.memory_space<hbm>> -> memref<1x10240x64xbf16, #tpu.memory_space<hbm>>
      %dma_wait3A_1091 = tpu.memref_squeeze %dma_wait3A_1090 : memref<1x10240x64xbf16, #tpu.memory_space<hbm>> -> memref<10240x64xbf16, #tpu.memory_space<hbm>>
      %dma_wait3A_1092 = arith.constant 0 : i32
      %dma_wait3A_1093 = arith.constant 0 : i32
      %dma_wait3A_1094 = tpu.memref_slice %dma_wait3A_1091[%dma_wait3A_1092, %dma_wait3A_1093] : memref<10240x64xbf16, #tpu.memory_space<hbm>> -> memref<10240x64xbf16, #tpu.memory_space<hbm>>
      tpu.wait_indirect_dma semaphore(%arg13 : memref<!tpu.dma_semaphore, #tpu.memory_space<semaphore_mem>>) src(%dma_wait3A_1094 : memref<10240x64xbf16, #tpu.memory_space<hbm>>) dst(%dma_wait3A_1084 : memref<80x64xbf16, #tpu.memory_space<vmem>>)
      %dma_start3A_1095 = arith.constant 3 : i32
      %dma_start3A_1096 = arith.constant 0 : i32
      %dma_start3A_1097 = arith.constant 0 : i32
      %dma_start3A_1098 = tpu.memref_slice %arg8[%dma_start3A_1095, %dma_start3A_1096, %dma_start3A_1097] : memref<5x80x64xbf16, #tpu.memory_space<vmem>> -> memref<1x80x64xbf16, #tpu.memory_space<vmem>>
      %dma_start3A_1099 = tpu.memref_squeeze %dma_start3A_1098 : memref<1x80x64xbf16, #tpu.memory_space<vmem>> -> memref<80x64xbf16, #tpu.memory_space<vmem>>
      %dma_start3A_1100 = arith.constant 0 : i32
      %dma_start3A_1101 = tpu.memref_slice %arg7[%sub3A_1079, %dma_start3A_1100] : memref<250x80xi32, #tpu.memory_space<vmem>> -> memref<1x80xi32, #tpu.memory_space<vmem>>
      %dma_start3A_1102 = tpu.memref_squeeze %dma_start3A_1101 : memref<1x80xi32, #tpu.memory_space<vmem>> -> memref<80xi32, #tpu.memory_space<vmem>>
      %dma_start3A_1103 = arith.constant 0 : i32
      %dma_start3A_1104 = arith.constant 0 : i32
      %dma_start3A_1105 = tpu.memref_slice %arg5[%dma_start3A_1103, %dma_start3A_1104] : memref<10240x64xbf16, #tpu.memory_space<vmem_shared>> -> memref<10240x64xbf16, #tpu.memory_space<vmem_shared>>
      tpu.enqueue_indirect_dma source(%dma_start3A_1099 : memref<80x64xbf16, #tpu.memory_space<vmem>>) target(%dma_start3A_1105 : memref<10240x64xbf16, #tpu.memory_space<vmem_shared>>) offsets(%dma_start3A_1102 : memref<80xi32, #tpu.memory_space<vmem>>) semaphore(%arg23 : memref<!tpu.dma_semaphore, #tpu.memory_space<semaphore_mem>>) {add = true}
      %dma_wait3A_1106 = arith.constant 3 : i32
      %dma_wait3A_1107 = arith.constant 0 : i32
      %dma_wait3A_1108 = arith.constant 0 : i32
      %dma_wait3A_1109 = tpu.memref_slice %arg9[%dma_wait3A_1106, %dma_wait3A_1107, %dma_wait3A_1108] : memref<5x80x64xbf16, #tpu.memory_space<vmem>> -> memref<1x80x64xbf16, #tpu.memory_space<vmem>>
      %dma_wait3A_1110 = tpu.memref_squeeze %dma_wait3A_1109 : memref<1x80x64xbf16, #tpu.memory_space<vmem>> -> memref<80x64xbf16, #tpu.memory_space<vmem>>
      %dma_wait3A_1111 = arith.constant 0 : i32
      %dma_wait3A_1112 = tpu.memref_slice %arg7[%sub3A_1079, %dma_wait3A_1111] : memref<250x80xi32, #tpu.memory_space<vmem>> -> memref<1x80xi32, #tpu.memory_space<vmem>>
      %dma_wait3A_1113 = tpu.memref_squeeze %dma_wait3A_1112 : memref<1x80xi32, #tpu.memory_space<vmem>> -> memref<80xi32, #tpu.memory_space<vmem>>
      %dma_wait3A_1114 = arith.constant 0 : i32
      %dma_wait3A_1115 = arith.constant 0 : i32
      %dma_wait3A_1116 = tpu.memref_slice %arg2[%arg0, %dma_wait3A_1114, %dma_wait3A_1115] : memref<2x10240x64xbf16, #tpu.memory_space<hbm>> -> memref<1x10240x64xbf16, #tpu.memory_space<hbm>>
      %dma_wait3A_1117 = tpu.memref_squeeze %dma_wait3A_1116 : memref<1x10240x64xbf16, #tpu.memory_space<hbm>> -> memref<10240x64xbf16, #tpu.memory_space<hbm>>
      %dma_wait3A_1118 = arith.constant 0 : i32
      %dma_wait3A_1119 = arith.constant 0 : i32
      %dma_wait3A_1120 = tpu.memref_slice %dma_wait3A_1117[%dma_wait3A_1118, %dma_wait3A_1119] : memref<10240x64xbf16, #tpu.memory_space<hbm>> -> memref<10240x64xbf16, #tpu.memory_space<hbm>>
      tpu.wait_indirect_dma semaphore(%arg18 : memref<!tpu.dma_semaphore, #tpu.memory_space<semaphore_mem>>) src(%dma_wait3A_1120 : memref<10240x64xbf16, #tpu.memory_space<hbm>>) dst(%dma_wait3A_1110 : memref<80x64xbf16, #tpu.memory_space<vmem>>)
      %dma_start3A_1121 = arith.constant 3 : i32
      %dma_start3A_1122 = arith.constant 0 : i32
      %dma_start3A_1123 = arith.constant 0 : i32
      %dma_start3A_1124 = tpu.memref_slice %arg9[%dma_start3A_1121, %dma_start3A_1122, %dma_start3A_1123] : memref<5x80x64xbf16, #tpu.memory_space<vmem>> -> memref<1x80x64xbf16, #tpu.memory_space<vmem>>
      %dma_start3A_1125 = tpu.memref_squeeze %dma_start3A_1124 : memref<1x80x64xbf16, #tpu.memory_space<vmem>> -> memref<80x64xbf16, #tpu.memory_space<vmem>>
      %dma_start3A_1126 = arith.constant 0 : i32
      %dma_start3A_1127 = tpu.memref_slice %arg6[%sub3A_1079, %dma_start3A_1126] : memref<250x80xi32, #tpu.memory_space<vmem>> -> memref<1x80xi32, #tpu.memory_space<vmem>>
      %dma_start3A_1128 = tpu.memref_squeeze %dma_start3A_1127 : memref<1x80xi32, #tpu.memory_space<vmem>> -> memref<80xi32, #tpu.memory_space<vmem>>
      %dma_start3A_1129 = arith.constant 0 : i32
      %dma_start3A_1130 = arith.constant 0 : i32
      %dma_start3A_1131 = tpu.memref_slice %arg5[%dma_start3A_1129, %dma_start3A_1130] : memref<10240x64xbf16, #tpu.memory_space<vmem_shared>> -> memref<10240x64xbf16, #tpu.memory_space<vmem_shared>>
      tpu.enqueue_indirect_dma source(%dma_start3A_1125 : memref<80x64xbf16, #tpu.memory_space<vmem>>) target(%dma_start3A_1131 : memref<10240x64xbf16, #tpu.memory_space<vmem_shared>>) offsets(%dma_start3A_1128 : memref<80xi32, #tpu.memory_space<vmem>>) semaphore(%arg28 : memref<!tpu.dma_semaphore, #tpu.memory_space<semaphore_mem>>) {add = true}
    }
    %scan3A_390 = arith.constant 49 : i32
    %dma_wait3A_391 = arith.constant 249 : i32
    %dma_wait3A_392 = arith.constant 4 : i32
    %dma_wait3A_393 = arith.constant 0 : i32
    %dma_wait3A_394 = arith.constant 0 : i32
    %dma_wait3A_395 = tpu.memref_slice %arg8[%dma_wait3A_392, %dma_wait3A_393, %dma_wait3A_394] : memref<5x80x64xbf16, #tpu.memory_space<vmem>> -> memref<1x80x64xbf16, #tpu.memory_space<vmem>>
    %dma_wait3A_396 = tpu.memref_squeeze %dma_wait3A_395 : memref<1x80x64xbf16, #tpu.memory_space<vmem>> -> memref<80x64xbf16, #tpu.memory_space<vmem>>
    %dma_wait3A_397 = arith.constant 0 : i32
    %dma_wait3A_398 = tpu.memref_slice %arg6[%dma_wait3A_391, %dma_wait3A_397] : memref<250x80xi32, #tpu.memory_space<vmem>> -> memref<1x80xi32, #tpu.memory_space<vmem>>
    %dma_wait3A_399 = tpu.memref_squeeze %dma_wait3A_398 : memref<1x80xi32, #tpu.memory_space<vmem>> -> memref<80xi32, #tpu.memory_space<vmem>>
    %dma_wait3A_400 = arith.constant 0 : i32
    %dma_wait3A_401 = arith.constant 0 : i32
    %dma_wait3A_402 = tpu.memref_slice %arg2[%arg0, %dma_wait3A_400, %dma_wait3A_401] : memref<2x10240x64xbf16, #tpu.memory_space<hbm>> -> memref<1x10240x64xbf16, #tpu.memory_space<hbm>>
    %dma_wait3A_403 = tpu.memref_squeeze %dma_wait3A_402 : memref<1x10240x64xbf16, #tpu.memory_space<hbm>> -> memref<10240x64xbf16, #tpu.memory_space<hbm>>
    %dma_wait3A_404 = arith.constant 0 : i32
    %dma_wait3A_405 = arith.constant 0 : i32
    %dma_wait3A_406 = tpu.memref_slice %dma_wait3A_403[%dma_wait3A_404, %dma_wait3A_405] : memref<10240x64xbf16, #tpu.memory_space<hbm>> -> memref<10240x64xbf16, #tpu.memory_space<hbm>>
    tpu.wait_indirect_dma semaphore(%arg14 : memref<!tpu.dma_semaphore, #tpu.memory_space<semaphore_mem>>) src(%dma_wait3A_406 : memref<10240x64xbf16, #tpu.memory_space<hbm>>) dst(%dma_wait3A_396 : memref<80x64xbf16, #tpu.memory_space<vmem>>)
    %dma_start3A_407 = arith.constant 4 : i32
    %dma_start3A_408 = arith.constant 249 : i32
    %dma_start3A_409 = arith.constant 0 : i32
    %dma_start3A_410 = arith.constant 0 : i32
    %dma_start3A_411 = tpu.memref_slice %arg8[%dma_start3A_407, %dma_start3A_409, %dma_start3A_410] : memref<5x80x64xbf16, #tpu.memory_space<vmem>> -> memref<1x80x64xbf16, #tpu.memory_space<vmem>>
    %dma_start3A_412 = tpu.memref_squeeze %dma_start3A_411 : memref<1x80x64xbf16, #tpu.memory_space<vmem>> -> memref<80x64xbf16, #tpu.memory_space<vmem>>
    %dma_start3A_413 = arith.constant 0 : i32
    %dma_start3A_414 = tpu.memref_slice %arg7[%dma_start3A_408, %dma_start3A_413] : memref<250x80xi32, #tpu.memory_space<vmem>> -> memref<1x80xi32, #tpu.memory_space<vmem>>
    %dma_start3A_415 = tpu.memref_squeeze %dma_start3A_414 : memref<1x80xi32, #tpu.memory_space<vmem>> -> memref<80xi32, #tpu.memory_space<vmem>>
    %dma_start3A_416 = arith.constant 0 : i32
    %dma_start3A_417 = arith.constant 0 : i32
    %dma_start3A_418 = tpu.memref_slice %arg5[%dma_start3A_416, %dma_start3A_417] : memref<10240x64xbf16, #tpu.memory_space<vmem_shared>> -> memref<10240x64xbf16, #tpu.memory_space<vmem_shared>>
    tpu.enqueue_indirect_dma source(%dma_start3A_412 : memref<80x64xbf16, #tpu.memory_space<vmem>>) target(%dma_start3A_418 : memref<10240x64xbf16, #tpu.memory_space<vmem_shared>>) offsets(%dma_start3A_415 : memref<80xi32, #tpu.memory_space<vmem>>) semaphore(%arg24 : memref<!tpu.dma_semaphore, #tpu.memory_space<semaphore_mem>>) {add = true}
    %dma_wait3A_419 = arith.constant 249 : i32
    %dma_wait3A_420 = arith.constant 4 : i32
    %dma_wait3A_421 = arith.constant 0 : i32
    %dma_wait3A_422 = arith.constant 0 : i32
    %dma_wait3A_423 = tpu.memref_slice %arg9[%dma_wait3A_420, %dma_wait3A_421, %dma_wait3A_422] : memref<5x80x64xbf16, #tpu.memory_space<vmem>> -> memref<1x80x64xbf16, #tpu.memory_space<vmem>>
    %dma_wait3A_424 = tpu.memref_squeeze %dma_wait3A_423 : memref<1x80x64xbf16, #tpu.memory_space<vmem>> -> memref<80x64xbf16, #tpu.memory_space<vmem>>
    %dma_wait3A_425 = arith.constant 0 : i32
    %dma_wait3A_426 = tpu.memref_slice %arg7[%dma_wait3A_419, %dma_wait3A_425] : memref<250x80xi32, #tpu.memory_space<vmem>> -> memref<1x80xi32, #tpu.memory_space<vmem>>
    %dma_wait3A_427 = tpu.memref_squeeze %dma_wait3A_426 : memref<1x80xi32, #tpu.memory_space<vmem>> -> memref<80xi32, #tpu.memory_space<vmem>>
    %dma_wait3A_428 = arith.constant 0 : i32
    %dma_wait3A_429 = arith.constant 0 : i32
    %dma_wait3A_430 = tpu.memref_slice %arg2[%arg0, %dma_wait3A_428, %dma_wait3A_429] : memref<2x10240x64xbf16, #tpu.memory_space<hbm>> -> memref<1x10240x64xbf16, #tpu.memory_space<hbm>>
    %dma_wait3A_431 = tpu.memref_squeeze %dma_wait3A_430 : memref<1x10240x64xbf16, #tpu.memory_space<hbm>> -> memref<10240x64xbf16, #tpu.memory_space<hbm>>
    %dma_wait3A_432 = arith.constant 0 : i32
    %dma_wait3A_433 = arith.constant 0 : i32
    %dma_wait3A_434 = tpu.memref_slice %dma_wait3A_431[%dma_wait3A_432, %dma_wait3A_433] : memref<10240x64xbf16, #tpu.memory_space<hbm>> -> memref<10240x64xbf16, #tpu.memory_space<hbm>>
    tpu.wait_indirect_dma semaphore(%arg19 : memref<!tpu.dma_semaphore, #tpu.memory_space<semaphore_mem>>) src(%dma_wait3A_434 : memref<10240x64xbf16, #tpu.memory_space<hbm>>) dst(%dma_wait3A_424 : memref<80x64xbf16, #tpu.memory_space<vmem>>)
    %dma_start3A_435 = arith.constant 4 : i32
    %dma_start3A_436 = arith.constant 249 : i32
    %dma_start3A_437 = arith.constant 0 : i32
    %dma_start3A_438 = arith.constant 0 : i32
    %dma_start3A_439 = tpu.memref_slice %arg9[%dma_start3A_435, %dma_start3A_437, %dma_start3A_438] : memref<5x80x64xbf16, #tpu.memory_space<vmem>> -> memref<1x80x64xbf16, #tpu.memory_space<vmem>>
    %dma_start3A_440 = tpu.memref_squeeze %dma_start3A_439 : memref<1x80x64xbf16, #tpu.memory_space<vmem>> -> memref<80x64xbf16, #tpu.memory_space<vmem>>
    %dma_start3A_441 = arith.constant 0 : i32
    %dma_start3A_442 = tpu.memref_slice %arg6[%dma_start3A_436, %dma_start3A_441] : memref<250x80xi32, #tpu.memory_space<vmem>> -> memref<1x80xi32, #tpu.memory_space<vmem>>
    %dma_start3A_443 = tpu.memref_squeeze %dma_start3A_442 : memref<1x80xi32, #tpu.memory_space<vmem>> -> memref<80xi32, #tpu.memory_space<vmem>>
    %dma_start3A_444 = arith.constant 0 : i32
    %dma_start3A_445 = arith.constant 0 : i32
    %dma_start3A_446 = tpu.memref_slice %arg5[%dma_start3A_444, %dma_start3A_445] : memref<10240x64xbf16, #tpu.memory_space<vmem_shared>> -> memref<10240x64xbf16, #tpu.memory_space<vmem_shared>>
    tpu.enqueue_indirect_dma source(%dma_start3A_440 : memref<80x64xbf16, #tpu.memory_space<vmem>>) target(%dma_start3A_446 : memref<10240x64xbf16, #tpu.memory_space<vmem_shared>>) offsets(%dma_start3A_443 : memref<80xi32, #tpu.memory_space<vmem>>) semaphore(%arg29 : memref<!tpu.dma_semaphore, #tpu.memory_space<semaphore_mem>>) {add = true}
    %dma_wait3A_447 = arith.constant 0 : i32
    %dma_wait3A_448 = arith.constant 245 : i32
    %dma_wait3A_449 = arith.constant 0 : i32
    %dma_wait3A_450 = arith.constant 0 : i32
    %dma_wait3A_451 = tpu.memref_slice %arg8[%dma_wait3A_447, %dma_wait3A_449, %dma_wait3A_450] : memref<5x80x64xbf16, #tpu.memory_space<vmem>> -> memref<1x80x64xbf16, #tpu.memory_space<vmem>>
    %dma_wait3A_452 = tpu.memref_squeeze %dma_wait3A_451 : memref<1x80x64xbf16, #tpu.memory_space<vmem>> -> memref<80x64xbf16, #tpu.memory_space<vmem>>
    %dma_wait3A_453 = arith.constant 0 : i32
    %dma_wait3A_454 = tpu.memref_slice %arg7[%dma_wait3A_448, %dma_wait3A_453] : memref<250x80xi32, #tpu.memory_space<vmem>> -> memref<1x80xi32, #tpu.memory_space<vmem>>
    %dma_wait3A_455 = tpu.memref_squeeze %dma_wait3A_454 : memref<1x80xi32, #tpu.memory_space<vmem>> -> memref<80xi32, #tpu.memory_space<vmem>>
    %dma_wait3A_456 = arith.constant 0 : i32
    %dma_wait3A_457 = arith.constant 0 : i32
    %dma_wait3A_458 = tpu.memref_slice %arg5[%dma_wait3A_456, %dma_wait3A_457] : memref<10240x64xbf16, #tpu.memory_space<vmem_shared>> -> memref<10240x64xbf16, #tpu.memory_space<vmem_shared>>
    tpu.wait_indirect_dma semaphore(%arg20 : memref<!tpu.dma_semaphore, #tpu.memory_space<semaphore_mem>>) src(%dma_wait3A_452 : memref<80x64xbf16, #tpu.memory_space<vmem>>) dst(%dma_wait3A_458 : memref<10240x64xbf16, #tpu.memory_space<vmem_shared>>)
    %dma_wait3A_459 = arith.constant 0 : i32
    %dma_wait3A_460 = arith.constant 245 : i32
    %dma_wait3A_461 = arith.constant 0 : i32
    %dma_wait3A_462 = arith.constant 0 : i32
    %dma_wait3A_463 = tpu.memref_slice %arg9[%dma_wait3A_459, %dma_wait3A_461, %dma_wait3A_462] : memref<5x80x64xbf16, #tpu.memory_space<vmem>> -> memref<1x80x64xbf16, #tpu.memory_space<vmem>>
    %dma_wait3A_464 = tpu.memref_squeeze %dma_wait3A_463 : memref<1x80x64xbf16, #tpu.memory_space<vmem>> -> memref<80x64xbf16, #tpu.memory_space<vmem>>
    %dma_wait3A_465 = arith.constant 0 : i32
    %dma_wait3A_466 = tpu.memref_slice %arg6[%dma_wait3A_460, %dma_wait3A_465] : memref<250x80xi32, #tpu.memory_space<vmem>> -> memref<1x80xi32, #tpu.memory_space<vmem>>
    %dma_wait3A_467 = tpu.memref_squeeze %dma_wait3A_466 : memref<1x80xi32, #tpu.memory_space<vmem>> -> memref<80xi32, #tpu.memory_space<vmem>>
    %dma_wait3A_468 = arith.constant 0 : i32
    %dma_wait3A_469 = arith.constant 0 : i32
    %dma_wait3A_470 = tpu.memref_slice %arg5[%dma_wait3A_468, %dma_wait3A_469] : memref<10240x64xbf16, #tpu.memory_space<vmem_shared>> -> memref<10240x64xbf16, #tpu.memory_space<vmem_shared>>
    tpu.wait_indirect_dma semaphore(%arg25 : memref<!tpu.dma_semaphore, #tpu.memory_space<semaphore_mem>>) src(%dma_wait3A_464 : memref<80x64xbf16, #tpu.memory_space<vmem>>) dst(%dma_wait3A_470 : memref<10240x64xbf16, #tpu.memory_space<vmem_shared>>)
    %dma_wait3A_471 = arith.constant 1 : i32
    %dma_wait3A_472 = arith.constant 246 : i32
    %dma_wait3A_473 = arith.constant 0 : i32
    %dma_wait3A_474 = arith.constant 0 : i32
    %dma_wait3A_475 = tpu.memref_slice %arg8[%dma_wait3A_471, %dma_wait3A_473, %dma_wait3A_474] : memref<5x80x64xbf16, #tpu.memory_space<vmem>> -> memref<1x80x64xbf16, #tpu.memory_space<vmem>>
    %dma_wait3A_476 = tpu.memref_squeeze %dma_wait3A_475 : memref<1x80x64xbf16, #tpu.memory_space<vmem>> -> memref<80x64xbf16, #tpu.memory_space<vmem>>
    %dma_wait3A_477 = arith.constant 0 : i32
    %dma_wait3A_478 = tpu.memref_slice %arg7[%dma_wait3A_472, %dma_wait3A_477] : memref<250x80xi32, #tpu.memory_space<vmem>> -> memref<1x80xi32, #tpu.memory_space<vmem>>
    %dma_wait3A_479 = tpu.memref_squeeze %dma_wait3A_478 : memref<1x80xi32, #tpu.memory_space<vmem>> -> memref<80xi32, #tpu.memory_space<vmem>>
    %dma_wait3A_480 = arith.constant 0 : i32
    %dma_wait3A_481 = arith.constant 0 : i32
    %dma_wait3A_482 = tpu.memref_slice %arg5[%dma_wait3A_480, %dma_wait3A_481] : memref<10240x64xbf16, #tpu.memory_space<vmem_shared>> -> memref<10240x64xbf16, #tpu.memory_space<vmem_shared>>
    tpu.wait_indirect_dma semaphore(%arg21 : memref<!tpu.dma_semaphore, #tpu.memory_space<semaphore_mem>>) src(%dma_wait3A_476 : memref<80x64xbf16, #tpu.memory_space<vmem>>) dst(%dma_wait3A_482 : memref<10240x64xbf16, #tpu.memory_space<vmem_shared>>)
    %dma_wait3A_483 = arith.constant 1 : i32
    %dma_wait3A_484 = arith.constant 246 : i32
    %dma_wait3A_485 = arith.constant 0 : i32
    %dma_wait3A_486 = arith.constant 0 : i32
    %dma_wait3A_487 = tpu.memref_slice %arg9[%dma_wait3A_483, %dma_wait3A_485, %dma_wait3A_486] : memref<5x80x64xbf16, #tpu.memory_space<vmem>> -> memref<1x80x64xbf16, #tpu.memory_space<vmem>>
    %dma_wait3A_488 = tpu.memref_squeeze %dma_wait3A_487 : memref<1x80x64xbf16, #tpu.memory_space<vmem>> -> memref<80x64xbf16, #tpu.memory_space<vmem>>
    %dma_wait3A_489 = arith.constant 0 : i32
    %dma_wait3A_490 = tpu.memref_slice %arg6[%dma_wait3A_484, %dma_wait3A_489] : memref<250x80xi32, #tpu.memory_space<vmem>> -> memref<1x80xi32, #tpu.memory_space<vmem>>
    %dma_wait3A_491 = tpu.memref_squeeze %dma_wait3A_490 : memref<1x80xi32, #tpu.memory_space<vmem>> -> memref<80xi32, #tpu.memory_space<vmem>>
    %dma_wait3A_492 = arith.constant 0 : i32
    %dma_wait3A_493 = arith.constant 0 : i32
    %dma_wait3A_494 = tpu.memref_slice %arg5[%dma_wait3A_492, %dma_wait3A_493] : memref<10240x64xbf16, #tpu.memory_space<vmem_shared>> -> memref<10240x64xbf16, #tpu.memory_space<vmem_shared>>
    tpu.wait_indirect_dma semaphore(%arg26 : memref<!tpu.dma_semaphore, #tpu.memory_space<semaphore_mem>>) src(%dma_wait3A_488 : memref<80x64xbf16, #tpu.memory_space<vmem>>) dst(%dma_wait3A_494 : memref<10240x64xbf16, #tpu.memory_space<vmem_shared>>)
    %dma_wait3A_495 = arith.constant 2 : i32
    %dma_wait3A_496 = arith.constant 247 : i32
    %dma_wait3A_497 = arith.constant 0 : i32
    %dma_wait3A_498 = arith.constant 0 : i32
    %dma_wait3A_499 = tpu.memref_slice %arg8[%dma_wait3A_495, %dma_wait3A_497, %dma_wait3A_498] : memref<5x80x64xbf16, #tpu.memory_space<vmem>> -> memref<1x80x64xbf16, #tpu.memory_space<vmem>>
    %dma_wait3A_500 = tpu.memref_squeeze %dma_wait3A_499 : memref<1x80x64xbf16, #tpu.memory_space<vmem>> -> memref<80x64xbf16, #tpu.memory_space<vmem>>
    %dma_wait3A_501 = arith.constant 0 : i32
    %dma_wait3A_502 = tpu.memref_slice %arg7[%dma_wait3A_496, %dma_wait3A_501] : memref<250x80xi32, #tpu.memory_space<vmem>> -> memref<1x80xi32, #tpu.memory_space<vmem>>
    %dma_wait3A_503 = tpu.memref_squeeze %dma_wait3A_502 : memref<1x80xi32, #tpu.memory_space<vmem>> -> memref<80xi32, #tpu.memory_space<vmem>>
    %dma_wait3A_504 = arith.constant 0 : i32
    %dma_wait3A_505 = arith.constant 0 : i32
    %dma_wait3A_506 = tpu.memref_slice %arg5[%dma_wait3A_504, %dma_wait3A_505] : memref<10240x64xbf16, #tpu.memory_space<vmem_shared>> -> memref<10240x64xbf16, #tpu.memory_space<vmem_shared>>
    tpu.wait_indirect_dma semaphore(%arg22 : memref<!tpu.dma_semaphore, #tpu.memory_space<semaphore_mem>>) src(%dma_wait3A_500 : memref<80x64xbf16, #tpu.memory_space<vmem>>) dst(%dma_wait3A_506 : memref<10240x64xbf16, #tpu.memory_space<vmem_shared>>)
    %dma_wait3A_507 = arith.constant 2 : i32
    %dma_wait3A_508 = arith.constant 247 : i32
    %dma_wait3A_509 = arith.constant 0 : i32
    %dma_wait3A_510 = arith.constant 0 : i32
    %dma_wait3A_511 = tpu.memref_slice %arg9[%dma_wait3A_507, %dma_wait3A_509, %dma_wait3A_510] : memref<5x80x64xbf16, #tpu.memory_space<vmem>> -> memref<1x80x64xbf16, #tpu.memory_space<vmem>>
    %dma_wait3A_512 = tpu.memref_squeeze %dma_wait3A_511 : memref<1x80x64xbf16, #tpu.memory_space<vmem>> -> memref<80x64xbf16, #tpu.memory_space<vmem>>
    %dma_wait3A_513 = arith.constant 0 : i32
    %dma_wait3A_514 = tpu.memref_slice %arg6[%dma_wait3A_508, %dma_wait3A_513] : memref<250x80xi32, #tpu.memory_space<vmem>> -> memref<1x80xi32, #tpu.memory_space<vmem>>
    %dma_wait3A_515 = tpu.memref_squeeze %dma_wait3A_514 : memref<1x80xi32, #tpu.memory_space<vmem>> -> memref<80xi32, #tpu.memory_space<vmem>>
    %dma_wait3A_516 = arith.constant 0 : i32
    %dma_wait3A_517 = arith.constant 0 : i32
    %dma_wait3A_518 = tpu.memref_slice %arg5[%dma_wait3A_516, %dma_wait3A_517] : memref<10240x64xbf16, #tpu.memory_space<vmem_shared>> -> memref<10240x64xbf16, #tpu.memory_space<vmem_shared>>
    tpu.wait_indirect_dma semaphore(%arg27 : memref<!tpu.dma_semaphore, #tpu.memory_space<semaphore_mem>>) src(%dma_wait3A_512 : memref<80x64xbf16, #tpu.memory_space<vmem>>) dst(%dma_wait3A_518 : memref<10240x64xbf16, #tpu.memory_space<vmem_shared>>)
    %dma_wait3A_519 = arith.constant 3 : i32
    %dma_wait3A_520 = arith.constant 248 : i32
    %dma_wait3A_521 = arith.constant 0 : i32
    %dma_wait3A_522 = arith.constant 0 : i32
    %dma_wait3A_523 = tpu.memref_slice %arg8[%dma_wait3A_519, %dma_wait3A_521, %dma_wait3A_522] : memref<5x80x64xbf16, #tpu.memory_space<vmem>> -> memref<1x80x64xbf16, #tpu.memory_space<vmem>>
    %dma_wait3A_524 = tpu.memref_squeeze %dma_wait3A_523 : memref<1x80x64xbf16, #tpu.memory_space<vmem>> -> memref<80x64xbf16, #tpu.memory_space<vmem>>
    %dma_wait3A_525 = arith.constant 0 : i32
    %dma_wait3A_526 = tpu.memref_slice %arg7[%dma_wait3A_520, %dma_wait3A_525] : memref<250x80xi32, #tpu.memory_space<vmem>> -> memref<1x80xi32, #tpu.memory_space<vmem>>
    %dma_wait3A_527 = tpu.memref_squeeze %dma_wait3A_526 : memref<1x80xi32, #tpu.memory_space<vmem>> -> memref<80xi32, #tpu.memory_space<vmem>>
    %dma_wait3A_528 = arith.constant 0 : i32
    %dma_wait3A_529 = arith.constant 0 : i32
    %dma_wait3A_530 = tpu.memref_slice %arg5[%dma_wait3A_528, %dma_wait3A_529] : memref<10240x64xbf16, #tpu.memory_space<vmem_shared>> -> memref<10240x64xbf16, #tpu.memory_space<vmem_shared>>
    tpu.wait_indirect_dma semaphore(%arg23 : memref<!tpu.dma_semaphore, #tpu.memory_space<semaphore_mem>>) src(%dma_wait3A_524 : memref<80x64xbf16, #tpu.memory_space<vmem>>) dst(%dma_wait3A_530 : memref<10240x64xbf16, #tpu.memory_space<vmem_shared>>)
    %dma_wait3A_531 = arith.constant 3 : i32
    %dma_wait3A_532 = arith.constant 248 : i32
    %dma_wait3A_533 = arith.constant 0 : i32
    %dma_wait3A_534 = arith.constant 0 : i32
    %dma_wait3A_535 = tpu.memref_slice %arg9[%dma_wait3A_531, %dma_wait3A_533, %dma_wait3A_534] : memref<5x80x64xbf16, #tpu.memory_space<vmem>> -> memref<1x80x64xbf16, #tpu.memory_space<vmem>>
    %dma_wait3A_536 = tpu.memref_squeeze %dma_wait3A_535 : memref<1x80x64xbf16, #tpu.memory_space<vmem>> -> memref<80x64xbf16, #tpu.memory_space<vmem>>
    %dma_wait3A_537 = arith.constant 0 : i32
    %dma_wait3A_538 = tpu.memref_slice %arg6[%dma_wait3A_532, %dma_wait3A_537] : memref<250x80xi32, #tpu.memory_space<vmem>> -> memref<1x80xi32, #tpu.memory_space<vmem>>
    %dma_wait3A_539 = tpu.memref_squeeze %dma_wait3A_538 : memref<1x80xi32, #tpu.memory_space<vmem>> -> memref<80xi32, #tpu.memory_space<vmem>>
    %dma_wait3A_540 = arith.constant 0 : i32
    %dma_wait3A_541 = arith.constant 0 : i32
    %dma_wait3A_542 = tpu.memref_slice %arg5[%dma_wait3A_540, %dma_wait3A_541] : memref<10240x64xbf16, #tpu.memory_space<vmem_shared>> -> memref<10240x64xbf16, #tpu.memory_space<vmem_shared>>
    tpu.wait_indirect_dma semaphore(%arg28 : memref<!tpu.dma_semaphore, #tpu.memory_space<semaphore_mem>>) src(%dma_wait3A_536 : memref<80x64xbf16, #tpu.memory_space<vmem>>) dst(%dma_wait3A_542 : memref<10240x64xbf16, #tpu.memory_space<vmem_shared>>)
    %dma_wait3A_543 = arith.constant 4 : i32
    %dma_wait3A_544 = arith.constant 249 : i32
    %dma_wait3A_545 = arith.constant 0 : i32
    %dma_wait3A_546 = arith.constant 0 : i32
    %dma_wait3A_547 = tpu.memref_slice %arg8[%dma_wait3A_543, %dma_wait3A_545, %dma_wait3A_546] : memref<5x80x64xbf16, #tpu.memory_space<vmem>> -> memref<1x80x64xbf16, #tpu.memory_space<vmem>>
    %dma_wait3A_548 = tpu.memref_squeeze %dma_wait3A_547 : memref<1x80x64xbf16, #tpu.memory_space<vmem>> -> memref<80x64xbf16, #tpu.memory_space<vmem>>
    %dma_wait3A_549 = arith.constant 0 : i32
    %dma_wait3A_550 = tpu.memref_slice %arg7[%dma_wait3A_544, %dma_wait3A_549] : memref<250x80xi32, #tpu.memory_space<vmem>> -> memref<1x80xi32, #tpu.memory_space<vmem>>
    %dma_wait3A_551 = tpu.memref_squeeze %dma_wait3A_550 : memref<1x80xi32, #tpu.memory_space<vmem>> -> memref<80xi32, #tpu.memory_space<vmem>>
    %dma_wait3A_552 = arith.constant 0 : i32
    %dma_wait3A_553 = arith.constant 0 : i32
    %dma_wait3A_554 = tpu.memref_slice %arg5[%dma_wait3A_552, %dma_wait3A_553] : memref<10240x64xbf16, #tpu.memory_space<vmem_shared>> -> memref<10240x64xbf16, #tpu.memory_space<vmem_shared>>
    tpu.wait_indirect_dma semaphore(%arg24 : memref<!tpu.dma_semaphore, #tpu.memory_space<semaphore_mem>>) src(%dma_wait3A_548 : memref<80x64xbf16, #tpu.memory_space<vmem>>) dst(%dma_wait3A_554 : memref<10240x64xbf16, #tpu.memory_space<vmem_shared>>)
    %dma_wait3A_555 = arith.constant 4 : i32
    %dma_wait3A_556 = arith.constant 249 : i32
    %dma_wait3A_557 = arith.constant 0 : i32
    %dma_wait3A_558 = arith.constant 0 : i32
    %dma_wait3A_559 = tpu.memref_slice %arg9[%dma_wait3A_555, %dma_wait3A_557, %dma_wait3A_558] : memref<5x80x64xbf16, #tpu.memory_space<vmem>> -> memref<1x80x64xbf16, #tpu.memory_space<vmem>>
    %dma_wait3A_560 = tpu.memref_squeeze %dma_wait3A_559 : memref<1x80x64xbf16, #tpu.memory_space<vmem>> -> memref<80x64xbf16, #tpu.memory_space<vmem>>
    %dma_wait3A_561 = arith.constant 0 : i32
    %dma_wait3A_562 = tpu.memref_slice %arg6[%dma_wait3A_556, %dma_wait3A_561] : memref<250x80xi32, #tpu.memory_space<vmem>> -> memref<1x80xi32, #tpu.memory_space<vmem>>
    %dma_wait3A_563 = tpu.memref_squeeze %dma_wait3A_562 : memref<1x80xi32, #tpu.memory_space<vmem>> -> memref<80xi32, #tpu.memory_space<vmem>>
    %dma_wait3A_564 = arith.constant 0 : i32
    %dma_wait3A_565 = arith.constant 0 : i32
    %dma_wait3A_566 = tpu.memref_slice %arg5[%dma_wait3A_564, %dma_wait3A_565] : memref<10240x64xbf16, #tpu.memory_space<vmem_shared>> -> memref<10240x64xbf16, #tpu.memory_space<vmem_shared>>
    tpu.wait_indirect_dma semaphore(%arg29 : memref<!tpu.dma_semaphore, #tpu.memory_space<semaphore_mem>>) src(%dma_wait3A_560 : memref<80x64xbf16, #tpu.memory_space<vmem>>) dst(%dma_wait3A_566 : memref<10240x64xbf16, #tpu.memory_space<vmem_shared>>)
    %barrier3A_567 = arith.constant 0 : index
    tpu.barrier barrier_id(%barrier3A_567)
    %mul3A_568 = arith.constant 640 : i32
    %mul3A_569 = arith.muli %arg1, %mul3A_568 : i32
    %mul3A_570 = arith.constant 640 : i32
    %mul3A_571 = arith.muli %arg1, %mul3A_570 : i32
    "tpu.region"() ({
      %run_scoped3A = tpu.sem_alloc : memref<!tpu.dma_semaphore, #tpu.memory_space<semaphore_mem>>
      %dma_start3A_572 = arith.constant 0 : i32
      %dma_start3A_573 = tpu.memref_slice %arg4[%arg0, %mul3A_571, %dma_start3A_572] : memref<2x10240x64xbf16, #tpu.memory_space<hbm>> -> memref<1x640x64xbf16, #tpu.memory_space<hbm>>
      %dma_start3A_574 = tpu.memref_squeeze %dma_start3A_573 : memref<1x640x64xbf16, #tpu.memory_space<hbm>> -> memref<640x64xbf16, #tpu.memory_space<hbm>>
      %dma_start3A_575 = arith.constant 0 : i32
      %dma_start3A_576 = tpu.memref_slice %arg5[%mul3A_569, %dma_start3A_575] : memref<10240x64xbf16, #tpu.memory_space<vmem_shared>> -> memref<640x64xbf16, #tpu.memory_space<vmem_shared>>
      tpu.enqueue_dma source(%dma_start3A_576 : memref<640x64xbf16, #tpu.memory_space<vmem_shared>>) target(%dma_start3A_574 : memref<640x64xbf16, #tpu.memory_space<hbm>>) target_semaphore(%run_scoped3A : memref<!tpu.dma_semaphore, #tpu.memory_space<semaphore_mem>>)
      %dma_wait3A_577 = arith.constant 0 : i32
      %dma_wait3A_578 = tpu.memref_slice %arg4[%arg0, %mul3A_571, %dma_wait3A_577] : memref<2x10240x64xbf16, #tpu.memory_space<hbm>> -> memref<1x640x64xbf16, #tpu.memory_space<hbm>>
      %dma_wait3A_579 = tpu.memref_squeeze %dma_wait3A_578 : memref<1x640x64xbf16, #tpu.memory_space<hbm>> -> memref<640x64xbf16, #tpu.memory_space<hbm>>
      %dma_wait3A_580 = arith.constant 0 : i32
      %dma_wait3A_581 = tpu.memref_slice %arg5[%mul3A_569, %dma_wait3A_580] : memref<10240x64xbf16, #tpu.memory_space<vmem_shared>> -> memref<640x64xbf16, #tpu.memory_space<vmem_shared>>
      tpu.wait_dma2 semaphore(%run_scoped3A : memref<!tpu.dma_semaphore, #tpu.memory_space<semaphore_mem>>) src(%dma_wait3A_581 : memref<640x64xbf16, #tpu.memory_space<vmem_shared>>) dst(%dma_wait3A_579 : memref<640x64xbf16, #tpu.memory_space<hbm>>)
      tpu.yield
    }) : () -> ()
    return
  }
}

#map = affine_map<(d0, d1) -> (0, 0, 0)>
#map1 = affine_map<(d0, d1) -> (0, 0, 0, 0)>
module attributes {stable_mosaic.version = 14 : i64} {
  func.func @_agg_body(%arg0: i32, %arg1: i32, %arg2: memref<2x10240x64xbf16, #tpu.memory_space<hbm>>, %arg3: memref<2x16x250x80xi32, #tpu.memory_space<hbm>>, %arg4: memref<2x10240x64xbf16, #tpu.memory_space<hbm>>, %arg5: memref<2x16x1x640xf32, #tpu.memory_space<hbm>>, %arg6: memref<10240x64xbf16, #tpu.memory_space<vmem_shared>>, %arg7: memref<250x80xi32, #tpu.memory_space<vmem>>, %arg8: memref<250x80xi32, #tpu.memory_space<vmem>>, %arg9: memref<5x80x64xbf16, #tpu.memory_space<vmem>>, %arg10: memref<5x80x64xbf16, #tpu.memory_space<vmem>>, %arg11: memref<!tpu.dma_semaphore, #tpu.memory_space<semaphore_mem>>, %arg12: memref<!tpu.dma_semaphore, #tpu.memory_space<semaphore_mem>>, %arg13: memref<!tpu.dma_semaphore, #tpu.memory_space<semaphore_mem>>, %arg14: memref<!tpu.dma_semaphore, #tpu.memory_space<semaphore_mem>>, %arg15: memref<!tpu.dma_semaphore, #tpu.memory_space<semaphore_mem>>, %arg16: memref<!tpu.dma_semaphore, #tpu.memory_space<semaphore_mem>>, %arg17: memref<!tpu.dma_semaphore, #tpu.memory_space<semaphore_mem>>, %arg18: memref<!tpu.dma_semaphore, #tpu.memory_space<semaphore_mem>>, %arg19: memref<!tpu.dma_semaphore, #tpu.memory_space<semaphore_mem>>, %arg20: memref<!tpu.dma_semaphore, #tpu.memory_space<semaphore_mem>>, %arg21: memref<!tpu.dma_semaphore, #tpu.memory_space<semaphore_mem>>, %arg22: memref<!tpu.dma_semaphore, #tpu.memory_space<semaphore_mem>>, %arg23: memref<!tpu.dma_semaphore, #tpu.memory_space<semaphore_mem>>, %arg24: memref<!tpu.dma_semaphore, #tpu.memory_space<semaphore_mem>>, %arg25: memref<!tpu.dma_semaphore, #tpu.memory_space<semaphore_mem>>, %arg26: memref<!tpu.dma_semaphore, #tpu.memory_space<semaphore_mem>>, %arg27: memref<!tpu.dma_semaphore, #tpu.memory_space<semaphore_mem>>, %arg28: memref<!tpu.dma_semaphore, #tpu.memory_space<semaphore_mem>>, %arg29: memref<!tpu.dma_semaphore, #tpu.memory_space<semaphore_mem>>, %arg30: memref<!tpu.dma_semaphore, #tpu.memory_space<semaphore_mem>>, %arg31: memref<10240xf32, #tpu.memory_space<vmem_shared>>, %arg32: memref<640xf32, #tpu.memory_space<vmem>>, %arg33: memref<80xf32, #tpu.memory_space<vmem>>, %arg34: memref<!tpu.dma_semaphore, #tpu.memory_space<semaphore_mem>>) attributes {dimension_semantics = [#tpu.dimension_semantics<core_parallel>, #tpu.dimension_semantics<subcore_parallel>], iteration_bounds = array<i64: 2, 16>, scalar_prefetch = 0 : i64, scratch_operands = 29 : i64, tpu.core_type = #tpu.core_type<sc_vector_subcore>, window_params = [{transform_indices = #map}, {transform_indices = #map1}, {transform_indices = #map}, {transform_indices = #map1}]} {
    %mul3A = arith.constant 640 : i32
    %mul3A_0 = arith.muli %arg1, %mul3A : i32
    %mul3A_1 = arith.constant 640 : i32
    %mul3A_2 = arith.muli %arg1, %mul3A_1 : i32
    "tpu.region"() ({
      %run_scoped3A_904 = tpu.sem_alloc : memref<!tpu.dma_semaphore, #tpu.memory_space<semaphore_mem>>
      %dma_start3A_905 = arith.constant 0 : i32
      %dma_start3A_906 = tpu.memref_slice %arg6[%mul3A_2, %dma_start3A_905] : memref<10240x64xbf16, #tpu.memory_space<vmem_shared>> -> memref<640x64xbf16, #tpu.memory_space<vmem_shared>>
      %dma_start3A_907 = arith.constant 0 : i32
      %dma_start3A_908 = tpu.memref_slice %arg2[%arg0, %mul3A_0, %dma_start3A_907] : memref<2x10240x64xbf16, #tpu.memory_space<hbm>> -> memref<1x640x64xbf16, #tpu.memory_space<hbm>>
      %dma_start3A_909 = tpu.memref_squeeze %dma_start3A_908 : memref<1x640x64xbf16, #tpu.memory_space<hbm>> -> memref<640x64xbf16, #tpu.memory_space<hbm>>
      tpu.enqueue_dma source(%dma_start3A_909 : memref<640x64xbf16, #tpu.memory_space<hbm>>) target(%dma_start3A_906 : memref<640x64xbf16, #tpu.memory_space<vmem_shared>>) target_semaphore(%run_scoped3A_904 : memref<!tpu.dma_semaphore, #tpu.memory_space<semaphore_mem>>)
      %dma_wait3A_910 = arith.constant 0 : i32
      %dma_wait3A_911 = tpu.memref_slice %arg6[%mul3A_2, %dma_wait3A_910] : memref<10240x64xbf16, #tpu.memory_space<vmem_shared>> -> memref<640x64xbf16, #tpu.memory_space<vmem_shared>>
      %dma_wait3A_912 = arith.constant 0 : i32
      %dma_wait3A_913 = tpu.memref_slice %arg2[%arg0, %mul3A_0, %dma_wait3A_912] : memref<2x10240x64xbf16, #tpu.memory_space<hbm>> -> memref<1x640x64xbf16, #tpu.memory_space<hbm>>
      %dma_wait3A_914 = tpu.memref_squeeze %dma_wait3A_913 : memref<1x640x64xbf16, #tpu.memory_space<hbm>> -> memref<640x64xbf16, #tpu.memory_space<hbm>>
      tpu.wait_dma2 semaphore(%run_scoped3A_904 : memref<!tpu.dma_semaphore, #tpu.memory_space<semaphore_mem>>) src(%dma_wait3A_914 : memref<640x64xbf16, #tpu.memory_space<hbm>>) dst(%dma_wait3A_911 : memref<640x64xbf16, #tpu.memory_space<vmem_shared>>)
      tpu.yield
    }) : () -> ()
    "tpu.region"() ({
      %run_scoped3A_904 = tpu.sem_alloc : memref<!tpu.dma_semaphore, #tpu.memory_space<semaphore_mem>>
      %dma_start3A_905 = arith.constant 0 : i32
      %dma_start3A_906 = arith.constant 0 : i32
      %dma_start3A_907 = tpu.memref_slice %arg3[%arg0, %arg1, %dma_start3A_905, %dma_start3A_906] : memref<2x16x250x80xi32, #tpu.memory_space<hbm>> -> memref<1x1x250x80xi32, #tpu.memory_space<hbm>>
      %dma_start3A_908 = tpu.memref_squeeze %dma_start3A_907 : memref<1x1x250x80xi32, #tpu.memory_space<hbm>> -> memref<250x80xi32, #tpu.memory_space<hbm>>
      %dma_start3A_909 = arith.constant 0 : i32
      %dma_start3A_910 = arith.constant 0 : i32
      %dma_start3A_911 = tpu.memref_slice %arg3[%arg0, %arg1, %dma_start3A_909, %dma_start3A_910] : memref<2x16x250x80xi32, #tpu.memory_space<hbm>> -> memref<1x1x250x80xi32, #tpu.memory_space<hbm>>
      %dma_start3A_912 = tpu.memref_squeeze %dma_start3A_911 : memref<1x1x250x80xi32, #tpu.memory_space<hbm>> -> memref<250x80xi32, #tpu.memory_space<hbm>>
      tpu.enqueue_dma source(%dma_start3A_912 : memref<250x80xi32, #tpu.memory_space<hbm>>) target(%arg7 : memref<250x80xi32, #tpu.memory_space<vmem>>) target_semaphore(%run_scoped3A_904 : memref<!tpu.dma_semaphore, #tpu.memory_space<semaphore_mem>>)
      %dma_wait3A_913 = arith.constant 0 : i32
      %dma_wait3A_914 = arith.constant 0 : i32
      %dma_wait3A_915 = tpu.memref_slice %arg3[%arg0, %arg1, %dma_wait3A_913, %dma_wait3A_914] : memref<2x16x250x80xi32, #tpu.memory_space<hbm>> -> memref<1x1x250x80xi32, #tpu.memory_space<hbm>>
      %dma_wait3A_916 = tpu.memref_squeeze %dma_wait3A_915 : memref<1x1x250x80xi32, #tpu.memory_space<hbm>> -> memref<250x80xi32, #tpu.memory_space<hbm>>
      %dma_wait3A_917 = arith.constant 0 : i32
      %dma_wait3A_918 = arith.constant 0 : i32
      %dma_wait3A_919 = tpu.memref_slice %arg3[%arg0, %arg1, %dma_wait3A_917, %dma_wait3A_918] : memref<2x16x250x80xi32, #tpu.memory_space<hbm>> -> memref<1x1x250x80xi32, #tpu.memory_space<hbm>>
      %dma_wait3A_920 = tpu.memref_squeeze %dma_wait3A_919 : memref<1x1x250x80xi32, #tpu.memory_space<hbm>> -> memref<250x80xi32, #tpu.memory_space<hbm>>
      tpu.wait_dma2 semaphore(%run_scoped3A_904 : memref<!tpu.dma_semaphore, #tpu.memory_space<semaphore_mem>>) src(%dma_wait3A_920 : memref<250x80xi32, #tpu.memory_space<hbm>>) dst(%arg7 : memref<250x80xi32, #tpu.memory_space<vmem>>)
      tpu.yield
    }) : () -> ()
    %sub3A = arith.constant 1 : i32
    %sub3A_3 = arith.subi %sub3A, %arg0 : i32
    "tpu.region"() ({
      %run_scoped3A_904 = tpu.sem_alloc : memref<!tpu.dma_semaphore, #tpu.memory_space<semaphore_mem>>
      %dma_start3A_905 = arith.constant 0 : i32
      %dma_start3A_906 = arith.constant 0 : i32
      %dma_start3A_907 = tpu.memref_slice %arg3[%sub3A_3, %arg1, %dma_start3A_905, %dma_start3A_906] : memref<2x16x250x80xi32, #tpu.memory_space<hbm>> -> memref<1x1x250x80xi32, #tpu.memory_space<hbm>>
      %dma_start3A_908 = tpu.memref_squeeze %dma_start3A_907 : memref<1x1x250x80xi32, #tpu.memory_space<hbm>> -> memref<250x80xi32, #tpu.memory_space<hbm>>
      %dma_start3A_909 = arith.constant 0 : i32
      %dma_start3A_910 = arith.constant 0 : i32
      %dma_start3A_911 = tpu.memref_slice %arg3[%sub3A_3, %arg1, %dma_start3A_909, %dma_start3A_910] : memref<2x16x250x80xi32, #tpu.memory_space<hbm>> -> memref<1x1x250x80xi32, #tpu.memory_space<hbm>>
      %dma_start3A_912 = tpu.memref_squeeze %dma_start3A_911 : memref<1x1x250x80xi32, #tpu.memory_space<hbm>> -> memref<250x80xi32, #tpu.memory_space<hbm>>
      tpu.enqueue_dma source(%dma_start3A_912 : memref<250x80xi32, #tpu.memory_space<hbm>>) target(%arg8 : memref<250x80xi32, #tpu.memory_space<vmem>>) target_semaphore(%run_scoped3A_904 : memref<!tpu.dma_semaphore, #tpu.memory_space<semaphore_mem>>)
      %dma_wait3A_913 = arith.constant 0 : i32
      %dma_wait3A_914 = arith.constant 0 : i32
      %dma_wait3A_915 = tpu.memref_slice %arg3[%sub3A_3, %arg1, %dma_wait3A_913, %dma_wait3A_914] : memref<2x16x250x80xi32, #tpu.memory_space<hbm>> -> memref<1x1x250x80xi32, #tpu.memory_space<hbm>>
      %dma_wait3A_916 = tpu.memref_squeeze %dma_wait3A_915 : memref<1x1x250x80xi32, #tpu.memory_space<hbm>> -> memref<250x80xi32, #tpu.memory_space<hbm>>
      %dma_wait3A_917 = arith.constant 0 : i32
      %dma_wait3A_918 = arith.constant 0 : i32
      %dma_wait3A_919 = tpu.memref_slice %arg3[%sub3A_3, %arg1, %dma_wait3A_917, %dma_wait3A_918] : memref<2x16x250x80xi32, #tpu.memory_space<hbm>> -> memref<1x1x250x80xi32, #tpu.memory_space<hbm>>
      %dma_wait3A_920 = tpu.memref_squeeze %dma_wait3A_919 : memref<1x1x250x80xi32, #tpu.memory_space<hbm>> -> memref<250x80xi32, #tpu.memory_space<hbm>>
      tpu.wait_dma2 semaphore(%run_scoped3A_904 : memref<!tpu.dma_semaphore, #tpu.memory_space<semaphore_mem>>) src(%dma_wait3A_920 : memref<250x80xi32, #tpu.memory_space<hbm>>) dst(%arg8 : memref<250x80xi32, #tpu.memory_space<vmem>>)
      tpu.yield
    }) : () -> ()
    %broadcast_in_dim3A = arith.constant 0.000000e+00 : f32
    %broadcast_in_dim3A_4 = vector.broadcast %broadcast_in_dim3A : f32 to vector<16xf32>
    %swap3A = arith.constant 0 : index
    %swap3A_5 = tpu.vector_load %arg32[%swap3A] {strides = array<i32>} : memref<640xf32, #tpu.memory_space<vmem>>, vector<16xf32>,
    %swap3A_6 = vector.shape_cast %swap3A_5 : vector<16xf32> to vector<16xf32>
    %swap3A_7 = vector.shape_cast %broadcast_in_dim3A_4 : vector<16xf32> to vector<16xf32>
    tpu.vector_store %arg32[%swap3A], %swap3A_7 {strides = array<i32>} : memref<640xf32, #tpu.memory_space<vmem>>, vector<16xf32>,
    %broadcast_in_dim3A_8 = arith.constant 0.000000e+00 : f32
    %broadcast_in_dim3A_9 = vector.broadcast %broadcast_in_dim3A_8 : f32 to vector<16xf32>
    %swap3A_10 = arith.constant 16 : index
    %swap3A_11 = tpu.vector_load %arg32[%swap3A_10] {strides = array<i32>} : memref<640xf32, #tpu.memory_space<vmem>>, vector<16xf32>,
    %swap3A_12 = vector.shape_cast %swap3A_11 : vector<16xf32> to vector<16xf32>
    %swap3A_13 = vector.shape_cast %broadcast_in_dim3A_9 : vector<16xf32> to vector<16xf32>
    tpu.vector_store %arg32[%swap3A_10], %swap3A_13 {strides = array<i32>} : memref<640xf32, #tpu.memory_space<vmem>>, vector<16xf32>,
    %broadcast_in_dim3A_14 = arith.constant 0.000000e+00 : f32
    %broadcast_in_dim3A_15 = vector.broadcast %broadcast_in_dim3A_14 : f32 to vector<16xf32>
    %swap3A_16 = arith.constant 32 : index
    %swap3A_17 = tpu.vector_load %arg32[%swap3A_16] {strides = array<i32>} : memref<640xf32, #tpu.memory_space<vmem>>, vector<16xf32>,
    %swap3A_18 = vector.shape_cast %swap3A_17 : vector<16xf32> to vector<16xf32>
    %swap3A_19 = vector.shape_cast %broadcast_in_dim3A_15 : vector<16xf32> to vector<16xf32>
    tpu.vector_store %arg32[%swap3A_16], %swap3A_19 {strides = array<i32>} : memref<640xf32, #tpu.memory_space<vmem>>, vector<16xf32>,
    %broadcast_in_dim3A_20 = arith.constant 0.000000e+00 : f32
    %broadcast_in_dim3A_21 = vector.broadcast %broadcast_in_dim3A_20 : f32 to vector<16xf32>
    %swap3A_22 = arith.constant 48 : index
    %swap3A_23 = tpu.vector_load %arg32[%swap3A_22] {strides = array<i32>} : memref<640xf32, #tpu.memory_space<vmem>>, vector<16xf32>,
    %swap3A_24 = vector.shape_cast %swap3A_23 : vector<16xf32> to vector<16xf32>
    %swap3A_25 = vector.shape_cast %broadcast_in_dim3A_21 : vector<16xf32> to vector<16xf32>
    tpu.vector_store %arg32[%swap3A_22], %swap3A_25 {strides = array<i32>} : memref<640xf32, #tpu.memory_space<vmem>>, vector<16xf32>,
    %broadcast_in_dim3A_26 = arith.constant 0.000000e+00 : f32
    %broadcast_in_dim3A_27 = vector.broadcast %broadcast_in_dim3A_26 : f32 to vector<16xf32>
    %swap3A_28 = arith.constant 64 : index
    %swap3A_29 = tpu.vector_load %arg32[%swap3A_28] {strides = array<i32>} : memref<640xf32, #tpu.memory_space<vmem>>, vector<16xf32>,
    %swap3A_30 = vector.shape_cast %swap3A_29 : vector<16xf32> to vector<16xf32>
    %swap3A_31 = vector.shape_cast %broadcast_in_dim3A_27 : vector<16xf32> to vector<16xf32>
    tpu.vector_store %arg32[%swap3A_28], %swap3A_31 {strides = array<i32>} : memref<640xf32, #tpu.memory_space<vmem>>, vector<16xf32>,
    %broadcast_in_dim3A_32 = arith.constant 0.000000e+00 : f32
    %broadcast_in_dim3A_33 = vector.broadcast %broadcast_in_dim3A_32 : f32 to vector<16xf32>
    %swap3A_34 = arith.constant 80 : index
    %swap3A_35 = tpu.vector_load %arg32[%swap3A_34] {strides = array<i32>} : memref<640xf32, #tpu.memory_space<vmem>>, vector<16xf32>,
    %swap3A_36 = vector.shape_cast %swap3A_35 : vector<16xf32> to vector<16xf32>
    %swap3A_37 = vector.shape_cast %broadcast_in_dim3A_33 : vector<16xf32> to vector<16xf32>
    tpu.vector_store %arg32[%swap3A_34], %swap3A_37 {strides = array<i32>} : memref<640xf32, #tpu.memory_space<vmem>>, vector<16xf32>,
    %broadcast_in_dim3A_38 = arith.constant 0.000000e+00 : f32
    %broadcast_in_dim3A_39 = vector.broadcast %broadcast_in_dim3A_38 : f32 to vector<16xf32>
    %swap3A_40 = arith.constant 96 : index
    %swap3A_41 = tpu.vector_load %arg32[%swap3A_40] {strides = array<i32>} : memref<640xf32, #tpu.memory_space<vmem>>, vector<16xf32>,
    %swap3A_42 = vector.shape_cast %swap3A_41 : vector<16xf32> to vector<16xf32>
    %swap3A_43 = vector.shape_cast %broadcast_in_dim3A_39 : vector<16xf32> to vector<16xf32>
    tpu.vector_store %arg32[%swap3A_40], %swap3A_43 {strides = array<i32>} : memref<640xf32, #tpu.memory_space<vmem>>, vector<16xf32>,
    %broadcast_in_dim3A_44 = arith.constant 0.000000e+00 : f32
    %broadcast_in_dim3A_45 = vector.broadcast %broadcast_in_dim3A_44 : f32 to vector<16xf32>
    %swap3A_46 = arith.constant 112 : index
    %swap3A_47 = tpu.vector_load %arg32[%swap3A_46] {strides = array<i32>} : memref<640xf32, #tpu.memory_space<vmem>>, vector<16xf32>,
    %swap3A_48 = vector.shape_cast %swap3A_47 : vector<16xf32> to vector<16xf32>
    %swap3A_49 = vector.shape_cast %broadcast_in_dim3A_45 : vector<16xf32> to vector<16xf32>
    tpu.vector_store %arg32[%swap3A_46], %swap3A_49 {strides = array<i32>} : memref<640xf32, #tpu.memory_space<vmem>>, vector<16xf32>,
    %broadcast_in_dim3A_50 = arith.constant 0.000000e+00 : f32
    %broadcast_in_dim3A_51 = vector.broadcast %broadcast_in_dim3A_50 : f32 to vector<16xf32>
    %swap3A_52 = arith.constant 128 : index
    %swap3A_53 = tpu.vector_load %arg32[%swap3A_52] {strides = array<i32>} : memref<640xf32, #tpu.memory_space<vmem>>, vector<16xf32>,
    %swap3A_54 = vector.shape_cast %swap3A_53 : vector<16xf32> to vector<16xf32>
    %swap3A_55 = vector.shape_cast %broadcast_in_dim3A_51 : vector<16xf32> to vector<16xf32>
    tpu.vector_store %arg32[%swap3A_52], %swap3A_55 {strides = array<i32>} : memref<640xf32, #tpu.memory_space<vmem>>, vector<16xf32>,
    %broadcast_in_dim3A_56 = arith.constant 0.000000e+00 : f32
    %broadcast_in_dim3A_57 = vector.broadcast %broadcast_in_dim3A_56 : f32 to vector<16xf32>
    %swap3A_58 = arith.constant 144 : index
    %swap3A_59 = tpu.vector_load %arg32[%swap3A_58] {strides = array<i32>} : memref<640xf32, #tpu.memory_space<vmem>>, vector<16xf32>,
    %swap3A_60 = vector.shape_cast %swap3A_59 : vector<16xf32> to vector<16xf32>
    %swap3A_61 = vector.shape_cast %broadcast_in_dim3A_57 : vector<16xf32> to vector<16xf32>
    tpu.vector_store %arg32[%swap3A_58], %swap3A_61 {strides = array<i32>} : memref<640xf32, #tpu.memory_space<vmem>>, vector<16xf32>,
    %broadcast_in_dim3A_62 = arith.constant 0.000000e+00 : f32
    %broadcast_in_dim3A_63 = vector.broadcast %broadcast_in_dim3A_62 : f32 to vector<16xf32>
    %swap3A_64 = arith.constant 160 : index
    %swap3A_65 = tpu.vector_load %arg32[%swap3A_64] {strides = array<i32>} : memref<640xf32, #tpu.memory_space<vmem>>, vector<16xf32>,
    %swap3A_66 = vector.shape_cast %swap3A_65 : vector<16xf32> to vector<16xf32>
    %swap3A_67 = vector.shape_cast %broadcast_in_dim3A_63 : vector<16xf32> to vector<16xf32>
    tpu.vector_store %arg32[%swap3A_64], %swap3A_67 {strides = array<i32>} : memref<640xf32, #tpu.memory_space<vmem>>, vector<16xf32>,
    %broadcast_in_dim3A_68 = arith.constant 0.000000e+00 : f32
    %broadcast_in_dim3A_69 = vector.broadcast %broadcast_in_dim3A_68 : f32 to vector<16xf32>
    %swap3A_70 = arith.constant 176 : index
    %swap3A_71 = tpu.vector_load %arg32[%swap3A_70] {strides = array<i32>} : memref<640xf32, #tpu.memory_space<vmem>>, vector<16xf32>,
    %swap3A_72 = vector.shape_cast %swap3A_71 : vector<16xf32> to vector<16xf32>
    %swap3A_73 = vector.shape_cast %broadcast_in_dim3A_69 : vector<16xf32> to vector<16xf32>
    tpu.vector_store %arg32[%swap3A_70], %swap3A_73 {strides = array<i32>} : memref<640xf32, #tpu.memory_space<vmem>>, vector<16xf32>,
    %broadcast_in_dim3A_74 = arith.constant 0.000000e+00 : f32
    %broadcast_in_dim3A_75 = vector.broadcast %broadcast_in_dim3A_74 : f32 to vector<16xf32>
    %swap3A_76 = arith.constant 192 : index
    %swap3A_77 = tpu.vector_load %arg32[%swap3A_76] {strides = array<i32>} : memref<640xf32, #tpu.memory_space<vmem>>, vector<16xf32>,
    %swap3A_78 = vector.shape_cast %swap3A_77 : vector<16xf32> to vector<16xf32>
    %swap3A_79 = vector.shape_cast %broadcast_in_dim3A_75 : vector<16xf32> to vector<16xf32>
    tpu.vector_store %arg32[%swap3A_76], %swap3A_79 {strides = array<i32>} : memref<640xf32, #tpu.memory_space<vmem>>, vector<16xf32>,
    %broadcast_in_dim3A_80 = arith.constant 0.000000e+00 : f32
    %broadcast_in_dim3A_81 = vector.broadcast %broadcast_in_dim3A_80 : f32 to vector<16xf32>
    %swap3A_82 = arith.constant 208 : index
    %swap3A_83 = tpu.vector_load %arg32[%swap3A_82] {strides = array<i32>} : memref<640xf32, #tpu.memory_space<vmem>>, vector<16xf32>,
    %swap3A_84 = vector.shape_cast %swap3A_83 : vector<16xf32> to vector<16xf32>
    %swap3A_85 = vector.shape_cast %broadcast_in_dim3A_81 : vector<16xf32> to vector<16xf32>
    tpu.vector_store %arg32[%swap3A_82], %swap3A_85 {strides = array<i32>} : memref<640xf32, #tpu.memory_space<vmem>>, vector<16xf32>,
    %broadcast_in_dim3A_86 = arith.constant 0.000000e+00 : f32
    %broadcast_in_dim3A_87 = vector.broadcast %broadcast_in_dim3A_86 : f32 to vector<16xf32>
    %swap3A_88 = arith.constant 224 : index
    %swap3A_89 = tpu.vector_load %arg32[%swap3A_88] {strides = array<i32>} : memref<640xf32, #tpu.memory_space<vmem>>, vector<16xf32>,
    %swap3A_90 = vector.shape_cast %swap3A_89 : vector<16xf32> to vector<16xf32>
    %swap3A_91 = vector.shape_cast %broadcast_in_dim3A_87 : vector<16xf32> to vector<16xf32>
    tpu.vector_store %arg32[%swap3A_88], %swap3A_91 {strides = array<i32>} : memref<640xf32, #tpu.memory_space<vmem>>, vector<16xf32>,
    %broadcast_in_dim3A_92 = arith.constant 0.000000e+00 : f32
    %broadcast_in_dim3A_93 = vector.broadcast %broadcast_in_dim3A_92 : f32 to vector<16xf32>
    %swap3A_94 = arith.constant 240 : index
    %swap3A_95 = tpu.vector_load %arg32[%swap3A_94] {strides = array<i32>} : memref<640xf32, #tpu.memory_space<vmem>>, vector<16xf32>,
    %swap3A_96 = vector.shape_cast %swap3A_95 : vector<16xf32> to vector<16xf32>
    %swap3A_97 = vector.shape_cast %broadcast_in_dim3A_93 : vector<16xf32> to vector<16xf32>
    tpu.vector_store %arg32[%swap3A_94], %swap3A_97 {strides = array<i32>} : memref<640xf32, #tpu.memory_space<vmem>>, vector<16xf32>,
    %broadcast_in_dim3A_98 = arith.constant 0.000000e+00 : f32
    %broadcast_in_dim3A_99 = vector.broadcast %broadcast_in_dim3A_98 : f32 to vector<16xf32>
    %swap3A_100 = arith.constant 256 : index
    %swap3A_101 = tpu.vector_load %arg32[%swap3A_100] {strides = array<i32>} : memref<640xf32, #tpu.memory_space<vmem>>, vector<16xf32>,
    %swap3A_102 = vector.shape_cast %swap3A_101 : vector<16xf32> to vector<16xf32>
    %swap3A_103 = vector.shape_cast %broadcast_in_dim3A_99 : vector<16xf32> to vector<16xf32>
    tpu.vector_store %arg32[%swap3A_100], %swap3A_103 {strides = array<i32>} : memref<640xf32, #tpu.memory_space<vmem>>, vector<16xf32>,
    %broadcast_in_dim3A_104 = arith.constant 0.000000e+00 : f32
    %broadcast_in_dim3A_105 = vector.broadcast %broadcast_in_dim3A_104 : f32 to vector<16xf32>
    %swap3A_106 = arith.constant 272 : index
    %swap3A_107 = tpu.vector_load %arg32[%swap3A_106] {strides = array<i32>} : memref<640xf32, #tpu.memory_space<vmem>>, vector<16xf32>,
    %swap3A_108 = vector.shape_cast %swap3A_107 : vector<16xf32> to vector<16xf32>
    %swap3A_109 = vector.shape_cast %broadcast_in_dim3A_105 : vector<16xf32> to vector<16xf32>
    tpu.vector_store %arg32[%swap3A_106], %swap3A_109 {strides = array<i32>} : memref<640xf32, #tpu.memory_space<vmem>>, vector<16xf32>,
    %broadcast_in_dim3A_110 = arith.constant 0.000000e+00 : f32
    %broadcast_in_dim3A_111 = vector.broadcast %broadcast_in_dim3A_110 : f32 to vector<16xf32>
    %swap3A_112 = arith.constant 288 : index
    %swap3A_113 = tpu.vector_load %arg32[%swap3A_112] {strides = array<i32>} : memref<640xf32, #tpu.memory_space<vmem>>, vector<16xf32>,
    %swap3A_114 = vector.shape_cast %swap3A_113 : vector<16xf32> to vector<16xf32>
    %swap3A_115 = vector.shape_cast %broadcast_in_dim3A_111 : vector<16xf32> to vector<16xf32>
    tpu.vector_store %arg32[%swap3A_112], %swap3A_115 {strides = array<i32>} : memref<640xf32, #tpu.memory_space<vmem>>, vector<16xf32>,
    %broadcast_in_dim3A_116 = arith.constant 0.000000e+00 : f32
    %broadcast_in_dim3A_117 = vector.broadcast %broadcast_in_dim3A_116 : f32 to vector<16xf32>
    %swap3A_118 = arith.constant 304 : index
    %swap3A_119 = tpu.vector_load %arg32[%swap3A_118] {strides = array<i32>} : memref<640xf32, #tpu.memory_space<vmem>>, vector<16xf32>,
    %swap3A_120 = vector.shape_cast %swap3A_119 : vector<16xf32> to vector<16xf32>
    %swap3A_121 = vector.shape_cast %broadcast_in_dim3A_117 : vector<16xf32> to vector<16xf32>
    tpu.vector_store %arg32[%swap3A_118], %swap3A_121 {strides = array<i32>} : memref<640xf32, #tpu.memory_space<vmem>>, vector<16xf32>,
    %broadcast_in_dim3A_122 = arith.constant 0.000000e+00 : f32
    %broadcast_in_dim3A_123 = vector.broadcast %broadcast_in_dim3A_122 : f32 to vector<16xf32>
    %swap3A_124 = arith.constant 320 : index
    %swap3A_125 = tpu.vector_load %arg32[%swap3A_124] {strides = array<i32>} : memref<640xf32, #tpu.memory_space<vmem>>, vector<16xf32>,
    %swap3A_126 = vector.shape_cast %swap3A_125 : vector<16xf32> to vector<16xf32>
    %swap3A_127 = vector.shape_cast %broadcast_in_dim3A_123 : vector<16xf32> to vector<16xf32>
    tpu.vector_store %arg32[%swap3A_124], %swap3A_127 {strides = array<i32>} : memref<640xf32, #tpu.memory_space<vmem>>, vector<16xf32>,
    %broadcast_in_dim3A_128 = arith.constant 0.000000e+00 : f32
    %broadcast_in_dim3A_129 = vector.broadcast %broadcast_in_dim3A_128 : f32 to vector<16xf32>
    %swap3A_130 = arith.constant 336 : index
    %swap3A_131 = tpu.vector_load %arg32[%swap3A_130] {strides = array<i32>} : memref<640xf32, #tpu.memory_space<vmem>>, vector<16xf32>,
    %swap3A_132 = vector.shape_cast %swap3A_131 : vector<16xf32> to vector<16xf32>
    %swap3A_133 = vector.shape_cast %broadcast_in_dim3A_129 : vector<16xf32> to vector<16xf32>
    tpu.vector_store %arg32[%swap3A_130], %swap3A_133 {strides = array<i32>} : memref<640xf32, #tpu.memory_space<vmem>>, vector<16xf32>,
    %broadcast_in_dim3A_134 = arith.constant 0.000000e+00 : f32
    %broadcast_in_dim3A_135 = vector.broadcast %broadcast_in_dim3A_134 : f32 to vector<16xf32>
    %swap3A_136 = arith.constant 352 : index
    %swap3A_137 = tpu.vector_load %arg32[%swap3A_136] {strides = array<i32>} : memref<640xf32, #tpu.memory_space<vmem>>, vector<16xf32>,
    %swap3A_138 = vector.shape_cast %swap3A_137 : vector<16xf32> to vector<16xf32>
    %swap3A_139 = vector.shape_cast %broadcast_in_dim3A_135 : vector<16xf32> to vector<16xf32>
    tpu.vector_store %arg32[%swap3A_136], %swap3A_139 {strides = array<i32>} : memref<640xf32, #tpu.memory_space<vmem>>, vector<16xf32>,
    %broadcast_in_dim3A_140 = arith.constant 0.000000e+00 : f32
    %broadcast_in_dim3A_141 = vector.broadcast %broadcast_in_dim3A_140 : f32 to vector<16xf32>
    %swap3A_142 = arith.constant 368 : index
    %swap3A_143 = tpu.vector_load %arg32[%swap3A_142] {strides = array<i32>} : memref<640xf32, #tpu.memory_space<vmem>>, vector<16xf32>,
    %swap3A_144 = vector.shape_cast %swap3A_143 : vector<16xf32> to vector<16xf32>
    %swap3A_145 = vector.shape_cast %broadcast_in_dim3A_141 : vector<16xf32> to vector<16xf32>
    tpu.vector_store %arg32[%swap3A_142], %swap3A_145 {strides = array<i32>} : memref<640xf32, #tpu.memory_space<vmem>>, vector<16xf32>,
    %broadcast_in_dim3A_146 = arith.constant 0.000000e+00 : f32
    %broadcast_in_dim3A_147 = vector.broadcast %broadcast_in_dim3A_146 : f32 to vector<16xf32>
    %swap3A_148 = arith.constant 384 : index
    %swap3A_149 = tpu.vector_load %arg32[%swap3A_148] {strides = array<i32>} : memref<640xf32, #tpu.memory_space<vmem>>, vector<16xf32>,
    %swap3A_150 = vector.shape_cast %swap3A_149 : vector<16xf32> to vector<16xf32>
    %swap3A_151 = vector.shape_cast %broadcast_in_dim3A_147 : vector<16xf32> to vector<16xf32>
    tpu.vector_store %arg32[%swap3A_148], %swap3A_151 {strides = array<i32>} : memref<640xf32, #tpu.memory_space<vmem>>, vector<16xf32>,
    %broadcast_in_dim3A_152 = arith.constant 0.000000e+00 : f32
    %broadcast_in_dim3A_153 = vector.broadcast %broadcast_in_dim3A_152 : f32 to vector<16xf32>
    %swap3A_154 = arith.constant 400 : index
    %swap3A_155 = tpu.vector_load %arg32[%swap3A_154] {strides = array<i32>} : memref<640xf32, #tpu.memory_space<vmem>>, vector<16xf32>,
    %swap3A_156 = vector.shape_cast %swap3A_155 : vector<16xf32> to vector<16xf32>
    %swap3A_157 = vector.shape_cast %broadcast_in_dim3A_153 : vector<16xf32> to vector<16xf32>
    tpu.vector_store %arg32[%swap3A_154], %swap3A_157 {strides = array<i32>} : memref<640xf32, #tpu.memory_space<vmem>>, vector<16xf32>,
    %broadcast_in_dim3A_158 = arith.constant 0.000000e+00 : f32
    %broadcast_in_dim3A_159 = vector.broadcast %broadcast_in_dim3A_158 : f32 to vector<16xf32>
    %swap3A_160 = arith.constant 416 : index
    %swap3A_161 = tpu.vector_load %arg32[%swap3A_160] {strides = array<i32>} : memref<640xf32, #tpu.memory_space<vmem>>, vector<16xf32>,
    %swap3A_162 = vector.shape_cast %swap3A_161 : vector<16xf32> to vector<16xf32>
    %swap3A_163 = vector.shape_cast %broadcast_in_dim3A_159 : vector<16xf32> to vector<16xf32>
    tpu.vector_store %arg32[%swap3A_160], %swap3A_163 {strides = array<i32>} : memref<640xf32, #tpu.memory_space<vmem>>, vector<16xf32>,
    %broadcast_in_dim3A_164 = arith.constant 0.000000e+00 : f32
    %broadcast_in_dim3A_165 = vector.broadcast %broadcast_in_dim3A_164 : f32 to vector<16xf32>
    %swap3A_166 = arith.constant 432 : index
    %swap3A_167 = tpu.vector_load %arg32[%swap3A_166] {strides = array<i32>} : memref<640xf32, #tpu.memory_space<vmem>>, vector<16xf32>,
    %swap3A_168 = vector.shape_cast %swap3A_167 : vector<16xf32> to vector<16xf32>
    %swap3A_169 = vector.shape_cast %broadcast_in_dim3A_165 : vector<16xf32> to vector<16xf32>
    tpu.vector_store %arg32[%swap3A_166], %swap3A_169 {strides = array<i32>} : memref<640xf32, #tpu.memory_space<vmem>>, vector<16xf32>,
    %broadcast_in_dim3A_170 = arith.constant 0.000000e+00 : f32
    %broadcast_in_dim3A_171 = vector.broadcast %broadcast_in_dim3A_170 : f32 to vector<16xf32>
    %swap3A_172 = arith.constant 448 : index
    %swap3A_173 = tpu.vector_load %arg32[%swap3A_172] {strides = array<i32>} : memref<640xf32, #tpu.memory_space<vmem>>, vector<16xf32>,
    %swap3A_174 = vector.shape_cast %swap3A_173 : vector<16xf32> to vector<16xf32>
    %swap3A_175 = vector.shape_cast %broadcast_in_dim3A_171 : vector<16xf32> to vector<16xf32>
    tpu.vector_store %arg32[%swap3A_172], %swap3A_175 {strides = array<i32>} : memref<640xf32, #tpu.memory_space<vmem>>, vector<16xf32>,
    %broadcast_in_dim3A_176 = arith.constant 0.000000e+00 : f32
    %broadcast_in_dim3A_177 = vector.broadcast %broadcast_in_dim3A_176 : f32 to vector<16xf32>
    %swap3A_178 = arith.constant 464 : index
    %swap3A_179 = tpu.vector_load %arg32[%swap3A_178] {strides = array<i32>} : memref<640xf32, #tpu.memory_space<vmem>>, vector<16xf32>,
    %swap3A_180 = vector.shape_cast %swap3A_179 : vector<16xf32> to vector<16xf32>
    %swap3A_181 = vector.shape_cast %broadcast_in_dim3A_177 : vector<16xf32> to vector<16xf32>
    tpu.vector_store %arg32[%swap3A_178], %swap3A_181 {strides = array<i32>} : memref<640xf32, #tpu.memory_space<vmem>>, vector<16xf32>,
    %broadcast_in_dim3A_182 = arith.constant 0.000000e+00 : f32
    %broadcast_in_dim3A_183 = vector.broadcast %broadcast_in_dim3A_182 : f32 to vector<16xf32>
    %swap3A_184 = arith.constant 480 : index
    %swap3A_185 = tpu.vector_load %arg32[%swap3A_184] {strides = array<i32>} : memref<640xf32, #tpu.memory_space<vmem>>, vector<16xf32>,
    %swap3A_186 = vector.shape_cast %swap3A_185 : vector<16xf32> to vector<16xf32>
    %swap3A_187 = vector.shape_cast %broadcast_in_dim3A_183 : vector<16xf32> to vector<16xf32>
    tpu.vector_store %arg32[%swap3A_184], %swap3A_187 {strides = array<i32>} : memref<640xf32, #tpu.memory_space<vmem>>, vector<16xf32>,
    %broadcast_in_dim3A_188 = arith.constant 0.000000e+00 : f32
    %broadcast_in_dim3A_189 = vector.broadcast %broadcast_in_dim3A_188 : f32 to vector<16xf32>
    %swap3A_190 = arith.constant 496 : index
    %swap3A_191 = tpu.vector_load %arg32[%swap3A_190] {strides = array<i32>} : memref<640xf32, #tpu.memory_space<vmem>>, vector<16xf32>,
    %swap3A_192 = vector.shape_cast %swap3A_191 : vector<16xf32> to vector<16xf32>
    %swap3A_193 = vector.shape_cast %broadcast_in_dim3A_189 : vector<16xf32> to vector<16xf32>
    tpu.vector_store %arg32[%swap3A_190], %swap3A_193 {strides = array<i32>} : memref<640xf32, #tpu.memory_space<vmem>>, vector<16xf32>,
    %broadcast_in_dim3A_194 = arith.constant 0.000000e+00 : f32
    %broadcast_in_dim3A_195 = vector.broadcast %broadcast_in_dim3A_194 : f32 to vector<16xf32>
    %swap3A_196 = arith.constant 512 : index
    %swap3A_197 = tpu.vector_load %arg32[%swap3A_196] {strides = array<i32>} : memref<640xf32, #tpu.memory_space<vmem>>, vector<16xf32>,
    %swap3A_198 = vector.shape_cast %swap3A_197 : vector<16xf32> to vector<16xf32>
    %swap3A_199 = vector.shape_cast %broadcast_in_dim3A_195 : vector<16xf32> to vector<16xf32>
    tpu.vector_store %arg32[%swap3A_196], %swap3A_199 {strides = array<i32>} : memref<640xf32, #tpu.memory_space<vmem>>, vector<16xf32>,
    %broadcast_in_dim3A_200 = arith.constant 0.000000e+00 : f32
    %broadcast_in_dim3A_201 = vector.broadcast %broadcast_in_dim3A_200 : f32 to vector<16xf32>
    %swap3A_202 = arith.constant 528 : index
    %swap3A_203 = tpu.vector_load %arg32[%swap3A_202] {strides = array<i32>} : memref<640xf32, #tpu.memory_space<vmem>>, vector<16xf32>,
    %swap3A_204 = vector.shape_cast %swap3A_203 : vector<16xf32> to vector<16xf32>
    %swap3A_205 = vector.shape_cast %broadcast_in_dim3A_201 : vector<16xf32> to vector<16xf32>
    tpu.vector_store %arg32[%swap3A_202], %swap3A_205 {strides = array<i32>} : memref<640xf32, #tpu.memory_space<vmem>>, vector<16xf32>,
    %broadcast_in_dim3A_206 = arith.constant 0.000000e+00 : f32
    %broadcast_in_dim3A_207 = vector.broadcast %broadcast_in_dim3A_206 : f32 to vector<16xf32>
    %swap3A_208 = arith.constant 544 : index
    %swap3A_209 = tpu.vector_load %arg32[%swap3A_208] {strides = array<i32>} : memref<640xf32, #tpu.memory_space<vmem>>, vector<16xf32>,
    %swap3A_210 = vector.shape_cast %swap3A_209 : vector<16xf32> to vector<16xf32>
    %swap3A_211 = vector.shape_cast %broadcast_in_dim3A_207 : vector<16xf32> to vector<16xf32>
    tpu.vector_store %arg32[%swap3A_208], %swap3A_211 {strides = array<i32>} : memref<640xf32, #tpu.memory_space<vmem>>, vector<16xf32>,
    %broadcast_in_dim3A_212 = arith.constant 0.000000e+00 : f32
    %broadcast_in_dim3A_213 = vector.broadcast %broadcast_in_dim3A_212 : f32 to vector<16xf32>
    %swap3A_214 = arith.constant 560 : index
    %swap3A_215 = tpu.vector_load %arg32[%swap3A_214] {strides = array<i32>} : memref<640xf32, #tpu.memory_space<vmem>>, vector<16xf32>,
    %swap3A_216 = vector.shape_cast %swap3A_215 : vector<16xf32> to vector<16xf32>
    %swap3A_217 = vector.shape_cast %broadcast_in_dim3A_213 : vector<16xf32> to vector<16xf32>
    tpu.vector_store %arg32[%swap3A_214], %swap3A_217 {strides = array<i32>} : memref<640xf32, #tpu.memory_space<vmem>>, vector<16xf32>,
    %broadcast_in_dim3A_218 = arith.constant 0.000000e+00 : f32
    %broadcast_in_dim3A_219 = vector.broadcast %broadcast_in_dim3A_218 : f32 to vector<16xf32>
    %swap3A_220 = arith.constant 576 : index
    %swap3A_221 = tpu.vector_load %arg32[%swap3A_220] {strides = array<i32>} : memref<640xf32, #tpu.memory_space<vmem>>, vector<16xf32>,
    %swap3A_222 = vector.shape_cast %swap3A_221 : vector<16xf32> to vector<16xf32>
    %swap3A_223 = vector.shape_cast %broadcast_in_dim3A_219 : vector<16xf32> to vector<16xf32>
    tpu.vector_store %arg32[%swap3A_220], %swap3A_223 {strides = array<i32>} : memref<640xf32, #tpu.memory_space<vmem>>, vector<16xf32>,
    %broadcast_in_dim3A_224 = arith.constant 0.000000e+00 : f32
    %broadcast_in_dim3A_225 = vector.broadcast %broadcast_in_dim3A_224 : f32 to vector<16xf32>
    %swap3A_226 = arith.constant 592 : index
    %swap3A_227 = tpu.vector_load %arg32[%swap3A_226] {strides = array<i32>} : memref<640xf32, #tpu.memory_space<vmem>>, vector<16xf32>,
    %swap3A_228 = vector.shape_cast %swap3A_227 : vector<16xf32> to vector<16xf32>
    %swap3A_229 = vector.shape_cast %broadcast_in_dim3A_225 : vector<16xf32> to vector<16xf32>
    tpu.vector_store %arg32[%swap3A_226], %swap3A_229 {strides = array<i32>} : memref<640xf32, #tpu.memory_space<vmem>>, vector<16xf32>,
    %broadcast_in_dim3A_230 = arith.constant 0.000000e+00 : f32
    %broadcast_in_dim3A_231 = vector.broadcast %broadcast_in_dim3A_230 : f32 to vector<16xf32>
    %swap3A_232 = arith.constant 608 : index
    %swap3A_233 = tpu.vector_load %arg32[%swap3A_232] {strides = array<i32>} : memref<640xf32, #tpu.memory_space<vmem>>, vector<16xf32>,
    %swap3A_234 = vector.shape_cast %swap3A_233 : vector<16xf32> to vector<16xf32>
    %swap3A_235 = vector.shape_cast %broadcast_in_dim3A_231 : vector<16xf32> to vector<16xf32>
    tpu.vector_store %arg32[%swap3A_232], %swap3A_235 {strides = array<i32>} : memref<640xf32, #tpu.memory_space<vmem>>, vector<16xf32>,
    %broadcast_in_dim3A_236 = arith.constant 0.000000e+00 : f32
    %broadcast_in_dim3A_237 = vector.broadcast %broadcast_in_dim3A_236 : f32 to vector<16xf32>
    %swap3A_238 = arith.constant 624 : index
    %swap3A_239 = tpu.vector_load %arg32[%swap3A_238] {strides = array<i32>} : memref<640xf32, #tpu.memory_space<vmem>>, vector<16xf32>,
    %swap3A_240 = vector.shape_cast %swap3A_239 : vector<16xf32> to vector<16xf32>
    %swap3A_241 = vector.shape_cast %broadcast_in_dim3A_237 : vector<16xf32> to vector<16xf32>
    tpu.vector_store %arg32[%swap3A_238], %swap3A_241 {strides = array<i32>} : memref<640xf32, #tpu.memory_space<vmem>>, vector<16xf32>,
    %broadcast_in_dim3A_242 = arith.constant 1.000000e+00 : f32
    %broadcast_in_dim3A_243 = vector.broadcast %broadcast_in_dim3A_242 : f32 to vector<16xf32>
    %swap3A_244 = arith.constant 0 : index
    %swap3A_245 = tpu.vector_load %arg33[%swap3A_244] {strides = array<i32>} : memref<80xf32, #tpu.memory_space<vmem>>, vector<16xf32>,
    %swap3A_246 = vector.shape_cast %swap3A_245 : vector<16xf32> to vector<16xf32>
    %swap3A_247 = vector.shape_cast %broadcast_in_dim3A_243 : vector<16xf32> to vector<16xf32>
    tpu.vector_store %arg33[%swap3A_244], %swap3A_247 {strides = array<i32>} : memref<80xf32, #tpu.memory_space<vmem>>, vector<16xf32>,
    %broadcast_in_dim3A_248 = arith.constant 1.000000e+00 : f32
    %broadcast_in_dim3A_249 = vector.broadcast %broadcast_in_dim3A_248 : f32 to vector<16xf32>
    %swap3A_250 = arith.constant 16 : index
    %swap3A_251 = tpu.vector_load %arg33[%swap3A_250] {strides = array<i32>} : memref<80xf32, #tpu.memory_space<vmem>>, vector<16xf32>,
    %swap3A_252 = vector.shape_cast %swap3A_251 : vector<16xf32> to vector<16xf32>
    %swap3A_253 = vector.shape_cast %broadcast_in_dim3A_249 : vector<16xf32> to vector<16xf32>
    tpu.vector_store %arg33[%swap3A_250], %swap3A_253 {strides = array<i32>} : memref<80xf32, #tpu.memory_space<vmem>>, vector<16xf32>,
    %broadcast_in_dim3A_254 = arith.constant 1.000000e+00 : f32
    %broadcast_in_dim3A_255 = vector.broadcast %broadcast_in_dim3A_254 : f32 to vector<16xf32>
    %swap3A_256 = arith.constant 32 : index
    %swap3A_257 = tpu.vector_load %arg33[%swap3A_256] {strides = array<i32>} : memref<80xf32, #tpu.memory_space<vmem>>, vector<16xf32>,
    %swap3A_258 = vector.shape_cast %swap3A_257 : vector<16xf32> to vector<16xf32>
    %swap3A_259 = vector.shape_cast %broadcast_in_dim3A_255 : vector<16xf32> to vector<16xf32>
    tpu.vector_store %arg33[%swap3A_256], %swap3A_259 {strides = array<i32>} : memref<80xf32, #tpu.memory_space<vmem>>, vector<16xf32>,
    %broadcast_in_dim3A_260 = arith.constant 1.000000e+00 : f32
    %broadcast_in_dim3A_261 = vector.broadcast %broadcast_in_dim3A_260 : f32 to vector<16xf32>
    %swap3A_262 = arith.constant 48 : index
    %swap3A_263 = tpu.vector_load %arg33[%swap3A_262] {strides = array<i32>} : memref<80xf32, #tpu.memory_space<vmem>>, vector<16xf32>,
    %swap3A_264 = vector.shape_cast %swap3A_263 : vector<16xf32> to vector<16xf32>
    %swap3A_265 = vector.shape_cast %broadcast_in_dim3A_261 : vector<16xf32> to vector<16xf32>
    tpu.vector_store %arg33[%swap3A_262], %swap3A_265 {strides = array<i32>} : memref<80xf32, #tpu.memory_space<vmem>>, vector<16xf32>,
    %broadcast_in_dim3A_266 = arith.constant 1.000000e+00 : f32
    %broadcast_in_dim3A_267 = vector.broadcast %broadcast_in_dim3A_266 : f32 to vector<16xf32>
    %swap3A_268 = arith.constant 64 : index
    %swap3A_269 = tpu.vector_load %arg33[%swap3A_268] {strides = array<i32>} : memref<80xf32, #tpu.memory_space<vmem>>, vector<16xf32>,
    %swap3A_270 = vector.shape_cast %swap3A_269 : vector<16xf32> to vector<16xf32>
    %swap3A_271 = vector.shape_cast %broadcast_in_dim3A_267 : vector<16xf32> to vector<16xf32>
    tpu.vector_store %arg33[%swap3A_268], %swap3A_271 {strides = array<i32>} : memref<80xf32, #tpu.memory_space<vmem>>, vector<16xf32>,
    %mul3A_272 = arith.constant 640 : i32
    %mul3A_273 = arith.muli %arg1, %mul3A_272 : i32
    "tpu.region"() ({
      %run_scoped3A_904 = tpu.sem_alloc : memref<!tpu.dma_semaphore, #tpu.memory_space<semaphore_mem>>
      %dma_start3A_905 = tpu.memref_slice %arg31[%mul3A_273] : memref<10240xf32, #tpu.memory_space<vmem_shared>> -> memref<640xf32, #tpu.memory_space<vmem_shared>>
      %dma_start3A_906 = tpu.memref_slice %arg31[%mul3A_273] : memref<10240xf32, #tpu.memory_space<vmem_shared>> -> memref<640xf32, #tpu.memory_space<vmem_shared>>
      tpu.enqueue_dma source(%arg32 : memref<640xf32, #tpu.memory_space<vmem>>) target(%dma_start3A_906 : memref<640xf32, #tpu.memory_space<vmem_shared>>) target_semaphore(%run_scoped3A_904 : memref<!tpu.dma_semaphore, #tpu.memory_space<semaphore_mem>>)
      %dma_wait3A_907 = tpu.memref_slice %arg31[%mul3A_273] : memref<10240xf32, #tpu.memory_space<vmem_shared>> -> memref<640xf32, #tpu.memory_space<vmem_shared>>
      %dma_wait3A_908 = tpu.memref_slice %arg31[%mul3A_273] : memref<10240xf32, #tpu.memory_space<vmem_shared>> -> memref<640xf32, #tpu.memory_space<vmem_shared>>
      tpu.wait_dma2 semaphore(%run_scoped3A_904 : memref<!tpu.dma_semaphore, #tpu.memory_space<semaphore_mem>>) src(%arg32 : memref<640xf32, #tpu.memory_space<vmem>>) dst(%dma_wait3A_908 : memref<640xf32, #tpu.memory_space<vmem_shared>>)
      tpu.yield
    }) : () -> ()
    %barrier3A = arith.constant 0 : index
    tpu.barrier barrier_id(%barrier3A)
    %dma_start3A = arith.constant 0 : i32
    %dma_start3A_274 = arith.constant 0 : i32
    %dma_start3A_275 = arith.constant 0 : i32
    %dma_start3A_276 = arith.constant 0 : i32
    %dma_start3A_277 = tpu.memref_slice %arg9[%dma_start3A_274, %dma_start3A_275, %dma_start3A_276] : memref<5x80x64xbf16, #tpu.memory_space<vmem>> -> memref<1x80x64xbf16, #tpu.memory_space<vmem>>
    %dma_start3A_278 = tpu.memref_squeeze %dma_start3A_277 : memref<1x80x64xbf16, #tpu.memory_space<vmem>> -> memref<80x64xbf16, #tpu.memory_space<vmem>>
    %dma_start3A_279 = arith.constant 0 : i32
    %dma_start3A_280 = tpu.memref_slice %arg7[%dma_start3A, %dma_start3A_279] : memref<250x80xi32, #tpu.memory_space<vmem>> -> memref<1x80xi32, #tpu.memory_space<vmem>>
    %dma_start3A_281 = tpu.memref_squeeze %dma_start3A_280 : memref<1x80xi32, #tpu.memory_space<vmem>> -> memref<80xi32, #tpu.memory_space<vmem>>
    %dma_start3A_282 = arith.constant 0 : i32
    %dma_start3A_283 = arith.constant 0 : i32
    %dma_start3A_284 = tpu.memref_slice %arg2[%arg0, %dma_start3A_282, %dma_start3A_283] : memref<2x10240x64xbf16, #tpu.memory_space<hbm>> -> memref<1x10240x64xbf16, #tpu.memory_space<hbm>>
    %dma_start3A_285 = tpu.memref_squeeze %dma_start3A_284 : memref<1x10240x64xbf16, #tpu.memory_space<hbm>> -> memref<10240x64xbf16, #tpu.memory_space<hbm>>
    %dma_start3A_286 = arith.constant 0 : i32
    %dma_start3A_287 = arith.constant 0 : i32
    %dma_start3A_288 = tpu.memref_slice %dma_start3A_285[%dma_start3A_286, %dma_start3A_287] : memref<10240x64xbf16, #tpu.memory_space<hbm>> -> memref<10240x64xbf16, #tpu.memory_space<hbm>>
    tpu.enqueue_indirect_dma source(%dma_start3A_288 : memref<10240x64xbf16, #tpu.memory_space<hbm>>) target(%dma_start3A_278 : memref<80x64xbf16, #tpu.memory_space<vmem>>) offsets(%dma_start3A_281 : memref<80xi32, #tpu.memory_space<vmem>>) semaphore(%arg11 : memref<!tpu.dma_semaphore, #tpu.memory_space<semaphore_mem>>)
    %dma_start3A_289 = arith.constant 0 : i32
    %dma_start3A_290 = arith.constant 0 : i32
    %dma_start3A_291 = arith.constant 0 : i32
    %dma_start3A_292 = arith.constant 0 : i32
    %dma_start3A_293 = tpu.memref_slice %arg10[%dma_start3A_290, %dma_start3A_291, %dma_start3A_292] : memref<5x80x64xbf16, #tpu.memory_space<vmem>> -> memref<1x80x64xbf16, #tpu.memory_space<vmem>>
    %dma_start3A_294 = tpu.memref_squeeze %dma_start3A_293 : memref<1x80x64xbf16, #tpu.memory_space<vmem>> -> memref<80x64xbf16, #tpu.memory_space<vmem>>
    %dma_start3A_295 = arith.constant 0 : i32
    %dma_start3A_296 = tpu.memref_slice %arg8[%dma_start3A_289, %dma_start3A_295] : memref<250x80xi32, #tpu.memory_space<vmem>> -> memref<1x80xi32, #tpu.memory_space<vmem>>
    %dma_start3A_297 = tpu.memref_squeeze %dma_start3A_296 : memref<1x80xi32, #tpu.memory_space<vmem>> -> memref<80xi32, #tpu.memory_space<vmem>>
    %dma_start3A_298 = arith.constant 0 : i32
    %dma_start3A_299 = arith.constant 0 : i32
    %dma_start3A_300 = tpu.memref_slice %arg2[%arg0, %dma_start3A_298, %dma_start3A_299] : memref<2x10240x64xbf16, #tpu.memory_space<hbm>> -> memref<1x10240x64xbf16, #tpu.memory_space<hbm>>
    %dma_start3A_301 = tpu.memref_squeeze %dma_start3A_300 : memref<1x10240x64xbf16, #tpu.memory_space<hbm>> -> memref<10240x64xbf16, #tpu.memory_space<hbm>>
    %dma_start3A_302 = arith.constant 0 : i32
    %dma_start3A_303 = arith.constant 0 : i32
    %dma_start3A_304 = tpu.memref_slice %dma_start3A_301[%dma_start3A_302, %dma_start3A_303] : memref<10240x64xbf16, #tpu.memory_space<hbm>> -> memref<10240x64xbf16, #tpu.memory_space<hbm>>
    tpu.enqueue_indirect_dma source(%dma_start3A_304 : memref<10240x64xbf16, #tpu.memory_space<hbm>>) target(%dma_start3A_294 : memref<80x64xbf16, #tpu.memory_space<vmem>>) offsets(%dma_start3A_297 : memref<80xi32, #tpu.memory_space<vmem>>) semaphore(%arg16 : memref<!tpu.dma_semaphore, #tpu.memory_space<semaphore_mem>>)
    %dma_start3A_305 = arith.constant 0 : i32
    %dma_start3A_306 = arith.constant 0 : i32
    %dma_start3A_307 = tpu.memref_slice %arg8[%dma_start3A_305, %dma_start3A_306] : memref<250x80xi32, #tpu.memory_space<vmem>> -> memref<1x80xi32, #tpu.memory_space<vmem>>
    %dma_start3A_308 = tpu.memref_squeeze %dma_start3A_307 : memref<1x80xi32, #tpu.memory_space<vmem>> -> memref<80xi32, #tpu.memory_space<vmem>>
    %dma_start3A_309 = arith.constant 0 : i32
    %dma_start3A_310 = tpu.memref_slice %arg31[%dma_start3A_309] : memref<10240xf32, #tpu.memory_space<vmem_shared>> -> memref<10240xf32, #tpu.memory_space<vmem_shared>>
    tpu.enqueue_indirect_dma source(%arg33 : memref<80xf32, #tpu.memory_space<vmem>>) target(%dma_start3A_310 : memref<10240xf32, #tpu.memory_space<vmem_shared>>) offsets(%dma_start3A_308 : memref<80xi32, #tpu.memory_space<vmem>>) semaphore(%arg34 : memref<!tpu.dma_semaphore, #tpu.memory_space<semaphore_mem>>) {add = true}
    %dma_start3A_311 = arith.constant 1 : i32
    %dma_start3A_312 = arith.constant 1 : i32
    %dma_start3A_313 = arith.constant 0 : i32
    %dma_start3A_314 = arith.constant 0 : i32
    %dma_start3A_315 = tpu.memref_slice %arg9[%dma_start3A_312, %dma_start3A_313, %dma_start3A_314] : memref<5x80x64xbf16, #tpu.memory_space<vmem>> -> memref<1x80x64xbf16, #tpu.memory_space<vmem>>
    %dma_start3A_316 = tpu.memref_squeeze %dma_start3A_315 : memref<1x80x64xbf16, #tpu.memory_space<vmem>> -> memref<80x64xbf16, #tpu.memory_space<vmem>>
    %dma_start3A_317 = arith.constant 0 : i32
    %dma_start3A_318 = tpu.memref_slice %arg7[%dma_start3A_311, %dma_start3A_317] : memref<250x80xi32, #tpu.memory_space<vmem>> -> memref<1x80xi32, #tpu.memory_space<vmem>>
    %dma_start3A_319 = tpu.memref_squeeze %dma_start3A_318 : memref<1x80xi32, #tpu.memory_space<vmem>> -> memref<80xi32, #tpu.memory_space<vmem>>
    %dma_start3A_320 = arith.constant 0 : i32
    %dma_start3A_321 = arith.constant 0 : i32
    %dma_start3A_322 = tpu.memref_slice %arg2[%arg0, %dma_start3A_320, %dma_start3A_321] : memref<2x10240x64xbf16, #tpu.memory_space<hbm>> -> memref<1x10240x64xbf16, #tpu.memory_space<hbm>>
    %dma_start3A_323 = tpu.memref_squeeze %dma_start3A_322 : memref<1x10240x64xbf16, #tpu.memory_space<hbm>> -> memref<10240x64xbf16, #tpu.memory_space<hbm>>
    %dma_start3A_324 = arith.constant 0 : i32
    %dma_start3A_325 = arith.constant 0 : i32
    %dma_start3A_326 = tpu.memref_slice %dma_start3A_323[%dma_start3A_324, %dma_start3A_325] : memref<10240x64xbf16, #tpu.memory_space<hbm>> -> memref<10240x64xbf16, #tpu.memory_space<hbm>>
    tpu.enqueue_indirect_dma source(%dma_start3A_326 : memref<10240x64xbf16, #tpu.memory_space<hbm>>) target(%dma_start3A_316 : memref<80x64xbf16, #tpu.memory_space<vmem>>) offsets(%dma_start3A_319 : memref<80xi32, #tpu.memory_space<vmem>>) semaphore(%arg12 : memref<!tpu.dma_semaphore, #tpu.memory_space<semaphore_mem>>)
    %dma_start3A_327 = arith.constant 1 : i32
    %dma_start3A_328 = arith.constant 1 : i32
    %dma_start3A_329 = arith.constant 0 : i32
    %dma_start3A_330 = arith.constant 0 : i32
    %dma_start3A_331 = tpu.memref_slice %arg10[%dma_start3A_328, %dma_start3A_329, %dma_start3A_330] : memref<5x80x64xbf16, #tpu.memory_space<vmem>> -> memref<1x80x64xbf16, #tpu.memory_space<vmem>>
    %dma_start3A_332 = tpu.memref_squeeze %dma_start3A_331 : memref<1x80x64xbf16, #tpu.memory_space<vmem>> -> memref<80x64xbf16, #tpu.memory_space<vmem>>
    %dma_start3A_333 = arith.constant 0 : i32
    %dma_start3A_334 = tpu.memref_slice %arg8[%dma_start3A_327, %dma_start3A_333] : memref<250x80xi32, #tpu.memory_space<vmem>> -> memref<1x80xi32, #tpu.memory_space<vmem>>
    %dma_start3A_335 = tpu.memref_squeeze %dma_start3A_334 : memref<1x80xi32, #tpu.memory_space<vmem>> -> memref<80xi32, #tpu.memory_space<vmem>>
    %dma_start3A_336 = arith.constant 0 : i32
    %dma_start3A_337 = arith.constant 0 : i32
    %dma_start3A_338 = tpu.memref_slice %arg2[%arg0, %dma_start3A_336, %dma_start3A_337] : memref<2x10240x64xbf16, #tpu.memory_space<hbm>> -> memref<1x10240x64xbf16, #tpu.memory_space<hbm>>
    %dma_start3A_339 = tpu.memref_squeeze %dma_start3A_338 : memref<1x10240x64xbf16, #tpu.memory_space<hbm>> -> memref<10240x64xbf16, #tpu.memory_space<hbm>>
    %dma_start3A_340 = arith.constant 0 : i32
    %dma_start3A_341 = arith.constant 0 : i32
    %dma_start3A_342 = tpu.memref_slice %dma_start3A_339[%dma_start3A_340, %dma_start3A_341] : memref<10240x64xbf16, #tpu.memory_space<hbm>> -> memref<10240x64xbf16, #tpu.memory_space<hbm>>
    tpu.enqueue_indirect_dma source(%dma_start3A_342 : memref<10240x64xbf16, #tpu.memory_space<hbm>>) target(%dma_start3A_332 : memref<80x64xbf16, #tpu.memory_space<vmem>>) offsets(%dma_start3A_335 : memref<80xi32, #tpu.memory_space<vmem>>) semaphore(%arg17 : memref<!tpu.dma_semaphore, #tpu.memory_space<semaphore_mem>>)
    %dma_start3A_343 = arith.constant 1 : i32
    %dma_start3A_344 = arith.constant 0 : i32
    %dma_start3A_345 = tpu.memref_slice %arg8[%dma_start3A_343, %dma_start3A_344] : memref<250x80xi32, #tpu.memory_space<vmem>> -> memref<1x80xi32, #tpu.memory_space<vmem>>
    %dma_start3A_346 = tpu.memref_squeeze %dma_start3A_345 : memref<1x80xi32, #tpu.memory_space<vmem>> -> memref<80xi32, #tpu.memory_space<vmem>>
    %dma_start3A_347 = arith.constant 0 : i32
    %dma_start3A_348 = tpu.memref_slice %arg31[%dma_start3A_347] : memref<10240xf32, #tpu.memory_space<vmem_shared>> -> memref<10240xf32, #tpu.memory_space<vmem_shared>>
    tpu.enqueue_indirect_dma source(%arg33 : memref<80xf32, #tpu.memory_space<vmem>>) target(%dma_start3A_348 : memref<10240xf32, #tpu.memory_space<vmem_shared>>) offsets(%dma_start3A_346 : memref<80xi32, #tpu.memory_space<vmem>>) semaphore(%arg34 : memref<!tpu.dma_semaphore, #tpu.memory_space<semaphore_mem>>) {add = true}
    %dma_wait3A = arith.constant 0 : i32
    %dma_wait3A_349 = arith.constant 0 : i32
    %dma_wait3A_350 = arith.constant 0 : i32
    %dma_wait3A_351 = arith.constant 0 : i32
    %dma_wait3A_352 = tpu.memref_slice %arg9[%dma_wait3A_349, %dma_wait3A_350, %dma_wait3A_351] : memref<5x80x64xbf16, #tpu.memory_space<vmem>> -> memref<1x80x64xbf16, #tpu.memory_space<vmem>>
    %dma_wait3A_353 = tpu.memref_squeeze %dma_wait3A_352 : memref<1x80x64xbf16, #tpu.memory_space<vmem>> -> memref<80x64xbf16, #tpu.memory_space<vmem>>
    %dma_wait3A_354 = arith.constant 0 : i32
    %dma_wait3A_355 = tpu.memref_slice %arg7[%dma_wait3A, %dma_wait3A_354] : memref<250x80xi32, #tpu.memory_space<vmem>> -> memref<1x80xi32, #tpu.memory_space<vmem>>
    %dma_wait3A_356 = tpu.memref_squeeze %dma_wait3A_355 : memref<1x80xi32, #tpu.memory_space<vmem>> -> memref<80xi32, #tpu.memory_space<vmem>>
    %dma_wait3A_357 = arith.constant 0 : i32
    %dma_wait3A_358 = arith.constant 0 : i32
    %dma_wait3A_359 = tpu.memref_slice %arg2[%arg0, %dma_wait3A_357, %dma_wait3A_358] : memref<2x10240x64xbf16, #tpu.memory_space<hbm>> -> memref<1x10240x64xbf16, #tpu.memory_space<hbm>>
    %dma_wait3A_360 = tpu.memref_squeeze %dma_wait3A_359 : memref<1x10240x64xbf16, #tpu.memory_space<hbm>> -> memref<10240x64xbf16, #tpu.memory_space<hbm>>
    %dma_wait3A_361 = arith.constant 0 : i32
    %dma_wait3A_362 = arith.constant 0 : i32
    %dma_wait3A_363 = tpu.memref_slice %dma_wait3A_360[%dma_wait3A_361, %dma_wait3A_362] : memref<10240x64xbf16, #tpu.memory_space<hbm>> -> memref<10240x64xbf16, #tpu.memory_space<hbm>>
    tpu.wait_indirect_dma semaphore(%arg11 : memref<!tpu.dma_semaphore, #tpu.memory_space<semaphore_mem>>) src(%dma_wait3A_363 : memref<10240x64xbf16, #tpu.memory_space<hbm>>) dst(%dma_wait3A_353 : memref<80x64xbf16, #tpu.memory_space<vmem>>)
    %dma_start3A_364 = arith.constant 0 : i32
    %dma_start3A_365 = arith.constant 0 : i32
    %dma_start3A_366 = arith.constant 0 : i32
    %dma_start3A_367 = arith.constant 0 : i32
    %dma_start3A_368 = tpu.memref_slice %arg9[%dma_start3A_364, %dma_start3A_366, %dma_start3A_367] : memref<5x80x64xbf16, #tpu.memory_space<vmem>> -> memref<1x80x64xbf16, #tpu.memory_space<vmem>>
    %dma_start3A_369 = tpu.memref_squeeze %dma_start3A_368 : memref<1x80x64xbf16, #tpu.memory_space<vmem>> -> memref<80x64xbf16, #tpu.memory_space<vmem>>
    %dma_start3A_370 = arith.constant 0 : i32
    %dma_start3A_371 = tpu.memref_slice %arg8[%dma_start3A_365, %dma_start3A_370] : memref<250x80xi32, #tpu.memory_space<vmem>> -> memref<1x80xi32, #tpu.memory_space<vmem>>
    %dma_start3A_372 = tpu.memref_squeeze %dma_start3A_371 : memref<1x80xi32, #tpu.memory_space<vmem>> -> memref<80xi32, #tpu.memory_space<vmem>>
    %dma_start3A_373 = arith.constant 0 : i32
    %dma_start3A_374 = arith.constant 0 : i32
    %dma_start3A_375 = tpu.memref_slice %arg6[%dma_start3A_373, %dma_start3A_374] : memref<10240x64xbf16, #tpu.memory_space<vmem_shared>> -> memref<10240x64xbf16, #tpu.memory_space<vmem_shared>>
    tpu.enqueue_indirect_dma source(%dma_start3A_369 : memref<80x64xbf16, #tpu.memory_space<vmem>>) target(%dma_start3A_375 : memref<10240x64xbf16, #tpu.memory_space<vmem_shared>>) offsets(%dma_start3A_372 : memref<80xi32, #tpu.memory_space<vmem>>) semaphore(%arg21 : memref<!tpu.dma_semaphore, #tpu.memory_space<semaphore_mem>>) {add = true}
    %dma_wait3A_376 = arith.constant 0 : i32
    %dma_wait3A_377 = arith.constant 0 : i32
    %dma_wait3A_378 = arith.constant 0 : i32
    %dma_wait3A_379 = arith.constant 0 : i32
    %dma_wait3A_380 = tpu.memref_slice %arg10[%dma_wait3A_377, %dma_wait3A_378, %dma_wait3A_379] : memref<5x80x64xbf16, #tpu.memory_space<vmem>> -> memref<1x80x64xbf16, #tpu.memory_space<vmem>>
    %dma_wait3A_381 = tpu.memref_squeeze %dma_wait3A_380 : memref<1x80x64xbf16, #tpu.memory_space<vmem>> -> memref<80x64xbf16, #tpu.memory_space<vmem>>
    %dma_wait3A_382 = arith.constant 0 : i32
    %dma_wait3A_383 = tpu.memref_slice %arg8[%dma_wait3A_376, %dma_wait3A_382] : memref<250x80xi32, #tpu.memory_space<vmem>> -> memref<1x80xi32, #tpu.memory_space<vmem>>
    %dma_wait3A_384 = tpu.memref_squeeze %dma_wait3A_383 : memref<1x80xi32, #tpu.memory_space<vmem>> -> memref<80xi32, #tpu.memory_space<vmem>>
    %dma_wait3A_385 = arith.constant 0 : i32
    %dma_wait3A_386 = arith.constant 0 : i32
    %dma_wait3A_387 = tpu.memref_slice %arg2[%arg0, %dma_wait3A_385, %dma_wait3A_386] : memref<2x10240x64xbf16, #tpu.memory_space<hbm>> -> memref<1x10240x64xbf16, #tpu.memory_space<hbm>>
    %dma_wait3A_388 = tpu.memref_squeeze %dma_wait3A_387 : memref<1x10240x64xbf16, #tpu.memory_space<hbm>> -> memref<10240x64xbf16, #tpu.memory_space<hbm>>
    %dma_wait3A_389 = arith.constant 0 : i32
    %dma_wait3A_390 = arith.constant 0 : i32
    %dma_wait3A_391 = tpu.memref_slice %dma_wait3A_388[%dma_wait3A_389, %dma_wait3A_390] : memref<10240x64xbf16, #tpu.memory_space<hbm>> -> memref<10240x64xbf16, #tpu.memory_space<hbm>>
    tpu.wait_indirect_dma semaphore(%arg16 : memref<!tpu.dma_semaphore, #tpu.memory_space<semaphore_mem>>) src(%dma_wait3A_391 : memref<10240x64xbf16, #tpu.memory_space<hbm>>) dst(%dma_wait3A_381 : memref<80x64xbf16, #tpu.memory_space<vmem>>)
    %dma_start3A_392 = arith.constant 0 : i32
    %dma_start3A_393 = arith.constant 0 : i32
    %dma_start3A_394 = arith.constant 0 : i32
    %dma_start3A_395 = arith.constant 0 : i32
    %dma_start3A_396 = tpu.memref_slice %arg10[%dma_start3A_392, %dma_start3A_394, %dma_start3A_395] : memref<5x80x64xbf16, #tpu.memory_space<vmem>> -> memref<1x80x64xbf16, #tpu.memory_space<vmem>>
    %dma_start3A_397 = tpu.memref_squeeze %dma_start3A_396 : memref<1x80x64xbf16, #tpu.memory_space<vmem>> -> memref<80x64xbf16, #tpu.memory_space<vmem>>
    %dma_start3A_398 = arith.constant 0 : i32
    %dma_start3A_399 = tpu.memref_slice %arg7[%dma_start3A_393, %dma_start3A_398] : memref<250x80xi32, #tpu.memory_space<vmem>> -> memref<1x80xi32, #tpu.memory_space<vmem>>
    %dma_start3A_400 = tpu.memref_squeeze %dma_start3A_399 : memref<1x80xi32, #tpu.memory_space<vmem>> -> memref<80xi32, #tpu.memory_space<vmem>>
    %dma_start3A_401 = arith.constant 0 : i32
    %dma_start3A_402 = arith.constant 0 : i32
    %dma_start3A_403 = tpu.memref_slice %arg6[%dma_start3A_401, %dma_start3A_402] : memref<10240x64xbf16, #tpu.memory_space<vmem_shared>> -> memref<10240x64xbf16, #tpu.memory_space<vmem_shared>>
    tpu.enqueue_indirect_dma source(%dma_start3A_397 : memref<80x64xbf16, #tpu.memory_space<vmem>>) target(%dma_start3A_403 : memref<10240x64xbf16, #tpu.memory_space<vmem_shared>>) offsets(%dma_start3A_400 : memref<80xi32, #tpu.memory_space<vmem>>) semaphore(%arg26 : memref<!tpu.dma_semaphore, #tpu.memory_space<semaphore_mem>>) {add = true}
    %dma_start3A_404 = arith.constant 2 : i32
    %dma_start3A_405 = arith.constant 2 : i32
    %dma_start3A_406 = arith.constant 0 : i32
    %dma_start3A_407 = arith.constant 0 : i32
    %dma_start3A_408 = tpu.memref_slice %arg9[%dma_start3A_405, %dma_start3A_406, %dma_start3A_407] : memref<5x80x64xbf16, #tpu.memory_space<vmem>> -> memref<1x80x64xbf16, #tpu.memory_space<vmem>>
    %dma_start3A_409 = tpu.memref_squeeze %dma_start3A_408 : memref<1x80x64xbf16, #tpu.memory_space<vmem>> -> memref<80x64xbf16, #tpu.memory_space<vmem>>
    %dma_start3A_410 = arith.constant 0 : i32
    %dma_start3A_411 = tpu.memref_slice %arg7[%dma_start3A_404, %dma_start3A_410] : memref<250x80xi32, #tpu.memory_space<vmem>> -> memref<1x80xi32, #tpu.memory_space<vmem>>
    %dma_start3A_412 = tpu.memref_squeeze %dma_start3A_411 : memref<1x80xi32, #tpu.memory_space<vmem>> -> memref<80xi32, #tpu.memory_space<vmem>>
    %dma_start3A_413 = arith.constant 0 : i32
    %dma_start3A_414 = arith.constant 0 : i32
    %dma_start3A_415 = tpu.memref_slice %arg2[%arg0, %dma_start3A_413, %dma_start3A_414] : memref<2x10240x64xbf16, #tpu.memory_space<hbm>> -> memref<1x10240x64xbf16, #tpu.memory_space<hbm>>
    %dma_start3A_416 = tpu.memref_squeeze %dma_start3A_415 : memref<1x10240x64xbf16, #tpu.memory_space<hbm>> -> memref<10240x64xbf16, #tpu.memory_space<hbm>>
    %dma_start3A_417 = arith.constant 0 : i32
    %dma_start3A_418 = arith.constant 0 : i32
    %dma_start3A_419 = tpu.memref_slice %dma_start3A_416[%dma_start3A_417, %dma_start3A_418] : memref<10240x64xbf16, #tpu.memory_space<hbm>> -> memref<10240x64xbf16, #tpu.memory_space<hbm>>
    tpu.enqueue_indirect_dma source(%dma_start3A_419 : memref<10240x64xbf16, #tpu.memory_space<hbm>>) target(%dma_start3A_409 : memref<80x64xbf16, #tpu.memory_space<vmem>>) offsets(%dma_start3A_412 : memref<80xi32, #tpu.memory_space<vmem>>) semaphore(%arg13 : memref<!tpu.dma_semaphore, #tpu.memory_space<semaphore_mem>>)
    %dma_start3A_420 = arith.constant 2 : i32
    %dma_start3A_421 = arith.constant 2 : i32
    %dma_start3A_422 = arith.constant 0 : i32
    %dma_start3A_423 = arith.constant 0 : i32
    %dma_start3A_424 = tpu.memref_slice %arg10[%dma_start3A_421, %dma_start3A_422, %dma_start3A_423] : memref<5x80x64xbf16, #tpu.memory_space<vmem>> -> memref<1x80x64xbf16, #tpu.memory_space<vmem>>
    %dma_start3A_425 = tpu.memref_squeeze %dma_start3A_424 : memref<1x80x64xbf16, #tpu.memory_space<vmem>> -> memref<80x64xbf16, #tpu.memory_space<vmem>>
    %dma_start3A_426 = arith.constant 0 : i32
    %dma_start3A_427 = tpu.memref_slice %arg8[%dma_start3A_420, %dma_start3A_426] : memref<250x80xi32, #tpu.memory_space<vmem>> -> memref<1x80xi32, #tpu.memory_space<vmem>>
    %dma_start3A_428 = tpu.memref_squeeze %dma_start3A_427 : memref<1x80xi32, #tpu.memory_space<vmem>> -> memref<80xi32, #tpu.memory_space<vmem>>
    %dma_start3A_429 = arith.constant 0 : i32
    %dma_start3A_430 = arith.constant 0 : i32
    %dma_start3A_431 = tpu.memref_slice %arg2[%arg0, %dma_start3A_429, %dma_start3A_430] : memref<2x10240x64xbf16, #tpu.memory_space<hbm>> -> memref<1x10240x64xbf16, #tpu.memory_space<hbm>>
    %dma_start3A_432 = tpu.memref_squeeze %dma_start3A_431 : memref<1x10240x64xbf16, #tpu.memory_space<hbm>> -> memref<10240x64xbf16, #tpu.memory_space<hbm>>
    %dma_start3A_433 = arith.constant 0 : i32
    %dma_start3A_434 = arith.constant 0 : i32
    %dma_start3A_435 = tpu.memref_slice %dma_start3A_432[%dma_start3A_433, %dma_start3A_434] : memref<10240x64xbf16, #tpu.memory_space<hbm>> -> memref<10240x64xbf16, #tpu.memory_space<hbm>>
    tpu.enqueue_indirect_dma source(%dma_start3A_435 : memref<10240x64xbf16, #tpu.memory_space<hbm>>) target(%dma_start3A_425 : memref<80x64xbf16, #tpu.memory_space<vmem>>) offsets(%dma_start3A_428 : memref<80xi32, #tpu.memory_space<vmem>>) semaphore(%arg18 : memref<!tpu.dma_semaphore, #tpu.memory_space<semaphore_mem>>)
    %dma_start3A_436 = arith.constant 2 : i32
    %dma_start3A_437 = arith.constant 0 : i32
    %dma_start3A_438 = tpu.memref_slice %arg8[%dma_start3A_436, %dma_start3A_437] : memref<250x80xi32, #tpu.memory_space<vmem>> -> memref<1x80xi32, #tpu.memory_space<vmem>>
    %dma_start3A_439 = tpu.memref_squeeze %dma_start3A_438 : memref<1x80xi32, #tpu.memory_space<vmem>> -> memref<80xi32, #tpu.memory_space<vmem>>
    %dma_start3A_440 = arith.constant 0 : i32
    %dma_start3A_441 = tpu.memref_slice %arg31[%dma_start3A_440] : memref<10240xf32, #tpu.memory_space<vmem_shared>> -> memref<10240xf32, #tpu.memory_space<vmem_shared>>
    tpu.enqueue_indirect_dma source(%arg33 : memref<80xf32, #tpu.memory_space<vmem>>) target(%dma_start3A_441 : memref<10240xf32, #tpu.memory_space<vmem_shared>>) offsets(%dma_start3A_439 : memref<80xi32, #tpu.memory_space<vmem>>) semaphore(%arg34 : memref<!tpu.dma_semaphore, #tpu.memory_space<semaphore_mem>>) {add = true}
    %dma_wait3A_442 = arith.constant 1 : i32
    %dma_wait3A_443 = arith.constant 1 : i32
    %dma_wait3A_444 = arith.constant 0 : i32
    %dma_wait3A_445 = arith.constant 0 : i32
    %dma_wait3A_446 = tpu.memref_slice %arg9[%dma_wait3A_443, %dma_wait3A_444, %dma_wait3A_445] : memref<5x80x64xbf16, #tpu.memory_space<vmem>> -> memref<1x80x64xbf16, #tpu.memory_space<vmem>>
    %dma_wait3A_447 = tpu.memref_squeeze %dma_wait3A_446 : memref<1x80x64xbf16, #tpu.memory_space<vmem>> -> memref<80x64xbf16, #tpu.memory_space<vmem>>
    %dma_wait3A_448 = arith.constant 0 : i32
    %dma_wait3A_449 = tpu.memref_slice %arg7[%dma_wait3A_442, %dma_wait3A_448] : memref<250x80xi32, #tpu.memory_space<vmem>> -> memref<1x80xi32, #tpu.memory_space<vmem>>
    %dma_wait3A_450 = tpu.memref_squeeze %dma_wait3A_449 : memref<1x80xi32, #tpu.memory_space<vmem>> -> memref<80xi32, #tpu.memory_space<vmem>>
    %dma_wait3A_451 = arith.constant 0 : i32
    %dma_wait3A_452 = arith.constant 0 : i32
    %dma_wait3A_453 = tpu.memref_slice %arg2[%arg0, %dma_wait3A_451, %dma_wait3A_452] : memref<2x10240x64xbf16, #tpu.memory_space<hbm>> -> memref<1x10240x64xbf16, #tpu.memory_space<hbm>>
    %dma_wait3A_454 = tpu.memref_squeeze %dma_wait3A_453 : memref<1x10240x64xbf16, #tpu.memory_space<hbm>> -> memref<10240x64xbf16, #tpu.memory_space<hbm>>
    %dma_wait3A_455 = arith.constant 0 : i32
    %dma_wait3A_456 = arith.constant 0 : i32
    %dma_wait3A_457 = tpu.memref_slice %dma_wait3A_454[%dma_wait3A_455, %dma_wait3A_456] : memref<10240x64xbf16, #tpu.memory_space<hbm>> -> memref<10240x64xbf16, #tpu.memory_space<hbm>>
    tpu.wait_indirect_dma semaphore(%arg12 : memref<!tpu.dma_semaphore, #tpu.memory_space<semaphore_mem>>) src(%dma_wait3A_457 : memref<10240x64xbf16, #tpu.memory_space<hbm>>) dst(%dma_wait3A_447 : memref<80x64xbf16, #tpu.memory_space<vmem>>)
    %dma_start3A_458 = arith.constant 1 : i32
    %dma_start3A_459 = arith.constant 1 : i32
    %dma_start3A_460 = arith.constant 0 : i32
    %dma_start3A_461 = arith.constant 0 : i32
    %dma_start3A_462 = tpu.memref_slice %arg9[%dma_start3A_458, %dma_start3A_460, %dma_start3A_461] : memref<5x80x64xbf16, #tpu.memory_space<vmem>> -> memref<1x80x64xbf16, #tpu.memory_space<vmem>>
    %dma_start3A_463 = tpu.memref_squeeze %dma_start3A_462 : memref<1x80x64xbf16, #tpu.memory_space<vmem>> -> memref<80x64xbf16, #tpu.memory_space<vmem>>
    %dma_start3A_464 = arith.constant 0 : i32
    %dma_start3A_465 = tpu.memref_slice %arg8[%dma_start3A_459, %dma_start3A_464] : memref<250x80xi32, #tpu.memory_space<vmem>> -> memref<1x80xi32, #tpu.memory_space<vmem>>
    %dma_start3A_466 = tpu.memref_squeeze %dma_start3A_465 : memref<1x80xi32, #tpu.memory_space<vmem>> -> memref<80xi32, #tpu.memory_space<vmem>>
    %dma_start3A_467 = arith.constant 0 : i32
    %dma_start3A_468 = arith.constant 0 : i32
    %dma_start3A_469 = tpu.memref_slice %arg6[%dma_start3A_467, %dma_start3A_468] : memref<10240x64xbf16, #tpu.memory_space<vmem_shared>> -> memref<10240x64xbf16, #tpu.memory_space<vmem_shared>>
    tpu.enqueue_indirect_dma source(%dma_start3A_463 : memref<80x64xbf16, #tpu.memory_space<vmem>>) target(%dma_start3A_469 : memref<10240x64xbf16, #tpu.memory_space<vmem_shared>>) offsets(%dma_start3A_466 : memref<80xi32, #tpu.memory_space<vmem>>) semaphore(%arg22 : memref<!tpu.dma_semaphore, #tpu.memory_space<semaphore_mem>>) {add = true}
    %dma_wait3A_470 = arith.constant 1 : i32
    %dma_wait3A_471 = arith.constant 1 : i32
    %dma_wait3A_472 = arith.constant 0 : i32
    %dma_wait3A_473 = arith.constant 0 : i32
    %dma_wait3A_474 = tpu.memref_slice %arg10[%dma_wait3A_471, %dma_wait3A_472, %dma_wait3A_473] : memref<5x80x64xbf16, #tpu.memory_space<vmem>> -> memref<1x80x64xbf16, #tpu.memory_space<vmem>>
    %dma_wait3A_475 = tpu.memref_squeeze %dma_wait3A_474 : memref<1x80x64xbf16, #tpu.memory_space<vmem>> -> memref<80x64xbf16, #tpu.memory_space<vmem>>
    %dma_wait3A_476 = arith.constant 0 : i32
    %dma_wait3A_477 = tpu.memref_slice %arg8[%dma_wait3A_470, %dma_wait3A_476] : memref<250x80xi32, #tpu.memory_space<vmem>> -> memref<1x80xi32, #tpu.memory_space<vmem>>
    %dma_wait3A_478 = tpu.memref_squeeze %dma_wait3A_477 : memref<1x80xi32, #tpu.memory_space<vmem>> -> memref<80xi32, #tpu.memory_space<vmem>>
    %dma_wait3A_479 = arith.constant 0 : i32
    %dma_wait3A_480 = arith.constant 0 : i32
    %dma_wait3A_481 = tpu.memref_slice %arg2[%arg0, %dma_wait3A_479, %dma_wait3A_480] : memref<2x10240x64xbf16, #tpu.memory_space<hbm>> -> memref<1x10240x64xbf16, #tpu.memory_space<hbm>>
    %dma_wait3A_482 = tpu.memref_squeeze %dma_wait3A_481 : memref<1x10240x64xbf16, #tpu.memory_space<hbm>> -> memref<10240x64xbf16, #tpu.memory_space<hbm>>
    %dma_wait3A_483 = arith.constant 0 : i32
    %dma_wait3A_484 = arith.constant 0 : i32
    %dma_wait3A_485 = tpu.memref_slice %dma_wait3A_482[%dma_wait3A_483, %dma_wait3A_484] : memref<10240x64xbf16, #tpu.memory_space<hbm>> -> memref<10240x64xbf16, #tpu.memory_space<hbm>>
    tpu.wait_indirect_dma semaphore(%arg17 : memref<!tpu.dma_semaphore, #tpu.memory_space<semaphore_mem>>) src(%dma_wait3A_485 : memref<10240x64xbf16, #tpu.memory_space<hbm>>) dst(%dma_wait3A_475 : memref<80x64xbf16, #tpu.memory_space<vmem>>)
    %dma_start3A_486 = arith.constant 1 : i32
    %dma_start3A_487 = arith.constant 1 : i32
    %dma_start3A_488 = arith.constant 0 : i32
    %dma_start3A_489 = arith.constant 0 : i32
    %dma_start3A_490 = tpu.memref_slice %arg10[%dma_start3A_486, %dma_start3A_488, %dma_start3A_489] : memref<5x80x64xbf16, #tpu.memory_space<vmem>> -> memref<1x80x64xbf16, #tpu.memory_space<vmem>>
    %dma_start3A_491 = tpu.memref_squeeze %dma_start3A_490 : memref<1x80x64xbf16, #tpu.memory_space<vmem>> -> memref<80x64xbf16, #tpu.memory_space<vmem>>
    %dma_start3A_492 = arith.constant 0 : i32
    %dma_start3A_493 = tpu.memref_slice %arg7[%dma_start3A_487, %dma_start3A_492] : memref<250x80xi32, #tpu.memory_space<vmem>> -> memref<1x80xi32, #tpu.memory_space<vmem>>
    %dma_start3A_494 = tpu.memref_squeeze %dma_start3A_493 : memref<1x80xi32, #tpu.memory_space<vmem>> -> memref<80xi32, #tpu.memory_space<vmem>>
    %dma_start3A_495 = arith.constant 0 : i32
    %dma_start3A_496 = arith.constant 0 : i32
    %dma_start3A_497 = tpu.memref_slice %arg6[%dma_start3A_495, %dma_start3A_496] : memref<10240x64xbf16, #tpu.memory_space<vmem_shared>> -> memref<10240x64xbf16, #tpu.memory_space<vmem_shared>>
    tpu.enqueue_indirect_dma source(%dma_start3A_491 : memref<80x64xbf16, #tpu.memory_space<vmem>>) target(%dma_start3A_497 : memref<10240x64xbf16, #tpu.memory_space<vmem_shared>>) offsets(%dma_start3A_494 : memref<80xi32, #tpu.memory_space<vmem>>) semaphore(%arg27 : memref<!tpu.dma_semaphore, #tpu.memory_space<semaphore_mem>>) {add = true}
    %dma_start3A_498 = arith.constant 3 : i32
    %dma_start3A_499 = arith.constant 3 : i32
    %dma_start3A_500 = arith.constant 0 : i32
    %dma_start3A_501 = arith.constant 0 : i32
    %dma_start3A_502 = tpu.memref_slice %arg9[%dma_start3A_499, %dma_start3A_500, %dma_start3A_501] : memref<5x80x64xbf16, #tpu.memory_space<vmem>> -> memref<1x80x64xbf16, #tpu.memory_space<vmem>>
    %dma_start3A_503 = tpu.memref_squeeze %dma_start3A_502 : memref<1x80x64xbf16, #tpu.memory_space<vmem>> -> memref<80x64xbf16, #tpu.memory_space<vmem>>
    %dma_start3A_504 = arith.constant 0 : i32
    %dma_start3A_505 = tpu.memref_slice %arg7[%dma_start3A_498, %dma_start3A_504] : memref<250x80xi32, #tpu.memory_space<vmem>> -> memref<1x80xi32, #tpu.memory_space<vmem>>
    %dma_start3A_506 = tpu.memref_squeeze %dma_start3A_505 : memref<1x80xi32, #tpu.memory_space<vmem>> -> memref<80xi32, #tpu.memory_space<vmem>>
    %dma_start3A_507 = arith.constant 0 : i32
    %dma_start3A_508 = arith.constant 0 : i32
    %dma_start3A_509 = tpu.memref_slice %arg2[%arg0, %dma_start3A_507, %dma_start3A_508] : memref<2x10240x64xbf16, #tpu.memory_space<hbm>> -> memref<1x10240x64xbf16, #tpu.memory_space<hbm>>
    %dma_start3A_510 = tpu.memref_squeeze %dma_start3A_509 : memref<1x10240x64xbf16, #tpu.memory_space<hbm>> -> memref<10240x64xbf16, #tpu.memory_space<hbm>>
    %dma_start3A_511 = arith.constant 0 : i32
    %dma_start3A_512 = arith.constant 0 : i32
    %dma_start3A_513 = tpu.memref_slice %dma_start3A_510[%dma_start3A_511, %dma_start3A_512] : memref<10240x64xbf16, #tpu.memory_space<hbm>> -> memref<10240x64xbf16, #tpu.memory_space<hbm>>
    tpu.enqueue_indirect_dma source(%dma_start3A_513 : memref<10240x64xbf16, #tpu.memory_space<hbm>>) target(%dma_start3A_503 : memref<80x64xbf16, #tpu.memory_space<vmem>>) offsets(%dma_start3A_506 : memref<80xi32, #tpu.memory_space<vmem>>) semaphore(%arg14 : memref<!tpu.dma_semaphore, #tpu.memory_space<semaphore_mem>>)
    %dma_start3A_514 = arith.constant 3 : i32
    %dma_start3A_515 = arith.constant 3 : i32
    %dma_start3A_516 = arith.constant 0 : i32
    %dma_start3A_517 = arith.constant 0 : i32
    %dma_start3A_518 = tpu.memref_slice %arg10[%dma_start3A_515, %dma_start3A_516, %dma_start3A_517] : memref<5x80x64xbf16, #tpu.memory_space<vmem>> -> memref<1x80x64xbf16, #tpu.memory_space<vmem>>
    %dma_start3A_519 = tpu.memref_squeeze %dma_start3A_518 : memref<1x80x64xbf16, #tpu.memory_space<vmem>> -> memref<80x64xbf16, #tpu.memory_space<vmem>>
    %dma_start3A_520 = arith.constant 0 : i32
    %dma_start3A_521 = tpu.memref_slice %arg8[%dma_start3A_514, %dma_start3A_520] : memref<250x80xi32, #tpu.memory_space<vmem>> -> memref<1x80xi32, #tpu.memory_space<vmem>>
    %dma_start3A_522 = tpu.memref_squeeze %dma_start3A_521 : memref<1x80xi32, #tpu.memory_space<vmem>> -> memref<80xi32, #tpu.memory_space<vmem>>
    %dma_start3A_523 = arith.constant 0 : i32
    %dma_start3A_524 = arith.constant 0 : i32
    %dma_start3A_525 = tpu.memref_slice %arg2[%arg0, %dma_start3A_523, %dma_start3A_524] : memref<2x10240x64xbf16, #tpu.memory_space<hbm>> -> memref<1x10240x64xbf16, #tpu.memory_space<hbm>>
    %dma_start3A_526 = tpu.memref_squeeze %dma_start3A_525 : memref<1x10240x64xbf16, #tpu.memory_space<hbm>> -> memref<10240x64xbf16, #tpu.memory_space<hbm>>
    %dma_start3A_527 = arith.constant 0 : i32
    %dma_start3A_528 = arith.constant 0 : i32
    %dma_start3A_529 = tpu.memref_slice %dma_start3A_526[%dma_start3A_527, %dma_start3A_528] : memref<10240x64xbf16, #tpu.memory_space<hbm>> -> memref<10240x64xbf16, #tpu.memory_space<hbm>>
    tpu.enqueue_indirect_dma source(%dma_start3A_529 : memref<10240x64xbf16, #tpu.memory_space<hbm>>) target(%dma_start3A_519 : memref<80x64xbf16, #tpu.memory_space<vmem>>) offsets(%dma_start3A_522 : memref<80xi32, #tpu.memory_space<vmem>>) semaphore(%arg19 : memref<!tpu.dma_semaphore, #tpu.memory_space<semaphore_mem>>)
    %dma_start3A_530 = arith.constant 3 : i32
    %dma_start3A_531 = arith.constant 0 : i32
    %dma_start3A_532 = tpu.memref_slice %arg8[%dma_start3A_530, %dma_start3A_531] : memref<250x80xi32, #tpu.memory_space<vmem>> -> memref<1x80xi32, #tpu.memory_space<vmem>>
    %dma_start3A_533 = tpu.memref_squeeze %dma_start3A_532 : memref<1x80xi32, #tpu.memory_space<vmem>> -> memref<80xi32, #tpu.memory_space<vmem>>
    %dma_start3A_534 = arith.constant 0 : i32
    %dma_start3A_535 = tpu.memref_slice %arg31[%dma_start3A_534] : memref<10240xf32, #tpu.memory_space<vmem_shared>> -> memref<10240xf32, #tpu.memory_space<vmem_shared>>
    tpu.enqueue_indirect_dma source(%arg33 : memref<80xf32, #tpu.memory_space<vmem>>) target(%dma_start3A_535 : memref<10240xf32, #tpu.memory_space<vmem_shared>>) offsets(%dma_start3A_533 : memref<80xi32, #tpu.memory_space<vmem>>) semaphore(%arg34 : memref<!tpu.dma_semaphore, #tpu.memory_space<semaphore_mem>>) {add = true}
    %dma_wait3A_536 = arith.constant 2 : i32
    %dma_wait3A_537 = arith.constant 2 : i32
    %dma_wait3A_538 = arith.constant 0 : i32
    %dma_wait3A_539 = arith.constant 0 : i32
    %dma_wait3A_540 = tpu.memref_slice %arg9[%dma_wait3A_537, %dma_wait3A_538, %dma_wait3A_539] : memref<5x80x64xbf16, #tpu.memory_space<vmem>> -> memref<1x80x64xbf16, #tpu.memory_space<vmem>>
    %dma_wait3A_541 = tpu.memref_squeeze %dma_wait3A_540 : memref<1x80x64xbf16, #tpu.memory_space<vmem>> -> memref<80x64xbf16, #tpu.memory_space<vmem>>
    %dma_wait3A_542 = arith.constant 0 : i32
    %dma_wait3A_543 = tpu.memref_slice %arg7[%dma_wait3A_536, %dma_wait3A_542] : memref<250x80xi32, #tpu.memory_space<vmem>> -> memref<1x80xi32, #tpu.memory_space<vmem>>
    %dma_wait3A_544 = tpu.memref_squeeze %dma_wait3A_543 : memref<1x80xi32, #tpu.memory_space<vmem>> -> memref<80xi32, #tpu.memory_space<vmem>>
    %dma_wait3A_545 = arith.constant 0 : i32
    %dma_wait3A_546 = arith.constant 0 : i32
    %dma_wait3A_547 = tpu.memref_slice %arg2[%arg0, %dma_wait3A_545, %dma_wait3A_546] : memref<2x10240x64xbf16, #tpu.memory_space<hbm>> -> memref<1x10240x64xbf16, #tpu.memory_space<hbm>>
    %dma_wait3A_548 = tpu.memref_squeeze %dma_wait3A_547 : memref<1x10240x64xbf16, #tpu.memory_space<hbm>> -> memref<10240x64xbf16, #tpu.memory_space<hbm>>
    %dma_wait3A_549 = arith.constant 0 : i32
    %dma_wait3A_550 = arith.constant 0 : i32
    %dma_wait3A_551 = tpu.memref_slice %dma_wait3A_548[%dma_wait3A_549, %dma_wait3A_550] : memref<10240x64xbf16, #tpu.memory_space<hbm>> -> memref<10240x64xbf16, #tpu.memory_space<hbm>>
    tpu.wait_indirect_dma semaphore(%arg13 : memref<!tpu.dma_semaphore, #tpu.memory_space<semaphore_mem>>) src(%dma_wait3A_551 : memref<10240x64xbf16, #tpu.memory_space<hbm>>) dst(%dma_wait3A_541 : memref<80x64xbf16, #tpu.memory_space<vmem>>)
    %dma_start3A_552 = arith.constant 2 : i32
    %dma_start3A_553 = arith.constant 2 : i32
    %dma_start3A_554 = arith.constant 0 : i32
    %dma_start3A_555 = arith.constant 0 : i32
    %dma_start3A_556 = tpu.memref_slice %arg9[%dma_start3A_552, %dma_start3A_554, %dma_start3A_555] : memref<5x80x64xbf16, #tpu.memory_space<vmem>> -> memref<1x80x64xbf16, #tpu.memory_space<vmem>>
    %dma_start3A_557 = tpu.memref_squeeze %dma_start3A_556 : memref<1x80x64xbf16, #tpu.memory_space<vmem>> -> memref<80x64xbf16, #tpu.memory_space<vmem>>
    %dma_start3A_558 = arith.constant 0 : i32
    %dma_start3A_559 = tpu.memref_slice %arg8[%dma_start3A_553, %dma_start3A_558] : memref<250x80xi32, #tpu.memory_space<vmem>> -> memref<1x80xi32, #tpu.memory_space<vmem>>
    %dma_start3A_560 = tpu.memref_squeeze %dma_start3A_559 : memref<1x80xi32, #tpu.memory_space<vmem>> -> memref<80xi32, #tpu.memory_space<vmem>>
    %dma_start3A_561 = arith.constant 0 : i32
    %dma_start3A_562 = arith.constant 0 : i32
    %dma_start3A_563 = tpu.memref_slice %arg6[%dma_start3A_561, %dma_start3A_562] : memref<10240x64xbf16, #tpu.memory_space<vmem_shared>> -> memref<10240x64xbf16, #tpu.memory_space<vmem_shared>>
    tpu.enqueue_indirect_dma source(%dma_start3A_557 : memref<80x64xbf16, #tpu.memory_space<vmem>>) target(%dma_start3A_563 : memref<10240x64xbf16, #tpu.memory_space<vmem_shared>>) offsets(%dma_start3A_560 : memref<80xi32, #tpu.memory_space<vmem>>) semaphore(%arg23 : memref<!tpu.dma_semaphore, #tpu.memory_space<semaphore_mem>>) {add = true}
    %dma_wait3A_564 = arith.constant 2 : i32
    %dma_wait3A_565 = arith.constant 2 : i32
    %dma_wait3A_566 = arith.constant 0 : i32
    %dma_wait3A_567 = arith.constant 0 : i32
    %dma_wait3A_568 = tpu.memref_slice %arg10[%dma_wait3A_565, %dma_wait3A_566, %dma_wait3A_567] : memref<5x80x64xbf16, #tpu.memory_space<vmem>> -> memref<1x80x64xbf16, #tpu.memory_space<vmem>>
    %dma_wait3A_569 = tpu.memref_squeeze %dma_wait3A_568 : memref<1x80x64xbf16, #tpu.memory_space<vmem>> -> memref<80x64xbf16, #tpu.memory_space<vmem>>
    %dma_wait3A_570 = arith.constant 0 : i32
    %dma_wait3A_571 = tpu.memref_slice %arg8[%dma_wait3A_564, %dma_wait3A_570] : memref<250x80xi32, #tpu.memory_space<vmem>> -> memref<1x80xi32, #tpu.memory_space<vmem>>
    %dma_wait3A_572 = tpu.memref_squeeze %dma_wait3A_571 : memref<1x80xi32, #tpu.memory_space<vmem>> -> memref<80xi32, #tpu.memory_space<vmem>>
    %dma_wait3A_573 = arith.constant 0 : i32
    %dma_wait3A_574 = arith.constant 0 : i32
    %dma_wait3A_575 = tpu.memref_slice %arg2[%arg0, %dma_wait3A_573, %dma_wait3A_574] : memref<2x10240x64xbf16, #tpu.memory_space<hbm>> -> memref<1x10240x64xbf16, #tpu.memory_space<hbm>>
    %dma_wait3A_576 = tpu.memref_squeeze %dma_wait3A_575 : memref<1x10240x64xbf16, #tpu.memory_space<hbm>> -> memref<10240x64xbf16, #tpu.memory_space<hbm>>
    %dma_wait3A_577 = arith.constant 0 : i32
    %dma_wait3A_578 = arith.constant 0 : i32
    %dma_wait3A_579 = tpu.memref_slice %dma_wait3A_576[%dma_wait3A_577, %dma_wait3A_578] : memref<10240x64xbf16, #tpu.memory_space<hbm>> -> memref<10240x64xbf16, #tpu.memory_space<hbm>>
    tpu.wait_indirect_dma semaphore(%arg18 : memref<!tpu.dma_semaphore, #tpu.memory_space<semaphore_mem>>) src(%dma_wait3A_579 : memref<10240x64xbf16, #tpu.memory_space<hbm>>) dst(%dma_wait3A_569 : memref<80x64xbf16, #tpu.memory_space<vmem>>)
    %dma_start3A_580 = arith.constant 2 : i32
    %dma_start3A_581 = arith.constant 2 : i32
    %dma_start3A_582 = arith.constant 0 : i32
    %dma_start3A_583 = arith.constant 0 : i32
    %dma_start3A_584 = tpu.memref_slice %arg10[%dma_start3A_580, %dma_start3A_582, %dma_start3A_583] : memref<5x80x64xbf16, #tpu.memory_space<vmem>> -> memref<1x80x64xbf16, #tpu.memory_space<vmem>>
    %dma_start3A_585 = tpu.memref_squeeze %dma_start3A_584 : memref<1x80x64xbf16, #tpu.memory_space<vmem>> -> memref<80x64xbf16, #tpu.memory_space<vmem>>
    %dma_start3A_586 = arith.constant 0 : i32
    %dma_start3A_587 = tpu.memref_slice %arg7[%dma_start3A_581, %dma_start3A_586] : memref<250x80xi32, #tpu.memory_space<vmem>> -> memref<1x80xi32, #tpu.memory_space<vmem>>
    %dma_start3A_588 = tpu.memref_squeeze %dma_start3A_587 : memref<1x80xi32, #tpu.memory_space<vmem>> -> memref<80xi32, #tpu.memory_space<vmem>>
    %dma_start3A_589 = arith.constant 0 : i32
    %dma_start3A_590 = arith.constant 0 : i32
    %dma_start3A_591 = tpu.memref_slice %arg6[%dma_start3A_589, %dma_start3A_590] : memref<10240x64xbf16, #tpu.memory_space<vmem_shared>> -> memref<10240x64xbf16, #tpu.memory_space<vmem_shared>>
    tpu.enqueue_indirect_dma source(%dma_start3A_585 : memref<80x64xbf16, #tpu.memory_space<vmem>>) target(%dma_start3A_591 : memref<10240x64xbf16, #tpu.memory_space<vmem_shared>>) offsets(%dma_start3A_588 : memref<80xi32, #tpu.memory_space<vmem>>) semaphore(%arg28 : memref<!tpu.dma_semaphore, #tpu.memory_space<semaphore_mem>>) {add = true}
    %dma_start3A_592 = arith.constant 4 : i32
    %dma_start3A_593 = arith.constant 4 : i32
    %dma_start3A_594 = arith.constant 0 : i32
    %dma_start3A_595 = arith.constant 0 : i32
    %dma_start3A_596 = tpu.memref_slice %arg9[%dma_start3A_593, %dma_start3A_594, %dma_start3A_595] : memref<5x80x64xbf16, #tpu.memory_space<vmem>> -> memref<1x80x64xbf16, #tpu.memory_space<vmem>>
    %dma_start3A_597 = tpu.memref_squeeze %dma_start3A_596 : memref<1x80x64xbf16, #tpu.memory_space<vmem>> -> memref<80x64xbf16, #tpu.memory_space<vmem>>
    %dma_start3A_598 = arith.constant 0 : i32
    %dma_start3A_599 = tpu.memref_slice %arg7[%dma_start3A_592, %dma_start3A_598] : memref<250x80xi32, #tpu.memory_space<vmem>> -> memref<1x80xi32, #tpu.memory_space<vmem>>
    %dma_start3A_600 = tpu.memref_squeeze %dma_start3A_599 : memref<1x80xi32, #tpu.memory_space<vmem>> -> memref<80xi32, #tpu.memory_space<vmem>>
    %dma_start3A_601 = arith.constant 0 : i32
    %dma_start3A_602 = arith.constant 0 : i32
    %dma_start3A_603 = tpu.memref_slice %arg2[%arg0, %dma_start3A_601, %dma_start3A_602] : memref<2x10240x64xbf16, #tpu.memory_space<hbm>> -> memref<1x10240x64xbf16, #tpu.memory_space<hbm>>
    %dma_start3A_604 = tpu.memref_squeeze %dma_start3A_603 : memref<1x10240x64xbf16, #tpu.memory_space<hbm>> -> memref<10240x64xbf16, #tpu.memory_space<hbm>>
    %dma_start3A_605 = arith.constant 0 : i32
    %dma_start3A_606 = arith.constant 0 : i32
    %dma_start3A_607 = tpu.memref_slice %dma_start3A_604[%dma_start3A_605, %dma_start3A_606] : memref<10240x64xbf16, #tpu.memory_space<hbm>> -> memref<10240x64xbf16, #tpu.memory_space<hbm>>
    tpu.enqueue_indirect_dma source(%dma_start3A_607 : memref<10240x64xbf16, #tpu.memory_space<hbm>>) target(%dma_start3A_597 : memref<80x64xbf16, #tpu.memory_space<vmem>>) offsets(%dma_start3A_600 : memref<80xi32, #tpu.memory_space<vmem>>) semaphore(%arg15 : memref<!tpu.dma_semaphore, #tpu.memory_space<semaphore_mem>>)
    %dma_start3A_608 = arith.constant 4 : i32
    %dma_start3A_609 = arith.constant 4 : i32
    %dma_start3A_610 = arith.constant 0 : i32
    %dma_start3A_611 = arith.constant 0 : i32
    %dma_start3A_612 = tpu.memref_slice %arg10[%dma_start3A_609, %dma_start3A_610, %dma_start3A_611] : memref<5x80x64xbf16, #tpu.memory_space<vmem>> -> memref<1x80x64xbf16, #tpu.memory_space<vmem>>
    %dma_start3A_613 = tpu.memref_squeeze %dma_start3A_612 : memref<1x80x64xbf16, #tpu.memory_space<vmem>> -> memref<80x64xbf16, #tpu.memory_space<vmem>>
    %dma_start3A_614 = arith.constant 0 : i32
    %dma_start3A_615 = tpu.memref_slice %arg8[%dma_start3A_608, %dma_start3A_614] : memref<250x80xi32, #tpu.memory_space<vmem>> -> memref<1x80xi32, #tpu.memory_space<vmem>>
    %dma_start3A_616 = tpu.memref_squeeze %dma_start3A_615 : memref<1x80xi32, #tpu.memory_space<vmem>> -> memref<80xi32, #tpu.memory_space<vmem>>
    %dma_start3A_617 = arith.constant 0 : i32
    %dma_start3A_618 = arith.constant 0 : i32
    %dma_start3A_619 = tpu.memref_slice %arg2[%arg0, %dma_start3A_617, %dma_start3A_618] : memref<2x10240x64xbf16, #tpu.memory_space<hbm>> -> memref<1x10240x64xbf16, #tpu.memory_space<hbm>>
    %dma_start3A_620 = tpu.memref_squeeze %dma_start3A_619 : memref<1x10240x64xbf16, #tpu.memory_space<hbm>> -> memref<10240x64xbf16, #tpu.memory_space<hbm>>
    %dma_start3A_621 = arith.constant 0 : i32
    %dma_start3A_622 = arith.constant 0 : i32
    %dma_start3A_623 = tpu.memref_slice %dma_start3A_620[%dma_start3A_621, %dma_start3A_622] : memref<10240x64xbf16, #tpu.memory_space<hbm>> -> memref<10240x64xbf16, #tpu.memory_space<hbm>>
    tpu.enqueue_indirect_dma source(%dma_start3A_623 : memref<10240x64xbf16, #tpu.memory_space<hbm>>) target(%dma_start3A_613 : memref<80x64xbf16, #tpu.memory_space<vmem>>) offsets(%dma_start3A_616 : memref<80xi32, #tpu.memory_space<vmem>>) semaphore(%arg20 : memref<!tpu.dma_semaphore, #tpu.memory_space<semaphore_mem>>)
    %dma_start3A_624 = arith.constant 4 : i32
    %dma_start3A_625 = arith.constant 0 : i32
    %dma_start3A_626 = tpu.memref_slice %arg8[%dma_start3A_624, %dma_start3A_625] : memref<250x80xi32, #tpu.memory_space<vmem>> -> memref<1x80xi32, #tpu.memory_space<vmem>>
    %dma_start3A_627 = tpu.memref_squeeze %dma_start3A_626 : memref<1x80xi32, #tpu.memory_space<vmem>> -> memref<80xi32, #tpu.memory_space<vmem>>
    %dma_start3A_628 = arith.constant 0 : i32
    %dma_start3A_629 = tpu.memref_slice %arg31[%dma_start3A_628] : memref<10240xf32, #tpu.memory_space<vmem_shared>> -> memref<10240xf32, #tpu.memory_space<vmem_shared>>
    tpu.enqueue_indirect_dma source(%arg33 : memref<80xf32, #tpu.memory_space<vmem>>) target(%dma_start3A_629 : memref<10240xf32, #tpu.memory_space<vmem_shared>>) offsets(%dma_start3A_627 : memref<80xi32, #tpu.memory_space<vmem>>) semaphore(%arg34 : memref<!tpu.dma_semaphore, #tpu.memory_space<semaphore_mem>>) {add = true}
    %dma_wait3A_630 = arith.constant 3 : i32
    %dma_wait3A_631 = arith.constant 3 : i32
    %dma_wait3A_632 = arith.constant 0 : i32
    %dma_wait3A_633 = arith.constant 0 : i32
    %dma_wait3A_634 = tpu.memref_slice %arg9[%dma_wait3A_631, %dma_wait3A_632, %dma_wait3A_633] : memref<5x80x64xbf16, #tpu.memory_space<vmem>> -> memref<1x80x64xbf16, #tpu.memory_space<vmem>>
    %dma_wait3A_635 = tpu.memref_squeeze %dma_wait3A_634 : memref<1x80x64xbf16, #tpu.memory_space<vmem>> -> memref<80x64xbf16, #tpu.memory_space<vmem>>
    %dma_wait3A_636 = arith.constant 0 : i32
    %dma_wait3A_637 = tpu.memref_slice %arg7[%dma_wait3A_630, %dma_wait3A_636] : memref<250x80xi32, #tpu.memory_space<vmem>> -> memref<1x80xi32, #tpu.memory_space<vmem>>
    %dma_wait3A_638 = tpu.memref_squeeze %dma_wait3A_637 : memref<1x80xi32, #tpu.memory_space<vmem>> -> memref<80xi32, #tpu.memory_space<vmem>>
    %dma_wait3A_639 = arith.constant 0 : i32
    %dma_wait3A_640 = arith.constant 0 : i32
    %dma_wait3A_641 = tpu.memref_slice %arg2[%arg0, %dma_wait3A_639, %dma_wait3A_640] : memref<2x10240x64xbf16, #tpu.memory_space<hbm>> -> memref<1x10240x64xbf16, #tpu.memory_space<hbm>>
    %dma_wait3A_642 = tpu.memref_squeeze %dma_wait3A_641 : memref<1x10240x64xbf16, #tpu.memory_space<hbm>> -> memref<10240x64xbf16, #tpu.memory_space<hbm>>
    %dma_wait3A_643 = arith.constant 0 : i32
    %dma_wait3A_644 = arith.constant 0 : i32
    %dma_wait3A_645 = tpu.memref_slice %dma_wait3A_642[%dma_wait3A_643, %dma_wait3A_644] : memref<10240x64xbf16, #tpu.memory_space<hbm>> -> memref<10240x64xbf16, #tpu.memory_space<hbm>>
    tpu.wait_indirect_dma semaphore(%arg14 : memref<!tpu.dma_semaphore, #tpu.memory_space<semaphore_mem>>) src(%dma_wait3A_645 : memref<10240x64xbf16, #tpu.memory_space<hbm>>) dst(%dma_wait3A_635 : memref<80x64xbf16, #tpu.memory_space<vmem>>)
    %dma_start3A_646 = arith.constant 3 : i32
    %dma_start3A_647 = arith.constant 3 : i32
    %dma_start3A_648 = arith.constant 0 : i32
    %dma_start3A_649 = arith.constant 0 : i32
    %dma_start3A_650 = tpu.memref_slice %arg9[%dma_start3A_646, %dma_start3A_648, %dma_start3A_649] : memref<5x80x64xbf16, #tpu.memory_space<vmem>> -> memref<1x80x64xbf16, #tpu.memory_space<vmem>>
    %dma_start3A_651 = tpu.memref_squeeze %dma_start3A_650 : memref<1x80x64xbf16, #tpu.memory_space<vmem>> -> memref<80x64xbf16, #tpu.memory_space<vmem>>
    %dma_start3A_652 = arith.constant 0 : i32
    %dma_start3A_653 = tpu.memref_slice %arg8[%dma_start3A_647, %dma_start3A_652] : memref<250x80xi32, #tpu.memory_space<vmem>> -> memref<1x80xi32, #tpu.memory_space<vmem>>
    %dma_start3A_654 = tpu.memref_squeeze %dma_start3A_653 : memref<1x80xi32, #tpu.memory_space<vmem>> -> memref<80xi32, #tpu.memory_space<vmem>>
    %dma_start3A_655 = arith.constant 0 : i32
    %dma_start3A_656 = arith.constant 0 : i32
    %dma_start3A_657 = tpu.memref_slice %arg6[%dma_start3A_655, %dma_start3A_656] : memref<10240x64xbf16, #tpu.memory_space<vmem_shared>> -> memref<10240x64xbf16, #tpu.memory_space<vmem_shared>>
    tpu.enqueue_indirect_dma source(%dma_start3A_651 : memref<80x64xbf16, #tpu.memory_space<vmem>>) target(%dma_start3A_657 : memref<10240x64xbf16, #tpu.memory_space<vmem_shared>>) offsets(%dma_start3A_654 : memref<80xi32, #tpu.memory_space<vmem>>) semaphore(%arg24 : memref<!tpu.dma_semaphore, #tpu.memory_space<semaphore_mem>>) {add = true}
    %dma_wait3A_658 = arith.constant 3 : i32
    %dma_wait3A_659 = arith.constant 3 : i32
    %dma_wait3A_660 = arith.constant 0 : i32
    %dma_wait3A_661 = arith.constant 0 : i32
    %dma_wait3A_662 = tpu.memref_slice %arg10[%dma_wait3A_659, %dma_wait3A_660, %dma_wait3A_661] : memref<5x80x64xbf16, #tpu.memory_space<vmem>> -> memref<1x80x64xbf16, #tpu.memory_space<vmem>>
    %dma_wait3A_663 = tpu.memref_squeeze %dma_wait3A_662 : memref<1x80x64xbf16, #tpu.memory_space<vmem>> -> memref<80x64xbf16, #tpu.memory_space<vmem>>
    %dma_wait3A_664 = arith.constant 0 : i32
    %dma_wait3A_665 = tpu.memref_slice %arg8[%dma_wait3A_658, %dma_wait3A_664] : memref<250x80xi32, #tpu.memory_space<vmem>> -> memref<1x80xi32, #tpu.memory_space<vmem>>
    %dma_wait3A_666 = tpu.memref_squeeze %dma_wait3A_665 : memref<1x80xi32, #tpu.memory_space<vmem>> -> memref<80xi32, #tpu.memory_space<vmem>>
    %dma_wait3A_667 = arith.constant 0 : i32
    %dma_wait3A_668 = arith.constant 0 : i32
    %dma_wait3A_669 = tpu.memref_slice %arg2[%arg0, %dma_wait3A_667, %dma_wait3A_668] : memref<2x10240x64xbf16, #tpu.memory_space<hbm>> -> memref<1x10240x64xbf16, #tpu.memory_space<hbm>>
    %dma_wait3A_670 = tpu.memref_squeeze %dma_wait3A_669 : memref<1x10240x64xbf16, #tpu.memory_space<hbm>> -> memref<10240x64xbf16, #tpu.memory_space<hbm>>
    %dma_wait3A_671 = arith.constant 0 : i32
    %dma_wait3A_672 = arith.constant 0 : i32
    %dma_wait3A_673 = tpu.memref_slice %dma_wait3A_670[%dma_wait3A_671, %dma_wait3A_672] : memref<10240x64xbf16, #tpu.memory_space<hbm>> -> memref<10240x64xbf16, #tpu.memory_space<hbm>>
    tpu.wait_indirect_dma semaphore(%arg19 : memref<!tpu.dma_semaphore, #tpu.memory_space<semaphore_mem>>) src(%dma_wait3A_673 : memref<10240x64xbf16, #tpu.memory_space<hbm>>) dst(%dma_wait3A_663 : memref<80x64xbf16, #tpu.memory_space<vmem>>)
    %dma_start3A_674 = arith.constant 3 : i32
    %dma_start3A_675 = arith.constant 3 : i32
    %dma_start3A_676 = arith.constant 0 : i32
    %dma_start3A_677 = arith.constant 0 : i32
    %dma_start3A_678 = tpu.memref_slice %arg10[%dma_start3A_674, %dma_start3A_676, %dma_start3A_677] : memref<5x80x64xbf16, #tpu.memory_space<vmem>> -> memref<1x80x64xbf16, #tpu.memory_space<vmem>>
    %dma_start3A_679 = tpu.memref_squeeze %dma_start3A_678 : memref<1x80x64xbf16, #tpu.memory_space<vmem>> -> memref<80x64xbf16, #tpu.memory_space<vmem>>
    %dma_start3A_680 = arith.constant 0 : i32
    %dma_start3A_681 = tpu.memref_slice %arg7[%dma_start3A_675, %dma_start3A_680] : memref<250x80xi32, #tpu.memory_space<vmem>> -> memref<1x80xi32, #tpu.memory_space<vmem>>
    %dma_start3A_682 = tpu.memref_squeeze %dma_start3A_681 : memref<1x80xi32, #tpu.memory_space<vmem>> -> memref<80xi32, #tpu.memory_space<vmem>>
    %dma_start3A_683 = arith.constant 0 : i32
    %dma_start3A_684 = arith.constant 0 : i32
    %dma_start3A_685 = tpu.memref_slice %arg6[%dma_start3A_683, %dma_start3A_684] : memref<10240x64xbf16, #tpu.memory_space<vmem_shared>> -> memref<10240x64xbf16, #tpu.memory_space<vmem_shared>>
    tpu.enqueue_indirect_dma source(%dma_start3A_679 : memref<80x64xbf16, #tpu.memory_space<vmem>>) target(%dma_start3A_685 : memref<10240x64xbf16, #tpu.memory_space<vmem_shared>>) offsets(%dma_start3A_682 : memref<80xi32, #tpu.memory_space<vmem>>) semaphore(%arg29 : memref<!tpu.dma_semaphore, #tpu.memory_space<semaphore_mem>>) {add = true}
    %scan3A = arith.constant 0 : i32
    %scan3A_686 = arith.constant 1 : i32
    %scan3A_687 = arith.constant 49 : i32
    %scan3A_688 = arith.addi %scan3A_686, %scan3A_687 : i32
    %scan3A_689 = arith.constant 1 : i32
    scf.for %scan3A_904 = %scan3A_686 to %scan3A_688 step %scan3A_689  : i32 {
      %mul3A_905 = arith.constant 5 : i32
      %mul3A_906 = arith.muli %mul3A_905, %scan3A_904 : i32
      %add3A = arith.constant 0 : i32
      %add3A_907 = arith.addi %mul3A_906, %add3A : i32
      %sub3A_908 = arith.constant 5 : i32
      %sub3A_909 = arith.subi %add3A_907, %sub3A_908 : i32
      %dma_wait3A_910 = arith.constant 0 : i32
      %dma_wait3A_911 = arith.constant 0 : i32
      %dma_wait3A_912 = arith.constant 0 : i32
      %dma_wait3A_913 = tpu.memref_slice %arg9[%dma_wait3A_910, %dma_wait3A_911, %dma_wait3A_912] : memref<5x80x64xbf16, #tpu.memory_space<vmem>> -> memref<1x80x64xbf16, #tpu.memory_space<vmem>>
      %dma_wait3A_914 = tpu.memref_squeeze %dma_wait3A_913 : memref<1x80x64xbf16, #tpu.memory_space<vmem>> -> memref<80x64xbf16, #tpu.memory_space<vmem>>
      %dma_wait3A_915 = arith.constant 0 : i32
      %dma_wait3A_916 = tpu.memref_slice %arg8[%sub3A_909, %dma_wait3A_915] : memref<250x80xi32, #tpu.memory_space<vmem>> -> memref<1x80xi32, #tpu.memory_space<vmem>>
      %dma_wait3A_917 = tpu.memref_squeeze %dma_wait3A_916 : memref<1x80xi32, #tpu.memory_space<vmem>> -> memref<80xi32, #tpu.memory_space<vmem>>
      %dma_wait3A_918 = arith.constant 0 : i32
      %dma_wait3A_919 = arith.constant 0 : i32
      %dma_wait3A_920 = tpu.memref_slice %arg6[%dma_wait3A_918, %dma_wait3A_919] : memref<10240x64xbf16, #tpu.memory_space<vmem_shared>> -> memref<10240x64xbf16, #tpu.memory_space<vmem_shared>>
      tpu.wait_indirect_dma semaphore(%arg21 : memref<!tpu.dma_semaphore, #tpu.memory_space<semaphore_mem>>) src(%dma_wait3A_914 : memref<80x64xbf16, #tpu.memory_space<vmem>>) dst(%dma_wait3A_920 : memref<10240x64xbf16, #tpu.memory_space<vmem_shared>>)
      %dma_wait3A_921 = arith.constant 0 : i32
      %dma_wait3A_922 = arith.constant 0 : i32
      %dma_wait3A_923 = arith.constant 0 : i32
      %dma_wait3A_924 = tpu.memref_slice %arg10[%dma_wait3A_921, %dma_wait3A_922, %dma_wait3A_923] : memref<5x80x64xbf16, #tpu.memory_space<vmem>> -> memref<1x80x64xbf16, #tpu.memory_space<vmem>>
      %dma_wait3A_925 = tpu.memref_squeeze %dma_wait3A_924 : memref<1x80x64xbf16, #tpu.memory_space<vmem>> -> memref<80x64xbf16, #tpu.memory_space<vmem>>
      %dma_wait3A_926 = arith.constant 0 : i32
      %dma_wait3A_927 = tpu.memref_slice %arg7[%sub3A_909, %dma_wait3A_926] : memref<250x80xi32, #tpu.memory_space<vmem>> -> memref<1x80xi32, #tpu.memory_space<vmem>>
      %dma_wait3A_928 = tpu.memref_squeeze %dma_wait3A_927 : memref<1x80xi32, #tpu.memory_space<vmem>> -> memref<80xi32, #tpu.memory_space<vmem>>
      %dma_wait3A_929 = arith.constant 0 : i32
      %dma_wait3A_930 = arith.constant 0 : i32
      %dma_wait3A_931 = tpu.memref_slice %arg6[%dma_wait3A_929, %dma_wait3A_930] : memref<10240x64xbf16, #tpu.memory_space<vmem_shared>> -> memref<10240x64xbf16, #tpu.memory_space<vmem_shared>>
      tpu.wait_indirect_dma semaphore(%arg26 : memref<!tpu.dma_semaphore, #tpu.memory_space<semaphore_mem>>) src(%dma_wait3A_925 : memref<80x64xbf16, #tpu.memory_space<vmem>>) dst(%dma_wait3A_931 : memref<10240x64xbf16, #tpu.memory_space<vmem_shared>>)
      %dma_wait3A_932 = arith.constant 0 : i32
      %dma_wait3A_933 = tpu.memref_slice %arg8[%sub3A_909, %dma_wait3A_932] : memref<250x80xi32, #tpu.memory_space<vmem>> -> memref<1x80xi32, #tpu.memory_space<vmem>>
      %dma_wait3A_934 = tpu.memref_squeeze %dma_wait3A_933 : memref<1x80xi32, #tpu.memory_space<vmem>> -> memref<80xi32, #tpu.memory_space<vmem>>
      %dma_wait3A_935 = arith.constant 0 : i32
      %dma_wait3A_936 = tpu.memref_slice %arg31[%dma_wait3A_935] : memref<10240xf32, #tpu.memory_space<vmem_shared>> -> memref<10240xf32, #tpu.memory_space<vmem_shared>>
      tpu.wait_indirect_dma semaphore(%arg34 : memref<!tpu.dma_semaphore, #tpu.memory_space<semaphore_mem>>) src(%arg33 : memref<80xf32, #tpu.memory_space<vmem>>) dst(%dma_wait3A_936 : memref<10240xf32, #tpu.memory_space<vmem_shared>>)
      %dma_start3A_937 = arith.constant 0 : i32
      %dma_start3A_938 = arith.constant 0 : i32
      %dma_start3A_939 = arith.constant 0 : i32
      %dma_start3A_940 = tpu.memref_slice %arg9[%dma_start3A_937, %dma_start3A_938, %dma_start3A_939] : memref<5x80x64xbf16, #tpu.memory_space<vmem>> -> memref<1x80x64xbf16, #tpu.memory_space<vmem>>
      %dma_start3A_941 = tpu.memref_squeeze %dma_start3A_940 : memref<1x80x64xbf16, #tpu.memory_space<vmem>> -> memref<80x64xbf16, #tpu.memory_space<vmem>>
      %dma_start3A_942 = arith.constant 0 : i32
      %dma_start3A_943 = tpu.memref_slice %arg7[%add3A_907, %dma_start3A_942] : memref<250x80xi32, #tpu.memory_space<vmem>> -> memref<1x80xi32, #tpu.memory_space<vmem>>
      %dma_start3A_944 = tpu.memref_squeeze %dma_start3A_943 : memref<1x80xi32, #tpu.memory_space<vmem>> -> memref<80xi32, #tpu.memory_space<vmem>>
      %dma_start3A_945 = arith.constant 0 : i32
      %dma_start3A_946 = arith.constant 0 : i32
      %dma_start3A_947 = tpu.memref_slice %arg2[%arg0, %dma_start3A_945, %dma_start3A_946] : memref<2x10240x64xbf16, #tpu.memory_space<hbm>> -> memref<1x10240x64xbf16, #tpu.memory_space<hbm>>
      %dma_start3A_948 = tpu.memref_squeeze %dma_start3A_947 : memref<1x10240x64xbf16, #tpu.memory_space<hbm>> -> memref<10240x64xbf16, #tpu.memory_space<hbm>>
      %dma_start3A_949 = arith.constant 0 : i32
      %dma_start3A_950 = arith.constant 0 : i32
      %dma_start3A_951 = tpu.memref_slice %dma_start3A_948[%dma_start3A_949, %dma_start3A_950] : memref<10240x64xbf16, #tpu.memory_space<hbm>> -> memref<10240x64xbf16, #tpu.memory_space<hbm>>
      tpu.enqueue_indirect_dma source(%dma_start3A_951 : memref<10240x64xbf16, #tpu.memory_space<hbm>>) target(%dma_start3A_941 : memref<80x64xbf16, #tpu.memory_space<vmem>>) offsets(%dma_start3A_944 : memref<80xi32, #tpu.memory_space<vmem>>) semaphore(%arg11 : memref<!tpu.dma_semaphore, #tpu.memory_space<semaphore_mem>>)
      %dma_start3A_952 = arith.constant 0 : i32
      %dma_start3A_953 = arith.constant 0 : i32
      %dma_start3A_954 = arith.constant 0 : i32
      %dma_start3A_955 = tpu.memref_slice %arg10[%dma_start3A_952, %dma_start3A_953, %dma_start3A_954] : memref<5x80x64xbf16, #tpu.memory_space<vmem>> -> memref<1x80x64xbf16, #tpu.memory_space<vmem>>
      %dma_start3A_956 = tpu.memref_squeeze %dma_start3A_955 : memref<1x80x64xbf16, #tpu.memory_space<vmem>> -> memref<80x64xbf16, #tpu.memory_space<vmem>>
      %dma_start3A_957 = arith.constant 0 : i32
      %dma_start3A_958 = tpu.memref_slice %arg8[%add3A_907, %dma_start3A_957] : memref<250x80xi32, #tpu.memory_space<vmem>> -> memref<1x80xi32, #tpu.memory_space<vmem>>
      %dma_start3A_959 = tpu.memref_squeeze %dma_start3A_958 : memref<1x80xi32, #tpu.memory_space<vmem>> -> memref<80xi32, #tpu.memory_space<vmem>>
      %dma_start3A_960 = arith.constant 0 : i32
      %dma_start3A_961 = arith.constant 0 : i32
      %dma_start3A_962 = tpu.memref_slice %arg2[%arg0, %dma_start3A_960, %dma_start3A_961] : memref<2x10240x64xbf16, #tpu.memory_space<hbm>> -> memref<1x10240x64xbf16, #tpu.memory_space<hbm>>
      %dma_start3A_963 = tpu.memref_squeeze %dma_start3A_962 : memref<1x10240x64xbf16, #tpu.memory_space<hbm>> -> memref<10240x64xbf16, #tpu.memory_space<hbm>>
      %dma_start3A_964 = arith.constant 0 : i32
      %dma_start3A_965 = arith.constant 0 : i32
      %dma_start3A_966 = tpu.memref_slice %dma_start3A_963[%dma_start3A_964, %dma_start3A_965] : memref<10240x64xbf16, #tpu.memory_space<hbm>> -> memref<10240x64xbf16, #tpu.memory_space<hbm>>
      tpu.enqueue_indirect_dma source(%dma_start3A_966 : memref<10240x64xbf16, #tpu.memory_space<hbm>>) target(%dma_start3A_956 : memref<80x64xbf16, #tpu.memory_space<vmem>>) offsets(%dma_start3A_959 : memref<80xi32, #tpu.memory_space<vmem>>) semaphore(%arg16 : memref<!tpu.dma_semaphore, #tpu.memory_space<semaphore_mem>>)
      %dma_start3A_967 = arith.constant 0 : i32
      %dma_start3A_968 = tpu.memref_slice %arg8[%add3A_907, %dma_start3A_967] : memref<250x80xi32, #tpu.memory_space<vmem>> -> memref<1x80xi32, #tpu.memory_space<vmem>>
      %dma_start3A_969 = tpu.memref_squeeze %dma_start3A_968 : memref<1x80xi32, #tpu.memory_space<vmem>> -> memref<80xi32, #tpu.memory_space<vmem>>
      %dma_start3A_970 = arith.constant 0 : i32
      %dma_start3A_971 = tpu.memref_slice %arg31[%dma_start3A_970] : memref<10240xf32, #tpu.memory_space<vmem_shared>> -> memref<10240xf32, #tpu.memory_space<vmem_shared>>
      tpu.enqueue_indirect_dma source(%arg33 : memref<80xf32, #tpu.memory_space<vmem>>) target(%dma_start3A_971 : memref<10240xf32, #tpu.memory_space<vmem_shared>>) offsets(%dma_start3A_969 : memref<80xi32, #tpu.memory_space<vmem>>) semaphore(%arg34 : memref<!tpu.dma_semaphore, #tpu.memory_space<semaphore_mem>>) {add = true}
      %sub3A_972 = arith.constant 1 : i32
      %sub3A_973 = arith.subi %add3A_907, %sub3A_972 : i32
      %dma_wait3A_974 = arith.constant 4 : i32
      %dma_wait3A_975 = arith.constant 0 : i32
      %dma_wait3A_976 = arith.constant 0 : i32
      %dma_wait3A_977 = tpu.memref_slice %arg9[%dma_wait3A_974, %dma_wait3A_975, %dma_wait3A_976] : memref<5x80x64xbf16, #tpu.memory_space<vmem>> -> memref<1x80x64xbf16, #tpu.memory_space<vmem>>
      %dma_wait3A_978 = tpu.memref_squeeze %dma_wait3A_977 : memref<1x80x64xbf16, #tpu.memory_space<vmem>> -> memref<80x64xbf16, #tpu.memory_space<vmem>>
      %dma_wait3A_979 = arith.constant 0 : i32
      %dma_wait3A_980 = tpu.memref_slice %arg7[%sub3A_973, %dma_wait3A_979] : memref<250x80xi32, #tpu.memory_space<vmem>> -> memref<1x80xi32, #tpu.memory_space<vmem>>
      %dma_wait3A_981 = tpu.memref_squeeze %dma_wait3A_980 : memref<1x80xi32, #tpu.memory_space<vmem>> -> memref<80xi32, #tpu.memory_space<vmem>>
      %dma_wait3A_982 = arith.constant 0 : i32
      %dma_wait3A_983 = arith.constant 0 : i32
      %dma_wait3A_984 = tpu.memref_slice %arg2[%arg0, %dma_wait3A_982, %dma_wait3A_983] : memref<2x10240x64xbf16, #tpu.memory_space<hbm>> -> memref<1x10240x64xbf16, #tpu.memory_space<hbm>>
      %dma_wait3A_985 = tpu.memref_squeeze %dma_wait3A_984 : memref<1x10240x64xbf16, #tpu.memory_space<hbm>> -> memref<10240x64xbf16, #tpu.memory_space<hbm>>
      %dma_wait3A_986 = arith.constant 0 : i32
      %dma_wait3A_987 = arith.constant 0 : i32
      %dma_wait3A_988 = tpu.memref_slice %dma_wait3A_985[%dma_wait3A_986, %dma_wait3A_987] : memref<10240x64xbf16, #tpu.memory_space<hbm>> -> memref<10240x64xbf16, #tpu.memory_space<hbm>>
      tpu.wait_indirect_dma semaphore(%arg15 : memref<!tpu.dma_semaphore, #tpu.memory_space<semaphore_mem>>) src(%dma_wait3A_988 : memref<10240x64xbf16, #tpu.memory_space<hbm>>) dst(%dma_wait3A_978 : memref<80x64xbf16, #tpu.memory_space<vmem>>)
      %dma_start3A_989 = arith.constant 4 : i32
      %dma_start3A_990 = arith.constant 0 : i32
      %dma_start3A_991 = arith.constant 0 : i32
      %dma_start3A_992 = tpu.memref_slice %arg9[%dma_start3A_989, %dma_start3A_990, %dma_start3A_991] : memref<5x80x64xbf16, #tpu.memory_space<vmem>> -> memref<1x80x64xbf16, #tpu.memory_space<vmem>>
      %dma_start3A_993 = tpu.memref_squeeze %dma_start3A_992 : memref<1x80x64xbf16, #tpu.memory_space<vmem>> -> memref<80x64xbf16, #tpu.memory_space<vmem>>
      %dma_start3A_994 = arith.constant 0 : i32
      %dma_start3A_995 = tpu.memref_slice %arg8[%sub3A_973, %dma_start3A_994] : memref<250x80xi32, #tpu.memory_space<vmem>> -> memref<1x80xi32, #tpu.memory_space<vmem>>
      %dma_start3A_996 = tpu.memref_squeeze %dma_start3A_995 : memref<1x80xi32, #tpu.memory_space<vmem>> -> memref<80xi32, #tpu.memory_space<vmem>>
      %dma_start3A_997 = arith.constant 0 : i32
      %dma_start3A_998 = arith.constant 0 : i32
      %dma_start3A_999 = tpu.memref_slice %arg6[%dma_start3A_997, %dma_start3A_998] : memref<10240x64xbf16, #tpu.memory_space<vmem_shared>> -> memref<10240x64xbf16, #tpu.memory_space<vmem_shared>>
      tpu.enqueue_indirect_dma source(%dma_start3A_993 : memref<80x64xbf16, #tpu.memory_space<vmem>>) target(%dma_start3A_999 : memref<10240x64xbf16, #tpu.memory_space<vmem_shared>>) offsets(%dma_start3A_996 : memref<80xi32, #tpu.memory_space<vmem>>) semaphore(%arg25 : memref<!tpu.dma_semaphore, #tpu.memory_space<semaphore_mem>>) {add = true}
      %dma_wait3A_1000 = arith.constant 4 : i32
      %dma_wait3A_1001 = arith.constant 0 : i32
      %dma_wait3A_1002 = arith.constant 0 : i32
      %dma_wait3A_1003 = tpu.memref_slice %arg10[%dma_wait3A_1000, %dma_wait3A_1001, %dma_wait3A_1002] : memref<5x80x64xbf16, #tpu.memory_space<vmem>> -> memref<1x80x64xbf16, #tpu.memory_space<vmem>>
      %dma_wait3A_1004 = tpu.memref_squeeze %dma_wait3A_1003 : memref<1x80x64xbf16, #tpu.memory_space<vmem>> -> memref<80x64xbf16, #tpu.memory_space<vmem>>
      %dma_wait3A_1005 = arith.constant 0 : i32
      %dma_wait3A_1006 = tpu.memref_slice %arg8[%sub3A_973, %dma_wait3A_1005] : memref<250x80xi32, #tpu.memory_space<vmem>> -> memref<1x80xi32, #tpu.memory_space<vmem>>
      %dma_wait3A_1007 = tpu.memref_squeeze %dma_wait3A_1006 : memref<1x80xi32, #tpu.memory_space<vmem>> -> memref<80xi32, #tpu.memory_space<vmem>>
      %dma_wait3A_1008 = arith.constant 0 : i32
      %dma_wait3A_1009 = arith.constant 0 : i32
      %dma_wait3A_1010 = tpu.memref_slice %arg2[%arg0, %dma_wait3A_1008, %dma_wait3A_1009] : memref<2x10240x64xbf16, #tpu.memory_space<hbm>> -> memref<1x10240x64xbf16, #tpu.memory_space<hbm>>
      %dma_wait3A_1011 = tpu.memref_squeeze %dma_wait3A_1010 : memref<1x10240x64xbf16, #tpu.memory_space<hbm>> -> memref<10240x64xbf16, #tpu.memory_space<hbm>>
      %dma_wait3A_1012 = arith.constant 0 : i32
      %dma_wait3A_1013 = arith.constant 0 : i32
      %dma_wait3A_1014 = tpu.memref_slice %dma_wait3A_1011[%dma_wait3A_1012, %dma_wait3A_1013] : memref<10240x64xbf16, #tpu.memory_space<hbm>> -> memref<10240x64xbf16, #tpu.memory_space<hbm>>
      tpu.wait_indirect_dma semaphore(%arg20 : memref<!tpu.dma_semaphore, #tpu.memory_space<semaphore_mem>>) src(%dma_wait3A_1014 : memref<10240x64xbf16, #tpu.memory_space<hbm>>) dst(%dma_wait3A_1004 : memref<80x64xbf16, #tpu.memory_space<vmem>>)
      %dma_start3A_1015 = arith.constant 4 : i32
      %dma_start3A_1016 = arith.constant 0 : i32
      %dma_start3A_1017 = arith.constant 0 : i32
      %dma_start3A_1018 = tpu.memref_slice %arg10[%dma_start3A_1015, %dma_start3A_1016, %dma_start3A_1017] : memref<5x80x64xbf16, #tpu.memory_space<vmem>> -> memref<1x80x64xbf16, #tpu.memory_space<vmem>>
      %dma_start3A_1019 = tpu.memref_squeeze %dma_start3A_1018 : memref<1x80x64xbf16, #tpu.memory_space<vmem>> -> memref<80x64xbf16, #tpu.memory_space<vmem>>
      %dma_start3A_1020 = arith.constant 0 : i32
      %dma_start3A_1021 = tpu.memref_slice %arg7[%sub3A_973, %dma_start3A_1020] : memref<250x80xi32, #tpu.memory_space<vmem>> -> memref<1x80xi32, #tpu.memory_space<vmem>>
      %dma_start3A_1022 = tpu.memref_squeeze %dma_start3A_1021 : memref<1x80xi32, #tpu.memory_space<vmem>> -> memref<80xi32, #tpu.memory_space<vmem>>
      %dma_start3A_1023 = arith.constant 0 : i32
      %dma_start3A_1024 = arith.constant 0 : i32
      %dma_start3A_1025 = tpu.memref_slice %arg6[%dma_start3A_1023, %dma_start3A_1024] : memref<10240x64xbf16, #tpu.memory_space<vmem_shared>> -> memref<10240x64xbf16, #tpu.memory_space<vmem_shared>>
      tpu.enqueue_indirect_dma source(%dma_start3A_1019 : memref<80x64xbf16, #tpu.memory_space<vmem>>) target(%dma_start3A_1025 : memref<10240x64xbf16, #tpu.memory_space<vmem_shared>>) offsets(%dma_start3A_1022 : memref<80xi32, #tpu.memory_space<vmem>>) semaphore(%arg30 : memref<!tpu.dma_semaphore, #tpu.memory_space<semaphore_mem>>) {add = true}
      %mul3A_1026 = arith.constant 5 : i32
      %mul3A_1027 = arith.muli %mul3A_1026, %scan3A_904 : i32
      %add3A_1028 = arith.constant 1 : i32
      %add3A_1029 = arith.addi %mul3A_1027, %add3A_1028 : i32
      %sub3A_1030 = arith.constant 5 : i32
      %sub3A_1031 = arith.subi %add3A_1029, %sub3A_1030 : i32
      %dma_wait3A_1032 = arith.constant 1 : i32
      %dma_wait3A_1033 = arith.constant 0 : i32
      %dma_wait3A_1034 = arith.constant 0 : i32
      %dma_wait3A_1035 = tpu.memref_slice %arg9[%dma_wait3A_1032, %dma_wait3A_1033, %dma_wait3A_1034] : memref<5x80x64xbf16, #tpu.memory_space<vmem>> -> memref<1x80x64xbf16, #tpu.memory_space<vmem>>
      %dma_wait3A_1036 = tpu.memref_squeeze %dma_wait3A_1035 : memref<1x80x64xbf16, #tpu.memory_space<vmem>> -> memref<80x64xbf16, #tpu.memory_space<vmem>>
      %dma_wait3A_1037 = arith.constant 0 : i32
      %dma_wait3A_1038 = tpu.memref_slice %arg8[%sub3A_1031, %dma_wait3A_1037] : memref<250x80xi32, #tpu.memory_space<vmem>> -> memref<1x80xi32, #tpu.memory_space<vmem>>
      %dma_wait3A_1039 = tpu.memref_squeeze %dma_wait3A_1038 : memref<1x80xi32, #tpu.memory_space<vmem>> -> memref<80xi32, #tpu.memory_space<vmem>>
      %dma_wait3A_1040 = arith.constant 0 : i32
      %dma_wait3A_1041 = arith.constant 0 : i32
      %dma_wait3A_1042 = tpu.memref_slice %arg6[%dma_wait3A_1040, %dma_wait3A_1041] : memref<10240x64xbf16, #tpu.memory_space<vmem_shared>> -> memref<10240x64xbf16, #tpu.memory_space<vmem_shared>>
      tpu.wait_indirect_dma semaphore(%arg22 : memref<!tpu.dma_semaphore, #tpu.memory_space<semaphore_mem>>) src(%dma_wait3A_1036 : memref<80x64xbf16, #tpu.memory_space<vmem>>) dst(%dma_wait3A_1042 : memref<10240x64xbf16, #tpu.memory_space<vmem_shared>>)
      %dma_wait3A_1043 = arith.constant 1 : i32
      %dma_wait3A_1044 = arith.constant 0 : i32
      %dma_wait3A_1045 = arith.constant 0 : i32
      %dma_wait3A_1046 = tpu.memref_slice %arg10[%dma_wait3A_1043, %dma_wait3A_1044, %dma_wait3A_1045] : memref<5x80x64xbf16, #tpu.memory_space<vmem>> -> memref<1x80x64xbf16, #tpu.memory_space<vmem>>
      %dma_wait3A_1047 = tpu.memref_squeeze %dma_wait3A_1046 : memref<1x80x64xbf16, #tpu.memory_space<vmem>> -> memref<80x64xbf16, #tpu.memory_space<vmem>>
      %dma_wait3A_1048 = arith.constant 0 : i32
      %dma_wait3A_1049 = tpu.memref_slice %arg7[%sub3A_1031, %dma_wait3A_1048] : memref<250x80xi32, #tpu.memory_space<vmem>> -> memref<1x80xi32, #tpu.memory_space<vmem>>
      %dma_wait3A_1050 = tpu.memref_squeeze %dma_wait3A_1049 : memref<1x80xi32, #tpu.memory_space<vmem>> -> memref<80xi32, #tpu.memory_space<vmem>>
      %dma_wait3A_1051 = arith.constant 0 : i32
      %dma_wait3A_1052 = arith.constant 0 : i32
      %dma_wait3A_1053 = tpu.memref_slice %arg6[%dma_wait3A_1051, %dma_wait3A_1052] : memref<10240x64xbf16, #tpu.memory_space<vmem_shared>> -> memref<10240x64xbf16, #tpu.memory_space<vmem_shared>>
      tpu.wait_indirect_dma semaphore(%arg27 : memref<!tpu.dma_semaphore, #tpu.memory_space<semaphore_mem>>) src(%dma_wait3A_1047 : memref<80x64xbf16, #tpu.memory_space<vmem>>) dst(%dma_wait3A_1053 : memref<10240x64xbf16, #tpu.memory_space<vmem_shared>>)
      %dma_wait3A_1054 = arith.constant 0 : i32
      %dma_wait3A_1055 = tpu.memref_slice %arg8[%sub3A_1031, %dma_wait3A_1054] : memref<250x80xi32, #tpu.memory_space<vmem>> -> memref<1x80xi32, #tpu.memory_space<vmem>>
      %dma_wait3A_1056 = tpu.memref_squeeze %dma_wait3A_1055 : memref<1x80xi32, #tpu.memory_space<vmem>> -> memref<80xi32, #tpu.memory_space<vmem>>
      %dma_wait3A_1057 = arith.constant 0 : i32
      %dma_wait3A_1058 = tpu.memref_slice %arg31[%dma_wait3A_1057] : memref<10240xf32, #tpu.memory_space<vmem_shared>> -> memref<10240xf32, #tpu.memory_space<vmem_shared>>
      tpu.wait_indirect_dma semaphore(%arg34 : memref<!tpu.dma_semaphore, #tpu.memory_space<semaphore_mem>>) src(%arg33 : memref<80xf32, #tpu.memory_space<vmem>>) dst(%dma_wait3A_1058 : memref<10240xf32, #tpu.memory_space<vmem_shared>>)
      %dma_start3A_1059 = arith.constant 1 : i32
      %dma_start3A_1060 = arith.constant 0 : i32
      %dma_start3A_1061 = arith.constant 0 : i32
      %dma_start3A_1062 = tpu.memref_slice %arg9[%dma_start3A_1059, %dma_start3A_1060, %dma_start3A_1061] : memref<5x80x64xbf16, #tpu.memory_space<vmem>> -> memref<1x80x64xbf16, #tpu.memory_space<vmem>>
      %dma_start3A_1063 = tpu.memref_squeeze %dma_start3A_1062 : memref<1x80x64xbf16, #tpu.memory_space<vmem>> -> memref<80x64xbf16, #tpu.memory_space<vmem>>
      %dma_start3A_1064 = arith.constant 0 : i32
      %dma_start3A_1065 = tpu.memref_slice %arg7[%add3A_1029, %dma_start3A_1064] : memref<250x80xi32, #tpu.memory_space<vmem>> -> memref<1x80xi32, #tpu.memory_space<vmem>>
      %dma_start3A_1066 = tpu.memref_squeeze %dma_start3A_1065 : memref<1x80xi32, #tpu.memory_space<vmem>> -> memref<80xi32, #tpu.memory_space<vmem>>
      %dma_start3A_1067 = arith.constant 0 : i32
      %dma_start3A_1068 = arith.constant 0 : i32
      %dma_start3A_1069 = tpu.memref_slice %arg2[%arg0, %dma_start3A_1067, %dma_start3A_1068] : memref<2x10240x64xbf16, #tpu.memory_space<hbm>> -> memref<1x10240x64xbf16, #tpu.memory_space<hbm>>
      %dma_start3A_1070 = tpu.memref_squeeze %dma_start3A_1069 : memref<1x10240x64xbf16, #tpu.memory_space<hbm>> -> memref<10240x64xbf16, #tpu.memory_space<hbm>>
      %dma_start3A_1071 = arith.constant 0 : i32
      %dma_start3A_1072 = arith.constant 0 : i32
      %dma_start3A_1073 = tpu.memref_slice %dma_start3A_1070[%dma_start3A_1071, %dma_start3A_1072] : memref<10240x64xbf16, #tpu.memory_space<hbm>> -> memref<10240x64xbf16, #tpu.memory_space<hbm>>
      tpu.enqueue_indirect_dma source(%dma_start3A_1073 : memref<10240x64xbf16, #tpu.memory_space<hbm>>) target(%dma_start3A_1063 : memref<80x64xbf16, #tpu.memory_space<vmem>>) offsets(%dma_start3A_1066 : memref<80xi32, #tpu.memory_space<vmem>>) semaphore(%arg12 : memref<!tpu.dma_semaphore, #tpu.memory_space<semaphore_mem>>)
      %dma_start3A_1074 = arith.constant 1 : i32
      %dma_start3A_1075 = arith.constant 0 : i32
      %dma_start3A_1076 = arith.constant 0 : i32
      %dma_start3A_1077 = tpu.memref_slice %arg10[%dma_start3A_1074, %dma_start3A_1075, %dma_start3A_1076] : memref<5x80x64xbf16, #tpu.memory_space<vmem>> -> memref<1x80x64xbf16, #tpu.memory_space<vmem>>
      %dma_start3A_1078 = tpu.memref_squeeze %dma_start3A_1077 : memref<1x80x64xbf16, #tpu.memory_space<vmem>> -> memref<80x64xbf16, #tpu.memory_space<vmem>>
      %dma_start3A_1079 = arith.constant 0 : i32
      %dma_start3A_1080 = tpu.memref_slice %arg8[%add3A_1029, %dma_start3A_1079] : memref<250x80xi32, #tpu.memory_space<vmem>> -> memref<1x80xi32, #tpu.memory_space<vmem>>
      %dma_start3A_1081 = tpu.memref_squeeze %dma_start3A_1080 : memref<1x80xi32, #tpu.memory_space<vmem>> -> memref<80xi32, #tpu.memory_space<vmem>>
      %dma_start3A_1082 = arith.constant 0 : i32
      %dma_start3A_1083 = arith.constant 0 : i32
      %dma_start3A_1084 = tpu.memref_slice %arg2[%arg0, %dma_start3A_1082, %dma_start3A_1083] : memref<2x10240x64xbf16, #tpu.memory_space<hbm>> -> memref<1x10240x64xbf16, #tpu.memory_space<hbm>>
      %dma_start3A_1085 = tpu.memref_squeeze %dma_start3A_1084 : memref<1x10240x64xbf16, #tpu.memory_space<hbm>> -> memref<10240x64xbf16, #tpu.memory_space<hbm>>
      %dma_start3A_1086 = arith.constant 0 : i32
      %dma_start3A_1087 = arith.constant 0 : i32
      %dma_start3A_1088 = tpu.memref_slice %dma_start3A_1085[%dma_start3A_1086, %dma_start3A_1087] : memref<10240x64xbf16, #tpu.memory_space<hbm>> -> memref<10240x64xbf16, #tpu.memory_space<hbm>>
      tpu.enqueue_indirect_dma source(%dma_start3A_1088 : memref<10240x64xbf16, #tpu.memory_space<hbm>>) target(%dma_start3A_1078 : memref<80x64xbf16, #tpu.memory_space<vmem>>) offsets(%dma_start3A_1081 : memref<80xi32, #tpu.memory_space<vmem>>) semaphore(%arg17 : memref<!tpu.dma_semaphore, #tpu.memory_space<semaphore_mem>>)
      %dma_start3A_1089 = arith.constant 0 : i32
      %dma_start3A_1090 = tpu.memref_slice %arg8[%add3A_1029, %dma_start3A_1089] : memref<250x80xi32, #tpu.memory_space<vmem>> -> memref<1x80xi32, #tpu.memory_space<vmem>>
      %dma_start3A_1091 = tpu.memref_squeeze %dma_start3A_1090 : memref<1x80xi32, #tpu.memory_space<vmem>> -> memref<80xi32, #tpu.memory_space<vmem>>
      %dma_start3A_1092 = arith.constant 0 : i32
      %dma_start3A_1093 = tpu.memref_slice %arg31[%dma_start3A_1092] : memref<10240xf32, #tpu.memory_space<vmem_shared>> -> memref<10240xf32, #tpu.memory_space<vmem_shared>>
      tpu.enqueue_indirect_dma source(%arg33 : memref<80xf32, #tpu.memory_space<vmem>>) target(%dma_start3A_1093 : memref<10240xf32, #tpu.memory_space<vmem_shared>>) offsets(%dma_start3A_1091 : memref<80xi32, #tpu.memory_space<vmem>>) semaphore(%arg34 : memref<!tpu.dma_semaphore, #tpu.memory_space<semaphore_mem>>) {add = true}
      %sub3A_1094 = arith.constant 1 : i32
      %sub3A_1095 = arith.subi %add3A_1029, %sub3A_1094 : i32
      %dma_wait3A_1096 = arith.constant 0 : i32
      %dma_wait3A_1097 = arith.constant 0 : i32
      %dma_wait3A_1098 = arith.constant 0 : i32
      %dma_wait3A_1099 = tpu.memref_slice %arg9[%dma_wait3A_1096, %dma_wait3A_1097, %dma_wait3A_1098] : memref<5x80x64xbf16, #tpu.memory_space<vmem>> -> memref<1x80x64xbf16, #tpu.memory_space<vmem>>
      %dma_wait3A_1100 = tpu.memref_squeeze %dma_wait3A_1099 : memref<1x80x64xbf16, #tpu.memory_space<vmem>> -> memref<80x64xbf16, #tpu.memory_space<vmem>>
      %dma_wait3A_1101 = arith.constant 0 : i32
      %dma_wait3A_1102 = tpu.memref_slice %arg7[%sub3A_1095, %dma_wait3A_1101] : memref<250x80xi32, #tpu.memory_space<vmem>> -> memref<1x80xi32, #tpu.memory_space<vmem>>
      %dma_wait3A_1103 = tpu.memref_squeeze %dma_wait3A_1102 : memref<1x80xi32, #tpu.memory_space<vmem>> -> memref<80xi32, #tpu.memory_space<vmem>>
      %dma_wait3A_1104 = arith.constant 0 : i32
      %dma_wait3A_1105 = arith.constant 0 : i32
      %dma_wait3A_1106 = tpu.memref_slice %arg2[%arg0, %dma_wait3A_1104, %dma_wait3A_1105] : memref<2x10240x64xbf16, #tpu.memory_space<hbm>> -> memref<1x10240x64xbf16, #tpu.memory_space<hbm>>
      %dma_wait3A_1107 = tpu.memref_squeeze %dma_wait3A_1106 : memref<1x10240x64xbf16, #tpu.memory_space<hbm>> -> memref<10240x64xbf16, #tpu.memory_space<hbm>>
      %dma_wait3A_1108 = arith.constant 0 : i32
      %dma_wait3A_1109 = arith.constant 0 : i32
      %dma_wait3A_1110 = tpu.memref_slice %dma_wait3A_1107[%dma_wait3A_1108, %dma_wait3A_1109] : memref<10240x64xbf16, #tpu.memory_space<hbm>> -> memref<10240x64xbf16, #tpu.memory_space<hbm>>
      tpu.wait_indirect_dma semaphore(%arg11 : memref<!tpu.dma_semaphore, #tpu.memory_space<semaphore_mem>>) src(%dma_wait3A_1110 : memref<10240x64xbf16, #tpu.memory_space<hbm>>) dst(%dma_wait3A_1100 : memref<80x64xbf16, #tpu.memory_space<vmem>>)
      %dma_start3A_1111 = arith.constant 0 : i32
      %dma_start3A_1112 = arith.constant 0 : i32
      %dma_start3A_1113 = arith.constant 0 : i32
      %dma_start3A_1114 = tpu.memref_slice %arg9[%dma_start3A_1111, %dma_start3A_1112, %dma_start3A_1113] : memref<5x80x64xbf16, #tpu.memory_space<vmem>> -> memref<1x80x64xbf16, #tpu.memory_space<vmem>>
      %dma_start3A_1115 = tpu.memref_squeeze %dma_start3A_1114 : memref<1x80x64xbf16, #tpu.memory_space<vmem>> -> memref<80x64xbf16, #tpu.memory_space<vmem>>
      %dma_start3A_1116 = arith.constant 0 : i32
      %dma_start3A_1117 = tpu.memref_slice %arg8[%sub3A_1095, %dma_start3A_1116] : memref<250x80xi32, #tpu.memory_space<vmem>> -> memref<1x80xi32, #tpu.memory_space<vmem>>
      %dma_start3A_1118 = tpu.memref_squeeze %dma_start3A_1117 : memref<1x80xi32, #tpu.memory_space<vmem>> -> memref<80xi32, #tpu.memory_space<vmem>>
      %dma_start3A_1119 = arith.constant 0 : i32
      %dma_start3A_1120 = arith.constant 0 : i32
      %dma_start3A_1121 = tpu.memref_slice %arg6[%dma_start3A_1119, %dma_start3A_1120] : memref<10240x64xbf16, #tpu.memory_space<vmem_shared>> -> memref<10240x64xbf16, #tpu.memory_space<vmem_shared>>
      tpu.enqueue_indirect_dma source(%dma_start3A_1115 : memref<80x64xbf16, #tpu.memory_space<vmem>>) target(%dma_start3A_1121 : memref<10240x64xbf16, #tpu.memory_space<vmem_shared>>) offsets(%dma_start3A_1118 : memref<80xi32, #tpu.memory_space<vmem>>) semaphore(%arg21 : memref<!tpu.dma_semaphore, #tpu.memory_space<semaphore_mem>>) {add = true}
      %dma_wait3A_1122 = arith.constant 0 : i32
      %dma_wait3A_1123 = arith.constant 0 : i32
      %dma_wait3A_1124 = arith.constant 0 : i32
      %dma_wait3A_1125 = tpu.memref_slice %arg10[%dma_wait3A_1122, %dma_wait3A_1123, %dma_wait3A_1124] : memref<5x80x64xbf16, #tpu.memory_space<vmem>> -> memref<1x80x64xbf16, #tpu.memory_space<vmem>>
      %dma_wait3A_1126 = tpu.memref_squeeze %dma_wait3A_1125 : memref<1x80x64xbf16, #tpu.memory_space<vmem>> -> memref<80x64xbf16, #tpu.memory_space<vmem>>
      %dma_wait3A_1127 = arith.constant 0 : i32
      %dma_wait3A_1128 = tpu.memref_slice %arg8[%sub3A_1095, %dma_wait3A_1127] : memref<250x80xi32, #tpu.memory_space<vmem>> -> memref<1x80xi32, #tpu.memory_space<vmem>>
      %dma_wait3A_1129 = tpu.memref_squeeze %dma_wait3A_1128 : memref<1x80xi32, #tpu.memory_space<vmem>> -> memref<80xi32, #tpu.memory_space<vmem>>
      %dma_wait3A_1130 = arith.constant 0 : i32
      %dma_wait3A_1131 = arith.constant 0 : i32
      %dma_wait3A_1132 = tpu.memref_slice %arg2[%arg0, %dma_wait3A_1130, %dma_wait3A_1131] : memref<2x10240x64xbf16, #tpu.memory_space<hbm>> -> memref<1x10240x64xbf16, #tpu.memory_space<hbm>>
      %dma_wait3A_1133 = tpu.memref_squeeze %dma_wait3A_1132 : memref<1x10240x64xbf16, #tpu.memory_space<hbm>> -> memref<10240x64xbf16, #tpu.memory_space<hbm>>
      %dma_wait3A_1134 = arith.constant 0 : i32
      %dma_wait3A_1135 = arith.constant 0 : i32
      %dma_wait3A_1136 = tpu.memref_slice %dma_wait3A_1133[%dma_wait3A_1134, %dma_wait3A_1135] : memref<10240x64xbf16, #tpu.memory_space<hbm>> -> memref<10240x64xbf16, #tpu.memory_space<hbm>>
      tpu.wait_indirect_dma semaphore(%arg16 : memref<!tpu.dma_semaphore, #tpu.memory_space<semaphore_mem>>) src(%dma_wait3A_1136 : memref<10240x64xbf16, #tpu.memory_space<hbm>>) dst(%dma_wait3A_1126 : memref<80x64xbf16, #tpu.memory_space<vmem>>)
      %dma_start3A_1137 = arith.constant 0 : i32
      %dma_start3A_1138 = arith.constant 0 : i32
      %dma_start3A_1139 = arith.constant 0 : i32
      %dma_start3A_1140 = tpu.memref_slice %arg10[%dma_start3A_1137, %dma_start3A_1138, %dma_start3A_1139] : memref<5x80x64xbf16, #tpu.memory_space<vmem>> -> memref<1x80x64xbf16, #tpu.memory_space<vmem>>
      %dma_start3A_1141 = tpu.memref_squeeze %dma_start3A_1140 : memref<1x80x64xbf16, #tpu.memory_space<vmem>> -> memref<80x64xbf16, #tpu.memory_space<vmem>>
      %dma_start3A_1142 = arith.constant 0 : i32
      %dma_start3A_1143 = tpu.memref_slice %arg7[%sub3A_1095, %dma_start3A_1142] : memref<250x80xi32, #tpu.memory_space<vmem>> -> memref<1x80xi32, #tpu.memory_space<vmem>>
      %dma_start3A_1144 = tpu.memref_squeeze %dma_start3A_1143 : memref<1x80xi32, #tpu.memory_space<vmem>> -> memref<80xi32, #tpu.memory_space<vmem>>
      %dma_start3A_1145 = arith.constant 0 : i32
      %dma_start3A_1146 = arith.constant 0 : i32
      %dma_start3A_1147 = tpu.memref_slice %arg6[%dma_start3A_1145, %dma_start3A_1146] : memref<10240x64xbf16, #tpu.memory_space<vmem_shared>> -> memref<10240x64xbf16, #tpu.memory_space<vmem_shared>>
      tpu.enqueue_indirect_dma source(%dma_start3A_1141 : memref<80x64xbf16, #tpu.memory_space<vmem>>) target(%dma_start3A_1147 : memref<10240x64xbf16, #tpu.memory_space<vmem_shared>>) offsets(%dma_start3A_1144 : memref<80xi32, #tpu.memory_space<vmem>>) semaphore(%arg26 : memref<!tpu.dma_semaphore, #tpu.memory_space<semaphore_mem>>) {add = true}
      %mul3A_1148 = arith.constant 5 : i32
      %mul3A_1149 = arith.muli %mul3A_1148, %scan3A_904 : i32
      %add3A_1150 = arith.constant 2 : i32
      %add3A_1151 = arith.addi %mul3A_1149, %add3A_1150 : i32
      %sub3A_1152 = arith.constant 5 : i32
      %sub3A_1153 = arith.subi %add3A_1151, %sub3A_1152 : i32
      %dma_wait3A_1154 = arith.constant 2 : i32
      %dma_wait3A_1155 = arith.constant 0 : i32
      %dma_wait3A_1156 = arith.constant 0 : i32
      %dma_wait3A_1157 = tpu.memref_slice %arg9[%dma_wait3A_1154, %dma_wait3A_1155, %dma_wait3A_1156] : memref<5x80x64xbf16, #tpu.memory_space<vmem>> -> memref<1x80x64xbf16, #tpu.memory_space<vmem>>
      %dma_wait3A_1158 = tpu.memref_squeeze %dma_wait3A_1157 : memref<1x80x64xbf16, #tpu.memory_space<vmem>> -> memref<80x64xbf16, #tpu.memory_space<vmem>>
      %dma_wait3A_1159 = arith.constant 0 : i32
      %dma_wait3A_1160 = tpu.memref_slice %arg8[%sub3A_1153, %dma_wait3A_1159] : memref<250x80xi32, #tpu.memory_space<vmem>> -> memref<1x80xi32, #tpu.memory_space<vmem>>
      %dma_wait3A_1161 = tpu.memref_squeeze %dma_wait3A_1160 : memref<1x80xi32, #tpu.memory_space<vmem>> -> memref<80xi32, #tpu.memory_space<vmem>>
      %dma_wait3A_1162 = arith.constant 0 : i32
      %dma_wait3A_1163 = arith.constant 0 : i32
      %dma_wait3A_1164 = tpu.memref_slice %arg6[%dma_wait3A_1162, %dma_wait3A_1163] : memref<10240x64xbf16, #tpu.memory_space<vmem_shared>> -> memref<10240x64xbf16, #tpu.memory_space<vmem_shared>>
      tpu.wait_indirect_dma semaphore(%arg23 : memref<!tpu.dma_semaphore, #tpu.memory_space<semaphore_mem>>) src(%dma_wait3A_1158 : memref<80x64xbf16, #tpu.memory_space<vmem>>) dst(%dma_wait3A_1164 : memref<10240x64xbf16, #tpu.memory_space<vmem_shared>>)
      %dma_wait3A_1165 = arith.constant 2 : i32
      %dma_wait3A_1166 = arith.constant 0 : i32
      %dma_wait3A_1167 = arith.constant 0 : i32
      %dma_wait3A_1168 = tpu.memref_slice %arg10[%dma_wait3A_1165, %dma_wait3A_1166, %dma_wait3A_1167] : memref<5x80x64xbf16, #tpu.memory_space<vmem>> -> memref<1x80x64xbf16, #tpu.memory_space<vmem>>
      %dma_wait3A_1169 = tpu.memref_squeeze %dma_wait3A_1168 : memref<1x80x64xbf16, #tpu.memory_space<vmem>> -> memref<80x64xbf16, #tpu.memory_space<vmem>>
      %dma_wait3A_1170 = arith.constant 0 : i32
      %dma_wait3A_1171 = tpu.memref_slice %arg7[%sub3A_1153, %dma_wait3A_1170] : memref<250x80xi32, #tpu.memory_space<vmem>> -> memref<1x80xi32, #tpu.memory_space<vmem>>
      %dma_wait3A_1172 = tpu.memref_squeeze %dma_wait3A_1171 : memref<1x80xi32, #tpu.memory_space<vmem>> -> memref<80xi32, #tpu.memory_space<vmem>>
      %dma_wait3A_1173 = arith.constant 0 : i32
      %dma_wait3A_1174 = arith.constant 0 : i32
      %dma_wait3A_1175 = tpu.memref_slice %arg6[%dma_wait3A_1173, %dma_wait3A_1174] : memref<10240x64xbf16, #tpu.memory_space<vmem_shared>> -> memref<10240x64xbf16, #tpu.memory_space<vmem_shared>>
      tpu.wait_indirect_dma semaphore(%arg28 : memref<!tpu.dma_semaphore, #tpu.memory_space<semaphore_mem>>) src(%dma_wait3A_1169 : memref<80x64xbf16, #tpu.memory_space<vmem>>) dst(%dma_wait3A_1175 : memref<10240x64xbf16, #tpu.memory_space<vmem_shared>>)
      %dma_wait3A_1176 = arith.constant 0 : i32
      %dma_wait3A_1177 = tpu.memref_slice %arg8[%sub3A_1153, %dma_wait3A_1176] : memref<250x80xi32, #tpu.memory_space<vmem>> -> memref<1x80xi32, #tpu.memory_space<vmem>>
      %dma_wait3A_1178 = tpu.memref_squeeze %dma_wait3A_1177 : memref<1x80xi32, #tpu.memory_space<vmem>> -> memref<80xi32, #tpu.memory_space<vmem>>
      %dma_wait3A_1179 = arith.constant 0 : i32
      %dma_wait3A_1180 = tpu.memref_slice %arg31[%dma_wait3A_1179] : memref<10240xf32, #tpu.memory_space<vmem_shared>> -> memref<10240xf32, #tpu.memory_space<vmem_shared>>
      tpu.wait_indirect_dma semaphore(%arg34 : memref<!tpu.dma_semaphore, #tpu.memory_space<semaphore_mem>>) src(%arg33 : memref<80xf32, #tpu.memory_space<vmem>>) dst(%dma_wait3A_1180 : memref<10240xf32, #tpu.memory_space<vmem_shared>>)
      %dma_start3A_1181 = arith.constant 2 : i32
      %dma_start3A_1182 = arith.constant 0 : i32
      %dma_start3A_1183 = arith.constant 0 : i32
      %dma_start3A_1184 = tpu.memref_slice %arg9[%dma_start3A_1181, %dma_start3A_1182, %dma_start3A_1183] : memref<5x80x64xbf16, #tpu.memory_space<vmem>> -> memref<1x80x64xbf16, #tpu.memory_space<vmem>>
      %dma_start3A_1185 = tpu.memref_squeeze %dma_start3A_1184 : memref<1x80x64xbf16, #tpu.memory_space<vmem>> -> memref<80x64xbf16, #tpu.memory_space<vmem>>
      %dma_start3A_1186 = arith.constant 0 : i32
      %dma_start3A_1187 = tpu.memref_slice %arg7[%add3A_1151, %dma_start3A_1186] : memref<250x80xi32, #tpu.memory_space<vmem>> -> memref<1x80xi32, #tpu.memory_space<vmem>>
      %dma_start3A_1188 = tpu.memref_squeeze %dma_start3A_1187 : memref<1x80xi32, #tpu.memory_space<vmem>> -> memref<80xi32, #tpu.memory_space<vmem>>
      %dma_start3A_1189 = arith.constant 0 : i32
      %dma_start3A_1190 = arith.constant 0 : i32
      %dma_start3A_1191 = tpu.memref_slice %arg2[%arg0, %dma_start3A_1189, %dma_start3A_1190] : memref<2x10240x64xbf16, #tpu.memory_space<hbm>> -> memref<1x10240x64xbf16, #tpu.memory_space<hbm>>
      %dma_start3A_1192 = tpu.memref_squeeze %dma_start3A_1191 : memref<1x10240x64xbf16, #tpu.memory_space<hbm>> -> memref<10240x64xbf16, #tpu.memory_space<hbm>>
      %dma_start3A_1193 = arith.constant 0 : i32
      %dma_start3A_1194 = arith.constant 0 : i32
      %dma_start3A_1195 = tpu.memref_slice %dma_start3A_1192[%dma_start3A_1193, %dma_start3A_1194] : memref<10240x64xbf16, #tpu.memory_space<hbm>> -> memref<10240x64xbf16, #tpu.memory_space<hbm>>
      tpu.enqueue_indirect_dma source(%dma_start3A_1195 : memref<10240x64xbf16, #tpu.memory_space<hbm>>) target(%dma_start3A_1185 : memref<80x64xbf16, #tpu.memory_space<vmem>>) offsets(%dma_start3A_1188 : memref<80xi32, #tpu.memory_space<vmem>>) semaphore(%arg13 : memref<!tpu.dma_semaphore, #tpu.memory_space<semaphore_mem>>)
      %dma_start3A_1196 = arith.constant 2 : i32
      %dma_start3A_1197 = arith.constant 0 : i32
      %dma_start3A_1198 = arith.constant 0 : i32
      %dma_start3A_1199 = tpu.memref_slice %arg10[%dma_start3A_1196, %dma_start3A_1197, %dma_start3A_1198] : memref<5x80x64xbf16, #tpu.memory_space<vmem>> -> memref<1x80x64xbf16, #tpu.memory_space<vmem>>
      %dma_start3A_1200 = tpu.memref_squeeze %dma_start3A_1199 : memref<1x80x64xbf16, #tpu.memory_space<vmem>> -> memref<80x64xbf16, #tpu.memory_space<vmem>>
      %dma_start3A_1201 = arith.constant 0 : i32
      %dma_start3A_1202 = tpu.memref_slice %arg8[%add3A_1151, %dma_start3A_1201] : memref<250x80xi32, #tpu.memory_space<vmem>> -> memref<1x80xi32, #tpu.memory_space<vmem>>
      %dma_start3A_1203 = tpu.memref_squeeze %dma_start3A_1202 : memref<1x80xi32, #tpu.memory_space<vmem>> -> memref<80xi32, #tpu.memory_space<vmem>>
      %dma_start3A_1204 = arith.constant 0 : i32
      %dma_start3A_1205 = arith.constant 0 : i32
      %dma_start3A_1206 = tpu.memref_slice %arg2[%arg0, %dma_start3A_1204, %dma_start3A_1205] : memref<2x10240x64xbf16, #tpu.memory_space<hbm>> -> memref<1x10240x64xbf16, #tpu.memory_space<hbm>>
      %dma_start3A_1207 = tpu.memref_squeeze %dma_start3A_1206 : memref<1x10240x64xbf16, #tpu.memory_space<hbm>> -> memref<10240x64xbf16, #tpu.memory_space<hbm>>
      %dma_start3A_1208 = arith.constant 0 : i32
      %dma_start3A_1209 = arith.constant 0 : i32
      %dma_start3A_1210 = tpu.memref_slice %dma_start3A_1207[%dma_start3A_1208, %dma_start3A_1209] : memref<10240x64xbf16, #tpu.memory_space<hbm>> -> memref<10240x64xbf16, #tpu.memory_space<hbm>>
      tpu.enqueue_indirect_dma source(%dma_start3A_1210 : memref<10240x64xbf16, #tpu.memory_space<hbm>>) target(%dma_start3A_1200 : memref<80x64xbf16, #tpu.memory_space<vmem>>) offsets(%dma_start3A_1203 : memref<80xi32, #tpu.memory_space<vmem>>) semaphore(%arg18 : memref<!tpu.dma_semaphore, #tpu.memory_space<semaphore_mem>>)
      %dma_start3A_1211 = arith.constant 0 : i32
      %dma_start3A_1212 = tpu.memref_slice %arg8[%add3A_1151, %dma_start3A_1211] : memref<250x80xi32, #tpu.memory_space<vmem>> -> memref<1x80xi32, #tpu.memory_space<vmem>>
      %dma_start3A_1213 = tpu.memref_squeeze %dma_start3A_1212 : memref<1x80xi32, #tpu.memory_space<vmem>> -> memref<80xi32, #tpu.memory_space<vmem>>
      %dma_start3A_1214 = arith.constant 0 : i32
      %dma_start3A_1215 = tpu.memref_slice %arg31[%dma_start3A_1214] : memref<10240xf32, #tpu.memory_space<vmem_shared>> -> memref<10240xf32, #tpu.memory_space<vmem_shared>>
      tpu.enqueue_indirect_dma source(%arg33 : memref<80xf32, #tpu.memory_space<vmem>>) target(%dma_start3A_1215 : memref<10240xf32, #tpu.memory_space<vmem_shared>>) offsets(%dma_start3A_1213 : memref<80xi32, #tpu.memory_space<vmem>>) semaphore(%arg34 : memref<!tpu.dma_semaphore, #tpu.memory_space<semaphore_mem>>) {add = true}
      %sub3A_1216 = arith.constant 1 : i32
      %sub3A_1217 = arith.subi %add3A_1151, %sub3A_1216 : i32
      %dma_wait3A_1218 = arith.constant 1 : i32
      %dma_wait3A_1219 = arith.constant 0 : i32
      %dma_wait3A_1220 = arith.constant 0 : i32
      %dma_wait3A_1221 = tpu.memref_slice %arg9[%dma_wait3A_1218, %dma_wait3A_1219, %dma_wait3A_1220] : memref<5x80x64xbf16, #tpu.memory_space<vmem>> -> memref<1x80x64xbf16, #tpu.memory_space<vmem>>
      %dma_wait3A_1222 = tpu.memref_squeeze %dma_wait3A_1221 : memref<1x80x64xbf16, #tpu.memory_space<vmem>> -> memref<80x64xbf16, #tpu.memory_space<vmem>>
      %dma_wait3A_1223 = arith.constant 0 : i32
      %dma_wait3A_1224 = tpu.memref_slice %arg7[%sub3A_1217, %dma_wait3A_1223] : memref<250x80xi32, #tpu.memory_space<vmem>> -> memref<1x80xi32, #tpu.memory_space<vmem>>
      %dma_wait3A_1225 = tpu.memref_squeeze %dma_wait3A_1224 : memref<1x80xi32, #tpu.memory_space<vmem>> -> memref<80xi32, #tpu.memory_space<vmem>>
      %dma_wait3A_1226 = arith.constant 0 : i32
      %dma_wait3A_1227 = arith.constant 0 : i32
      %dma_wait3A_1228 = tpu.memref_slice %arg2[%arg0, %dma_wait3A_1226, %dma_wait3A_1227] : memref<2x10240x64xbf16, #tpu.memory_space<hbm>> -> memref<1x10240x64xbf16, #tpu.memory_space<hbm>>
      %dma_wait3A_1229 = tpu.memref_squeeze %dma_wait3A_1228 : memref<1x10240x64xbf16, #tpu.memory_space<hbm>> -> memref<10240x64xbf16, #tpu.memory_space<hbm>>
      %dma_wait3A_1230 = arith.constant 0 : i32
      %dma_wait3A_1231 = arith.constant 0 : i32
      %dma_wait3A_1232 = tpu.memref_slice %dma_wait3A_1229[%dma_wait3A_1230, %dma_wait3A_1231] : memref<10240x64xbf16, #tpu.memory_space<hbm>> -> memref<10240x64xbf16, #tpu.memory_space<hbm>>
      tpu.wait_indirect_dma semaphore(%arg12 : memref<!tpu.dma_semaphore, #tpu.memory_space<semaphore_mem>>) src(%dma_wait3A_1232 : memref<10240x64xbf16, #tpu.memory_space<hbm>>) dst(%dma_wait3A_1222 : memref<80x64xbf16, #tpu.memory_space<vmem>>)
      %dma_start3A_1233 = arith.constant 1 : i32
      %dma_start3A_1234 = arith.constant 0 : i32
      %dma_start3A_1235 = arith.constant 0 : i32
      %dma_start3A_1236 = tpu.memref_slice %arg9[%dma_start3A_1233, %dma_start3A_1234, %dma_start3A_1235] : memref<5x80x64xbf16, #tpu.memory_space<vmem>> -> memref<1x80x64xbf16, #tpu.memory_space<vmem>>
      %dma_start3A_1237 = tpu.memref_squeeze %dma_start3A_1236 : memref<1x80x64xbf16, #tpu.memory_space<vmem>> -> memref<80x64xbf16, #tpu.memory_space<vmem>>
      %dma_start3A_1238 = arith.constant 0 : i32
      %dma_start3A_1239 = tpu.memref_slice %arg8[%sub3A_1217, %dma_start3A_1238] : memref<250x80xi32, #tpu.memory_space<vmem>> -> memref<1x80xi32, #tpu.memory_space<vmem>>
      %dma_start3A_1240 = tpu.memref_squeeze %dma_start3A_1239 : memref<1x80xi32, #tpu.memory_space<vmem>> -> memref<80xi32, #tpu.memory_space<vmem>>
      %dma_start3A_1241 = arith.constant 0 : i32
      %dma_start3A_1242 = arith.constant 0 : i32
      %dma_start3A_1243 = tpu.memref_slice %arg6[%dma_start3A_1241, %dma_start3A_1242] : memref<10240x64xbf16, #tpu.memory_space<vmem_shared>> -> memref<10240x64xbf16, #tpu.memory_space<vmem_shared>>
      tpu.enqueue_indirect_dma source(%dma_start3A_1237 : memref<80x64xbf16, #tpu.memory_space<vmem>>) target(%dma_start3A_1243 : memref<10240x64xbf16, #tpu.memory_space<vmem_shared>>) offsets(%dma_start3A_1240 : memref<80xi32, #tpu.memory_space<vmem>>) semaphore(%arg22 : memref<!tpu.dma_semaphore, #tpu.memory_space<semaphore_mem>>) {add = true}
      %dma_wait3A_1244 = arith.constant 1 : i32
      %dma_wait3A_1245 = arith.constant 0 : i32
      %dma_wait3A_1246 = arith.constant 0 : i32
      %dma_wait3A_1247 = tpu.memref_slice %arg10[%dma_wait3A_1244, %dma_wait3A_1245, %dma_wait3A_1246] : memref<5x80x64xbf16, #tpu.memory_space<vmem>> -> memref<1x80x64xbf16, #tpu.memory_space<vmem>>
      %dma_wait3A_1248 = tpu.memref_squeeze %dma_wait3A_1247 : memref<1x80x64xbf16, #tpu.memory_space<vmem>> -> memref<80x64xbf16, #tpu.memory_space<vmem>>
      %dma_wait3A_1249 = arith.constant 0 : i32
      %dma_wait3A_1250 = tpu.memref_slice %arg8[%sub3A_1217, %dma_wait3A_1249] : memref<250x80xi32, #tpu.memory_space<vmem>> -> memref<1x80xi32, #tpu.memory_space<vmem>>
      %dma_wait3A_1251 = tpu.memref_squeeze %dma_wait3A_1250 : memref<1x80xi32, #tpu.memory_space<vmem>> -> memref<80xi32, #tpu.memory_space<vmem>>
      %dma_wait3A_1252 = arith.constant 0 : i32
      %dma_wait3A_1253 = arith.constant 0 : i32
      %dma_wait3A_1254 = tpu.memref_slice %arg2[%arg0, %dma_wait3A_1252, %dma_wait3A_1253] : memref<2x10240x64xbf16, #tpu.memory_space<hbm>> -> memref<1x10240x64xbf16, #tpu.memory_space<hbm>>
      %dma_wait3A_1255 = tpu.memref_squeeze %dma_wait3A_1254 : memref<1x10240x64xbf16, #tpu.memory_space<hbm>> -> memref<10240x64xbf16, #tpu.memory_space<hbm>>
      %dma_wait3A_1256 = arith.constant 0 : i32
      %dma_wait3A_1257 = arith.constant 0 : i32
      %dma_wait3A_1258 = tpu.memref_slice %dma_wait3A_1255[%dma_wait3A_1256, %dma_wait3A_1257] : memref<10240x64xbf16, #tpu.memory_space<hbm>> -> memref<10240x64xbf16, #tpu.memory_space<hbm>>
      tpu.wait_indirect_dma semaphore(%arg17 : memref<!tpu.dma_semaphore, #tpu.memory_space<semaphore_mem>>) src(%dma_wait3A_1258 : memref<10240x64xbf16, #tpu.memory_space<hbm>>) dst(%dma_wait3A_1248 : memref<80x64xbf16, #tpu.memory_space<vmem>>)
      %dma_start3A_1259 = arith.constant 1 : i32
      %dma_start3A_1260 = arith.constant 0 : i32
      %dma_start3A_1261 = arith.constant 0 : i32
      %dma_start3A_1262 = tpu.memref_slice %arg10[%dma_start3A_1259, %dma_start3A_1260, %dma_start3A_1261] : memref<5x80x64xbf16, #tpu.memory_space<vmem>> -> memref<1x80x64xbf16, #tpu.memory_space<vmem>>
      %dma_start3A_1263 = tpu.memref_squeeze %dma_start3A_1262 : memref<1x80x64xbf16, #tpu.memory_space<vmem>> -> memref<80x64xbf16, #tpu.memory_space<vmem>>
      %dma_start3A_1264 = arith.constant 0 : i32
      %dma_start3A_1265 = tpu.memref_slice %arg7[%sub3A_1217, %dma_start3A_1264] : memref<250x80xi32, #tpu.memory_space<vmem>> -> memref<1x80xi32, #tpu.memory_space<vmem>>
      %dma_start3A_1266 = tpu.memref_squeeze %dma_start3A_1265 : memref<1x80xi32, #tpu.memory_space<vmem>> -> memref<80xi32, #tpu.memory_space<vmem>>
      %dma_start3A_1267 = arith.constant 0 : i32
      %dma_start3A_1268 = arith.constant 0 : i32
      %dma_start3A_1269 = tpu.memref_slice %arg6[%dma_start3A_1267, %dma_start3A_1268] : memref<10240x64xbf16, #tpu.memory_space<vmem_shared>> -> memref<10240x64xbf16, #tpu.memory_space<vmem_shared>>
      tpu.enqueue_indirect_dma source(%dma_start3A_1263 : memref<80x64xbf16, #tpu.memory_space<vmem>>) target(%dma_start3A_1269 : memref<10240x64xbf16, #tpu.memory_space<vmem_shared>>) offsets(%dma_start3A_1266 : memref<80xi32, #tpu.memory_space<vmem>>) semaphore(%arg27 : memref<!tpu.dma_semaphore, #tpu.memory_space<semaphore_mem>>) {add = true}
      %mul3A_1270 = arith.constant 5 : i32
      %mul3A_1271 = arith.muli %mul3A_1270, %scan3A_904 : i32
      %add3A_1272 = arith.constant 3 : i32
      %add3A_1273 = arith.addi %mul3A_1271, %add3A_1272 : i32
      %sub3A_1274 = arith.constant 5 : i32
      %sub3A_1275 = arith.subi %add3A_1273, %sub3A_1274 : i32
      %dma_wait3A_1276 = arith.constant 3 : i32
      %dma_wait3A_1277 = arith.constant 0 : i32
      %dma_wait3A_1278 = arith.constant 0 : i32
      %dma_wait3A_1279 = tpu.memref_slice %arg9[%dma_wait3A_1276, %dma_wait3A_1277, %dma_wait3A_1278] : memref<5x80x64xbf16, #tpu.memory_space<vmem>> -> memref<1x80x64xbf16, #tpu.memory_space<vmem>>
      %dma_wait3A_1280 = tpu.memref_squeeze %dma_wait3A_1279 : memref<1x80x64xbf16, #tpu.memory_space<vmem>> -> memref<80x64xbf16, #tpu.memory_space<vmem>>
      %dma_wait3A_1281 = arith.constant 0 : i32
      %dma_wait3A_1282 = tpu.memref_slice %arg8[%sub3A_1275, %dma_wait3A_1281] : memref<250x80xi32, #tpu.memory_space<vmem>> -> memref<1x80xi32, #tpu.memory_space<vmem>>
      %dma_wait3A_1283 = tpu.memref_squeeze %dma_wait3A_1282 : memref<1x80xi32, #tpu.memory_space<vmem>> -> memref<80xi32, #tpu.memory_space<vmem>>
      %dma_wait3A_1284 = arith.constant 0 : i32
      %dma_wait3A_1285 = arith.constant 0 : i32
      %dma_wait3A_1286 = tpu.memref_slice %arg6[%dma_wait3A_1284, %dma_wait3A_1285] : memref<10240x64xbf16, #tpu.memory_space<vmem_shared>> -> memref<10240x64xbf16, #tpu.memory_space<vmem_shared>>
      tpu.wait_indirect_dma semaphore(%arg24 : memref<!tpu.dma_semaphore, #tpu.memory_space<semaphore_mem>>) src(%dma_wait3A_1280 : memref<80x64xbf16, #tpu.memory_space<vmem>>) dst(%dma_wait3A_1286 : memref<10240x64xbf16, #tpu.memory_space<vmem_shared>>)
      %dma_wait3A_1287 = arith.constant 3 : i32
      %dma_wait3A_1288 = arith.constant 0 : i32
      %dma_wait3A_1289 = arith.constant 0 : i32
      %dma_wait3A_1290 = tpu.memref_slice %arg10[%dma_wait3A_1287, %dma_wait3A_1288, %dma_wait3A_1289] : memref<5x80x64xbf16, #tpu.memory_space<vmem>> -> memref<1x80x64xbf16, #tpu.memory_space<vmem>>
      %dma_wait3A_1291 = tpu.memref_squeeze %dma_wait3A_1290 : memref<1x80x64xbf16, #tpu.memory_space<vmem>> -> memref<80x64xbf16, #tpu.memory_space<vmem>>
      %dma_wait3A_1292 = arith.constant 0 : i32
      %dma_wait3A_1293 = tpu.memref_slice %arg7[%sub3A_1275, %dma_wait3A_1292] : memref<250x80xi32, #tpu.memory_space<vmem>> -> memref<1x80xi32, #tpu.memory_space<vmem>>
      %dma_wait3A_1294 = tpu.memref_squeeze %dma_wait3A_1293 : memref<1x80xi32, #tpu.memory_space<vmem>> -> memref<80xi32, #tpu.memory_space<vmem>>
      %dma_wait3A_1295 = arith.constant 0 : i32
      %dma_wait3A_1296 = arith.constant 0 : i32
      %dma_wait3A_1297 = tpu.memref_slice %arg6[%dma_wait3A_1295, %dma_wait3A_1296] : memref<10240x64xbf16, #tpu.memory_space<vmem_shared>> -> memref<10240x64xbf16, #tpu.memory_space<vmem_shared>>
      tpu.wait_indirect_dma semaphore(%arg29 : memref<!tpu.dma_semaphore, #tpu.memory_space<semaphore_mem>>) src(%dma_wait3A_1291 : memref<80x64xbf16, #tpu.memory_space<vmem>>) dst(%dma_wait3A_1297 : memref<10240x64xbf16, #tpu.memory_space<vmem_shared>>)
      %dma_wait3A_1298 = arith.constant 0 : i32
      %dma_wait3A_1299 = tpu.memref_slice %arg8[%sub3A_1275, %dma_wait3A_1298] : memref<250x80xi32, #tpu.memory_space<vmem>> -> memref<1x80xi32, #tpu.memory_space<vmem>>
      %dma_wait3A_1300 = tpu.memref_squeeze %dma_wait3A_1299 : memref<1x80xi32, #tpu.memory_space<vmem>> -> memref<80xi32, #tpu.memory_space<vmem>>
      %dma_wait3A_1301 = arith.constant 0 : i32
      %dma_wait3A_1302 = tpu.memref_slice %arg31[%dma_wait3A_1301] : memref<10240xf32, #tpu.memory_space<vmem_shared>> -> memref<10240xf32, #tpu.memory_space<vmem_shared>>
      tpu.wait_indirect_dma semaphore(%arg34 : memref<!tpu.dma_semaphore, #tpu.memory_space<semaphore_mem>>) src(%arg33 : memref<80xf32, #tpu.memory_space<vmem>>) dst(%dma_wait3A_1302 : memref<10240xf32, #tpu.memory_space<vmem_shared>>)
      %dma_start3A_1303 = arith.constant 3 : i32
      %dma_start3A_1304 = arith.constant 0 : i32
      %dma_start3A_1305 = arith.constant 0 : i32
      %dma_start3A_1306 = tpu.memref_slice %arg9[%dma_start3A_1303, %dma_start3A_1304, %dma_start3A_1305] : memref<5x80x64xbf16, #tpu.memory_space<vmem>> -> memref<1x80x64xbf16, #tpu.memory_space<vmem>>
      %dma_start3A_1307 = tpu.memref_squeeze %dma_start3A_1306 : memref<1x80x64xbf16, #tpu.memory_space<vmem>> -> memref<80x64xbf16, #tpu.memory_space<vmem>>
      %dma_start3A_1308 = arith.constant 0 : i32
      %dma_start3A_1309 = tpu.memref_slice %arg7[%add3A_1273, %dma_start3A_1308] : memref<250x80xi32, #tpu.memory_space<vmem>> -> memref<1x80xi32, #tpu.memory_space<vmem>>
      %dma_start3A_1310 = tpu.memref_squeeze %dma_start3A_1309 : memref<1x80xi32, #tpu.memory_space<vmem>> -> memref<80xi32, #tpu.memory_space<vmem>>
      %dma_start3A_1311 = arith.constant 0 : i32
      %dma_start3A_1312 = arith.constant 0 : i32
      %dma_start3A_1313 = tpu.memref_slice %arg2[%arg0, %dma_start3A_1311, %dma_start3A_1312] : memref<2x10240x64xbf16, #tpu.memory_space<hbm>> -> memref<1x10240x64xbf16, #tpu.memory_space<hbm>>
      %dma_start3A_1314 = tpu.memref_squeeze %dma_start3A_1313 : memref<1x10240x64xbf16, #tpu.memory_space<hbm>> -> memref<10240x64xbf16, #tpu.memory_space<hbm>>
      %dma_start3A_1315 = arith.constant 0 : i32
      %dma_start3A_1316 = arith.constant 0 : i32
      %dma_start3A_1317 = tpu.memref_slice %dma_start3A_1314[%dma_start3A_1315, %dma_start3A_1316] : memref<10240x64xbf16, #tpu.memory_space<hbm>> -> memref<10240x64xbf16, #tpu.memory_space<hbm>>
      tpu.enqueue_indirect_dma source(%dma_start3A_1317 : memref<10240x64xbf16, #tpu.memory_space<hbm>>) target(%dma_start3A_1307 : memref<80x64xbf16, #tpu.memory_space<vmem>>) offsets(%dma_start3A_1310 : memref<80xi32, #tpu.memory_space<vmem>>) semaphore(%arg14 : memref<!tpu.dma_semaphore, #tpu.memory_space<semaphore_mem>>)
      %dma_start3A_1318 = arith.constant 3 : i32
      %dma_start3A_1319 = arith.constant 0 : i32
      %dma_start3A_1320 = arith.constant 0 : i32
      %dma_start3A_1321 = tpu.memref_slice %arg10[%dma_start3A_1318, %dma_start3A_1319, %dma_start3A_1320] : memref<5x80x64xbf16, #tpu.memory_space<vmem>> -> memref<1x80x64xbf16, #tpu.memory_space<vmem>>
      %dma_start3A_1322 = tpu.memref_squeeze %dma_start3A_1321 : memref<1x80x64xbf16, #tpu.memory_space<vmem>> -> memref<80x64xbf16, #tpu.memory_space<vmem>>
      %dma_start3A_1323 = arith.constant 0 : i32
      %dma_start3A_1324 = tpu.memref_slice %arg8[%add3A_1273, %dma_start3A_1323] : memref<250x80xi32, #tpu.memory_space<vmem>> -> memref<1x80xi32, #tpu.memory_space<vmem>>
      %dma_start3A_1325 = tpu.memref_squeeze %dma_start3A_1324 : memref<1x80xi32, #tpu.memory_space<vmem>> -> memref<80xi32, #tpu.memory_space<vmem>>
      %dma_start3A_1326 = arith.constant 0 : i32
      %dma_start3A_1327 = arith.constant 0 : i32
      %dma_start3A_1328 = tpu.memref_slice %arg2[%arg0, %dma_start3A_1326, %dma_start3A_1327] : memref<2x10240x64xbf16, #tpu.memory_space<hbm>> -> memref<1x10240x64xbf16, #tpu.memory_space<hbm>>
      %dma_start3A_1329 = tpu.memref_squeeze %dma_start3A_1328 : memref<1x10240x64xbf16, #tpu.memory_space<hbm>> -> memref<10240x64xbf16, #tpu.memory_space<hbm>>
      %dma_start3A_1330 = arith.constant 0 : i32
      %dma_start3A_1331 = arith.constant 0 : i32
      %dma_start3A_1332 = tpu.memref_slice %dma_start3A_1329[%dma_start3A_1330, %dma_start3A_1331] : memref<10240x64xbf16, #tpu.memory_space<hbm>> -> memref<10240x64xbf16, #tpu.memory_space<hbm>>
      tpu.enqueue_indirect_dma source(%dma_start3A_1332 : memref<10240x64xbf16, #tpu.memory_space<hbm>>) target(%dma_start3A_1322 : memref<80x64xbf16, #tpu.memory_space<vmem>>) offsets(%dma_start3A_1325 : memref<80xi32, #tpu.memory_space<vmem>>) semaphore(%arg19 : memref<!tpu.dma_semaphore, #tpu.memory_space<semaphore_mem>>)
      %dma_start3A_1333 = arith.constant 0 : i32
      %dma_start3A_1334 = tpu.memref_slice %arg8[%add3A_1273, %dma_start3A_1333] : memref<250x80xi32, #tpu.memory_space<vmem>> -> memref<1x80xi32, #tpu.memory_space<vmem>>
      %dma_start3A_1335 = tpu.memref_squeeze %dma_start3A_1334 : memref<1x80xi32, #tpu.memory_space<vmem>> -> memref<80xi32, #tpu.memory_space<vmem>>
      %dma_start3A_1336 = arith.constant 0 : i32
      %dma_start3A_1337 = tpu.memref_slice %arg31[%dma_start3A_1336] : memref<10240xf32, #tpu.memory_space<vmem_shared>> -> memref<10240xf32, #tpu.memory_space<vmem_shared>>
      tpu.enqueue_indirect_dma source(%arg33 : memref<80xf32, #tpu.memory_space<vmem>>) target(%dma_start3A_1337 : memref<10240xf32, #tpu.memory_space<vmem_shared>>) offsets(%dma_start3A_1335 : memref<80xi32, #tpu.memory_space<vmem>>) semaphore(%arg34 : memref<!tpu.dma_semaphore, #tpu.memory_space<semaphore_mem>>) {add = true}
      %sub3A_1338 = arith.constant 1 : i32
      %sub3A_1339 = arith.subi %add3A_1273, %sub3A_1338 : i32
      %dma_wait3A_1340 = arith.constant 2 : i32
      %dma_wait3A_1341 = arith.constant 0 : i32
      %dma_wait3A_1342 = arith.constant 0 : i32
      %dma_wait3A_1343 = tpu.memref_slice %arg9[%dma_wait3A_1340, %dma_wait3A_1341, %dma_wait3A_1342] : memref<5x80x64xbf16, #tpu.memory_space<vmem>> -> memref<1x80x64xbf16, #tpu.memory_space<vmem>>
      %dma_wait3A_1344 = tpu.memref_squeeze %dma_wait3A_1343 : memref<1x80x64xbf16, #tpu.memory_space<vmem>> -> memref<80x64xbf16, #tpu.memory_space<vmem>>
      %dma_wait3A_1345 = arith.constant 0 : i32
      %dma_wait3A_1346 = tpu.memref_slice %arg7[%sub3A_1339, %dma_wait3A_1345] : memref<250x80xi32, #tpu.memory_space<vmem>> -> memref<1x80xi32, #tpu.memory_space<vmem>>
      %dma_wait3A_1347 = tpu.memref_squeeze %dma_wait3A_1346 : memref<1x80xi32, #tpu.memory_space<vmem>> -> memref<80xi32, #tpu.memory_space<vmem>>
      %dma_wait3A_1348 = arith.constant 0 : i32
      %dma_wait3A_1349 = arith.constant 0 : i32
      %dma_wait3A_1350 = tpu.memref_slice %arg2[%arg0, %dma_wait3A_1348, %dma_wait3A_1349] : memref<2x10240x64xbf16, #tpu.memory_space<hbm>> -> memref<1x10240x64xbf16, #tpu.memory_space<hbm>>
      %dma_wait3A_1351 = tpu.memref_squeeze %dma_wait3A_1350 : memref<1x10240x64xbf16, #tpu.memory_space<hbm>> -> memref<10240x64xbf16, #tpu.memory_space<hbm>>
      %dma_wait3A_1352 = arith.constant 0 : i32
      %dma_wait3A_1353 = arith.constant 0 : i32
      %dma_wait3A_1354 = tpu.memref_slice %dma_wait3A_1351[%dma_wait3A_1352, %dma_wait3A_1353] : memref<10240x64xbf16, #tpu.memory_space<hbm>> -> memref<10240x64xbf16, #tpu.memory_space<hbm>>
      tpu.wait_indirect_dma semaphore(%arg13 : memref<!tpu.dma_semaphore, #tpu.memory_space<semaphore_mem>>) src(%dma_wait3A_1354 : memref<10240x64xbf16, #tpu.memory_space<hbm>>) dst(%dma_wait3A_1344 : memref<80x64xbf16, #tpu.memory_space<vmem>>)
      %dma_start3A_1355 = arith.constant 2 : i32
      %dma_start3A_1356 = arith.constant 0 : i32
      %dma_start3A_1357 = arith.constant 0 : i32
      %dma_start3A_1358 = tpu.memref_slice %arg9[%dma_start3A_1355, %dma_start3A_1356, %dma_start3A_1357] : memref<5x80x64xbf16, #tpu.memory_space<vmem>> -> memref<1x80x64xbf16, #tpu.memory_space<vmem>>
      %dma_start3A_1359 = tpu.memref_squeeze %dma_start3A_1358 : memref<1x80x64xbf16, #tpu.memory_space<vmem>> -> memref<80x64xbf16, #tpu.memory_space<vmem>>
      %dma_start3A_1360 = arith.constant 0 : i32
      %dma_start3A_1361 = tpu.memref_slice %arg8[%sub3A_1339, %dma_start3A_1360] : memref<250x80xi32, #tpu.memory_space<vmem>> -> memref<1x80xi32, #tpu.memory_space<vmem>>
      %dma_start3A_1362 = tpu.memref_squeeze %dma_start3A_1361 : memref<1x80xi32, #tpu.memory_space<vmem>> -> memref<80xi32, #tpu.memory_space<vmem>>
      %dma_start3A_1363 = arith.constant 0 : i32
      %dma_start3A_1364 = arith.constant 0 : i32
      %dma_start3A_1365 = tpu.memref_slice %arg6[%dma_start3A_1363, %dma_start3A_1364] : memref<10240x64xbf16, #tpu.memory_space<vmem_shared>> -> memref<10240x64xbf16, #tpu.memory_space<vmem_shared>>
      tpu.enqueue_indirect_dma source(%dma_start3A_1359 : memref<80x64xbf16, #tpu.memory_space<vmem>>) target(%dma_start3A_1365 : memref<10240x64xbf16, #tpu.memory_space<vmem_shared>>) offsets(%dma_start3A_1362 : memref<80xi32, #tpu.memory_space<vmem>>) semaphore(%arg23 : memref<!tpu.dma_semaphore, #tpu.memory_space<semaphore_mem>>) {add = true}
      %dma_wait3A_1366 = arith.constant 2 : i32
      %dma_wait3A_1367 = arith.constant 0 : i32
      %dma_wait3A_1368 = arith.constant 0 : i32
      %dma_wait3A_1369 = tpu.memref_slice %arg10[%dma_wait3A_1366, %dma_wait3A_1367, %dma_wait3A_1368] : memref<5x80x64xbf16, #tpu.memory_space<vmem>> -> memref<1x80x64xbf16, #tpu.memory_space<vmem>>
      %dma_wait3A_1370 = tpu.memref_squeeze %dma_wait3A_1369 : memref<1x80x64xbf16, #tpu.memory_space<vmem>> -> memref<80x64xbf16, #tpu.memory_space<vmem>>
      %dma_wait3A_1371 = arith.constant 0 : i32
      %dma_wait3A_1372 = tpu.memref_slice %arg8[%sub3A_1339, %dma_wait3A_1371] : memref<250x80xi32, #tpu.memory_space<vmem>> -> memref<1x80xi32, #tpu.memory_space<vmem>>
      %dma_wait3A_1373 = tpu.memref_squeeze %dma_wait3A_1372 : memref<1x80xi32, #tpu.memory_space<vmem>> -> memref<80xi32, #tpu.memory_space<vmem>>
      %dma_wait3A_1374 = arith.constant 0 : i32
      %dma_wait3A_1375 = arith.constant 0 : i32
      %dma_wait3A_1376 = tpu.memref_slice %arg2[%arg0, %dma_wait3A_1374, %dma_wait3A_1375] : memref<2x10240x64xbf16, #tpu.memory_space<hbm>> -> memref<1x10240x64xbf16, #tpu.memory_space<hbm>>
      %dma_wait3A_1377 = tpu.memref_squeeze %dma_wait3A_1376 : memref<1x10240x64xbf16, #tpu.memory_space<hbm>> -> memref<10240x64xbf16, #tpu.memory_space<hbm>>
      %dma_wait3A_1378 = arith.constant 0 : i32
      %dma_wait3A_1379 = arith.constant 0 : i32
      %dma_wait3A_1380 = tpu.memref_slice %dma_wait3A_1377[%dma_wait3A_1378, %dma_wait3A_1379] : memref<10240x64xbf16, #tpu.memory_space<hbm>> -> memref<10240x64xbf16, #tpu.memory_space<hbm>>
      tpu.wait_indirect_dma semaphore(%arg18 : memref<!tpu.dma_semaphore, #tpu.memory_space<semaphore_mem>>) src(%dma_wait3A_1380 : memref<10240x64xbf16, #tpu.memory_space<hbm>>) dst(%dma_wait3A_1370 : memref<80x64xbf16, #tpu.memory_space<vmem>>)
      %dma_start3A_1381 = arith.constant 2 : i32
      %dma_start3A_1382 = arith.constant 0 : i32
      %dma_start3A_1383 = arith.constant 0 : i32
      %dma_start3A_1384 = tpu.memref_slice %arg10[%dma_start3A_1381, %dma_start3A_1382, %dma_start3A_1383] : memref<5x80x64xbf16, #tpu.memory_space<vmem>> -> memref<1x80x64xbf16, #tpu.memory_space<vmem>>
      %dma_start3A_1385 = tpu.memref_squeeze %dma_start3A_1384 : memref<1x80x64xbf16, #tpu.memory_space<vmem>> -> memref<80x64xbf16, #tpu.memory_space<vmem>>
      %dma_start3A_1386 = arith.constant 0 : i32
      %dma_start3A_1387 = tpu.memref_slice %arg7[%sub3A_1339, %dma_start3A_1386] : memref<250x80xi32, #tpu.memory_space<vmem>> -> memref<1x80xi32, #tpu.memory_space<vmem>>
      %dma_start3A_1388 = tpu.memref_squeeze %dma_start3A_1387 : memref<1x80xi32, #tpu.memory_space<vmem>> -> memref<80xi32, #tpu.memory_space<vmem>>
      %dma_start3A_1389 = arith.constant 0 : i32
      %dma_start3A_1390 = arith.constant 0 : i32
      %dma_start3A_1391 = tpu.memref_slice %arg6[%dma_start3A_1389, %dma_start3A_1390] : memref<10240x64xbf16, #tpu.memory_space<vmem_shared>> -> memref<10240x64xbf16, #tpu.memory_space<vmem_shared>>
      tpu.enqueue_indirect_dma source(%dma_start3A_1385 : memref<80x64xbf16, #tpu.memory_space<vmem>>) target(%dma_start3A_1391 : memref<10240x64xbf16, #tpu.memory_space<vmem_shared>>) offsets(%dma_start3A_1388 : memref<80xi32, #tpu.memory_space<vmem>>) semaphore(%arg28 : memref<!tpu.dma_semaphore, #tpu.memory_space<semaphore_mem>>) {add = true}
      %mul3A_1392 = arith.constant 5 : i32
      %mul3A_1393 = arith.muli %mul3A_1392, %scan3A_904 : i32
      %add3A_1394 = arith.constant 4 : i32
      %add3A_1395 = arith.addi %mul3A_1393, %add3A_1394 : i32
      %sub3A_1396 = arith.constant 5 : i32
      %sub3A_1397 = arith.subi %add3A_1395, %sub3A_1396 : i32
      %dma_wait3A_1398 = arith.constant 4 : i32
      %dma_wait3A_1399 = arith.constant 0 : i32
      %dma_wait3A_1400 = arith.constant 0 : i32
      %dma_wait3A_1401 = tpu.memref_slice %arg9[%dma_wait3A_1398, %dma_wait3A_1399, %dma_wait3A_1400] : memref<5x80x64xbf16, #tpu.memory_space<vmem>> -> memref<1x80x64xbf16, #tpu.memory_space<vmem>>
      %dma_wait3A_1402 = tpu.memref_squeeze %dma_wait3A_1401 : memref<1x80x64xbf16, #tpu.memory_space<vmem>> -> memref<80x64xbf16, #tpu.memory_space<vmem>>
      %dma_wait3A_1403 = arith.constant 0 : i32
      %dma_wait3A_1404 = tpu.memref_slice %arg8[%sub3A_1397, %dma_wait3A_1403] : memref<250x80xi32, #tpu.memory_space<vmem>> -> memref<1x80xi32, #tpu.memory_space<vmem>>
      %dma_wait3A_1405 = tpu.memref_squeeze %dma_wait3A_1404 : memref<1x80xi32, #tpu.memory_space<vmem>> -> memref<80xi32, #tpu.memory_space<vmem>>
      %dma_wait3A_1406 = arith.constant 0 : i32
      %dma_wait3A_1407 = arith.constant 0 : i32
      %dma_wait3A_1408 = tpu.memref_slice %arg6[%dma_wait3A_1406, %dma_wait3A_1407] : memref<10240x64xbf16, #tpu.memory_space<vmem_shared>> -> memref<10240x64xbf16, #tpu.memory_space<vmem_shared>>
      tpu.wait_indirect_dma semaphore(%arg25 : memref<!tpu.dma_semaphore, #tpu.memory_space<semaphore_mem>>) src(%dma_wait3A_1402 : memref<80x64xbf16, #tpu.memory_space<vmem>>) dst(%dma_wait3A_1408 : memref<10240x64xbf16, #tpu.memory_space<vmem_shared>>)
      %dma_wait3A_1409 = arith.constant 4 : i32
      %dma_wait3A_1410 = arith.constant 0 : i32
      %dma_wait3A_1411 = arith.constant 0 : i32
      %dma_wait3A_1412 = tpu.memref_slice %arg10[%dma_wait3A_1409, %dma_wait3A_1410, %dma_wait3A_1411] : memref<5x80x64xbf16, #tpu.memory_space<vmem>> -> memref<1x80x64xbf16, #tpu.memory_space<vmem>>
      %dma_wait3A_1413 = tpu.memref_squeeze %dma_wait3A_1412 : memref<1x80x64xbf16, #tpu.memory_space<vmem>> -> memref<80x64xbf16, #tpu.memory_space<vmem>>
      %dma_wait3A_1414 = arith.constant 0 : i32
      %dma_wait3A_1415 = tpu.memref_slice %arg7[%sub3A_1397, %dma_wait3A_1414] : memref<250x80xi32, #tpu.memory_space<vmem>> -> memref<1x80xi32, #tpu.memory_space<vmem>>
      %dma_wait3A_1416 = tpu.memref_squeeze %dma_wait3A_1415 : memref<1x80xi32, #tpu.memory_space<vmem>> -> memref<80xi32, #tpu.memory_space<vmem>>
      %dma_wait3A_1417 = arith.constant 0 : i32
      %dma_wait3A_1418 = arith.constant 0 : i32
      %dma_wait3A_1419 = tpu.memref_slice %arg6[%dma_wait3A_1417, %dma_wait3A_1418] : memref<10240x64xbf16, #tpu.memory_space<vmem_shared>> -> memref<10240x64xbf16, #tpu.memory_space<vmem_shared>>
      tpu.wait_indirect_dma semaphore(%arg30 : memref<!tpu.dma_semaphore, #tpu.memory_space<semaphore_mem>>) src(%dma_wait3A_1413 : memref<80x64xbf16, #tpu.memory_space<vmem>>) dst(%dma_wait3A_1419 : memref<10240x64xbf16, #tpu.memory_space<vmem_shared>>)
      %dma_wait3A_1420 = arith.constant 0 : i32
      %dma_wait3A_1421 = tpu.memref_slice %arg8[%sub3A_1397, %dma_wait3A_1420] : memref<250x80xi32, #tpu.memory_space<vmem>> -> memref<1x80xi32, #tpu.memory_space<vmem>>
      %dma_wait3A_1422 = tpu.memref_squeeze %dma_wait3A_1421 : memref<1x80xi32, #tpu.memory_space<vmem>> -> memref<80xi32, #tpu.memory_space<vmem>>
      %dma_wait3A_1423 = arith.constant 0 : i32
      %dma_wait3A_1424 = tpu.memref_slice %arg31[%dma_wait3A_1423] : memref<10240xf32, #tpu.memory_space<vmem_shared>> -> memref<10240xf32, #tpu.memory_space<vmem_shared>>
      tpu.wait_indirect_dma semaphore(%arg34 : memref<!tpu.dma_semaphore, #tpu.memory_space<semaphore_mem>>) src(%arg33 : memref<80xf32, #tpu.memory_space<vmem>>) dst(%dma_wait3A_1424 : memref<10240xf32, #tpu.memory_space<vmem_shared>>)
      %dma_start3A_1425 = arith.constant 4 : i32
      %dma_start3A_1426 = arith.constant 0 : i32
      %dma_start3A_1427 = arith.constant 0 : i32
      %dma_start3A_1428 = tpu.memref_slice %arg9[%dma_start3A_1425, %dma_start3A_1426, %dma_start3A_1427] : memref<5x80x64xbf16, #tpu.memory_space<vmem>> -> memref<1x80x64xbf16, #tpu.memory_space<vmem>>
      %dma_start3A_1429 = tpu.memref_squeeze %dma_start3A_1428 : memref<1x80x64xbf16, #tpu.memory_space<vmem>> -> memref<80x64xbf16, #tpu.memory_space<vmem>>
      %dma_start3A_1430 = arith.constant 0 : i32
      %dma_start3A_1431 = tpu.memref_slice %arg7[%add3A_1395, %dma_start3A_1430] : memref<250x80xi32, #tpu.memory_space<vmem>> -> memref<1x80xi32, #tpu.memory_space<vmem>>
      %dma_start3A_1432 = tpu.memref_squeeze %dma_start3A_1431 : memref<1x80xi32, #tpu.memory_space<vmem>> -> memref<80xi32, #tpu.memory_space<vmem>>
      %dma_start3A_1433 = arith.constant 0 : i32
      %dma_start3A_1434 = arith.constant 0 : i32
      %dma_start3A_1435 = tpu.memref_slice %arg2[%arg0, %dma_start3A_1433, %dma_start3A_1434] : memref<2x10240x64xbf16, #tpu.memory_space<hbm>> -> memref<1x10240x64xbf16, #tpu.memory_space<hbm>>
      %dma_start3A_1436 = tpu.memref_squeeze %dma_start3A_1435 : memref<1x10240x64xbf16, #tpu.memory_space<hbm>> -> memref<10240x64xbf16, #tpu.memory_space<hbm>>
      %dma_start3A_1437 = arith.constant 0 : i32
      %dma_start3A_1438 = arith.constant 0 : i32
      %dma_start3A_1439 = tpu.memref_slice %dma_start3A_1436[%dma_start3A_1437, %dma_start3A_1438] : memref<10240x64xbf16, #tpu.memory_space<hbm>> -> memref<10240x64xbf16, #tpu.memory_space<hbm>>
      tpu.enqueue_indirect_dma source(%dma_start3A_1439 : memref<10240x64xbf16, #tpu.memory_space<hbm>>) target(%dma_start3A_1429 : memref<80x64xbf16, #tpu.memory_space<vmem>>) offsets(%dma_start3A_1432 : memref<80xi32, #tpu.memory_space<vmem>>) semaphore(%arg15 : memref<!tpu.dma_semaphore, #tpu.memory_space<semaphore_mem>>)
      %dma_start3A_1440 = arith.constant 4 : i32
      %dma_start3A_1441 = arith.constant 0 : i32
      %dma_start3A_1442 = arith.constant 0 : i32
      %dma_start3A_1443 = tpu.memref_slice %arg10[%dma_start3A_1440, %dma_start3A_1441, %dma_start3A_1442] : memref<5x80x64xbf16, #tpu.memory_space<vmem>> -> memref<1x80x64xbf16, #tpu.memory_space<vmem>>
      %dma_start3A_1444 = tpu.memref_squeeze %dma_start3A_1443 : memref<1x80x64xbf16, #tpu.memory_space<vmem>> -> memref<80x64xbf16, #tpu.memory_space<vmem>>
      %dma_start3A_1445 = arith.constant 0 : i32
      %dma_start3A_1446 = tpu.memref_slice %arg8[%add3A_1395, %dma_start3A_1445] : memref<250x80xi32, #tpu.memory_space<vmem>> -> memref<1x80xi32, #tpu.memory_space<vmem>>
      %dma_start3A_1447 = tpu.memref_squeeze %dma_start3A_1446 : memref<1x80xi32, #tpu.memory_space<vmem>> -> memref<80xi32, #tpu.memory_space<vmem>>
      %dma_start3A_1448 = arith.constant 0 : i32
      %dma_start3A_1449 = arith.constant 0 : i32
      %dma_start3A_1450 = tpu.memref_slice %arg2[%arg0, %dma_start3A_1448, %dma_start3A_1449] : memref<2x10240x64xbf16, #tpu.memory_space<hbm>> -> memref<1x10240x64xbf16, #tpu.memory_space<hbm>>
      %dma_start3A_1451 = tpu.memref_squeeze %dma_start3A_1450 : memref<1x10240x64xbf16, #tpu.memory_space<hbm>> -> memref<10240x64xbf16, #tpu.memory_space<hbm>>
      %dma_start3A_1452 = arith.constant 0 : i32
      %dma_start3A_1453 = arith.constant 0 : i32
      %dma_start3A_1454 = tpu.memref_slice %dma_start3A_1451[%dma_start3A_1452, %dma_start3A_1453] : memref<10240x64xbf16, #tpu.memory_space<hbm>> -> memref<10240x64xbf16, #tpu.memory_space<hbm>>
      tpu.enqueue_indirect_dma source(%dma_start3A_1454 : memref<10240x64xbf16, #tpu.memory_space<hbm>>) target(%dma_start3A_1444 : memref<80x64xbf16, #tpu.memory_space<vmem>>) offsets(%dma_start3A_1447 : memref<80xi32, #tpu.memory_space<vmem>>) semaphore(%arg20 : memref<!tpu.dma_semaphore, #tpu.memory_space<semaphore_mem>>)
      %dma_start3A_1455 = arith.constant 0 : i32
      %dma_start3A_1456 = tpu.memref_slice %arg8[%add3A_1395, %dma_start3A_1455] : memref<250x80xi32, #tpu.memory_space<vmem>> -> memref<1x80xi32, #tpu.memory_space<vmem>>
      %dma_start3A_1457 = tpu.memref_squeeze %dma_start3A_1456 : memref<1x80xi32, #tpu.memory_space<vmem>> -> memref<80xi32, #tpu.memory_space<vmem>>
      %dma_start3A_1458 = arith.constant 0 : i32
      %dma_start3A_1459 = tpu.memref_slice %arg31[%dma_start3A_1458] : memref<10240xf32, #tpu.memory_space<vmem_shared>> -> memref<10240xf32, #tpu.memory_space<vmem_shared>>
      tpu.enqueue_indirect_dma source(%arg33 : memref<80xf32, #tpu.memory_space<vmem>>) target(%dma_start3A_1459 : memref<10240xf32, #tpu.memory_space<vmem_shared>>) offsets(%dma_start3A_1457 : memref<80xi32, #tpu.memory_space<vmem>>) semaphore(%arg34 : memref<!tpu.dma_semaphore, #tpu.memory_space<semaphore_mem>>) {add = true}
      %sub3A_1460 = arith.constant 1 : i32
      %sub3A_1461 = arith.subi %add3A_1395, %sub3A_1460 : i32
      %dma_wait3A_1462 = arith.constant 3 : i32
      %dma_wait3A_1463 = arith.constant 0 : i32
      %dma_wait3A_1464 = arith.constant 0 : i32
      %dma_wait3A_1465 = tpu.memref_slice %arg9[%dma_wait3A_1462, %dma_wait3A_1463, %dma_wait3A_1464] : memref<5x80x64xbf16, #tpu.memory_space<vmem>> -> memref<1x80x64xbf16, #tpu.memory_space<vmem>>
      %dma_wait3A_1466 = tpu.memref_squeeze %dma_wait3A_1465 : memref<1x80x64xbf16, #tpu.memory_space<vmem>> -> memref<80x64xbf16, #tpu.memory_space<vmem>>
      %dma_wait3A_1467 = arith.constant 0 : i32
      %dma_wait3A_1468 = tpu.memref_slice %arg7[%sub3A_1461, %dma_wait3A_1467] : memref<250x80xi32, #tpu.memory_space<vmem>> -> memref<1x80xi32, #tpu.memory_space<vmem>>
      %dma_wait3A_1469 = tpu.memref_squeeze %dma_wait3A_1468 : memref<1x80xi32, #tpu.memory_space<vmem>> -> memref<80xi32, #tpu.memory_space<vmem>>
      %dma_wait3A_1470 = arith.constant 0 : i32
      %dma_wait3A_1471 = arith.constant 0 : i32
      %dma_wait3A_1472 = tpu.memref_slice %arg2[%arg0, %dma_wait3A_1470, %dma_wait3A_1471] : memref<2x10240x64xbf16, #tpu.memory_space<hbm>> -> memref<1x10240x64xbf16, #tpu.memory_space<hbm>>
      %dma_wait3A_1473 = tpu.memref_squeeze %dma_wait3A_1472 : memref<1x10240x64xbf16, #tpu.memory_space<hbm>> -> memref<10240x64xbf16, #tpu.memory_space<hbm>>
      %dma_wait3A_1474 = arith.constant 0 : i32
      %dma_wait3A_1475 = arith.constant 0 : i32
      %dma_wait3A_1476 = tpu.memref_slice %dma_wait3A_1473[%dma_wait3A_1474, %dma_wait3A_1475] : memref<10240x64xbf16, #tpu.memory_space<hbm>> -> memref<10240x64xbf16, #tpu.memory_space<hbm>>
      tpu.wait_indirect_dma semaphore(%arg14 : memref<!tpu.dma_semaphore, #tpu.memory_space<semaphore_mem>>) src(%dma_wait3A_1476 : memref<10240x64xbf16, #tpu.memory_space<hbm>>) dst(%dma_wait3A_1466 : memref<80x64xbf16, #tpu.memory_space<vmem>>)
      %dma_start3A_1477 = arith.constant 3 : i32
      %dma_start3A_1478 = arith.constant 0 : i32
      %dma_start3A_1479 = arith.constant 0 : i32
      %dma_start3A_1480 = tpu.memref_slice %arg9[%dma_start3A_1477, %dma_start3A_1478, %dma_start3A_1479] : memref<5x80x64xbf16, #tpu.memory_space<vmem>> -> memref<1x80x64xbf16, #tpu.memory_space<vmem>>
      %dma_start3A_1481 = tpu.memref_squeeze %dma_start3A_1480 : memref<1x80x64xbf16, #tpu.memory_space<vmem>> -> memref<80x64xbf16, #tpu.memory_space<vmem>>
      %dma_start3A_1482 = arith.constant 0 : i32
      %dma_start3A_1483 = tpu.memref_slice %arg8[%sub3A_1461, %dma_start3A_1482] : memref<250x80xi32, #tpu.memory_space<vmem>> -> memref<1x80xi32, #tpu.memory_space<vmem>>
      %dma_start3A_1484 = tpu.memref_squeeze %dma_start3A_1483 : memref<1x80xi32, #tpu.memory_space<vmem>> -> memref<80xi32, #tpu.memory_space<vmem>>
      %dma_start3A_1485 = arith.constant 0 : i32
      %dma_start3A_1486 = arith.constant 0 : i32
      %dma_start3A_1487 = tpu.memref_slice %arg6[%dma_start3A_1485, %dma_start3A_1486] : memref<10240x64xbf16, #tpu.memory_space<vmem_shared>> -> memref<10240x64xbf16, #tpu.memory_space<vmem_shared>>
      tpu.enqueue_indirect_dma source(%dma_start3A_1481 : memref<80x64xbf16, #tpu.memory_space<vmem>>) target(%dma_start3A_1487 : memref<10240x64xbf16, #tpu.memory_space<vmem_shared>>) offsets(%dma_start3A_1484 : memref<80xi32, #tpu.memory_space<vmem>>) semaphore(%arg24 : memref<!tpu.dma_semaphore, #tpu.memory_space<semaphore_mem>>) {add = true}
      %dma_wait3A_1488 = arith.constant 3 : i32
      %dma_wait3A_1489 = arith.constant 0 : i32
      %dma_wait3A_1490 = arith.constant 0 : i32
      %dma_wait3A_1491 = tpu.memref_slice %arg10[%dma_wait3A_1488, %dma_wait3A_1489, %dma_wait3A_1490] : memref<5x80x64xbf16, #tpu.memory_space<vmem>> -> memref<1x80x64xbf16, #tpu.memory_space<vmem>>
      %dma_wait3A_1492 = tpu.memref_squeeze %dma_wait3A_1491 : memref<1x80x64xbf16, #tpu.memory_space<vmem>> -> memref<80x64xbf16, #tpu.memory_space<vmem>>
      %dma_wait3A_1493 = arith.constant 0 : i32
      %dma_wait3A_1494 = tpu.memref_slice %arg8[%sub3A_1461, %dma_wait3A_1493] : memref<250x80xi32, #tpu.memory_space<vmem>> -> memref<1x80xi32, #tpu.memory_space<vmem>>
      %dma_wait3A_1495 = tpu.memref_squeeze %dma_wait3A_1494 : memref<1x80xi32, #tpu.memory_space<vmem>> -> memref<80xi32, #tpu.memory_space<vmem>>
      %dma_wait3A_1496 = arith.constant 0 : i32
      %dma_wait3A_1497 = arith.constant 0 : i32
      %dma_wait3A_1498 = tpu.memref_slice %arg2[%arg0, %dma_wait3A_1496, %dma_wait3A_1497] : memref<2x10240x64xbf16, #tpu.memory_space<hbm>> -> memref<1x10240x64xbf16, #tpu.memory_space<hbm>>
      %dma_wait3A_1499 = tpu.memref_squeeze %dma_wait3A_1498 : memref<1x10240x64xbf16, #tpu.memory_space<hbm>> -> memref<10240x64xbf16, #tpu.memory_space<hbm>>
      %dma_wait3A_1500 = arith.constant 0 : i32
      %dma_wait3A_1501 = arith.constant 0 : i32
      %dma_wait3A_1502 = tpu.memref_slice %dma_wait3A_1499[%dma_wait3A_1500, %dma_wait3A_1501] : memref<10240x64xbf16, #tpu.memory_space<hbm>> -> memref<10240x64xbf16, #tpu.memory_space<hbm>>
      tpu.wait_indirect_dma semaphore(%arg19 : memref<!tpu.dma_semaphore, #tpu.memory_space<semaphore_mem>>) src(%dma_wait3A_1502 : memref<10240x64xbf16, #tpu.memory_space<hbm>>) dst(%dma_wait3A_1492 : memref<80x64xbf16, #tpu.memory_space<vmem>>)
      %dma_start3A_1503 = arith.constant 3 : i32
      %dma_start3A_1504 = arith.constant 0 : i32
      %dma_start3A_1505 = arith.constant 0 : i32
      %dma_start3A_1506 = tpu.memref_slice %arg10[%dma_start3A_1503, %dma_start3A_1504, %dma_start3A_1505] : memref<5x80x64xbf16, #tpu.memory_space<vmem>> -> memref<1x80x64xbf16, #tpu.memory_space<vmem>>
      %dma_start3A_1507 = tpu.memref_squeeze %dma_start3A_1506 : memref<1x80x64xbf16, #tpu.memory_space<vmem>> -> memref<80x64xbf16, #tpu.memory_space<vmem>>
      %dma_start3A_1508 = arith.constant 0 : i32
      %dma_start3A_1509 = tpu.memref_slice %arg7[%sub3A_1461, %dma_start3A_1508] : memref<250x80xi32, #tpu.memory_space<vmem>> -> memref<1x80xi32, #tpu.memory_space<vmem>>
      %dma_start3A_1510 = tpu.memref_squeeze %dma_start3A_1509 : memref<1x80xi32, #tpu.memory_space<vmem>> -> memref<80xi32, #tpu.memory_space<vmem>>
      %dma_start3A_1511 = arith.constant 0 : i32
      %dma_start3A_1512 = arith.constant 0 : i32
      %dma_start3A_1513 = tpu.memref_slice %arg6[%dma_start3A_1511, %dma_start3A_1512] : memref<10240x64xbf16, #tpu.memory_space<vmem_shared>> -> memref<10240x64xbf16, #tpu.memory_space<vmem_shared>>
      tpu.enqueue_indirect_dma source(%dma_start3A_1507 : memref<80x64xbf16, #tpu.memory_space<vmem>>) target(%dma_start3A_1513 : memref<10240x64xbf16, #tpu.memory_space<vmem_shared>>) offsets(%dma_start3A_1510 : memref<80xi32, #tpu.memory_space<vmem>>) semaphore(%arg29 : memref<!tpu.dma_semaphore, #tpu.memory_space<semaphore_mem>>) {add = true}
    }
    %scan3A_690 = arith.constant 49 : i32
    %dma_wait3A_691 = arith.constant 249 : i32
    %dma_wait3A_692 = arith.constant 4 : i32
    %dma_wait3A_693 = arith.constant 0 : i32
    %dma_wait3A_694 = arith.constant 0 : i32
    %dma_wait3A_695 = tpu.memref_slice %arg9[%dma_wait3A_692, %dma_wait3A_693, %dma_wait3A_694] : memref<5x80x64xbf16, #tpu.memory_space<vmem>> -> memref<1x80x64xbf16, #tpu.memory_space<vmem>>
    %dma_wait3A_696 = tpu.memref_squeeze %dma_wait3A_695 : memref<1x80x64xbf16, #tpu.memory_space<vmem>> -> memref<80x64xbf16, #tpu.memory_space<vmem>>
    %dma_wait3A_697 = arith.constant 0 : i32
    %dma_wait3A_698 = tpu.memref_slice %arg7[%dma_wait3A_691, %dma_wait3A_697] : memref<250x80xi32, #tpu.memory_space<vmem>> -> memref<1x80xi32, #tpu.memory_space<vmem>>
    %dma_wait3A_699 = tpu.memref_squeeze %dma_wait3A_698 : memref<1x80xi32, #tpu.memory_space<vmem>> -> memref<80xi32, #tpu.memory_space<vmem>>
    %dma_wait3A_700 = arith.constant 0 : i32
    %dma_wait3A_701 = arith.constant 0 : i32
    %dma_wait3A_702 = tpu.memref_slice %arg2[%arg0, %dma_wait3A_700, %dma_wait3A_701] : memref<2x10240x64xbf16, #tpu.memory_space<hbm>> -> memref<1x10240x64xbf16, #tpu.memory_space<hbm>>
    %dma_wait3A_703 = tpu.memref_squeeze %dma_wait3A_702 : memref<1x10240x64xbf16, #tpu.memory_space<hbm>> -> memref<10240x64xbf16, #tpu.memory_space<hbm>>
    %dma_wait3A_704 = arith.constant 0 : i32
    %dma_wait3A_705 = arith.constant 0 : i32
    %dma_wait3A_706 = tpu.memref_slice %dma_wait3A_703[%dma_wait3A_704, %dma_wait3A_705] : memref<10240x64xbf16, #tpu.memory_space<hbm>> -> memref<10240x64xbf16, #tpu.memory_space<hbm>>
    tpu.wait_indirect_dma semaphore(%arg15 : memref<!tpu.dma_semaphore, #tpu.memory_space<semaphore_mem>>) src(%dma_wait3A_706 : memref<10240x64xbf16, #tpu.memory_space<hbm>>) dst(%dma_wait3A_696 : memref<80x64xbf16, #tpu.memory_space<vmem>>)
    %dma_start3A_707 = arith.constant 4 : i32
    %dma_start3A_708 = arith.constant 249 : i32
    %dma_start3A_709 = arith.constant 0 : i32
    %dma_start3A_710 = arith.constant 0 : i32
    %dma_start3A_711 = tpu.memref_slice %arg9[%dma_start3A_707, %dma_start3A_709, %dma_start3A_710] : memref<5x80x64xbf16, #tpu.memory_space<vmem>> -> memref<1x80x64xbf16, #tpu.memory_space<vmem>>
    %dma_start3A_712 = tpu.memref_squeeze %dma_start3A_711 : memref<1x80x64xbf16, #tpu.memory_space<vmem>> -> memref<80x64xbf16, #tpu.memory_space<vmem>>
    %dma_start3A_713 = arith.constant 0 : i32
    %dma_start3A_714 = tpu.memref_slice %arg8[%dma_start3A_708, %dma_start3A_713] : memref<250x80xi32, #tpu.memory_space<vmem>> -> memref<1x80xi32, #tpu.memory_space<vmem>>
    %dma_start3A_715 = tpu.memref_squeeze %dma_start3A_714 : memref<1x80xi32, #tpu.memory_space<vmem>> -> memref<80xi32, #tpu.memory_space<vmem>>
    %dma_start3A_716 = arith.constant 0 : i32
    %dma_start3A_717 = arith.constant 0 : i32
    %dma_start3A_718 = tpu.memref_slice %arg6[%dma_start3A_716, %dma_start3A_717] : memref<10240x64xbf16, #tpu.memory_space<vmem_shared>> -> memref<10240x64xbf16, #tpu.memory_space<vmem_shared>>
    tpu.enqueue_indirect_dma source(%dma_start3A_712 : memref<80x64xbf16, #tpu.memory_space<vmem>>) target(%dma_start3A_718 : memref<10240x64xbf16, #tpu.memory_space<vmem_shared>>) offsets(%dma_start3A_715 : memref<80xi32, #tpu.memory_space<vmem>>) semaphore(%arg25 : memref<!tpu.dma_semaphore, #tpu.memory_space<semaphore_mem>>) {add = true}
    %dma_wait3A_719 = arith.constant 249 : i32
    %dma_wait3A_720 = arith.constant 4 : i32
    %dma_wait3A_721 = arith.constant 0 : i32
    %dma_wait3A_722 = arith.constant 0 : i32
    %dma_wait3A_723 = tpu.memref_slice %arg10[%dma_wait3A_720, %dma_wait3A_721, %dma_wait3A_722] : memref<5x80x64xbf16, #tpu.memory_space<vmem>> -> memref<1x80x64xbf16, #tpu.memory_space<vmem>>
    %dma_wait3A_724 = tpu.memref_squeeze %dma_wait3A_723 : memref<1x80x64xbf16, #tpu.memory_space<vmem>> -> memref<80x64xbf16, #tpu.memory_space<vmem>>
    %dma_wait3A_725 = arith.constant 0 : i32
    %dma_wait3A_726 = tpu.memref_slice %arg8[%dma_wait3A_719, %dma_wait3A_725] : memref<250x80xi32, #tpu.memory_space<vmem>> -> memref<1x80xi32, #tpu.memory_space<vmem>>
    %dma_wait3A_727 = tpu.memref_squeeze %dma_wait3A_726 : memref<1x80xi32, #tpu.memory_space<vmem>> -> memref<80xi32, #tpu.memory_space<vmem>>
    %dma_wait3A_728 = arith.constant 0 : i32
    %dma_wait3A_729 = arith.constant 0 : i32
    %dma_wait3A_730 = tpu.memref_slice %arg2[%arg0, %dma_wait3A_728, %dma_wait3A_729] : memref<2x10240x64xbf16, #tpu.memory_space<hbm>> -> memref<1x10240x64xbf16, #tpu.memory_space<hbm>>
    %dma_wait3A_731 = tpu.memref_squeeze %dma_wait3A_730 : memref<1x10240x64xbf16, #tpu.memory_space<hbm>> -> memref<10240x64xbf16, #tpu.memory_space<hbm>>
    %dma_wait3A_732 = arith.constant 0 : i32
    %dma_wait3A_733 = arith.constant 0 : i32
    %dma_wait3A_734 = tpu.memref_slice %dma_wait3A_731[%dma_wait3A_732, %dma_wait3A_733] : memref<10240x64xbf16, #tpu.memory_space<hbm>> -> memref<10240x64xbf16, #tpu.memory_space<hbm>>
    tpu.wait_indirect_dma semaphore(%arg20 : memref<!tpu.dma_semaphore, #tpu.memory_space<semaphore_mem>>) src(%dma_wait3A_734 : memref<10240x64xbf16, #tpu.memory_space<hbm>>) dst(%dma_wait3A_724 : memref<80x64xbf16, #tpu.memory_space<vmem>>)
    %dma_start3A_735 = arith.constant 4 : i32
    %dma_start3A_736 = arith.constant 249 : i32
    %dma_start3A_737 = arith.constant 0 : i32
    %dma_start3A_738 = arith.constant 0 : i32
    %dma_start3A_739 = tpu.memref_slice %arg10[%dma_start3A_735, %dma_start3A_737, %dma_start3A_738] : memref<5x80x64xbf16, #tpu.memory_space<vmem>> -> memref<1x80x64xbf16, #tpu.memory_space<vmem>>
    %dma_start3A_740 = tpu.memref_squeeze %dma_start3A_739 : memref<1x80x64xbf16, #tpu.memory_space<vmem>> -> memref<80x64xbf16, #tpu.memory_space<vmem>>
    %dma_start3A_741 = arith.constant 0 : i32
    %dma_start3A_742 = tpu.memref_slice %arg7[%dma_start3A_736, %dma_start3A_741] : memref<250x80xi32, #tpu.memory_space<vmem>> -> memref<1x80xi32, #tpu.memory_space<vmem>>
    %dma_start3A_743 = tpu.memref_squeeze %dma_start3A_742 : memref<1x80xi32, #tpu.memory_space<vmem>> -> memref<80xi32, #tpu.memory_space<vmem>>
    %dma_start3A_744 = arith.constant 0 : i32
    %dma_start3A_745 = arith.constant 0 : i32
    %dma_start3A_746 = tpu.memref_slice %arg6[%dma_start3A_744, %dma_start3A_745] : memref<10240x64xbf16, #tpu.memory_space<vmem_shared>> -> memref<10240x64xbf16, #tpu.memory_space<vmem_shared>>
    tpu.enqueue_indirect_dma source(%dma_start3A_740 : memref<80x64xbf16, #tpu.memory_space<vmem>>) target(%dma_start3A_746 : memref<10240x64xbf16, #tpu.memory_space<vmem_shared>>) offsets(%dma_start3A_743 : memref<80xi32, #tpu.memory_space<vmem>>) semaphore(%arg30 : memref<!tpu.dma_semaphore, #tpu.memory_space<semaphore_mem>>) {add = true}
    %dma_wait3A_747 = arith.constant 0 : i32
    %dma_wait3A_748 = arith.constant 245 : i32
    %dma_wait3A_749 = arith.constant 0 : i32
    %dma_wait3A_750 = arith.constant 0 : i32
    %dma_wait3A_751 = tpu.memref_slice %arg9[%dma_wait3A_747, %dma_wait3A_749, %dma_wait3A_750] : memref<5x80x64xbf16, #tpu.memory_space<vmem>> -> memref<1x80x64xbf16, #tpu.memory_space<vmem>>
    %dma_wait3A_752 = tpu.memref_squeeze %dma_wait3A_751 : memref<1x80x64xbf16, #tpu.memory_space<vmem>> -> memref<80x64xbf16, #tpu.memory_space<vmem>>
    %dma_wait3A_753 = arith.constant 0 : i32
    %dma_wait3A_754 = tpu.memref_slice %arg8[%dma_wait3A_748, %dma_wait3A_753] : memref<250x80xi32, #tpu.memory_space<vmem>> -> memref<1x80xi32, #tpu.memory_space<vmem>>
    %dma_wait3A_755 = tpu.memref_squeeze %dma_wait3A_754 : memref<1x80xi32, #tpu.memory_space<vmem>> -> memref<80xi32, #tpu.memory_space<vmem>>
    %dma_wait3A_756 = arith.constant 0 : i32
    %dma_wait3A_757 = arith.constant 0 : i32
    %dma_wait3A_758 = tpu.memref_slice %arg6[%dma_wait3A_756, %dma_wait3A_757] : memref<10240x64xbf16, #tpu.memory_space<vmem_shared>> -> memref<10240x64xbf16, #tpu.memory_space<vmem_shared>>
    tpu.wait_indirect_dma semaphore(%arg21 : memref<!tpu.dma_semaphore, #tpu.memory_space<semaphore_mem>>) src(%dma_wait3A_752 : memref<80x64xbf16, #tpu.memory_space<vmem>>) dst(%dma_wait3A_758 : memref<10240x64xbf16, #tpu.memory_space<vmem_shared>>)
    %dma_wait3A_759 = arith.constant 0 : i32
    %dma_wait3A_760 = arith.constant 245 : i32
    %dma_wait3A_761 = arith.constant 0 : i32
    %dma_wait3A_762 = arith.constant 0 : i32
    %dma_wait3A_763 = tpu.memref_slice %arg10[%dma_wait3A_759, %dma_wait3A_761, %dma_wait3A_762] : memref<5x80x64xbf16, #tpu.memory_space<vmem>> -> memref<1x80x64xbf16, #tpu.memory_space<vmem>>
    %dma_wait3A_764 = tpu.memref_squeeze %dma_wait3A_763 : memref<1x80x64xbf16, #tpu.memory_space<vmem>> -> memref<80x64xbf16, #tpu.memory_space<vmem>>
    %dma_wait3A_765 = arith.constant 0 : i32
    %dma_wait3A_766 = tpu.memref_slice %arg7[%dma_wait3A_760, %dma_wait3A_765] : memref<250x80xi32, #tpu.memory_space<vmem>> -> memref<1x80xi32, #tpu.memory_space<vmem>>
    %dma_wait3A_767 = tpu.memref_squeeze %dma_wait3A_766 : memref<1x80xi32, #tpu.memory_space<vmem>> -> memref<80xi32, #tpu.memory_space<vmem>>
    %dma_wait3A_768 = arith.constant 0 : i32
    %dma_wait3A_769 = arith.constant 0 : i32
    %dma_wait3A_770 = tpu.memref_slice %arg6[%dma_wait3A_768, %dma_wait3A_769] : memref<10240x64xbf16, #tpu.memory_space<vmem_shared>> -> memref<10240x64xbf16, #tpu.memory_space<vmem_shared>>
    tpu.wait_indirect_dma semaphore(%arg26 : memref<!tpu.dma_semaphore, #tpu.memory_space<semaphore_mem>>) src(%dma_wait3A_764 : memref<80x64xbf16, #tpu.memory_space<vmem>>) dst(%dma_wait3A_770 : memref<10240x64xbf16, #tpu.memory_space<vmem_shared>>)
    %dma_wait3A_771 = arith.constant 245 : i32
    %dma_wait3A_772 = arith.constant 0 : i32
    %dma_wait3A_773 = tpu.memref_slice %arg8[%dma_wait3A_771, %dma_wait3A_772] : memref<250x80xi32, #tpu.memory_space<vmem>> -> memref<1x80xi32, #tpu.memory_space<vmem>>
    %dma_wait3A_774 = tpu.memref_squeeze %dma_wait3A_773 : memref<1x80xi32, #tpu.memory_space<vmem>> -> memref<80xi32, #tpu.memory_space<vmem>>
    %dma_wait3A_775 = arith.constant 0 : i32
    %dma_wait3A_776 = tpu.memref_slice %arg31[%dma_wait3A_775] : memref<10240xf32, #tpu.memory_space<vmem_shared>> -> memref<10240xf32, #tpu.memory_space<vmem_shared>>
    tpu.wait_indirect_dma semaphore(%arg34 : memref<!tpu.dma_semaphore, #tpu.memory_space<semaphore_mem>>) src(%arg33 : memref<80xf32, #tpu.memory_space<vmem>>) dst(%dma_wait3A_776 : memref<10240xf32, #tpu.memory_space<vmem_shared>>)
    %dma_wait3A_777 = arith.constant 1 : i32
    %dma_wait3A_778 = arith.constant 246 : i32
    %dma_wait3A_779 = arith.constant 0 : i32
    %dma_wait3A_780 = arith.constant 0 : i32
    %dma_wait3A_781 = tpu.memref_slice %arg9[%dma_wait3A_777, %dma_wait3A_779, %dma_wait3A_780] : memref<5x80x64xbf16, #tpu.memory_space<vmem>> -> memref<1x80x64xbf16, #tpu.memory_space<vmem>>
    %dma_wait3A_782 = tpu.memref_squeeze %dma_wait3A_781 : memref<1x80x64xbf16, #tpu.memory_space<vmem>> -> memref<80x64xbf16, #tpu.memory_space<vmem>>
    %dma_wait3A_783 = arith.constant 0 : i32
    %dma_wait3A_784 = tpu.memref_slice %arg8[%dma_wait3A_778, %dma_wait3A_783] : memref<250x80xi32, #tpu.memory_space<vmem>> -> memref<1x80xi32, #tpu.memory_space<vmem>>
    %dma_wait3A_785 = tpu.memref_squeeze %dma_wait3A_784 : memref<1x80xi32, #tpu.memory_space<vmem>> -> memref<80xi32, #tpu.memory_space<vmem>>
    %dma_wait3A_786 = arith.constant 0 : i32
    %dma_wait3A_787 = arith.constant 0 : i32
    %dma_wait3A_788 = tpu.memref_slice %arg6[%dma_wait3A_786, %dma_wait3A_787] : memref<10240x64xbf16, #tpu.memory_space<vmem_shared>> -> memref<10240x64xbf16, #tpu.memory_space<vmem_shared>>
    tpu.wait_indirect_dma semaphore(%arg22 : memref<!tpu.dma_semaphore, #tpu.memory_space<semaphore_mem>>) src(%dma_wait3A_782 : memref<80x64xbf16, #tpu.memory_space<vmem>>) dst(%dma_wait3A_788 : memref<10240x64xbf16, #tpu.memory_space<vmem_shared>>)
    %dma_wait3A_789 = arith.constant 1 : i32
    %dma_wait3A_790 = arith.constant 246 : i32
    %dma_wait3A_791 = arith.constant 0 : i32
    %dma_wait3A_792 = arith.constant 0 : i32
    %dma_wait3A_793 = tpu.memref_slice %arg10[%dma_wait3A_789, %dma_wait3A_791, %dma_wait3A_792] : memref<5x80x64xbf16, #tpu.memory_space<vmem>> -> memref<1x80x64xbf16, #tpu.memory_space<vmem>>
    %dma_wait3A_794 = tpu.memref_squeeze %dma_wait3A_793 : memref<1x80x64xbf16, #tpu.memory_space<vmem>> -> memref<80x64xbf16, #tpu.memory_space<vmem>>
    %dma_wait3A_795 = arith.constant 0 : i32
    %dma_wait3A_796 = tpu.memref_slice %arg7[%dma_wait3A_790, %dma_wait3A_795] : memref<250x80xi32, #tpu.memory_space<vmem>> -> memref<1x80xi32, #tpu.memory_space<vmem>>
    %dma_wait3A_797 = tpu.memref_squeeze %dma_wait3A_796 : memref<1x80xi32, #tpu.memory_space<vmem>> -> memref<80xi32, #tpu.memory_space<vmem>>
    %dma_wait3A_798 = arith.constant 0 : i32
    %dma_wait3A_799 = arith.constant 0 : i32
    %dma_wait3A_800 = tpu.memref_slice %arg6[%dma_wait3A_798, %dma_wait3A_799] : memref<10240x64xbf16, #tpu.memory_space<vmem_shared>> -> memref<10240x64xbf16, #tpu.memory_space<vmem_shared>>
    tpu.wait_indirect_dma semaphore(%arg27 : memref<!tpu.dma_semaphore, #tpu.memory_space<semaphore_mem>>) src(%dma_wait3A_794 : memref<80x64xbf16, #tpu.memory_space<vmem>>) dst(%dma_wait3A_800 : memref<10240x64xbf16, #tpu.memory_space<vmem_shared>>)
    %dma_wait3A_801 = arith.constant 246 : i32
    %dma_wait3A_802 = arith.constant 0 : i32
    %dma_wait3A_803 = tpu.memref_slice %arg8[%dma_wait3A_801, %dma_wait3A_802] : memref<250x80xi32, #tpu.memory_space<vmem>> -> memref<1x80xi32, #tpu.memory_space<vmem>>
    %dma_wait3A_804 = tpu.memref_squeeze %dma_wait3A_803 : memref<1x80xi32, #tpu.memory_space<vmem>> -> memref<80xi32, #tpu.memory_space<vmem>>
    %dma_wait3A_805 = arith.constant 0 : i32
    %dma_wait3A_806 = tpu.memref_slice %arg31[%dma_wait3A_805] : memref<10240xf32, #tpu.memory_space<vmem_shared>> -> memref<10240xf32, #tpu.memory_space<vmem_shared>>
    tpu.wait_indirect_dma semaphore(%arg34 : memref<!tpu.dma_semaphore, #tpu.memory_space<semaphore_mem>>) src(%arg33 : memref<80xf32, #tpu.memory_space<vmem>>) dst(%dma_wait3A_806 : memref<10240xf32, #tpu.memory_space<vmem_shared>>)
    %dma_wait3A_807 = arith.constant 2 : i32
    %dma_wait3A_808 = arith.constant 247 : i32
    %dma_wait3A_809 = arith.constant 0 : i32
    %dma_wait3A_810 = arith.constant 0 : i32
    %dma_wait3A_811 = tpu.memref_slice %arg9[%dma_wait3A_807, %dma_wait3A_809, %dma_wait3A_810] : memref<5x80x64xbf16, #tpu.memory_space<vmem>> -> memref<1x80x64xbf16, #tpu.memory_space<vmem>>
    %dma_wait3A_812 = tpu.memref_squeeze %dma_wait3A_811 : memref<1x80x64xbf16, #tpu.memory_space<vmem>> -> memref<80x64xbf16, #tpu.memory_space<vmem>>
    %dma_wait3A_813 = arith.constant 0 : i32
    %dma_wait3A_814 = tpu.memref_slice %arg8[%dma_wait3A_808, %dma_wait3A_813] : memref<250x80xi32, #tpu.memory_space<vmem>> -> memref<1x80xi32, #tpu.memory_space<vmem>>
    %dma_wait3A_815 = tpu.memref_squeeze %dma_wait3A_814 : memref<1x80xi32, #tpu.memory_space<vmem>> -> memref<80xi32, #tpu.memory_space<vmem>>
    %dma_wait3A_816 = arith.constant 0 : i32
    %dma_wait3A_817 = arith.constant 0 : i32
    %dma_wait3A_818 = tpu.memref_slice %arg6[%dma_wait3A_816, %dma_wait3A_817] : memref<10240x64xbf16, #tpu.memory_space<vmem_shared>> -> memref<10240x64xbf16, #tpu.memory_space<vmem_shared>>
    tpu.wait_indirect_dma semaphore(%arg23 : memref<!tpu.dma_semaphore, #tpu.memory_space<semaphore_mem>>) src(%dma_wait3A_812 : memref<80x64xbf16, #tpu.memory_space<vmem>>) dst(%dma_wait3A_818 : memref<10240x64xbf16, #tpu.memory_space<vmem_shared>>)
    %dma_wait3A_819 = arith.constant 2 : i32
    %dma_wait3A_820 = arith.constant 247 : i32
    %dma_wait3A_821 = arith.constant 0 : i32
    %dma_wait3A_822 = arith.constant 0 : i32
    %dma_wait3A_823 = tpu.memref_slice %arg10[%dma_wait3A_819, %dma_wait3A_821, %dma_wait3A_822] : memref<5x80x64xbf16, #tpu.memory_space<vmem>> -> memref<1x80x64xbf16, #tpu.memory_space<vmem>>
    %dma_wait3A_824 = tpu.memref_squeeze %dma_wait3A_823 : memref<1x80x64xbf16, #tpu.memory_space<vmem>> -> memref<80x64xbf16, #tpu.memory_space<vmem>>
    %dma_wait3A_825 = arith.constant 0 : i32
    %dma_wait3A_826 = tpu.memref_slice %arg7[%dma_wait3A_820, %dma_wait3A_825] : memref<250x80xi32, #tpu.memory_space<vmem>> -> memref<1x80xi32, #tpu.memory_space<vmem>>
    %dma_wait3A_827 = tpu.memref_squeeze %dma_wait3A_826 : memref<1x80xi32, #tpu.memory_space<vmem>> -> memref<80xi32, #tpu.memory_space<vmem>>
    %dma_wait3A_828 = arith.constant 0 : i32
    %dma_wait3A_829 = arith.constant 0 : i32
    %dma_wait3A_830 = tpu.memref_slice %arg6[%dma_wait3A_828, %dma_wait3A_829] : memref<10240x64xbf16, #tpu.memory_space<vmem_shared>> -> memref<10240x64xbf16, #tpu.memory_space<vmem_shared>>
    tpu.wait_indirect_dma semaphore(%arg28 : memref<!tpu.dma_semaphore, #tpu.memory_space<semaphore_mem>>) src(%dma_wait3A_824 : memref<80x64xbf16, #tpu.memory_space<vmem>>) dst(%dma_wait3A_830 : memref<10240x64xbf16, #tpu.memory_space<vmem_shared>>)
    %dma_wait3A_831 = arith.constant 247 : i32
    %dma_wait3A_832 = arith.constant 0 : i32
    %dma_wait3A_833 = tpu.memref_slice %arg8[%dma_wait3A_831, %dma_wait3A_832] : memref<250x80xi32, #tpu.memory_space<vmem>> -> memref<1x80xi32, #tpu.memory_space<vmem>>
    %dma_wait3A_834 = tpu.memref_squeeze %dma_wait3A_833 : memref<1x80xi32, #tpu.memory_space<vmem>> -> memref<80xi32, #tpu.memory_space<vmem>>
    %dma_wait3A_835 = arith.constant 0 : i32
    %dma_wait3A_836 = tpu.memref_slice %arg31[%dma_wait3A_835] : memref<10240xf32, #tpu.memory_space<vmem_shared>> -> memref<10240xf32, #tpu.memory_space<vmem_shared>>
    tpu.wait_indirect_dma semaphore(%arg34 : memref<!tpu.dma_semaphore, #tpu.memory_space<semaphore_mem>>) src(%arg33 : memref<80xf32, #tpu.memory_space<vmem>>) dst(%dma_wait3A_836 : memref<10240xf32, #tpu.memory_space<vmem_shared>>)
    %dma_wait3A_837 = arith.constant 3 : i32
    %dma_wait3A_838 = arith.constant 248 : i32
    %dma_wait3A_839 = arith.constant 0 : i32
    %dma_wait3A_840 = arith.constant 0 : i32
    %dma_wait3A_841 = tpu.memref_slice %arg9[%dma_wait3A_837, %dma_wait3A_839, %dma_wait3A_840] : memref<5x80x64xbf16, #tpu.memory_space<vmem>> -> memref<1x80x64xbf16, #tpu.memory_space<vmem>>
    %dma_wait3A_842 = tpu.memref_squeeze %dma_wait3A_841 : memref<1x80x64xbf16, #tpu.memory_space<vmem>> -> memref<80x64xbf16, #tpu.memory_space<vmem>>
    %dma_wait3A_843 = arith.constant 0 : i32
    %dma_wait3A_844 = tpu.memref_slice %arg8[%dma_wait3A_838, %dma_wait3A_843] : memref<250x80xi32, #tpu.memory_space<vmem>> -> memref<1x80xi32, #tpu.memory_space<vmem>>
    %dma_wait3A_845 = tpu.memref_squeeze %dma_wait3A_844 : memref<1x80xi32, #tpu.memory_space<vmem>> -> memref<80xi32, #tpu.memory_space<vmem>>
    %dma_wait3A_846 = arith.constant 0 : i32
    %dma_wait3A_847 = arith.constant 0 : i32
    %dma_wait3A_848 = tpu.memref_slice %arg6[%dma_wait3A_846, %dma_wait3A_847] : memref<10240x64xbf16, #tpu.memory_space<vmem_shared>> -> memref<10240x64xbf16, #tpu.memory_space<vmem_shared>>
    tpu.wait_indirect_dma semaphore(%arg24 : memref<!tpu.dma_semaphore, #tpu.memory_space<semaphore_mem>>) src(%dma_wait3A_842 : memref<80x64xbf16, #tpu.memory_space<vmem>>) dst(%dma_wait3A_848 : memref<10240x64xbf16, #tpu.memory_space<vmem_shared>>)
    %dma_wait3A_849 = arith.constant 3 : i32
    %dma_wait3A_850 = arith.constant 248 : i32
    %dma_wait3A_851 = arith.constant 0 : i32
    %dma_wait3A_852 = arith.constant 0 : i32
    %dma_wait3A_853 = tpu.memref_slice %arg10[%dma_wait3A_849, %dma_wait3A_851, %dma_wait3A_852] : memref<5x80x64xbf16, #tpu.memory_space<vmem>> -> memref<1x80x64xbf16, #tpu.memory_space<vmem>>
    %dma_wait3A_854 = tpu.memref_squeeze %dma_wait3A_853 : memref<1x80x64xbf16, #tpu.memory_space<vmem>> -> memref<80x64xbf16, #tpu.memory_space<vmem>>
    %dma_wait3A_855 = arith.constant 0 : i32
    %dma_wait3A_856 = tpu.memref_slice %arg7[%dma_wait3A_850, %dma_wait3A_855] : memref<250x80xi32, #tpu.memory_space<vmem>> -> memref<1x80xi32, #tpu.memory_space<vmem>>
    %dma_wait3A_857 = tpu.memref_squeeze %dma_wait3A_856 : memref<1x80xi32, #tpu.memory_space<vmem>> -> memref<80xi32, #tpu.memory_space<vmem>>
    %dma_wait3A_858 = arith.constant 0 : i32
    %dma_wait3A_859 = arith.constant 0 : i32
    %dma_wait3A_860 = tpu.memref_slice %arg6[%dma_wait3A_858, %dma_wait3A_859] : memref<10240x64xbf16, #tpu.memory_space<vmem_shared>> -> memref<10240x64xbf16, #tpu.memory_space<vmem_shared>>
    tpu.wait_indirect_dma semaphore(%arg29 : memref<!tpu.dma_semaphore, #tpu.memory_space<semaphore_mem>>) src(%dma_wait3A_854 : memref<80x64xbf16, #tpu.memory_space<vmem>>) dst(%dma_wait3A_860 : memref<10240x64xbf16, #tpu.memory_space<vmem_shared>>)
    %dma_wait3A_861 = arith.constant 248 : i32
    %dma_wait3A_862 = arith.constant 0 : i32
    %dma_wait3A_863 = tpu.memref_slice %arg8[%dma_wait3A_861, %dma_wait3A_862] : memref<250x80xi32, #tpu.memory_space<vmem>> -> memref<1x80xi32, #tpu.memory_space<vmem>>
    %dma_wait3A_864 = tpu.memref_squeeze %dma_wait3A_863 : memref<1x80xi32, #tpu.memory_space<vmem>> -> memref<80xi32, #tpu.memory_space<vmem>>
    %dma_wait3A_865 = arith.constant 0 : i32
    %dma_wait3A_866 = tpu.memref_slice %arg31[%dma_wait3A_865] : memref<10240xf32, #tpu.memory_space<vmem_shared>> -> memref<10240xf32, #tpu.memory_space<vmem_shared>>
    tpu.wait_indirect_dma semaphore(%arg34 : memref<!tpu.dma_semaphore, #tpu.memory_space<semaphore_mem>>) src(%arg33 : memref<80xf32, #tpu.memory_space<vmem>>) dst(%dma_wait3A_866 : memref<10240xf32, #tpu.memory_space<vmem_shared>>)
    %dma_wait3A_867 = arith.constant 4 : i32
    %dma_wait3A_868 = arith.constant 249 : i32
    %dma_wait3A_869 = arith.constant 0 : i32
    %dma_wait3A_870 = arith.constant 0 : i32
    %dma_wait3A_871 = tpu.memref_slice %arg9[%dma_wait3A_867, %dma_wait3A_869, %dma_wait3A_870] : memref<5x80x64xbf16, #tpu.memory_space<vmem>> -> memref<1x80x64xbf16, #tpu.memory_space<vmem>>
    %dma_wait3A_872 = tpu.memref_squeeze %dma_wait3A_871 : memref<1x80x64xbf16, #tpu.memory_space<vmem>> -> memref<80x64xbf16, #tpu.memory_space<vmem>>
    %dma_wait3A_873 = arith.constant 0 : i32
    %dma_wait3A_874 = tpu.memref_slice %arg8[%dma_wait3A_868, %dma_wait3A_873] : memref<250x80xi32, #tpu.memory_space<vmem>> -> memref<1x80xi32, #tpu.memory_space<vmem>>
    %dma_wait3A_875 = tpu.memref_squeeze %dma_wait3A_874 : memref<1x80xi32, #tpu.memory_space<vmem>> -> memref<80xi32, #tpu.memory_space<vmem>>
    %dma_wait3A_876 = arith.constant 0 : i32
    %dma_wait3A_877 = arith.constant 0 : i32
    %dma_wait3A_878 = tpu.memref_slice %arg6[%dma_wait3A_876, %dma_wait3A_877] : memref<10240x64xbf16, #tpu.memory_space<vmem_shared>> -> memref<10240x64xbf16, #tpu.memory_space<vmem_shared>>
    tpu.wait_indirect_dma semaphore(%arg25 : memref<!tpu.dma_semaphore, #tpu.memory_space<semaphore_mem>>) src(%dma_wait3A_872 : memref<80x64xbf16, #tpu.memory_space<vmem>>) dst(%dma_wait3A_878 : memref<10240x64xbf16, #tpu.memory_space<vmem_shared>>)
    %dma_wait3A_879 = arith.constant 4 : i32
    %dma_wait3A_880 = arith.constant 249 : i32
    %dma_wait3A_881 = arith.constant 0 : i32
    %dma_wait3A_882 = arith.constant 0 : i32
    %dma_wait3A_883 = tpu.memref_slice %arg10[%dma_wait3A_879, %dma_wait3A_881, %dma_wait3A_882] : memref<5x80x64xbf16, #tpu.memory_space<vmem>> -> memref<1x80x64xbf16, #tpu.memory_space<vmem>>
    %dma_wait3A_884 = tpu.memref_squeeze %dma_wait3A_883 : memref<1x80x64xbf16, #tpu.memory_space<vmem>> -> memref<80x64xbf16, #tpu.memory_space<vmem>>
    %dma_wait3A_885 = arith.constant 0 : i32
    %dma_wait3A_886 = tpu.memref_slice %arg7[%dma_wait3A_880, %dma_wait3A_885] : memref<250x80xi32, #tpu.memory_space<vmem>> -> memref<1x80xi32, #tpu.memory_space<vmem>>
    %dma_wait3A_887 = tpu.memref_squeeze %dma_wait3A_886 : memref<1x80xi32, #tpu.memory_space<vmem>> -> memref<80xi32, #tpu.memory_space<vmem>>
    %dma_wait3A_888 = arith.constant 0 : i32
    %dma_wait3A_889 = arith.constant 0 : i32
    %dma_wait3A_890 = tpu.memref_slice %arg6[%dma_wait3A_888, %dma_wait3A_889] : memref<10240x64xbf16, #tpu.memory_space<vmem_shared>> -> memref<10240x64xbf16, #tpu.memory_space<vmem_shared>>
    tpu.wait_indirect_dma semaphore(%arg30 : memref<!tpu.dma_semaphore, #tpu.memory_space<semaphore_mem>>) src(%dma_wait3A_884 : memref<80x64xbf16, #tpu.memory_space<vmem>>) dst(%dma_wait3A_890 : memref<10240x64xbf16, #tpu.memory_space<vmem_shared>>)
    %dma_wait3A_891 = arith.constant 249 : i32
    %dma_wait3A_892 = arith.constant 0 : i32
    %dma_wait3A_893 = tpu.memref_slice %arg8[%dma_wait3A_891, %dma_wait3A_892] : memref<250x80xi32, #tpu.memory_space<vmem>> -> memref<1x80xi32, #tpu.memory_space<vmem>>
    %dma_wait3A_894 = tpu.memref_squeeze %dma_wait3A_893 : memref<1x80xi32, #tpu.memory_space<vmem>> -> memref<80xi32, #tpu.memory_space<vmem>>
    %dma_wait3A_895 = arith.constant 0 : i32
    %dma_wait3A_896 = tpu.memref_slice %arg31[%dma_wait3A_895] : memref<10240xf32, #tpu.memory_space<vmem_shared>> -> memref<10240xf32, #tpu.memory_space<vmem_shared>>
    tpu.wait_indirect_dma semaphore(%arg34 : memref<!tpu.dma_semaphore, #tpu.memory_space<semaphore_mem>>) src(%arg33 : memref<80xf32, #tpu.memory_space<vmem>>) dst(%dma_wait3A_896 : memref<10240xf32, #tpu.memory_space<vmem_shared>>)
    %barrier3A_897 = arith.constant 0 : index
    tpu.barrier barrier_id(%barrier3A_897)
    %mul3A_898 = arith.constant 640 : i32
    %mul3A_899 = arith.muli %arg1, %mul3A_898 : i32
    %mul3A_900 = arith.constant 640 : i32
    %mul3A_901 = arith.muli %arg1, %mul3A_900 : i32
    "tpu.region"() ({
      %run_scoped3A_904 = tpu.sem_alloc : memref<!tpu.dma_semaphore, #tpu.memory_space<semaphore_mem>>
      %dma_start3A_905 = arith.constant 0 : i32
      %dma_start3A_906 = tpu.memref_slice %arg4[%arg0, %mul3A_901, %dma_start3A_905] : memref<2x10240x64xbf16, #tpu.memory_space<hbm>> -> memref<1x640x64xbf16, #tpu.memory_space<hbm>>
      %dma_start3A_907 = tpu.memref_squeeze %dma_start3A_906 : memref<1x640x64xbf16, #tpu.memory_space<hbm>> -> memref<640x64xbf16, #tpu.memory_space<hbm>>
      %dma_start3A_908 = arith.constant 0 : i32
      %dma_start3A_909 = tpu.memref_slice %arg6[%mul3A_899, %dma_start3A_908] : memref<10240x64xbf16, #tpu.memory_space<vmem_shared>> -> memref<640x64xbf16, #tpu.memory_space<vmem_shared>>
      tpu.enqueue_dma source(%dma_start3A_909 : memref<640x64xbf16, #tpu.memory_space<vmem_shared>>) target(%dma_start3A_907 : memref<640x64xbf16, #tpu.memory_space<hbm>>) target_semaphore(%run_scoped3A_904 : memref<!tpu.dma_semaphore, #tpu.memory_space<semaphore_mem>>)
      %dma_wait3A_910 = arith.constant 0 : i32
      %dma_wait3A_911 = tpu.memref_slice %arg4[%arg0, %mul3A_901, %dma_wait3A_910] : memref<2x10240x64xbf16, #tpu.memory_space<hbm>> -> memref<1x640x64xbf16, #tpu.memory_space<hbm>>
      %dma_wait3A_912 = tpu.memref_squeeze %dma_wait3A_911 : memref<1x640x64xbf16, #tpu.memory_space<hbm>> -> memref<640x64xbf16, #tpu.memory_space<hbm>>
      %dma_wait3A_913 = arith.constant 0 : i32
      %dma_wait3A_914 = tpu.memref_slice %arg6[%mul3A_899, %dma_wait3A_913] : memref<10240x64xbf16, #tpu.memory_space<vmem_shared>> -> memref<640x64xbf16, #tpu.memory_space<vmem_shared>>
      tpu.wait_dma2 semaphore(%run_scoped3A_904 : memref<!tpu.dma_semaphore, #tpu.memory_space<semaphore_mem>>) src(%dma_wait3A_914 : memref<640x64xbf16, #tpu.memory_space<vmem_shared>>) dst(%dma_wait3A_912 : memref<640x64xbf16, #tpu.memory_space<hbm>>)
      tpu.yield
    }) : () -> ()
    %mul3A_902 = arith.constant 640 : i32
    %mul3A_903 = arith.muli %arg1, %mul3A_902 : i32
    %run_scoped3A = arith.constant 0 : i32
    "tpu.region"() ({
      %run_scoped3A_904 = tpu.sem_alloc : memref<!tpu.dma_semaphore, #tpu.memory_space<semaphore_mem>>
      %dma_start3A_905 = arith.constant 0 : i32
      %dma_start3A_906 = tpu.memref_slice %arg5[%arg0, %arg1, %run_scoped3A, %dma_start3A_905] : memref<2x16x1x640xf32, #tpu.memory_space<hbm>> -> memref<1x1x1x640xf32, #tpu.memory_space<hbm>>
      %dma_start3A_907 = tpu.memref_squeeze %dma_start3A_906 : memref<1x1x1x640xf32, #tpu.memory_space<hbm>> -> memref<640xf32, #tpu.memory_space<hbm>>
      %dma_start3A_908 = tpu.memref_slice %arg31[%mul3A_903] : memref<10240xf32, #tpu.memory_space<vmem_shared>> -> memref<640xf32, #tpu.memory_space<vmem_shared>>
      tpu.enqueue_dma source(%dma_start3A_908 : memref<640xf32, #tpu.memory_space<vmem_shared>>) target(%dma_start3A_907 : memref<640xf32, #tpu.memory_space<hbm>>) target_semaphore(%run_scoped3A_904 : memref<!tpu.dma_semaphore, #tpu.memory_space<semaphore_mem>>)
      %dma_wait3A_909 = arith.constant 0 : i32
      %dma_wait3A_910 = tpu.memref_slice %arg5[%arg0, %arg1, %run_scoped3A, %dma_wait3A_909] : memref<2x16x1x640xf32, #tpu.memory_space<hbm>> -> memref<1x1x1x640xf32, #tpu.memory_space<hbm>>
      %dma_wait3A_911 = tpu.memref_squeeze %dma_wait3A_910 : memref<1x1x1x640xf32, #tpu.memory_space<hbm>> -> memref<640xf32, #tpu.memory_space<hbm>>
      %dma_wait3A_912 = tpu.memref_slice %arg31[%mul3A_903] : memref<10240xf32, #tpu.memory_space<vmem_shared>> -> memref<640xf32, #tpu.memory_space<vmem_shared>>
      tpu.wait_dma2 semaphore(%run_scoped3A_904 : memref<!tpu.dma_semaphore, #tpu.memory_space<semaphore_mem>>) src(%dma_wait3A_912 : memref<640xf32, #tpu.memory_space<vmem_shared>>) dst(%dma_wait3A_911 : memref<640xf32, #tpu.memory_space<hbm>>)
      tpu.yield
    }) : () -> ()
    return
  }
}

module attributes {stable_mosaic.version = 14 : i64} {
  func.func @_layer1_body(%arg0: memref<10240x128xf32, #tpu.memory_space<vmem>>, %arg1: memref<2x10240x64xbf16, #tpu.memory_space<vmem>>, %arg2: memref<10240x2xf32, #tpu.memory_space<vmem>>, %arg3: memref<128x128xf32, #tpu.memory_space<vmem>>, %arg4: memref<128xf32, #tpu.memory_space<vmem>>, %arg5: memref<128x128xf32, #tpu.memory_space<vmem>>, %arg6: memref<128xf32, #tpu.memory_space<vmem>>, %arg7: memref<128xf32, #tpu.memory_space<vmem>>, %arg8: memref<128xf32, #tpu.memory_space<vmem>>, %arg9: memref<10240x128xf32, #tpu.memory_space<vmem>>, %arg10: memref<2x10240x64xbf16, #tpu.memory_space<vmem>>) attributes {dimension_semantics = [], scalar_prefetch = 0 : i64, scratch_operands = 0 : i64, tpu.core_type = #tpu.core_type<tc>} {
    %get3A = arith.constant 0 : index
    %get3A_0 = arith.constant 0 : index
    %get3A_1 = vector.load %arg0[%get3A, %get3A_0] : memref<10240x128xf32, #tpu.memory_space<vmem>>, vector<10240x128xf32>
    %get3A_2 = arith.constant 0 : index
    %get3A_3 = arith.constant 0 : index
    %get3A_4 = arith.constant 0 : index
    %get3A_5 = vector.load %arg1[%get3A_2, %get3A_3, %get3A_4] : memref<2x10240x64xbf16, #tpu.memory_space<vmem>>, vector<1x10240x64xbf16>
    %get3A_6 = vector.shape_cast %get3A_5 : vector<1x10240x64xbf16> to vector<10240x64xbf16>
    %get3A_7 = arith.constant 1 : index
    %get3A_8 = arith.constant 0 : index
    %get3A_9 = arith.constant 0 : index
    %get3A_10 = vector.load %arg1[%get3A_7, %get3A_8, %get3A_9] : memref<2x10240x64xbf16, #tpu.memory_space<vmem>>, vector<1x10240x64xbf16>
    %get3A_11 = vector.shape_cast %get3A_10 : vector<1x10240x64xbf16> to vector<10240x64xbf16>
    %concatenate3A = tpu.concatenate %get3A_6, %get3A_11 in 1 : vector<10240x64xbf16>, vector<10240x64xbf16> -> vector<10240x128xbf16>
    %convert_element_type3A = arith.extf %concatenate3A : vector<10240x128xbf16> to vector<10240x128xf32>
    %get3A_12 = arith.constant 0 : index
    %get3A_13 = arith.constant 0 : index
    %get3A_14 = vector.load %arg2[%get3A_12, %get3A_13] : memref<10240x2xf32, #tpu.memory_space<vmem>>, vector<10240x1xf32>
    %get3A_15 = arith.constant 0 : index
    %get3A_16 = arith.constant 1 : index
    %get3A_17 = vector.load %arg2[%get3A_15, %get3A_16] : memref<10240x2xf32, #tpu.memory_space<vmem>>, vector<10240x1xf32>
    %add3A = arith.addf %get3A_14, %get3A_17 : vector<10240x1xf32>
    %add3A_18 = arith.constant 1.000000e+00 : f32
    %add3A_19 = vector.broadcast %add3A_18 : f32 to vector<10240x1xf32>
    %add3A_20 = arith.addf %add3A, %add3A_19 : vector<10240x1xf32>
    %get3A_21 = arith.constant 0 : index
    %get3A_22 = arith.constant 0 : index
    %get3A_23 = vector.load %arg3[%get3A_21, %get3A_22] : memref<128x128xf32, #tpu.memory_space<vmem>>, vector<128x128xf32>
    %dot_general3A = arith.constant dense<0.000000e+00> : vector<10240x128xf32>
    %dot_general3A_24 = tpu.matmul %get3A_1, %get3A_23, %dot_general3A {dimension_numbers = #tpu.dot_dimension_numbers<[1], [1], [0], [0], [0, 0, 1, 0], [], []>, transpose_lhs_hint = false} : vector<10240x128xf32>, vector<128x128xf32>, vector<10240x128xf32> -> vector<10240x128xf32>
    %div3A = vector.broadcast %add3A_20 : vector<10240x1xf32> to vector<10240x128xf32>
    %div3A_25 = arith.divf %convert_element_type3A, %div3A : vector<10240x128xf32>
    %get3A_26 = arith.constant 0 : index
    %get3A_27 = arith.constant 0 : index
    %get3A_28 = vector.load %arg5[%get3A_26, %get3A_27] : memref<128x128xf32, #tpu.memory_space<vmem>>, vector<128x128xf32>
    %dot_general3A_29 = arith.constant dense<0.000000e+00> : vector<10240x128xf32>
    %dot_general3A_30 = tpu.matmul %div3A_25, %get3A_28, %dot_general3A_29 {dimension_numbers = #tpu.dot_dimension_numbers<[1], [1], [0], [0], [0, 0, 1, 0], [], []>, transpose_lhs_hint = false} : vector<10240x128xf32>, vector<128x128xf32>, vector<10240x128xf32> -> vector<10240x128xf32>
    %add3A_31 = arith.addf %dot_general3A_24, %dot_general3A_30 : vector<10240x128xf32>
    %get3A_32 = arith.constant 0 : index
    %get3A_33 = vector.load %arg4[%get3A_32] : memref<128xf32, #tpu.memory_space<vmem>>, vector<128xf32>
    %get3A_34 = arith.constant 0 : index
    %get3A_35 = vector.load %arg6[%get3A_34] : memref<128xf32, #tpu.memory_space<vmem>>, vector<128xf32>
    %add3A_36 = arith.addf %get3A_33, %get3A_35 : vector<128xf32>
    %broadcast_in_dim3A = vector.shape_cast %add3A_36 : vector<128xf32> to vector<1x128xf32>
    %add3A_37 = vector.broadcast %broadcast_in_dim3A : vector<1x128xf32> to vector<10240x128xf32>
    %add3A_38 = arith.addf %add3A_31, %add3A_37 : vector<10240x128xf32>
    %get3A_39 = arith.constant 0 : index
    %get3A_40 = vector.load %arg7[%get3A_39] : memref<128xf32, #tpu.memory_space<vmem>>, vector<128xf32>
    %get3A_41 = arith.constant 0 : index
    %get3A_42 = vector.load %arg8[%get3A_41] : memref<128xf32, #tpu.memory_space<vmem>>, vector<128xf32>
    %iota3A = tpu.iota {dimensions = array<i32: 0>} : vector<10240x1xi32>
    %lt3A = arith.constant 10000 : i32
    %lt3A_43 = vector.broadcast %lt3A : i32 to vector<10240x1xi32>
    %lt3A_44 = arith.cmpi slt, %iota3A, %lt3A_43 : vector<10240x1xi32>
    %jit3A = arith.constant 0.000000e+00 : f32
    %broadcast_in_dim3A_45 = vector.shape_cast %lt3A_44 : vector<10240x1xi1> to vector<10240x1xi1>
    %broadcast_in_dim3A_46 = vector.broadcast %broadcast_in_dim3A_45 : vector<10240x1xi1> to vector<10240x128xi1>
    %broadcast_in_dim3A_47 = vector.broadcast %jit3A : f32 to vector<10240x128xf32>
    %select_n3A = arith.select %broadcast_in_dim3A_46, %add3A_38, %broadcast_in_dim3A_47 : vector<10240x128xi1>, vector<10240x128xf32>
    %reduce_sum3A = arith.constant dense<0.000000e+00> : vector<128xf32>
    %reduce_sum3A_48 = vector.multi_reduction <add>, %select_n3A, %reduce_sum3A [0] : vector<10240x128xf32> to vector<128xf32>
    %broadcast_in_dim3A_49 = vector.shape_cast %reduce_sum3A_48 : vector<128xf32> to vector<1x128xf32>
    %div3A_50 = arith.constant 1.000000e+04 : f32
    %div3A_51 = vector.broadcast %div3A_50 : f32 to vector<1x128xf32>
    %div3A_52 = arith.divf %broadcast_in_dim3A_49, %div3A_51 : vector<1x128xf32>
    %sub3A = vector.broadcast %div3A_52 : vector<1x128xf32> to vector<10240x128xf32>
    %sub3A_53 = arith.subf %add3A_38, %sub3A : vector<10240x128xf32>
    %jit3A_54 = arith.constant 0.000000e+00 : f32
    %broadcast_in_dim3A_55 = vector.shape_cast %lt3A_44 : vector<10240x1xi1> to vector<10240x1xi1>
    %broadcast_in_dim3A_56 = vector.broadcast %broadcast_in_dim3A_55 : vector<10240x1xi1> to vector<10240x128xi1>
    %broadcast_in_dim3A_57 = vector.broadcast %jit3A_54 : f32 to vector<10240x128xf32>
    %select_n3A_58 = arith.select %broadcast_in_dim3A_56, %sub3A_53, %broadcast_in_dim3A_57 : vector<10240x128xi1>, vector<10240x128xf32>
    %mul3A = arith.mulf %select_n3A_58, %select_n3A_58 : vector<10240x128xf32>
    %reduce_sum3A_59 = arith.constant dense<0.000000e+00> : vector<128xf32>
    %reduce_sum3A_60 = vector.multi_reduction <add>, %mul3A, %reduce_sum3A_59 [0] : vector<10240x128xf32> to vector<128xf32>
    %broadcast_in_dim3A_61 = vector.shape_cast %reduce_sum3A_60 : vector<128xf32> to vector<1x128xf32>
    %div3A_62 = arith.constant 1.000000e+04 : f32
    %div3A_63 = vector.broadcast %div3A_62 : f32 to vector<1x128xf32>
    %div3A_64 = arith.divf %broadcast_in_dim3A_61, %div3A_63 : vector<1x128xf32>
    %sub3A_65 = vector.broadcast %div3A_52 : vector<1x128xf32> to vector<10240x128xf32>
    %sub3A_66 = arith.subf %add3A_38, %sub3A_65 : vector<10240x128xf32>
    %add3A_67 = arith.constant 9.99999974E-6 : f32
    %add3A_68 = vector.broadcast %add3A_67 : f32 to vector<1x128xf32>
    %add3A_69 = arith.addf %div3A_64, %add3A_68 : vector<1x128xf32>
    %rsqrt3A = math.rsqrt %add3A_69 : vector<1x128xf32>
    %mul3A_70 = vector.broadcast %rsqrt3A : vector<1x128xf32> to vector<10240x128xf32>
    %mul3A_71 = arith.mulf %sub3A_66, %mul3A_70 : vector<10240x128xf32>
    %broadcast_in_dim3A_72 = vector.shape_cast %get3A_40 : vector<128xf32> to vector<1x128xf32>
    %mul3A_73 = vector.broadcast %broadcast_in_dim3A_72 : vector<1x128xf32> to vector<10240x128xf32>
    %mul3A_74 = arith.mulf %mul3A_71, %mul3A_73 : vector<10240x128xf32>
    %broadcast_in_dim3A_75 = vector.shape_cast %get3A_42 : vector<128xf32> to vector<1x128xf32>
    %add3A_76 = vector.broadcast %broadcast_in_dim3A_75 : vector<1x128xf32> to vector<10240x128xf32>
    %add3A_77 = arith.addf %mul3A_74, %add3A_76 : vector<10240x128xf32>
    %max3A = arith.constant 0.000000e+00 : f32
    %max3A_78 = vector.broadcast %max3A : f32 to vector<10240x128xf32>
    %max3A_79 = arith.maximumf %add3A_77, %max3A_78 : vector<10240x128xf32>
    %swap3A = arith.constant 0 : index
    %swap3A_80 = arith.constant 0 : index
    %swap3A_81 = vector.load %arg9[%swap3A, %swap3A_80] : memref<10240x128xf32, #tpu.memory_space<vmem>>, vector<10240x128xf32>
    tpu.vector_store %arg9[%swap3A, %swap3A_80], %max3A_79 {strides = array<i32>} : memref<10240x128xf32, #tpu.memory_space<vmem>>, vector<10240x128xf32>,
    %convert_element_type3A_82 = arith.truncf %max3A_79 : vector<10240x128xf32> to vector<10240x128xbf16>
    %slice3A = vector.extract_strided_slice %convert_element_type3A_82 {offsets = [0, 0], sizes = [10240, 64], strides = [1, 1]} : vector<10240x128xbf16> to vector<10240x64xbf16>
    %swap3A_83 = arith.constant 0 : index
    %swap3A_84 = arith.constant 0 : index
    %swap3A_85 = arith.constant 0 : index
    %swap3A_86 = vector.load %arg10[%swap3A_83, %swap3A_84, %swap3A_85] : memref<2x10240x64xbf16, #tpu.memory_space<vmem>>, vector<1x10240x64xbf16>
    %swap3A_87 = vector.shape_cast %swap3A_86 : vector<1x10240x64xbf16> to vector<10240x64xbf16>
    %swap3A_88 = vector.shape_cast %slice3A : vector<10240x64xbf16> to vector<1x10240x64xbf16>
    tpu.vector_store %arg10[%swap3A_83, %swap3A_84, %swap3A_85], %swap3A_88 {strides = array<i32>} : memref<2x10240x64xbf16, #tpu.memory_space<vmem>>, vector<1x10240x64xbf16>,
    %slice3A_89 = vector.extract_strided_slice %convert_element_type3A_82 {offsets = [0, 64], sizes = [10240, 64], strides = [1, 1]} : vector<10240x128xbf16> to vector<10240x64xbf16>
    %swap3A_90 = arith.constant 1 : index
    %swap3A_91 = arith.constant 0 : index
    %swap3A_92 = arith.constant 0 : index
    %swap3A_93 = vector.load %arg10[%swap3A_90, %swap3A_91, %swap3A_92] : memref<2x10240x64xbf16, #tpu.memory_space<vmem>>, vector<1x10240x64xbf16>
    %swap3A_94 = vector.shape_cast %swap3A_93 : vector<1x10240x64xbf16> to vector<10240x64xbf16>
    %swap3A_95 = vector.shape_cast %slice3A_89 : vector<10240x64xbf16> to vector<1x10240x64xbf16>
    tpu.vector_store %arg10[%swap3A_90, %swap3A_91, %swap3A_92], %swap3A_95 {strides = array<i32>} : memref<2x10240x64xbf16, #tpu.memory_space<vmem>>, vector<1x10240x64xbf16>,
    return
  }
}

module attributes {stable_mosaic.version = 14 : i64} {
  func.func @_layer2_body(%arg0: memref<10240x128xf32, #tpu.memory_space<vmem>>, %arg1: memref<2x10240x64xbf16, #tpu.memory_space<vmem>>, %arg2: memref<10240x2xf32, #tpu.memory_space<vmem>>, %arg3: memref<128x128xf32, #tpu.memory_space<vmem>>, %arg4: memref<128xf32, #tpu.memory_space<vmem>>, %arg5: memref<128x128xf32, #tpu.memory_space<vmem>>, %arg6: memref<128xf32, #tpu.memory_space<vmem>>, %arg7: memref<128xf32, #tpu.memory_space<vmem>>, %arg8: memref<128xf32, #tpu.memory_space<vmem>>, %arg9: memref<64x128xf32, #tpu.memory_space<vmem>>, %arg10: memref<64xf32, #tpu.memory_space<vmem>>, %arg11: memref<10000x64xf32, #tpu.memory_space<vmem>>) attributes {dimension_semantics = [], scalar_prefetch = 0 : i64, scratch_operands = 0 : i64, tpu.core_type = #tpu.core_type<tc>} {
    %get3A = arith.constant 0 : index
    %get3A_0 = arith.constant 0 : index
    %get3A_1 = vector.load %arg0[%get3A, %get3A_0] : memref<10240x128xf32, #tpu.memory_space<vmem>>, vector<10240x128xf32>
    %get3A_2 = arith.constant 0 : index
    %get3A_3 = arith.constant 0 : index
    %get3A_4 = arith.constant 0 : index
    %get3A_5 = vector.load %arg1[%get3A_2, %get3A_3, %get3A_4] : memref<2x10240x64xbf16, #tpu.memory_space<vmem>>, vector<1x10240x64xbf16>
    %get3A_6 = vector.shape_cast %get3A_5 : vector<1x10240x64xbf16> to vector<10240x64xbf16>
    %get3A_7 = arith.constant 1 : index
    %get3A_8 = arith.constant 0 : index
    %get3A_9 = arith.constant 0 : index
    %get3A_10 = vector.load %arg1[%get3A_7, %get3A_8, %get3A_9] : memref<2x10240x64xbf16, #tpu.memory_space<vmem>>, vector<1x10240x64xbf16>
    %get3A_11 = vector.shape_cast %get3A_10 : vector<1x10240x64xbf16> to vector<10240x64xbf16>
    %concatenate3A = tpu.concatenate %get3A_6, %get3A_11 in 1 : vector<10240x64xbf16>, vector<10240x64xbf16> -> vector<10240x128xbf16>
    %convert_element_type3A = arith.extf %concatenate3A : vector<10240x128xbf16> to vector<10240x128xf32>
    %get3A_12 = arith.constant 0 : index
    %get3A_13 = arith.constant 0 : index
    %get3A_14 = vector.load %arg2[%get3A_12, %get3A_13] : memref<10240x2xf32, #tpu.memory_space<vmem>>, vector<10240x1xf32>
    %get3A_15 = arith.constant 0 : index
    %get3A_16 = arith.constant 1 : index
    %get3A_17 = vector.load %arg2[%get3A_15, %get3A_16] : memref<10240x2xf32, #tpu.memory_space<vmem>>, vector<10240x1xf32>
    %add3A = arith.addf %get3A_14, %get3A_17 : vector<10240x1xf32>
    %add3A_18 = arith.constant 1.000000e+00 : f32
    %add3A_19 = vector.broadcast %add3A_18 : f32 to vector<10240x1xf32>
    %add3A_20 = arith.addf %add3A, %add3A_19 : vector<10240x1xf32>
    %get3A_21 = arith.constant 0 : index
    %get3A_22 = arith.constant 0 : index
    %get3A_23 = vector.load %arg3[%get3A_21, %get3A_22] : memref<128x128xf32, #tpu.memory_space<vmem>>, vector<128x128xf32>
    %dot_general3A = arith.constant dense<0.000000e+00> : vector<10240x128xf32>
    %dot_general3A_24 = tpu.matmul %get3A_1, %get3A_23, %dot_general3A {dimension_numbers = #tpu.dot_dimension_numbers<[1], [1], [0], [0], [0, 0, 1, 0], [], []>, transpose_lhs_hint = false} : vector<10240x128xf32>, vector<128x128xf32>, vector<10240x128xf32> -> vector<10240x128xf32>
    %div3A = vector.broadcast %add3A_20 : vector<10240x1xf32> to vector<10240x128xf32>
    %div3A_25 = arith.divf %convert_element_type3A, %div3A : vector<10240x128xf32>
    %get3A_26 = arith.constant 0 : index
    %get3A_27 = arith.constant 0 : index
    %get3A_28 = vector.load %arg5[%get3A_26, %get3A_27] : memref<128x128xf32, #tpu.memory_space<vmem>>, vector<128x128xf32>
    %dot_general3A_29 = arith.constant dense<0.000000e+00> : vector<10240x128xf32>
    %dot_general3A_30 = tpu.matmul %div3A_25, %get3A_28, %dot_general3A_29 {dimension_numbers = #tpu.dot_dimension_numbers<[1], [1], [0], [0], [0, 0, 1, 0], [], []>, transpose_lhs_hint = false} : vector<10240x128xf32>, vector<128x128xf32>, vector<10240x128xf32> -> vector<10240x128xf32>
    %add3A_31 = arith.addf %dot_general3A_24, %dot_general3A_30 : vector<10240x128xf32>
    %get3A_32 = arith.constant 0 : index
    %get3A_33 = vector.load %arg4[%get3A_32] : memref<128xf32, #tpu.memory_space<vmem>>, vector<128xf32>
    %get3A_34 = arith.constant 0 : index
    %get3A_35 = vector.load %arg6[%get3A_34] : memref<128xf32, #tpu.memory_space<vmem>>, vector<128xf32>
    %add3A_36 = arith.addf %get3A_33, %get3A_35 : vector<128xf32>
    %broadcast_in_dim3A = vector.shape_cast %add3A_36 : vector<128xf32> to vector<1x128xf32>
    %add3A_37 = vector.broadcast %broadcast_in_dim3A : vector<1x128xf32> to vector<10240x128xf32>
    %add3A_38 = arith.addf %add3A_31, %add3A_37 : vector<10240x128xf32>
    %get3A_39 = arith.constant 0 : index
    %get3A_40 = vector.load %arg7[%get3A_39] : memref<128xf32, #tpu.memory_space<vmem>>, vector<128xf32>
    %get3A_41 = arith.constant 0 : index
    %get3A_42 = vector.load %arg8[%get3A_41] : memref<128xf32, #tpu.memory_space<vmem>>, vector<128xf32>
    %iota3A = tpu.iota {dimensions = array<i32: 0>} : vector<10240x1xi32>
    %lt3A = arith.constant 10000 : i32
    %lt3A_43 = vector.broadcast %lt3A : i32 to vector<10240x1xi32>
    %lt3A_44 = arith.cmpi slt, %iota3A, %lt3A_43 : vector<10240x1xi32>
    %jit3A = arith.constant 0.000000e+00 : f32
    %broadcast_in_dim3A_45 = vector.shape_cast %lt3A_44 : vector<10240x1xi1> to vector<10240x1xi1>
    %broadcast_in_dim3A_46 = vector.broadcast %broadcast_in_dim3A_45 : vector<10240x1xi1> to vector<10240x128xi1>
    %broadcast_in_dim3A_47 = vector.broadcast %jit3A : f32 to vector<10240x128xf32>
    %select_n3A = arith.select %broadcast_in_dim3A_46, %add3A_38, %broadcast_in_dim3A_47 : vector<10240x128xi1>, vector<10240x128xf32>
    %reduce_sum3A = arith.constant dense<0.000000e+00> : vector<128xf32>
    %reduce_sum3A_48 = vector.multi_reduction <add>, %select_n3A, %reduce_sum3A [0] : vector<10240x128xf32> to vector<128xf32>
    %broadcast_in_dim3A_49 = vector.shape_cast %reduce_sum3A_48 : vector<128xf32> to vector<1x128xf32>
    %div3A_50 = arith.constant 1.000000e+04 : f32
    %div3A_51 = vector.broadcast %div3A_50 : f32 to vector<1x128xf32>
    %div3A_52 = arith.divf %broadcast_in_dim3A_49, %div3A_51 : vector<1x128xf32>
    %sub3A = vector.broadcast %div3A_52 : vector<1x128xf32> to vector<10240x128xf32>
    %sub3A_53 = arith.subf %add3A_38, %sub3A : vector<10240x128xf32>
    %jit3A_54 = arith.constant 0.000000e+00 : f32
    %broadcast_in_dim3A_55 = vector.shape_cast %lt3A_44 : vector<10240x1xi1> to vector<10240x1xi1>
    %broadcast_in_dim3A_56 = vector.broadcast %broadcast_in_dim3A_55 : vector<10240x1xi1> to vector<10240x128xi1>
    %broadcast_in_dim3A_57 = vector.broadcast %jit3A_54 : f32 to vector<10240x128xf32>
    %select_n3A_58 = arith.select %broadcast_in_dim3A_56, %sub3A_53, %broadcast_in_dim3A_57 : vector<10240x128xi1>, vector<10240x128xf32>
    %mul3A = arith.mulf %select_n3A_58, %select_n3A_58 : vector<10240x128xf32>
    %reduce_sum3A_59 = arith.constant dense<0.000000e+00> : vector<128xf32>
    %reduce_sum3A_60 = vector.multi_reduction <add>, %mul3A, %reduce_sum3A_59 [0] : vector<10240x128xf32> to vector<128xf32>
    %broadcast_in_dim3A_61 = vector.shape_cast %reduce_sum3A_60 : vector<128xf32> to vector<1x128xf32>
    %div3A_62 = arith.constant 1.000000e+04 : f32
    %div3A_63 = vector.broadcast %div3A_62 : f32 to vector<1x128xf32>
    %div3A_64 = arith.divf %broadcast_in_dim3A_61, %div3A_63 : vector<1x128xf32>
    %sub3A_65 = vector.broadcast %div3A_52 : vector<1x128xf32> to vector<10240x128xf32>
    %sub3A_66 = arith.subf %add3A_38, %sub3A_65 : vector<10240x128xf32>
    %add3A_67 = arith.constant 9.99999974E-6 : f32
    %add3A_68 = vector.broadcast %add3A_67 : f32 to vector<1x128xf32>
    %add3A_69 = arith.addf %div3A_64, %add3A_68 : vector<1x128xf32>
    %rsqrt3A = math.rsqrt %add3A_69 : vector<1x128xf32>
    %mul3A_70 = vector.broadcast %rsqrt3A : vector<1x128xf32> to vector<10240x128xf32>
    %mul3A_71 = arith.mulf %sub3A_66, %mul3A_70 : vector<10240x128xf32>
    %broadcast_in_dim3A_72 = vector.shape_cast %get3A_40 : vector<128xf32> to vector<1x128xf32>
    %mul3A_73 = vector.broadcast %broadcast_in_dim3A_72 : vector<1x128xf32> to vector<10240x128xf32>
    %mul3A_74 = arith.mulf %mul3A_71, %mul3A_73 : vector<10240x128xf32>
    %broadcast_in_dim3A_75 = vector.shape_cast %get3A_42 : vector<128xf32> to vector<1x128xf32>
    %add3A_76 = vector.broadcast %broadcast_in_dim3A_75 : vector<1x128xf32> to vector<10240x128xf32>
    %add3A_77 = arith.addf %mul3A_74, %add3A_76 : vector<10240x128xf32>
    %max3A = arith.constant 0.000000e+00 : f32
    %max3A_78 = vector.broadcast %max3A : f32 to vector<10240x128xf32>
    %max3A_79 = arith.maximumf %add3A_77, %max3A_78 : vector<10240x128xf32>
    %slice3A = vector.extract_strided_slice %max3A_79 {offsets = [0, 0], sizes = [10000, 128], strides = [1, 1]} : vector<10240x128xf32> to vector<10000x128xf32>
    %get3A_80 = arith.constant 0 : index
    %get3A_81 = arith.constant 0 : index
    %get3A_82 = vector.load %arg9[%get3A_80, %get3A_81] : memref<64x128xf32, #tpu.memory_space<vmem>>, vector<64x128xf32>
    %dot_general3A_83 = arith.constant dense<0.000000e+00> : vector<10000x64xf32>
    %dot_general3A_84 = tpu.matmul %slice3A, %get3A_82, %dot_general3A_83 {dimension_numbers = #tpu.dot_dimension_numbers<[1], [1], [0], [0], [0, 0, 1, 0], [], []>, transpose_lhs_hint = false} : vector<10000x128xf32>, vector<64x128xf32>, vector<10000x64xf32> -> vector<10000x64xf32>
    %get3A_85 = arith.constant 0 : index
    %get3A_86 = vector.load %arg10[%get3A_85] : memref<64xf32, #tpu.memory_space<vmem>>, vector<64xf32>
    %broadcast_in_dim3A_87 = vector.shape_cast %get3A_86 : vector<64xf32> to vector<1x64xf32>
    %add3A_88 = vector.broadcast %broadcast_in_dim3A_87 : vector<1x64xf32> to vector<10000x64xf32>
    %add3A_89 = arith.addf %dot_general3A_84, %add3A_88 : vector<10000x64xf32>
    %swap3A = arith.constant 0 : index
    %swap3A_90 = arith.constant 0 : index
    %swap3A_91 = vector.load %arg11[%swap3A, %swap3A_90] : memref<10000x64xf32, #tpu.memory_space<vmem>>, vector<10000x64xf32>
    tpu.vector_store %arg11[%swap3A, %swap3A_90], %add3A_89 {strides = array<i32>} : memref<10000x64xf32, #tpu.memory_space<vmem>>, vector<10000x64xf32>,
    return
  }
}

</mosaic_0001>

<sc_bundles>
// kernel: kernel.6.cloned.1.call-start
scs
__scs_entry_jumppad:
0x0: {  	(pc) =	sbr.rel $0x88, $3  }
0x1: {  	(tag) =	ssettag $0x0;
	lr =	simm.s32 $0x1  }
0x2: {  	[smem:$0x3F91] =	sst lr;
	_ =	strace $0xD0000000  }
0x3: {  	_ = 	snop  }
0x4: {  	_ = 	snop  }
0x5: {  	_ = 	snop  }
0x6: {  	_ = 	snop  }
0x7: {  	_ = 	snop  }
__scs_overlays_trampoline_lowered:
0x8: {  	[smem:$0x3FA0] =	sst s0  }
0x9: {  	[smem:$0x3FA1] =	sst s1  }
0xa: {  	[smem:$0x3FA2] =	sst s2  }
0xb: {  	[smem:$0x3FA3] =	sst s3  }
0xc: {  	[smem:$0x3FA4] =	sst s4  }
0xd: {  	[smem:$0x3FA5] =	sst s5  }
0xe: {  	[smem:$0x3FA6] =	sst s6  }
0xf: {  	[smem:$0x3FA7] =	sst s7  }
0x10: {  	[smem:$0x3FA8] =	sst s8  }
0x11: {  	[smem:$0x3FA9] =	sst s9;
	s0 =	simm.s32 @!p0 $0x0  }
0x12: {  	s1 =	sld [smem:$0x3F8F];
	s0 =	simm.s32 @p0 $0x1  }
0x13: {  	[smem:$0x3FAA] =	sst s0;
	s0 =	simm.s32 @!p1 $0x0  }
0x14: {  	s2 =	sld [smem:$0x3F8E];
	s0 =	simm.s32 @p1 $0x1  }
0x15: {  	[smem:$0x3FAB] =	sst s0;
	s0 =	simm.s32 @!p2 $0x0  }
0x16: {  	s3 =	sld [smem:$0x3FDB];
	s0 =	simm.s32 @p2 $0x1  }
0x17: {  	s4 =	simm.s32 $0x1BF5;
	[smem:$0x3FAD] =	sst s0  }
0x18: {  	s0 =	sld [smem:$0x3F90];
	_ =	swait.ge [sflag:s4], $0x0  }
0x19: {  	s7 =	sld [smem:$0x3F91]  }
0x1a: {  	s8 =	sadd.s32 $0xFFFFE003, lr  }
0x1b: {  	s9 =	sadd.s32 $0xFFFFFEF7, lr;
	s5 =	simm.s32 $0xFFFFFFFF;
	p2 =	slt.u32 s8, $0xFFFFF086  }
0x1c: {  	p1 =	slt.u32 s9, $0xF7A;
	s5 =	simm.s32 @!p2 $0x0  }
0x1d: {  	s5 =	simm.s32 @p1 $0x1;
	p0 =	seq.s32 s7, s2  }
0x1e: {  	s7 =	smul.u32 @!p0 $0xF7A, s2;
	p2 =	seq.s32 @!p0 s5, $0x0  }
0x1f: {  	s9 =	smul.u32 $0xF7A, s1;
	s8 =	simm.s32 @!p0 $0x1BF5;
	p2 =	por !p2, p0  }
0x20: {  	[sflag:s8] =	ssyncset.s32 @!p0 $0xFFFFF086;
	s6 =	sadd.s32 @!p0 s3, s7;
	s7 =	simm.s32 @!p0 $0x108  }
0x21: {  	s3 =	sadd.s32 s3, s9;
	s6 =	sadd.s32 @!p0 $0x88, s6;
	s7 =	simm.s32 @p2 $0x1082  }
0x22: {  	[simem:s7], [sflag:s8] =	dma.local @!p0 [hbm:s6], $0xF7A  }
0x23: {  	s9 =	sor.u32 $0xD0000000, s2;
	s6 =	simm.s32 $0x108;
	_ =	swait.ge @!p0 [sflag:s8], $0x0  }
0x24: {  	s3 =	sadd.s32 $0x88, s3;
	s6 =	simm.s32 @!p1 $0x1082;
	[sflag:s4] =	ssyncset.s32 $0xFFFFF086  }
0x25: {  	[simem:s6], [sflag:s4] =	dma.local [hbm:s3], $0xF7A  }
0x26: {  	[smem:$0x3F91] =	sst s1;
	(tag) =	ssettag s2;
	_ =	strace s9  }
0x27: {  	s1 =	sld [smem:$0x3FA1]  }
0x28: {  	s2 =	sld [smem:$0x3FA2]  }
0x29: {  	s4 =	sld [smem:$0x3FA4]  }
0x2a: {  	p0 =	seq.s32 s5, $0x0;
	s5 =	sld [smem:$0x3FA5]  }
0x2b: {  	s6 =	sld [smem:$0x3FA6]  }
0x2c: {  	s7 =	sld [smem:$0x3FA7]  }
0x2d: {  	s3 =	simm.s32 $0x108;
	s8 =	sld [smem:$0x3FA8]  }
0x2e: {  	s3 =	simm.s32 @!p0 $0x1082;
	s9 =	sld [smem:$0x3FA9]  }
0x2f: {  	lr =	sadd.s32 s0, s3;
	s0 =	sld [smem:$0x3FA0]  }
0x30: {  	s3 =	sld [smem:$0x3FA3]  }
0x31: {  	[smem:$0x3FAC] =	sst s10  }
0x32: {  	s10 =	sld [smem:$0x3FAA];
	_ =	sdelay $0x3  }
0x33: {  	p0 =	seq.s32 s10, $0x1;
	s10 =	sld [smem:$0x3FAC];
	_ =	sdelay $0x3  }
0x34: {  	[smem:$0x3FAC] =	sst s10  }
0x35: {  	s10 =	sld [smem:$0x3FAB];
	_ =	sdelay $0x3  }
0x36: {  	p1 =	seq.s32 s10, $0x1;
	s10 =	sld [smem:$0x3FAC];
	_ =	sdelay $0x3  }
0x37: {  	[smem:$0x3FAC] =	sst s10  }
0x38: {  	s10 =	sld [smem:$0x3FAD]  }
0x39: {  	_ = 	snop;
	(pc) =	sbr.ind lr, $3  }
0x3a: {  	_ = 	snop  }
0x3b: {  	_ = 	snop  }
0x3c: {  	p2 =	seq.s32 s10, $0x1;
	s10 =	sld [smem:$0x3FAC]  }
0x3d: {  	_ =	shalt  }
0x3e: {  	_ =	shalt  }
0x3f: {  	_ =	shalt  }
0x40: {  	_ =	shalt  }
0x41: {  	_ =	shalt  }
0x42: {  	_ =	shalt  }
0x43: {  	_ =	shalt  }
0x44: {  	_ =	shalt  }
0x45: {  	_ =	shalt  }
0x46: {  	_ =	shalt  }
0x47: {  	_ =	shalt  }
0x48: {  	_ =	shalt  }
0x49: {  	_ =	shalt  }
0x4a: {  	_ =	shalt  }
0x4b: {  	_ =	shalt  }
0x4c: {  	_ =	shalt  }
0x4d: {  	_ =	shalt  }
0x4e: {  	_ =	shalt  }
0x4f: {  	_ =	shalt  }
0x50: {  	_ =	shalt  }
0x51: {  	_ =	shalt  }
0x52: {  	_ =	shalt  }
0x53: {  	_ =	shalt  }
0x54: {  	_ =	shalt  }
0x55: {  	_ =	shalt  }
0x56: {  	_ =	shalt  }
0x57: {  	_ =	shalt  }
0x58: {  	_ =	shalt  }
0x59: {  	_ =	shalt  }
0x5a: {  	_ =	shalt  }
0x5b: {  	_ =	shalt  }
0x5c: {  	_ =	shalt  }
0x5d: {  	_ =	shalt  }
0x5e: {  	_ =	shalt  }
0x5f: {  	_ =	shalt  }
0x60: {  	_ =	shalt  }
0x61: {  	_ =	shalt  }
0x62: {  	_ =	shalt  }
0x63: {  	_ =	shalt  }
0x64: {  	_ =	shalt  }
0x65: {  	_ =	shalt  }
0x66: {  	_ =	shalt  }
0x67: {  	_ =	shalt  }
0x68: {  	_ =	shalt  }
0x69: {  	_ =	shalt  }
0x6a: {  	_ =	shalt  }
0x6b: {  	_ =	shalt  }
0x6c: {  	_ =	shalt  }
0x6d: {  	_ =	shalt  }
0x6e: {  	_ =	shalt  }
0x6f: {  	_ =	shalt  }
0x70: {  	_ =	shalt  }
0x71: {  	_ =	shalt  }
0x72: {  	_ =	shalt  }
0x73: {  	_ =	shalt  }
0x74: {  	_ =	shalt  }
0x75: {  	_ =	shalt  }
0x76: {  	_ =	shalt  }
0x77: {  	_ =	shalt  }
0x78: {  	_ =	shalt  }
0x79: {  	_ =	shalt  }
0x7a: {  	_ =	shalt  }
0x7b: {  	_ =	shalt  }
0x7c: {  	_ =	shalt  }
0x7d: {  	_ =	shalt  }
0x7e: {  	_ =	shalt  }
0x7f: {  	_ =	shalt  }
0x80: {  	_ =	shalt  }
0x81: {  	_ =	shalt  }
0x82: {  	_ =	shalt  }
0x83: {  	_ =	shalt  }
0x84: {  	_ =	shalt  }
0x85: {  	_ =	shalt  }
0x86: {  	_ =	shalt  }
0x87: {  	_ =	shalt  }
.Lfunc_end0:
.L_simem_size_0:
called_computation_lowered:
.L_overlay_start_0:
0x88: {  	s2 =	sld [smem:$0x3FD9]  }
0x89: {  	s3 =	sld [smem:$0x3FFE];
	_ =	sdelay $0x1  }
0x8a: {  	s1 =	srdreg.scid  }
0x8b: {  	s0 =	sand.u32 $0x1, s1  }
0x8c: {  	s17 =	sshll.u32 s0, $0xA;
	s2 =	sadd.s32 s3, s2  }
0x8d: {  	s2 =	sadd.s32 s2, s17  }
0x8e: {  	[smem:$0x3FB8] =	sst s2  }
0x8f: {  	_ = 	snop  }
0x90: {  	s2 =	sld [smem:$0x3FD0];
	(tm) =	ssettm $0x1  }
0x91: {  	s18 =	sld [smem:$0x3FFB];
	_ =	sdelay $0x3  }
0x92: {  	_ =	strace s18  }
0x93: {  	s3 =	sld [smem:$0x3FFC];
	_ =	sdelay $0x3  }
0x94: {  	_ =	strace s3  }
0x95: {  	s3 =	sld [smem:$0x3FFD];
	_ =	sdelay $0x3  }
0x96: {  	_ =	strace s3  }
0x97: {  	_ =	strace $0x8FFFFFFF  }
0x98: {  	s19 =	sld [smem:$0x3FDB];
	_ =	sdelay $0x1  }
0x99: {  	s4 =	simm.s32 $_scs_section_size  }
0x9a: {  	s5 =	simm.s32 $_size__tile_overlayer_lowered;
	s6 =	simm.s32 $_tile_overlayer_lowered  }
0x9b: {  	s22 =	simm.s32 $0x1BFF;
	s21 =	sshll.u32 s6, $0x1;
	s3 =	sadd.s32 s4, s19  }
0x9c: {  	s7 =	simm.s32 $0x0;
	s20 =	sshll.u32 s5, $0x1;
	s5 =	sadd.s32 s21, s3  }
0x9d: {  	[timem:s7], [sflag:s22] =	dma.local [hbm:s5], s20  }
0x9e: {  	_ =	swait.ge [sflag:s22], s20  }
0x9f: {  	s4 =	ssub.s32 $0x0, s20;
	[sflag:s22] =	ssyncset.done $0x0  }
0xa0: {  	[sflag:s22] =	ssyncadd.s32 s4;
	_ =	sdelay $0x1  }
0xa1: {  	s23 =	simm.s32 $0x1B8B  }
0xa2: {  	_ =	swait.ge [sflag:s23], $0x1  }
0xa3: {  	[sflag:s23] =	ssyncset.done $0x0  }
0xa4: {  	s25 =	simm.s32 $0x1B8E;
	s24 =	sld [smem:$0x3FFE];
	[sflag:s23] =	ssyncadd.s32 $0xFFFFFFFF  }
0xa5: {  	s26 =	simm.s32 $execute0_lowered;
	[smem:$0x3FD2] =	sst s25  }
0xa6: {  	s5 =	sshll.u32 s26, $0x1;
	_ =	strace $0x80000046;
	[dreg:$0x1] =	wrdreg $0xFFFFFFFF  }
0xa7: {  	s28 =	simm.s32 $_size_execute0_lowered;
	s3 =	sadd.s32 s3, s5;
	[dreg:$0x0] =	wrdreg $0x0  }
0xa8: {  	s5 =	sshll.u32 s28, $0x1;
	[dreg:$0x2] =	wrdreg s3  }
0xa9: {  	[dreg:$0x3] =	wrdreg s5  }
0xaa: {  	[dreg:$0x4] =	wrdreg $0xC0  }
0xab: {  	_ =	task [dreg:s7], $0x5FFFF  }
0xac: {  	[dreg:$0x1] =	wrdreg $0xFFFFFFFF  }
0xad: {  	[dreg:$0x0] =	wrdreg $0x60  }
0xae: {  	[dreg:$0x2] =	wrdreg s24  }
0xaf: {  	[dreg:$0x3] =	wrdreg s2  }
0xb0: {  	[dreg:$0x4] =	wrdreg $0x0  }
0xb1: {  	[dreg:$0x5] =	wrdreg $0x150400  }
0xb2: {  	[dreg:$0x6] =	wrdreg $0x9  }
0xb3: {  	_ =	task.clear_ibuf [dreg:s7], $0x7FFFF;
	_ =	strace $0x90000046  }
0xb4: {  	s29 =	simm.s32 $0x9;
	_ =	strace $0x80000048  }
0xb5: {  	_ =	swait.ge [sflag:s29], $0x1  }
0xb6: {  	[sflag:s29] =	ssyncadd.s32 $0xFFFFFFFF  }
0xb7: {  	_ =	strace $0x90000048  }
0xb8: {  	_ =	sfence  }
0xb9: {  	s30 =	sld [smem:$0x0];
	_ =	sdelay $0x2  }
0xba: {  	s31 =	sshll.u32 s1, $0xD;
	s1 =	sshrl.u32 s1, $0x2  }
0xbb: {  	s3 =	sand.u32 $0x4000, s31;
	s1 =	sadd.s32 s1, s30  }
0xbc: {  	s0 =	sor.u32 s3, s0;
	s1 =	sshll.u32 s1, $0x11  }
0xbd: {  	s0 =	sor.u32 s1, s0  }
0xbe: {  	s0 =	sadd.s32 $0x8F2B, s0  }
0xbf: {  	[sflag:s0] =	ssyncadd.remote.s32 $0x1  }
0xc0: {  	_ =	sfence.sel $0xFFFF  }
0xc1: {  	[dreg:$0x0] =	wrdreg $0xFFFFFFFF;
	(pc) =	sbr.abs _section_cstart, $3  }
0xc2: {  	[dreg:$0x1] =	wrdreg $0xFFFFFFFF  }
0xc3: {  	_ =	task.clear_ibuf [dreg:s7], $0x2FFFF;
	_ =	strace $0x9FFFFFFF  }
0xc4: {  	(tm) =	ssettm $0x7FFFFFFF  }
0xc5: {  	_ =	shalt  }
tec
execute0_lowered:
.L_overlay_start_1:
0x0: {  	(tag) =	ssettag $0x1  }
0x1: {  	s0 =	rddreg [dreg:$0x0]  }
0x2: {  	s4 =	rddreg [dreg:$0x1]  }
0x3: {  	s1 =	srdreg.scid;
	s2 =	rddreg [dreg:$0x2]  }
0x4: {  	s15 =	stileid.u32;
	s3 =	rddreg [dreg:$0x3];
	s9 =	simm.s32 $0x0  }
0x5: {  	s28 =	simm.s32 $0x16;
	s19 =	simm.s32 $0x50;
	s5 =	smul.u32 $0xA000, s15  }
0x6: {  	s29 =	simm.s32 $0xEC40;
	s18 =	simm.s32 $0x12840;
	s7 =	smul.u32 $0x280, s15  }
0x7: {  	s31 =	simm.s32 $0x14;
	s1 =	sand.u32 $0x1, s1;
	s13 =	smul.u32 $0x4E20, s15  }
0x8: {  	s30 =	simm.s32 $0x7;
	[smem:$0x7FF] =	sst s9;
	s6 =	smul.u32 $0xA0000, s1  }
0x9: {  	s10 =	sadd.s32 $0x3800, s0;
	s23 =	sshll.u32 s15, $0x6;
	s8 =	smul.u32 $0x2800, s1  }
0xa: {  	_ =	strace $0x80000047;
	s22 =	smul.u32 $0x4E200, s1;
	s12 =	ssub.s32 $0x2, s1  }
0xb: {  	s1 =	sxor.u32 $0x1, s1;
	s23 =	sor.u32 $0x1C16, s23;
	s14 =	sshrl.u32 s12, $0x1  }
0xc: {  	s1 =	smul.u32 $0x4E200, s1;
	[dreg:$0x6] =	wrdreg s23;
	s21 =	sadd.s32 s5, s6  }
0xd: {  	s8 =	sadd.s32 s7, s8;
	s5 =	sshrl.u32 s5, $0x1;
	s12 =	ssub.s32 s12, s14  }
0xe: {  	s24 =	sshrl.u32 s6, $0x4;
	s7 =	sadd.s32 s7, s3;
	s6 =	simm.s32 $0x9  }
0xf: {  	s9 =	sshrl.u32 s21, $0x4;
	s8 =	sshrl.u32 s8, $0x3;
	s5 =	sadd.s32 s5, s2  }
0x10: {  	s1 =	sadd.s32 s13, s1;
	s26 =	smax.u32 s12, $0x1;
	[dreg:$0x9] =	wrdreg s7  }
0x11: {  	s12 =	simm.s32 $0x6;
	s11 =	sadd.s32 s9, s0;
	s0 =	sadd.s32 s8, s0  }
0x12: {  	s9 =	sadd.s32 s10, s9;
	s8 =	sadd.s32 s13, s22;
	s1 =	sshrl.u32 s1, $0x3  }
0x13: {  	s10 =	sadd.s32 s10, s24;
	[dreg:$0xc] =	wrdreg s26;
	s22 =	simm.s32 $0x15540  }
0x14: {  	s26 =	simm.s32 $0xF;
	s13 =	simm.s32 $0x2;
	s24 =	simm.s32 $0x10A40  }
0x15: {  	[dreg:$0x5] =	wrdreg s9;
	s8 =	sshrl.u32 s8, $0x3;
	s1 =	sadd.s32 s4, s1  }
0x16: {  	s25 =	sadd.s32 $0x17800, s11;
	s0 =	sadd.s32 $0x2B800, s0;
	[dreg:$0x8] =	wrdreg s1  }
0x17: {  	s11 =	sshrl.u32 s5, $0x3;
	s9 =	simm.s32 $0x8;
	[dreg:$0xa] =	wrdreg s25  }
0x18: {  	s5 =	simm.s32 $0x0;
	s8 =	sadd.s32 s4, s8;
	[dreg:$0xb] =	wrdreg s0  }
0x19: {  	s4 =	simm.s32 $0x1;
	s1 =	simm.s32 $0x3;
	[dreg:$0xd] =	wrdreg s11  }
0x1a: {  	v0 =	vimm.f32 $0.0e+00;
	v1 =	vimm.f32 $1.000000000e+00;
	s25 =	simm.s32 $0x4;
	[dreg:$0x7] =	wrdreg s8;
	s8 =	simm.s32 $0x15  }
.LBB2_1:
0x1b: {  	[dreg:$0xe] =	wrdreg s5  }
0x1c: {  	s0 =	rddreg [dreg:$0x5]  }
0x1d: {  	[spmem:s11], [sflag:s23] =	dma.local [hbm:s0], $0xA00  }
0x1e: {  	_ =	swait.ge [sflag:s28], $0xA00  }
0x1f: {  	s14 =	simm.s32 $0x5000;
	[sflag:s28] =	ssyncset.done $0x0  }
0x20: {  	s23 =	simm.s32 $0x0;
	s11 =	rddreg [dreg:$0x7];
	[sflag:s28] =	ssyncadd.s32 $0xFFFFF600  }
0x21: {  	[tilespmem:s14], [sflag:$0x16] =	stream.linear.gather [hbm4b:s11+s23], $0x4E20, $0x38;
	[tilespmem:$0x15590] =	vst v63  }
0x22: {  	_ =	swait.ge [sflag:s28], $0x4E20  }
0x23: {  	[sflag:s28] =	ssyncset.done $0x0  }
0x24: {  	s17 =	simm.s32 $0x9E20;
	s16 =	rddreg [dreg:$0x8];
	[sflag:s28] =	ssyncadd.s32 $0xFFFFB1E0  }
0x25: {  	[tilespmem:s17], [sflag:$0x16] =	stream.linear.gather [hbm4b:s16+s23], $0x4E20, $0x38;
	[tilespmem:$0x15590] =	vst v63  }
0x26: {  	_ =	swait.ge [sflag:s28], $0x4E20  }
0x27: {  	[sflag:s28] =	ssyncset.done $0x0  }
0x28: {  	[sflag:s28] =	ssyncadd.s32 $0xFFFFB1E0  }
0x29: {  	[tilespmem:$0x152C0] =	vst v0  }
0x2a: {  	[tilespmem:$0x152D0] =	vst v0  }
0x2b: {  	[tilespmem:$0x152E0] =	vst v0  }
0x2c: {  	[tilespmem:$0x152F0] =	vst v0  }
0x2d: {  	[tilespmem:$0x15300] =	vst v0  }
0x2e: {  	[tilespmem:$0x15310] =	vst v0  }
0x2f: {  	[tilespmem:$0x15320] =	vst v0  }
0x30: {  	[tilespmem:$0x15330] =	vst v0  }
0x31: {  	[tilespmem:$0x15340] =	vst v0  }
0x32: {  	[tilespmem:$0x15350] =	vst v0  }
0x33: {  	[tilespmem:$0x15360] =	vst v0  }
0x34: {  	[tilespmem:$0x15370] =	vst v0  }
0x35: {  	[tilespmem:$0x15380] =	vst v0  }
0x36: {  	[tilespmem:$0x15390] =	vst v0  }
0x37: {  	[tilespmem:$0x153A0] =	vst v0  }
0x38: {  	[tilespmem:$0x153B0] =	vst v0  }
0x39: {  	[tilespmem:$0x153C0] =	vst v0  }
0x3a: {  	[tilespmem:$0x153D0] =	vst v0  }
0x3b: {  	[tilespmem:$0x153E0] =	vst v0  }
0x3c: {  	[tilespmem:$0x153F0] =	vst v0  }
0x3d: {  	[tilespmem:$0x15400] =	vst v0  }
0x3e: {  	[tilespmem:$0x15410] =	vst v0  }
0x3f: {  	[tilespmem:$0x15420] =	vst v0  }
0x40: {  	[tilespmem:$0x15430] =	vst v0  }
0x41: {  	[tilespmem:$0x15440] =	vst v0  }
0x42: {  	[tilespmem:$0x15450] =	vst v0  }
0x43: {  	[tilespmem:$0x15460] =	vst v0  }
0x44: {  	[tilespmem:$0x15470] =	vst v0  }
0x45: {  	[tilespmem:$0x15480] =	vst v0  }
0x46: {  	[tilespmem:$0x15490] =	vst v0  }
0x47: {  	[tilespmem:$0x154A0] =	vst v0  }
0x48: {  	[tilespmem:$0x154B0] =	vst v0  }
0x49: {  	[tilespmem:$0x154C0] =	vst v0  }
0x4a: {  	[tilespmem:$0x154D0] =	vst v0  }
0x4b: {  	[tilespmem:$0x154E0] =	vst v0  }
0x4c: {  	[tilespmem:$0x154F0] =	vst v0  }
0x4d: {  	[tilespmem:$0x15500] =	vst v0  }
0x4e: {  	[tilespmem:$0x15510] =	vst v0  }
0x4f: {  	[tilespmem:$0x15520] =	vst v0  }
0x50: {  	[tilespmem:$0x15530] =	vst v0  }
0x51: {  	[tilespmem:$0x15540] =	vst v1  }
0x52: {  	[tilespmem:$0x15550] =	vst v1  }
0x53: {  	[tilespmem:$0x15560] =	vst v1  }
0x54: {  	[tilespmem:$0x15570] =	vst v1  }
0x55: {  	s20 =	simm.s32 $0x152C0;
	[tilespmem:$0x15580] =	vst v1  }
0x56: {  	[spmem:s7] =	stream.linear.scatter [tilespmem:s20], [sflag:$0x16], $0x280, $0x38;
	[tilespmem:$0x15590] =	vst v63  }
0x57: {  	_ =	swait.ge [sflag:s28], $0x280  }
0x58: {  	[sflag:s28] =	ssyncset.done $0x0  }
0x59: {  	[sflag:s28] =	ssyncadd.s32 $0xFFFFFD80  }
0x5a: {  	[bflag:$0x0] =	sbarrier.arrive $0xFFFF  }
0x5b: {  	[tilespmem:s29], [sflag:$0x1] =	stream.indirect.gather [hbm4b:s10+s19], $0x20, s14, s19, $0xb8;
	[tilespmem:$0x15590] =	vst v63  }
0x5c: {  	s15 =	simm.s32 $0x11E40  }
0x5d: {  	[tilespmem:s15], [sflag:$0x6] =	stream.indirect.gather [hbm4b:s10+s19], $0x20, s17, s19, $0xb8;
	[tilespmem:$0x15590] =	vst v63  }
0x5e: {  	_ = 	snop  }
0x5f: {  	[spmem:s3] =	stream.indirect.scatter.add.f32 [tilespmem:s22], [sflag:$0x15], $0x1, s17, s19, $0xb8;
	[tilespmem:$0x15590] =	vst v63  }
0x60: {  	s21 =	simm.s32 $0x5050;
	s28 =	simm.s32 $0xF640  }
0x61: {  	[tilespmem:s28], [sflag:$0x2] =	stream.indirect.gather [hbm4b:s10+s19], $0x20, s21, s19, $0xb8;
	[tilespmem:$0x15590] =	vst v63  }
0x62: {  	s7 =	simm.s32 $0x9E70  }
0x63: {  	[tilespmem:s18], [sflag:$0x7] =	stream.indirect.gather [hbm4b:s10+s19], $0x20, s7, s19, $0xb8;
	[tilespmem:$0x15590] =	vst v63  }
0x64: {  	_ = 	snop  }
0x65: {  	[spmem:s3] =	stream.indirect.scatter.add.f32 [tilespmem:s22], [sflag:$0x15], $0x1, s7, s19, $0xb8;
	[tilespmem:$0x15590] =	vst v63  }
0x66: {  	_ =	swait.ge [sflag:s4], $0xA00  }
0x67: {  	[sflag:s4] =	ssyncset.done $0x0  }
0x68: {  	[sflag:s4] =	ssyncadd.s32 $0xFFFFF600  }
0x69: {  	[spmem:s2] =	stream.indirect.scatter.add.bf16 [tilespmem:s29], [sflag:$0xB], $0x20, s17, s19, $0xb8;
	[tilespmem:$0x15590] =	vst v63  }
0x6a: {  	_ =	swait.ge [sflag:s12], $0xA00  }
0x6b: {  	[sflag:s12] =	ssyncset.done $0x0  }
0x6c: {  	[sflag:s12] =	ssyncadd.s32 $0xFFFFF600  }
0x6d: {  	[spmem:s2] =	stream.indirect.scatter.add.bf16 [tilespmem:s15], [sflag:$0x10], $0x20, s14, s19, $0xb8;
	[tilespmem:$0x15590] =	vst v63  }
0x6e: {  	s23 =	simm.s32 $0x10040;
	s14 =	simm.s32 $0x50A0  }
0x6f: {  	[tilespmem:s23], [sflag:$0x3] =	stream.indirect.gather [hbm4b:s10+s19], $0x20, s14, s19, $0xb8;
	[tilespmem:$0x15590] =	vst v63  }
0x70: {  	s20 =	simm.s32 $0x13240;
	s17 =	simm.s32 $0x9EC0  }
0x71: {  	[tilespmem:s20], [sflag:$0x8] =	stream.indirect.gather [hbm4b:s10+s19], $0x20, s17, s19, $0xb8;
	[tilespmem:$0x15590] =	vst v63  }
0x72: {  	_ = 	snop  }
0x73: {  	[spmem:s3] =	stream.indirect.scatter.add.f32 [tilespmem:s22], [sflag:$0x15], $0x1, s17, s19, $0xb8;
	[tilespmem:$0x15590] =	vst v63  }
0x74: {  	_ =	swait.ge [sflag:s13], $0xA00  }
0x75: {  	[sflag:s13] =	ssyncset.done $0x0  }
0x76: {  	[sflag:s13] =	ssyncadd.s32 $0xFFFFF600  }
0x77: {  	[spmem:s2] =	stream.indirect.scatter.add.bf16 [tilespmem:s28], [sflag:$0xC], $0x20, s7, s19, $0xb8;
	[tilespmem:$0x15590] =	vst v63  }
0x78: {  	_ =	swait.ge [sflag:s30], $0xA00  }
0x79: {  	[sflag:s30] =	ssyncset.done $0x0  }
0x7a: {  	[sflag:s30] =	ssyncadd.s32 $0xFFFFF600  }
0x7b: {  	[spmem:s2] =	stream.indirect.scatter.add.bf16 [tilespmem:s18], [sflag:$0x11], $0x20, s21, s19, $0xb8;
	[tilespmem:$0x15590] =	vst v63  }
0x7c: {  	s0 =	simm.s32 $0x50F0;
	s21 =	simm.s32 $0x10A40  }
0x7d: {  	[tilespmem:s21], [sflag:$0x4] =	stream.indirect.gather [hbm4b:s10+s19], $0x20, s0, s19, $0xb8;
	[tilespmem:$0x15590] =	vst v63  }
0x7e: {  	s5 =	simm.s32 $0x9F10;
	s16 =	simm.s32 $0x13C40  }
0x7f: {  	[tilespmem:s16], [sflag:$0x9] =	stream.indirect.gather [hbm4b:s10+s19], $0x20, s5, s19, $0xb8;
	[tilespmem:$0x15590] =	vst v63  }
0x80: {  	_ = 	snop  }
0x81: {  	[spmem:s3] =	stream.indirect.scatter.add.f32 [tilespmem:s22], [sflag:$0x15], $0x1, s5, s19, $0xb8;
	[tilespmem:$0x15590] =	vst v63  }
0x82: {  	_ =	swait.ge [sflag:s1], $0xA00  }
0x83: {  	[sflag:s1] =	ssyncset.done $0x0  }
0x84: {  	[sflag:s1] =	ssyncadd.s32 $0xFFFFF600  }
0x85: {  	[spmem:s2] =	stream.indirect.scatter.add.bf16 [tilespmem:s23], [sflag:$0xD], $0x20, s17, s19, $0xb8;
	[tilespmem:$0x15590] =	vst v63  }
0x86: {  	_ =	swait.ge [sflag:s9], $0xA00  }
0x87: {  	[sflag:s9] =	ssyncset.done $0x0  }
0x88: {  	[sflag:s9] =	ssyncadd.s32 $0xFFFFF600  }
0x89: {  	[spmem:s2] =	stream.indirect.scatter.add.bf16 [tilespmem:s20], [sflag:$0x12], $0x20, s14, s19, $0xb8;
	[tilespmem:$0x15590] =	vst v63  }
0x8a: {  	s17 =	simm.s32 $0x11440;
	s14 =	simm.s32 $0x5140  }
0x8b: {  	[tilespmem:s17], [sflag:$0x5] =	stream.indirect.gather [hbm4b:s10+s19], $0x20, s14, s19, $0xb8;
	[tilespmem:$0x15590] =	vst v63  }
0x8c: {  	s11 =	simm.s32 $0x9F60;
	s14 =	simm.s32 $0x14640  }
0x8d: {  	[tilespmem:s14], [sflag:$0xA] =	stream.indirect.gather [hbm4b:s10+s19], $0x20, s11, s19, $0xb8;
	[tilespmem:$0x15590] =	vst v63  }
0x8e: {  	_ = 	snop  }
0x8f: {  	[spmem:s3] =	stream.indirect.scatter.add.f32 [tilespmem:s22], [sflag:$0x15], $0x1, s11, s19, $0xb8;
	[tilespmem:$0x15590] =	vst v63  }
0x90: {  	_ =	swait.ge [sflag:s25], $0xA00  }
0x91: {  	[sflag:s25] =	ssyncset.done $0x0  }
0x92: {  	[sflag:s25] =	ssyncadd.s32 $0xFFFFF600  }
0x93: {  	[spmem:s2] =	stream.indirect.scatter.add.bf16 [tilespmem:s21], [sflag:$0xE], $0x20, s5, s19, $0xb8;
	[tilespmem:$0x15590] =	vst v63  }
0x94: {  	_ =	swait.ge [sflag:s6], $0xA00  }
0x95: {  	[sflag:s6] =	ssyncset.done $0x0  }
0x96: {  	s5 =	simm.s32 $0xB;
	[sflag:s6] =	ssyncadd.s32 $0xFFFFF600  }
0x97: {  	[spmem:s2] =	stream.indirect.scatter.add.bf16 [tilespmem:s16], [sflag:$0x13], $0x20, s0, s19, $0xb8;
	[tilespmem:$0x15590] =	vst v63  }
0x98: {  	_ =	swait.ge [sflag:s5], $0xA00  }
0x99: {  	[sflag:s5] =	ssyncset.done $0x0  }
0x9a: {  	s7 =	simm.s32 $0x10;
	[sflag:s5] =	ssyncadd.s32 $0xFFFFF600  }
0x9b: {  	_ =	swait.ge [sflag:s7], $0xA00  }
0x9c: {  	[sflag:s7] =	ssyncset.done $0x0  }
0x9d: {  	[sflag:s7] =	ssyncadd.s32 $0xFFFFF600  }
0x9e: {  	_ =	swait.ge [sflag:s8], $0x50  }
0x9f: {  	[sflag:s8] =	ssyncset.done $0x0  }
0xa0: {  	s0 =	simm.s32 $0x5190;
	[sflag:s8] =	ssyncadd.s32 $0xFFFFFFB0  }
0xa1: {  	[tilespmem:s29], [sflag:$0x1] =	stream.indirect.gather [hbm4b:s10+s19], $0x20, s0, s19, $0xb8;
	[tilespmem:$0x15590] =	vst v63  }
0xa2: {  	s5 =	simm.s32 $0x9FB0  }
0xa3: {  	[tilespmem:s15], [sflag:$0x6] =	stream.indirect.gather [hbm4b:s10+s19], $0x20, s5, s19, $0xb8;
	[tilespmem:$0x15590] =	vst v63  }
0xa4: {  	s11 =	simm.s32 $0x5  }
0xa5: {  	[spmem:s3] =	stream.indirect.scatter.add.f32 [tilespmem:s22], [sflag:$0x15], $0x1, s5, s19, $0xb8;
	[tilespmem:$0x15590] =	vst v63  }
0xa6: {  	_ =	swait.ge [sflag:s11], $0xA00  }
0xa7: {  	[sflag:s11] =	ssyncset.done $0x0  }
0xa8: {  	[sflag:s11] =	ssyncadd.s32 $0xFFFFF600;
	s11 =	simm.s32 $0x9F60  }
0xa9: {  	[spmem:s2] =	stream.indirect.scatter.add.bf16 [tilespmem:s17], [sflag:$0xF], $0x20, s11, s19, $0xb8;
	[tilespmem:$0x15590] =	vst v63  }
0xaa: {  	s11 =	simm.s32 $0xA  }
0xab: {  	_ =	swait.ge [sflag:s11], $0xA00  }
0xac: {  	[sflag:s11] =	ssyncset.done $0x0  }
0xad: {  	[sflag:s11] =	ssyncadd.s32 $0xFFFFF600;
	s11 =	simm.s32 $0x5140  }
0xae: {  	[spmem:s2] =	stream.indirect.scatter.add.bf16 [tilespmem:s14], [sflag:$0x14], $0x20, s11, s19, $0xb8;
	[tilespmem:$0x15590] =	vst v63  }
0xaf: {  	s11 =	simm.s32 $0xC  }
0xb0: {  	_ =	swait.ge [sflag:s11], $0xA00  }
0xb1: {  	[sflag:s11] =	ssyncset.done $0x0  }
0xb2: {  	[sflag:s11] =	ssyncadd.s32 $0xFFFFF600;
	s11 =	simm.s32 $0x11  }
0xb3: {  	_ =	swait.ge [sflag:s11], $0xA00  }
0xb4: {  	[sflag:s11] =	ssyncset.done $0x0  }
0xb5: {  	[sflag:s11] =	ssyncadd.s32 $0xFFFFF600  }
0xb6: {  	_ =	swait.ge [sflag:s8], $0x50  }
0xb7: {  	[sflag:s8] =	ssyncset.done $0x0  }
0xb8: {  	s7 =	simm.s32 $0x51E0;
	[sflag:s8] =	ssyncadd.s32 $0xFFFFFFB0  }
0xb9: {  	[tilespmem:s28], [sflag:$0x2] =	stream.indirect.gather [hbm4b:s10+s19], $0x20, s7, s19, $0xb8;
	[tilespmem:$0x15590] =	vst v63  }
0xba: {  	s11 =	simm.s32 $0xA000  }
0xbb: {  	[tilespmem:s18], [sflag:$0x7] =	stream.indirect.gather [hbm4b:s10+s19], $0x20, s11, s19, $0xb8;
	[tilespmem:$0x15590] =	vst v63  }
0xbc: {  	_ = 	snop  }
0xbd: {  	[spmem:s3] =	stream.indirect.scatter.add.f32 [tilespmem:s22], [sflag:$0x15], $0x1, s11, s19, $0xb8;
	[tilespmem:$0x15590] =	vst v63  }
0xbe: {  	_ =	swait.ge [sflag:s4], $0xA00  }
0xbf: {  	[sflag:s4] =	ssyncset.done $0x0  }
0xc0: {  	[sflag:s4] =	ssyncadd.s32 $0xFFFFF600  }
0xc1: {  	[spmem:s2] =	stream.indirect.scatter.add.bf16 [tilespmem:s29], [sflag:$0xB], $0x20, s5, s19, $0xb8;
	[tilespmem:$0x15590] =	vst v63  }
0xc2: {  	_ =	swait.ge [sflag:s12], $0xA00  }
0xc3: {  	[sflag:s12] =	ssyncset.done $0x0  }
0xc4: {  	s4 =	simm.s32 $0xD;
	[sflag:s12] =	ssyncadd.s32 $0xFFFFF600  }
0xc5: {  	[spmem:s2] =	stream.indirect.scatter.add.bf16 [tilespmem:s15], [sflag:$0x10], $0x20, s0, s19, $0xb8;
	[tilespmem:$0x15590] =	vst v63  }
0xc6: {  	_ =	swait.ge [sflag:s4], $0xA00  }
0xc7: {  	[sflag:s4] =	ssyncset.done $0x0  }
0xc8: {  	s5 =	simm.s32 $0x12;
	[sflag:s4] =	ssyncadd.s32 $0xFFFFF600  }
0xc9: {  	_ =	swait.ge [sflag:s5], $0xA00  }
0xca: {  	[sflag:s5] =	ssyncset.done $0x0  }
0xcb: {  	[sflag:s5] =	ssyncadd.s32 $0xFFFFF600  }
0xcc: {  	_ =	swait.ge [sflag:s8], $0x50  }
0xcd: {  	[sflag:s8] =	ssyncset.done $0x0  }
0xce: {  	s0 =	simm.s32 $0x5230;
	[sflag:s8] =	ssyncadd.s32 $0xFFFFFFB0  }
0xcf: {  	[tilespmem:s23], [sflag:$0x3] =	stream.indirect.gather [hbm4b:s10+s19], $0x20, s0, s19, $0xb8;
	[tilespmem:$0x15590] =	vst v63  }
0xd0: {  	s5 =	simm.s32 $0xA050  }
0xd1: {  	[tilespmem:s20], [sflag:$0x8] =	stream.indirect.gather [hbm4b:s10+s19], $0x20, s5, s19, $0xb8;
	[tilespmem:$0x15590] =	vst v63  }
0xd2: {  	_ = 	snop  }
0xd3: {  	[spmem:s3] =	stream.indirect.scatter.add.f32 [tilespmem:s22], [sflag:$0x15], $0x1, s5, s19, $0xb8;
	[tilespmem:$0x15590] =	vst v63  }
0xd4: {  	_ =	swait.ge [sflag:s13], $0xA00  }
0xd5: {  	[sflag:s13] =	ssyncset.done $0x0  }
0xd6: {  	[sflag:s13] =	ssyncadd.s32 $0xFFFFF600  }
0xd7: {  	[spmem:s2] =	stream.indirect.scatter.add.bf16 [tilespmem:s28], [sflag:$0xC], $0x20, s11, s19, $0xb8;
	[tilespmem:$0x15590] =	vst v63  }
0xd8: {  	_ =	swait.ge [sflag:s30], $0xA00  }
0xd9: {  	[sflag:s30] =	ssyncset.done $0x0  }
0xda: {  	s11 =	simm.s32 $0xE;
	[sflag:s30] =	ssyncadd.s32 $0xFFFFF600  }
0xdb: {  	[spmem:s2] =	stream.indirect.scatter.add.bf16 [tilespmem:s18], [sflag:$0x11], $0x20, s7, s19, $0xb8;
	[tilespmem:$0x15590] =	vst v63  }
0xdc: {  	_ =	swait.ge [sflag:s11], $0xA00  }
0xdd: {  	[sflag:s11] =	ssyncset.done $0x0  }
0xde: {  	s15 =	simm.s32 $0x13;
	[sflag:s11] =	ssyncadd.s32 $0xFFFFF600  }
0xdf: {  	_ =	swait.ge [sflag:s15], $0xA00  }
0xe0: {  	[sflag:s15] =	ssyncset.done $0x0  }
0xe1: {  	[sflag:s15] =	ssyncadd.s32 $0xFFFFF600  }
0xe2: {  	_ =	swait.ge [sflag:s8], $0x50  }
0xe3: {  	[sflag:s8] =	ssyncset.done $0x0  }
0xe4: {  	s11 =	simm.s32 $0x5280;
	[sflag:s8] =	ssyncadd.s32 $0xFFFFFFB0  }
0xe5: {  	[tilespmem:s21], [sflag:$0x4] =	stream.indirect.gather [hbm4b:s10+s19], $0x20, s11, s19, $0xb8;
	[tilespmem:$0x15590] =	vst v63  }
0xe6: {  	s18 =	simm.s32 $0xA0A0  }
0xe7: {  	[tilespmem:s16], [sflag:$0x9] =	stream.indirect.gather [hbm4b:s10+s19], $0x20, s18, s19, $0xb8;
	[tilespmem:$0x15590] =	vst v63  }
0xe8: {  	_ = 	snop  }
0xe9: {  	[spmem:s3] =	stream.indirect.scatter.add.f32 [tilespmem:s22], [sflag:$0x15], $0x1, s18, s19, $0xb8;
	[tilespmem:$0x15590] =	vst v63  }
0xea: {  	_ =	swait.ge [sflag:s1], $0xA00  }
0xeb: {  	[sflag:s1] =	ssyncset.done $0x0  }
0xec: {  	[sflag:s1] =	ssyncadd.s32 $0xFFFFF600  }
0xed: {  	[spmem:s2] =	stream.indirect.scatter.add.bf16 [tilespmem:s23], [sflag:$0xD], $0x20, s5, s19, $0xb8;
	[tilespmem:$0x15590] =	vst v63  }
0xee: {  	_ =	swait.ge [sflag:s9], $0xA00  }
0xef: {  	[sflag:s9] =	ssyncset.done $0x0  }
0xf0: {  	[sflag:s9] =	ssyncadd.s32 $0xFFFFF600  }
0xf1: {  	[spmem:s2] =	stream.indirect.scatter.add.bf16 [tilespmem:s20], [sflag:$0x12], $0x20, s0, s19, $0xb8;
	[tilespmem:$0x15590] =	vst v63  }
0xf2: {  	_ =	swait.ge [sflag:s26], $0xA00  }
0xf3: {  	[sflag:s26] =	ssyncset.done $0x0  }
0xf4: {  	[sflag:s26] =	ssyncadd.s32 $0xFFFFF600  }
0xf5: {  	_ =	swait.ge [sflag:s31], $0xA00  }
0xf6: {  	[sflag:s31] =	ssyncset.done $0x0  }
0xf7: {  	[sflag:s31] =	ssyncadd.s32 $0xFFFFF600  }
0xf8: {  	_ =	swait.ge [sflag:s8], $0x50  }
0xf9: {  	[sflag:s8] =	ssyncset.done $0x0  }
0xfa: {  	s20 =	simm.s32 $0x52D0;
	[sflag:s8] =	ssyncadd.s32 $0xFFFFFFB0  }
0xfb: {  	[tilespmem:s17], [sflag:$0x5] =	stream.indirect.gather [hbm4b:s10+s19], $0x20, s20, s19, $0xb8;
	[tilespmem:$0x15590] =	vst v63  }
0xfc: {  	s23 =	simm.s32 $0xA0F0  }
0xfd: {  	[tilespmem:s14], [sflag:$0xA] =	stream.indirect.gather [hbm4b:s10+s19], $0x20, s23, s19, $0xb8;
	[tilespmem:$0x15590] =	vst v63  }
0xfe: {  	_ = 	snop  }
0xff: {  	[spmem:s3] =	stream.indirect.scatter.add.f32 [tilespmem:s22], [sflag:$0x15], $0x1, s23, s19, $0xb8;
	[tilespmem:$0x15590] =	vst v63  }
0x100: {  	_ =	swait.ge [sflag:s25], $0xA00  }
0x101: {  	[sflag:s25] =	ssyncset.done $0x0  }
0x102: {  	[sflag:s25] =	ssyncadd.s32 $0xFFFFF600  }
0x103: {  	[spmem:s2] =	stream.indirect.scatter.add.bf16 [tilespmem:s21], [sflag:$0xE], $0x20, s18, s19, $0xb8;
	[tilespmem:$0x15590] =	vst v63  }
0x104: {  	s15 =	simm.s32 $0x9;
	_ =	swait.ge [sflag:s6], $0xA00  }
0x105: {  	s1 =	simm.s32 $0x3;
	s9 =	simm.s32 $0x8;
	[sflag:s6] =	ssyncset.done $0x0  }
0x106: {  	s0 =	simm.s32 $0x640;
	[sflag:s6] =	ssyncadd.s32 $0xFFFFF600;
	s6 =	simm.s32 $0x4  }
.LBB2_2:
0x107: {  	s16 =	simm.s32 $0x13C40;
	s5 =	smov.u32 s0;
	s4 =	simm.s32 $0xB  }
0x108: {  	[spmem:s2] =	stream.indirect.scatter.add.bf16 [tilespmem:s16], [sflag:$0x13], $0x20, s11, s19, $0xb8;
	[tilespmem:$0x15590] =	vst v63  }
0x109: {  	p0 =	sne.s32 s0, $0x12C00;
	s0 =	sadd.s32 $0x640, s0;
	_ =	swait.ge [sflag:s4], $0xA00  }
0x10a: {  	[sflag:s4] =	ssyncset.done $0x0  }
0x10b: {  	[sflag:s4] =	ssyncadd.s32 $0xFFFFF600;
	s4 =	simm.s32 $0x10  }
0x10c: {  	_ =	swait.ge [sflag:s4], $0xA00  }
0x10d: {  	[sflag:s4] =	ssyncset.done $0x0  }
0x10e: {  	[sflag:s4] =	ssyncadd.s32 $0xFFFFF600  }
0x10f: {  	_ =	swait.ge [sflag:s8], $0x50  }
0x110: {  	s7 =	sshra.s32 s5, $0x2;
	[sflag:s8] =	ssyncset.done $0x0  }
0x111: {  	s11 =	sadd.s32 $0x5190, s7;
	[sflag:s8] =	ssyncadd.s32 $0xFFFFFFB0  }
0x112: {  	[tilespmem:s29], [sflag:$0x1] =	stream.indirect.gather [hbm4b:s10+s19], $0x20, s11, s19, $0xb8;
	[tilespmem:$0x15590] =	vst v63  }
0x113: {  	s25 =	simm.s32 $0x11E40;
	s5 =	sadd.s32 $0x9FB0, s7  }
0x114: {  	[tilespmem:s25], [sflag:$0x6] =	stream.indirect.gather [hbm4b:s10+s19], $0x20, s5, s19, $0xb8;
	[tilespmem:$0x15590] =	vst v63  }
0x115: {  	s4 =	simm.s32 $0x5  }
0x116: {  	[spmem:s3] =	stream.indirect.scatter.add.f32 [tilespmem:s22], [sflag:$0x15], $0x1, s5, s19, $0xb8;
	[tilespmem:$0x15590] =	vst v63  }
0x117: {  	_ =	swait.ge [sflag:s4], $0xA00  }
0x118: {  	s17 =	simm.s32 $0x11440;
	[sflag:s4] =	ssyncset.done $0x0  }
0x119: {  	s23 =	sadd.s32 $0x9F60, s7;
	[sflag:s4] =	ssyncadd.s32 $0xFFFFF600;
	s4 =	simm.s32 $0xA  }
0x11a: {  	[spmem:s2] =	stream.indirect.scatter.add.bf16 [tilespmem:s17], [sflag:$0xF], $0x20, s23, s19, $0xb8;
	[tilespmem:$0x15590] =	vst v63  }
0x11b: {  	_ =	swait.ge [sflag:s4], $0xA00  }
0x11c: {  	s14 =	simm.s32 $0x14640;
	[sflag:s4] =	ssyncset.done $0x0  }
0x11d: {  	s23 =	sadd.s32 $0x5140, s7;
	[sflag:s4] =	ssyncadd.s32 $0xFFFFF600;
	s4 =	simm.s32 $0xC  }
0x11e: {  	[spmem:s2] =	stream.indirect.scatter.add.bf16 [tilespmem:s14], [sflag:$0x14], $0x20, s23, s19, $0xb8;
	[tilespmem:$0x15590] =	vst v63  }
0x11f: {  	_ =	swait.ge [sflag:s4], $0xA00  }
0x120: {  	[sflag:s4] =	ssyncset.done $0x0  }
0x121: {  	[sflag:s4] =	ssyncadd.s32 $0xFFFFF600;
	s4 =	simm.s32 $0x11  }
0x122: {  	_ =	swait.ge [sflag:s4], $0xA00  }
0x123: {  	[sflag:s4] =	ssyncset.done $0x0  }
0x124: {  	[sflag:s4] =	ssyncadd.s32 $0xFFFFF600  }
0x125: {  	_ =	swait.ge [sflag:s8], $0x50  }
0x126: {  	[sflag:s8] =	ssyncset.done $0x0  }
0x127: {  	s23 =	sadd.s32 $0x51E0, s7;
	[sflag:s8] =	ssyncadd.s32 $0xFFFFFFB0  }
0x128: {  	[tilespmem:s28], [sflag:$0x2] =	stream.indirect.gather [hbm4b:s10+s19], $0x20, s23, s19, $0xb8;
	[tilespmem:$0x15590] =	vst v63  }
0x129: {  	s18 =	simm.s32 $0xF640;
	s4 =	simm.s32 $0x12840;
	s28 =	sadd.s32 $0xA000, s7  }
0x12a: {  	[tilespmem:s4], [sflag:$0x7] =	stream.indirect.gather [hbm4b:s10+s19], $0x20, s28, s19, $0xb8;
	[tilespmem:$0x15590] =	vst v63  }
0x12b: {  	s4 =	simm.s32 $0x1;
	_ =	sdelay $0x1  }
0x12c: {  	[spmem:s3] =	stream.indirect.scatter.add.f32 [tilespmem:s22], [sflag:$0x15], $0x1, s28, s19, $0xb8;
	[tilespmem:$0x15590] =	vst v63  }
0x12d: {  	_ =	swait.ge [sflag:s4], $0xA00  }
0x12e: {  	[sflag:s4] =	ssyncset.done $0x0  }
0x12f: {  	[sflag:s4] =	ssyncadd.s32 $0xFFFFF600  }
0x130: {  	[spmem:s2] =	stream.indirect.scatter.add.bf16 [tilespmem:s29], [sflag:$0xB], $0x20, s5, s19, $0xb8;
	[tilespmem:$0x15590] =	vst v63  }
0x131: {  	_ =	swait.ge [sflag:s12], $0xA00  }
0x132: {  	[sflag:s12] =	ssyncset.done $0x0  }
0x133: {  	s5 =	simm.s32 $0xD;
	[sflag:s12] =	ssyncadd.s32 $0xFFFFF600  }
0x134: {  	[spmem:s2] =	stream.indirect.scatter.add.bf16 [tilespmem:s25], [sflag:$0x10], $0x20, s11, s19, $0xb8;
	[tilespmem:$0x15590] =	vst v63  }
0x135: {  	_ =	swait.ge [sflag:s5], $0xA00  }
0x136: {  	[sflag:s5] =	ssyncset.done $0x0  }
0x137: {  	[sflag:s5] =	ssyncadd.s32 $0xFFFFF600;
	s5 =	simm.s32 $0x12  }
0x138: {  	_ =	swait.ge [sflag:s5], $0xA00  }
0x139: {  	[sflag:s5] =	ssyncset.done $0x0  }
0x13a: {  	[sflag:s5] =	ssyncadd.s32 $0xFFFFF600  }
0x13b: {  	_ =	swait.ge [sflag:s8], $0x50  }
0x13c: {  	[sflag:s8] =	ssyncset.done $0x0  }
0x13d: {  	s20 =	simm.s32 $0x10040;
	s5 =	sadd.s32 $0x5230, s7;
	[sflag:s8] =	ssyncadd.s32 $0xFFFFFFB0  }
0x13e: {  	[tilespmem:s20], [sflag:$0x3] =	stream.indirect.gather [hbm4b:s10+s19], $0x20, s5, s19, $0xb8;
	[tilespmem:$0x15590] =	vst v63  }
0x13f: {  	s21 =	simm.s32 $0x13240;
	s29 =	sadd.s32 $0xA050, s7  }
0x140: {  	[tilespmem:s21], [sflag:$0x8] =	stream.indirect.gather [hbm4b:s10+s19], $0x20, s29, s19, $0xb8;
	[tilespmem:$0x15590] =	vst v63  }
0x141: {  	_ = 	snop  }
0x142: {  	[spmem:s3] =	stream.indirect.scatter.add.f32 [tilespmem:s22], [sflag:$0x15], $0x1, s29, s19, $0xb8;
	[tilespmem:$0x15590] =	vst v63  }
0x143: {  	_ =	swait.ge [sflag:s13], $0xA00  }
0x144: {  	[sflag:s13] =	ssyncset.done $0x0  }
0x145: {  	[sflag:s13] =	ssyncadd.s32 $0xFFFFF600  }
0x146: {  	[spmem:s2] =	stream.indirect.scatter.add.bf16 [tilespmem:s18], [sflag:$0xC], $0x20, s28, s19, $0xb8;
	[tilespmem:$0x15590] =	vst v63  }
0x147: {  	s18 =	simm.s32 $0x12840;
	s28 =	simm.s32 $0xF640  }
0x148: {  	_ =	swait.ge [sflag:s30], $0xA00  }
0x149: {  	[sflag:s30] =	ssyncset.done $0x0  }
0x14a: {  	s11 =	simm.s32 $0xE;
	[sflag:s30] =	ssyncadd.s32 $0xFFFFF600  }
0x14b: {  	[spmem:s2] =	stream.indirect.scatter.add.bf16 [tilespmem:s18], [sflag:$0x11], $0x20, s23, s19, $0xb8;
	[tilespmem:$0x15590] =	vst v63  }
0x14c: {  	_ =	swait.ge [sflag:s11], $0xA00  }
0x14d: {  	[sflag:s11] =	ssyncset.done $0x0  }
0x14e: {  	[sflag:s11] =	ssyncadd.s32 $0xFFFFF600;
	s11 =	simm.s32 $0x13  }
0x14f: {  	_ =	swait.ge [sflag:s11], $0xA00  }
0x150: {  	[sflag:s11] =	ssyncset.done $0x0  }
0x151: {  	[sflag:s11] =	ssyncadd.s32 $0xFFFFF600  }
0x152: {  	_ =	swait.ge [sflag:s8], $0x50  }
0x153: {  	[sflag:s8] =	ssyncset.done $0x0  }
0x154: {  	s11 =	sadd.s32 $0x5280, s7;
	[sflag:s8] =	ssyncadd.s32 $0xFFFFFFB0  }
0x155: {  	[tilespmem:s24], [sflag:$0x4] =	stream.indirect.gather [hbm4b:s10+s19], $0x20, s11, s19, $0xb8;
	[tilespmem:$0x15590] =	vst v63  }
0x156: {  	s25 =	simm.s32 $0x13C40;
	s23 =	sadd.s32 $0xA0A0, s7  }
0x157: {  	[tilespmem:s16], [sflag:$0x9] =	stream.indirect.gather [hbm4b:s10+s19], $0x20, s23, s19, $0xb8;
	[tilespmem:$0x15590] =	vst v63  }
0x158: {  	_ = 	snop  }
0x159: {  	[spmem:s3] =	stream.indirect.scatter.add.f32 [tilespmem:s22], [sflag:$0x15], $0x1, s23, s19, $0xb8;
	[tilespmem:$0x15590] =	vst v63  }
0x15a: {  	_ =	swait.ge [sflag:s1], $0xA00  }
0x15b: {  	[sflag:s1] =	ssyncset.done $0x0  }
0x15c: {  	[sflag:s1] =	ssyncadd.s32 $0xFFFFF600  }
0x15d: {  	[spmem:s2] =	stream.indirect.scatter.add.bf16 [tilespmem:s20], [sflag:$0xD], $0x20, s29, s19, $0xb8;
	[tilespmem:$0x15590] =	vst v63  }
0x15e: {  	s29 =	simm.s32 $0xEC40  }
0x15f: {  	_ =	swait.ge [sflag:s9], $0xA00  }
0x160: {  	[sflag:s9] =	ssyncset.done $0x0  }
0x161: {  	[sflag:s9] =	ssyncadd.s32 $0xFFFFF600  }
0x162: {  	[spmem:s2] =	stream.indirect.scatter.add.bf16 [tilespmem:s21], [sflag:$0x12], $0x20, s5, s19, $0xb8;
	[tilespmem:$0x15590] =	vst v63  }
0x163: {  	_ =	swait.ge [sflag:s26], $0xA00  }
0x164: {  	[sflag:s26] =	ssyncset.done $0x0  }
0x165: {  	[sflag:s26] =	ssyncadd.s32 $0xFFFFF600  }
0x166: {  	_ =	swait.ge [sflag:s31], $0xA00  }
0x167: {  	[sflag:s31] =	ssyncset.done $0x0  }
0x168: {  	[sflag:s31] =	ssyncadd.s32 $0xFFFFF600  }
0x169: {  	_ =	swait.ge [sflag:s8], $0x50  }
0x16a: {  	[sflag:s8] =	ssyncset.done $0x0  }
0x16b: {  	s16 =	simm.s32 $0x11440;
	s5 =	sadd.s32 $0x52D0, s7;
	[sflag:s8] =	ssyncadd.s32 $0xFFFFFFB0  }
0x16c: {  	[tilespmem:s17], [sflag:$0x5] =	stream.indirect.gather [hbm4b:s10+s19], $0x20, s5, s19, $0xb8;
	[tilespmem:$0x15590] =	vst v63  }
0x16d: {  	s5 =	sadd.s32 $0xA0F0, s7;
	s7 =	simm.s32 $0x14640  }
0x16e: {  	[tilespmem:s14], [sflag:$0xA] =	stream.indirect.gather [hbm4b:s10+s19], $0x20, s5, s19, $0xb8;
	[tilespmem:$0x15590] =	vst v63  }
0x16f: {  	_ = 	snop  }
0x170: {  	[spmem:s3] =	stream.indirect.scatter.add.f32 [tilespmem:s22], [sflag:$0x15], $0x1, s5, s19, $0xb8;
	[tilespmem:$0x15590] =	vst v63  }
0x171: {  	_ =	swait.ge [sflag:s6], $0xA00  }
0x172: {  	[sflag:s6] =	ssyncset.done $0x0  }
.Ltmp0:
0x173: {  	[sflag:s6] =	ssyncadd.s32 $0xFFFFF600;
	(pc) =	sbr.rel @p0 .LBB2_2-.Ltmp0, $4  }
0x174: {  	[spmem:s2] =	stream.indirect.scatter.add.bf16 [tilespmem:s24], [sflag:$0xE], $0x20, s23, s19, $0xb8;
	[tilespmem:$0x15590] =	vst v63  }
0x175: {  	_ =	swait.ge [sflag:s15], $0xA00  }
0x176: {  	[sflag:s15] =	ssyncset.done $0x0  }
0x177: {  	[sflag:s15] =	ssyncadd.s32 $0xFFFFF600  }
0x178: {  	[spmem:s2] =	stream.indirect.scatter.add.bf16 [tilespmem:s25], [sflag:$0x13], $0x20, s11, s19, $0xb8;
	[tilespmem:$0x15590] =	vst v63  }
0x179: {  	s0 =	simm.s32 $0x5  }
0x17a: {  	_ =	swait.ge [sflag:s0], $0xA00  }
0x17b: {  	[sflag:s0] =	ssyncset.done $0x0  }
0x17c: {  	s23 =	simm.s32 $0xEBF0;
	s25 =	simm.s32 $0xA;
	[sflag:s0] =	ssyncadd.s32 $0xFFFFF600  }
0x17d: {  	[spmem:s2] =	stream.indirect.scatter.add.bf16 [tilespmem:s16], [sflag:$0xF], $0x20, s23, s19, $0xb8;
	[tilespmem:$0x15590] =	vst v63  }
0x17e: {  	_ =	swait.ge [sflag:s25], $0xA00  }
0x17f: {  	[sflag:s25] =	ssyncset.done $0x0  }
0x180: {  	s1 =	simm.s32 $0x9DD0;
	s5 =	simm.s32 $0xB;
	[sflag:s25] =	ssyncadd.s32 $0xFFFFF600  }
0x181: {  	[spmem:s2] =	stream.indirect.scatter.add.bf16 [tilespmem:s7], [sflag:$0x14], $0x20, s1, s19, $0xb8;
	[tilespmem:$0x15590] =	vst v63  }
0x182: {  	_ =	swait.ge [sflag:s5], $0xA00  }
0x183: {  	[sflag:s5] =	ssyncset.done $0x0  }
0x184: {  	s6 =	simm.s32 $0x10;
	[sflag:s5] =	ssyncadd.s32 $0xFFFFF600  }
0x185: {  	_ =	swait.ge [sflag:s6], $0xA00  }
0x186: {  	[sflag:s6] =	ssyncset.done $0x0  }
0x187: {  	[sflag:s6] =	ssyncadd.s32 $0xFFFFF600  }
0x188: {  	_ =	swait.ge [sflag:s8], $0x50  }
0x189: {  	[sflag:s8] =	ssyncset.done $0x0  }
0x18a: {  	s7 =	simm.s32 $0xC;
	[sflag:s8] =	ssyncadd.s32 $0xFFFFFFB0  }
0x18b: {  	_ =	swait.ge [sflag:s7], $0xA00  }
0x18c: {  	[sflag:s7] =	ssyncset.done $0x0  }
0x18d: {  	s9 =	simm.s32 $0x11;
	[sflag:s7] =	ssyncadd.s32 $0xFFFFF600  }
0x18e: {  	_ =	swait.ge [sflag:s9], $0xA00  }
0x18f: {  	[sflag:s9] =	ssyncset.done $0x0  }
0x190: {  	[sflag:s9] =	ssyncadd.s32 $0xFFFFF600  }
0x191: {  	_ =	swait.ge [sflag:s8], $0x50  }
0x192: {  	[sflag:s8] =	ssyncset.done $0x0  }
0x193: {  	s11 =	simm.s32 $0xD;
	[sflag:s8] =	ssyncadd.s32 $0xFFFFFFB0  }
0x194: {  	_ =	swait.ge [sflag:s11], $0xA00  }
0x195: {  	[sflag:s11] =	ssyncset.done $0x0  }
0x196: {  	s14 =	simm.s32 $0x12;
	[sflag:s11] =	ssyncadd.s32 $0xFFFFF600  }
0x197: {  	_ =	swait.ge [sflag:s14], $0xA00  }
0x198: {  	[sflag:s14] =	ssyncset.done $0x0  }
0x199: {  	[sflag:s14] =	ssyncadd.s32 $0xFFFFF600  }
0x19a: {  	_ =	swait.ge [sflag:s8], $0x50  }
0x19b: {  	[sflag:s8] =	ssyncset.done $0x0  }
0x19c: {  	s15 =	simm.s32 $0xE;
	[sflag:s8] =	ssyncadd.s32 $0xFFFFFFB0  }
0x19d: {  	_ =	swait.ge [sflag:s15], $0xA00  }
0x19e: {  	[sflag:s15] =	ssyncset.done $0x0  }
0x19f: {  	s16 =	simm.s32 $0x13;
	[sflag:s15] =	ssyncadd.s32 $0xFFFFF600  }
0x1a0: {  	_ =	swait.ge [sflag:s16], $0xA00  }
0x1a1: {  	[sflag:s16] =	ssyncset.done $0x0  }
0x1a2: {  	[sflag:s16] =	ssyncadd.s32 $0xFFFFF600  }
0x1a3: {  	_ =	swait.ge [sflag:s8], $0x50  }
0x1a4: {  	[sflag:s8] =	ssyncset.done $0x0  }
0x1a5: {  	[sflag:s8] =	ssyncadd.s32 $0xFFFFFFB0  }
0x1a6: {  	_ =	swait.ge [sflag:s26], $0xA00  }
0x1a7: {  	[sflag:s26] =	ssyncset.done $0x0  }
0x1a8: {  	[sflag:s26] =	ssyncadd.s32 $0xFFFFF600  }
0x1a9: {  	_ =	swait.ge [sflag:s31], $0xA00  }
0x1aa: {  	[sflag:s31] =	ssyncset.done $0x0  }
0x1ab: {  	[sflag:s31] =	ssyncadd.s32 $0xFFFFF600  }
0x1ac: {  	_ =	swait.ge [sflag:s8], $0x50  }
0x1ad: {  	[sflag:s8] =	ssyncset.done $0x0  }
0x1ae: {  	[sflag:s8] =	ssyncadd.s32 $0xFFFFFFB0  }
0x1af: {  	[bflag:$0x0] =	sbarrier.arrive $0xFFFF  }
0x1b0: {  	s23 =	rddreg [dreg:$0x6]  }
0x1b1: {  	s17 =	rddreg [dreg:$0xa]  }
0x1b2: {  	s28 =	simm.s32 $0x16;
	s11 =	rddreg [dreg:$0xd]  }
0x1b3: {  	[hbm:s17], [sflag:s23] =	dma.local [spmem:s11], $0xA00  }
0x1b4: {  	_ =	swait.ge [sflag:s28], $0xA00  }
0x1b5: {  	[sflag:s28] =	ssyncset.done $0x0;
	s7 =	rddreg [dreg:$0x9]  }
0x1b6: {  	s5 =	rddreg [dreg:$0xb];
	[sflag:s28] =	ssyncadd.s32 $0xFFFFF600;
	s20 =	sshrl.u32 s7, $0x3  }
0x1b7: {  	[hbm:s5], [sflag:s23] =	dma.local [spmem:s20], $0x50  }
0x1b8: {  	_ =	swait.ge [sflag:s28], $0x50  }
0x1b9: {  	s21 =	rddreg [dreg:$0xe]  }
0x1ba: {  	s25 =	rddreg [dreg:$0xc];
	s5 =	sadd.s32 $0x1, s21  }
0x1bb: {  	p0 =	sne.s32 s5, s25  }
.Ltmp1:
0x1bc: {  	_ = 	snop;
	(pc) =	sbr.rel @p0 .LBB2_1-.Ltmp1, $3  }
0x1bd: {  	_ =	sdelay $0x1  }
0x1be: {  	s1 =	simm.s32 $0x3;
	s6 =	simm.s32 $0x9;
	[sflag:s28] =	ssyncset.done $0x0  }
0x1bf: {  	s9 =	simm.s32 $0x8;
	[sflag:s28] =	ssyncadd.s32 $0xFFFFFFB0;
	s25 =	simm.s32 $0x4  }
0x1c0: {  	_ =	sfence.sel $0x180000  }
0x1c1: {  	[bflag:$0x0] =	sbarrier.arrive $0xFFFF  }
0x1c2: {  	_ =	strace $0x90000047  }
0x1c3: {  	s0 =	stileid.u32;
	[bflag:$0x2] =	sbarrier.arrive $0xFFFF  }
0x1c4: {  	p0 =	sne.s32 s0, $0x0;
	s0 =	rddreg [dreg:$0x4]  }
0x1c5: {  	s0 =	sadd.s32 @!p0 $0x100000, s0  }
0x1c6: {  	[sflag:s0] =	ssyncadd.tile.s32 @!p0 $0x1;
	_ =	shalt  }
.Lfunc_end2:
_tile_overlayer_lowered:
.L_overlay_start_2:
0x1c7: {  	(tag) =	ssettag $0x2  }
0x1c8: {  	s0 =	rddreg [dreg:$0x0];
	s2 =	stileid.u32  }
0x1c9: {  	s1 =	rddreg [dreg:$0x1];
	p0 =	sne.s32 s2, $0x0  }
0x1ca: {  	s3 =	rddreg [dreg:$0x2];
	[bflag:$0x3] =	sbarrier.arrive $0xFFFF;
	s2 =	simm.s32 @!p0 $0x1C16  }
0x1cb: {  	[timem:s3], [sflag:s2] =	dma.local @!p0 [hbm:s0], s1  }
0x1cc: {  	s0 =	simm.s32 @!p0 $0x16  }
0x1cd: {  	_ =	swait.ge @!p0 [sflag:s0], s1  }
0x1ce: {  	s1 =	ssub.s32 @!p0 $0x0, s1;
	[sflag:s0] =	ssyncset.done @!p0 $0x0  }
0x1cf: {  	[sflag:s0] =	ssyncadd.s32 @!p0 s1  }
0x1d0: {  	[bflag:$0x3] =	sbarrier.arrive $0xFFFF  }
0x1d1: {  	_ =	shalt  }

// kernel: kernel.9.cloned.1.call-start
scs
__scs_entry_jumppad:
0x0: {  	(pc) =	sbr.rel $0x88, $3  }
0x1: {  	(tag) =	ssettag $0x0;
	lr =	simm.s32 $0x1  }
0x2: {  	[smem:$0x3F91] =	sst lr;
	_ =	strace $0xD0000000  }
0x3: {  	_ = 	snop  }
0x4: {  	_ = 	snop  }
0x5: {  	_ = 	snop  }
0x6: {  	_ = 	snop  }
0x7: {  	_ = 	snop  }
__scs_overlays_trampoline_lowered:
0x8: {  	[smem:$0x3FA0] =	sst s0  }
0x9: {  	[smem:$0x3FA1] =	sst s1  }
0xa: {  	[smem:$0x3FA2] =	sst s2  }
0xb: {  	[smem:$0x3FA3] =	sst s3  }
0xc: {  	[smem:$0x3FA4] =	sst s4  }
0xd: {  	[smem:$0x3FA5] =	sst s5  }
0xe: {  	[smem:$0x3FA6] =	sst s6  }
0xf: {  	[smem:$0x3FA7] =	sst s7  }
0x10: {  	[smem:$0x3FA8] =	sst s8  }
0x11: {  	[smem:$0x3FA9] =	sst s9;
	s0 =	simm.s32 @!p0 $0x0  }
0x12: {  	s1 =	sld [smem:$0x3F8F];
	s0 =	simm.s32 @p0 $0x1  }
0x13: {  	[smem:$0x3FAA] =	sst s0;
	s0 =	simm.s32 @!p1 $0x0  }
0x14: {  	s2 =	sld [smem:$0x3F8E];
	s0 =	simm.s32 @p1 $0x1  }
0x15: {  	[smem:$0x3FAB] =	sst s0;
	s0 =	simm.s32 @!p2 $0x0  }
0x16: {  	s3 =	sld [smem:$0x3FDB];
	s0 =	simm.s32 @p2 $0x1  }
0x17: {  	s4 =	simm.s32 $0x1BF5;
	[smem:$0x3FAD] =	sst s0  }
0x18: {  	s0 =	sld [smem:$0x3F90];
	_ =	swait.ge [sflag:s4], $0x0  }
0x19: {  	s7 =	sld [smem:$0x3F91]  }
0x1a: {  	s8 =	sadd.s32 $0xFFFFE003, lr  }
0x1b: {  	s9 =	sadd.s32 $0xFFFFFEF7, lr;
	s5 =	simm.s32 $0xFFFFFFFF;
	p2 =	slt.u32 s8, $0xFFFFF086  }
0x1c: {  	p1 =	slt.u32 s9, $0xF7A;
	s5 =	simm.s32 @!p2 $0x0  }
0x1d: {  	s5 =	simm.s32 @p1 $0x1;
	p0 =	seq.s32 s7, s2  }
0x1e: {  	s7 =	smul.u32 @!p0 $0xF7A, s2;
	p2 =	seq.s32 @!p0 s5, $0x0  }
0x1f: {  	s9 =	smul.u32 $0xF7A, s1;
	s8 =	simm.s32 @!p0 $0x1BF5;
	p2 =	por !p2, p0  }
0x20: {  	[sflag:s8] =	ssyncset.s32 @!p0 $0xFFFFF086;
	s6 =	sadd.s32 @!p0 s3, s7;
	s7 =	simm.s32 @!p0 $0x108  }
0x21: {  	s3 =	sadd.s32 s3, s9;
	s6 =	sadd.s32 @!p0 $0x88, s6;
	s7 =	simm.s32 @p2 $0x1082  }
0x22: {  	[simem:s7], [sflag:s8] =	dma.local @!p0 [hbm:s6], $0xF7A  }
0x23: {  	s9 =	sor.u32 $0xD0000000, s2;
	s6 =	simm.s32 $0x108;
	_ =	swait.ge @!p0 [sflag:s8], $0x0  }
0x24: {  	s3 =	sadd.s32 $0x88, s3;
	s6 =	simm.s32 @!p1 $0x1082;
	[sflag:s4] =	ssyncset.s32 $0xFFFFF086  }
0x25: {  	[simem:s6], [sflag:s4] =	dma.local [hbm:s3], $0xF7A  }
0x26: {  	[smem:$0x3F91] =	sst s1;
	(tag) =	ssettag s2;
	_ =	strace s9  }
0x27: {  	s1 =	sld [smem:$0x3FA1]  }
0x28: {  	s2 =	sld [smem:$0x3FA2]  }
0x29: {  	s4 =	sld [smem:$0x3FA4]  }
0x2a: {  	p0 =	seq.s32 s5, $0x0;
	s5 =	sld [smem:$0x3FA5]  }
0x2b: {  	s6 =	sld [smem:$0x3FA6]  }
0x2c: {  	s7 =	sld [smem:$0x3FA7]  }
0x2d: {  	s3 =	simm.s32 $0x108;
	s8 =	sld [smem:$0x3FA8]  }
0x2e: {  	s3 =	simm.s32 @!p0 $0x1082;
	s9 =	sld [smem:$0x3FA9]  }
0x2f: {  	lr =	sadd.s32 s0, s3;
	s0 =	sld [smem:$0x3FA0]  }
0x30: {  	s3 =	sld [smem:$0x3FA3]  }
0x31: {  	[smem:$0x3FAC] =	sst s10  }
0x32: {  	s10 =	sld [smem:$0x3FAA];
	_ =	sdelay $0x3  }
0x33: {  	p0 =	seq.s32 s10, $0x1;
	s10 =	sld [smem:$0x3FAC];
	_ =	sdelay $0x3  }
0x34: {  	[smem:$0x3FAC] =	sst s10  }
0x35: {  	s10 =	sld [smem:$0x3FAB];
	_ =	sdelay $0x3  }
0x36: {  	p1 =	seq.s32 s10, $0x1;
	s10 =	sld [smem:$0x3FAC];
	_ =	sdelay $0x3  }
0x37: {  	[smem:$0x3FAC] =	sst s10  }
0x38: {  	s10 =	sld [smem:$0x3FAD]  }
0x39: {  	_ = 	snop;
	(pc) =	sbr.ind lr, $3  }
0x3a: {  	_ = 	snop  }
0x3b: {  	_ = 	snop  }
0x3c: {  	p2 =	seq.s32 s10, $0x1;
	s10 =	sld [smem:$0x3FAC]  }
0x3d: {  	_ =	shalt  }
0x3e: {  	_ =	shalt  }
0x3f: {  	_ =	shalt  }
0x40: {  	_ =	shalt  }
0x41: {  	_ =	shalt  }
0x42: {  	_ =	shalt  }
0x43: {  	_ =	shalt  }
0x44: {  	_ =	shalt  }
0x45: {  	_ =	shalt  }
0x46: {  	_ =	shalt  }
0x47: {  	_ =	shalt  }
0x48: {  	_ =	shalt  }
0x49: {  	_ =	shalt  }
0x4a: {  	_ =	shalt  }
0x4b: {  	_ =	shalt  }
0x4c: {  	_ =	shalt  }
0x4d: {  	_ =	shalt  }
0x4e: {  	_ =	shalt  }
0x4f: {  	_ =	shalt  }
0x50: {  	_ =	shalt  }
0x51: {  	_ =	shalt  }
0x52: {  	_ =	shalt  }
0x53: {  	_ =	shalt  }
0x54: {  	_ =	shalt  }
0x55: {  	_ =	shalt  }
0x56: {  	_ =	shalt  }
0x57: {  	_ =	shalt  }
0x58: {  	_ =	shalt  }
0x59: {  	_ =	shalt  }
0x5a: {  	_ =	shalt  }
0x5b: {  	_ =	shalt  }
0x5c: {  	_ =	shalt  }
0x5d: {  	_ =	shalt  }
0x5e: {  	_ =	shalt  }
0x5f: {  	_ =	shalt  }
0x60: {  	_ =	shalt  }
0x61: {  	_ =	shalt  }
0x62: {  	_ =	shalt  }
0x63: {  	_ =	shalt  }
0x64: {  	_ =	shalt  }
0x65: {  	_ =	shalt  }
0x66: {  	_ =	shalt  }
0x67: {  	_ =	shalt  }
0x68: {  	_ =	shalt  }
0x69: {  	_ =	shalt  }
0x6a: {  	_ =	shalt  }
0x6b: {  	_ =	shalt  }
0x6c: {  	_ =	shalt  }
0x6d: {  	_ =	shalt  }
0x6e: {  	_ =	shalt  }
0x6f: {  	_ =	shalt  }
0x70: {  	_ =	shalt  }
0x71: {  	_ =	shalt  }
0x72: {  	_ =	shalt  }
0x73: {  	_ =	shalt  }
0x74: {  	_ =	shalt  }
0x75: {  	_ =	shalt  }
0x76: {  	_ =	shalt  }
0x77: {  	_ =	shalt  }
0x78: {  	_ =	shalt  }
0x79: {  	_ =	shalt  }
0x7a: {  	_ =	shalt  }
0x7b: {  	_ =	shalt  }
0x7c: {  	_ =	shalt  }
0x7d: {  	_ =	shalt  }
0x7e: {  	_ =	shalt  }
0x7f: {  	_ =	shalt  }
0x80: {  	_ =	shalt  }
0x81: {  	_ =	shalt  }
0x82: {  	_ =	shalt  }
0x83: {  	_ =	shalt  }
0x84: {  	_ =	shalt  }
0x85: {  	_ =	shalt  }
0x86: {  	_ =	shalt  }
0x87: {  	_ =	shalt  }
.Lfunc_end0:
.L_simem_size_0:
called_computation.1_lowered:
.L_overlay_start_0:
0x88: {  	s2 =	sld [smem:$0x3FD9]  }
0x89: {  	s3 =	sld [smem:$0x3FFE];
	_ =	sdelay $0x1  }
0x8a: {  	s1 =	srdreg.scid  }
0x8b: {  	s0 =	sand.u32 $0x1, s1  }
0x8c: {  	s17 =	sshll.u32 s0, $0xA;
	s2 =	sadd.s32 s3, s2  }
0x8d: {  	s2 =	sadd.s32 s2, s17  }
0x8e: {  	[smem:$0x3FB8] =	sst s2  }
0x8f: {  	_ = 	snop  }
0x90: {  	s2 =	sld [smem:$0x3FD0];
	(tm) =	ssettm $0x1  }
0x91: {  	s18 =	sld [smem:$0x3FFB];
	_ =	sdelay $0x3  }
0x92: {  	_ =	strace s18  }
0x93: {  	s3 =	sld [smem:$0x3FFC];
	_ =	sdelay $0x3  }
0x94: {  	_ =	strace s3  }
0x95: {  	s3 =	sld [smem:$0x3FFD];
	_ =	sdelay $0x3  }
0x96: {  	_ =	strace s3  }
0x97: {  	_ =	strace $0x8FFFFFFF  }
0x98: {  	s19 =	sld [smem:$0x3FDB];
	_ =	sdelay $0x1  }
0x99: {  	s4 =	simm.s32 $_scs_section_size  }
0x9a: {  	s5 =	simm.s32 $_size__tile_overlayer_lowered;
	s6 =	simm.s32 $_tile_overlayer_lowered  }
0x9b: {  	s22 =	simm.s32 $0x1BFF;
	s21 =	sshll.u32 s6, $0x1;
	s3 =	sadd.s32 s4, s19  }
0x9c: {  	s7 =	simm.s32 $0x0;
	s20 =	sshll.u32 s5, $0x1;
	s5 =	sadd.s32 s21, s3  }
0x9d: {  	[timem:s7], [sflag:s22] =	dma.local [hbm:s5], s20  }
0x9e: {  	_ =	swait.ge [sflag:s22], s20  }
0x9f: {  	s4 =	ssub.s32 $0x0, s20;
	[sflag:s22] =	ssyncset.done $0x0  }
0xa0: {  	[sflag:s22] =	ssyncadd.s32 s4;
	_ =	sdelay $0x1  }
0xa1: {  	s23 =	simm.s32 $0x1B8B  }
0xa2: {  	_ =	swait.ge [sflag:s23], $0x1  }
0xa3: {  	[sflag:s23] =	ssyncset.done $0x0  }
0xa4: {  	s25 =	simm.s32 $0x1B8E;
	s24 =	sld [smem:$0x3FFE];
	[sflag:s23] =	ssyncadd.s32 $0xFFFFFFFF  }
0xa5: {  	s26 =	simm.s32 $execute0_lowered;
	[smem:$0x3FD2] =	sst s25  }
0xa6: {  	s5 =	sshll.u32 s26, $0x1;
	_ =	strace $0x80000049;
	[dreg:$0x1] =	wrdreg $0xFFFFFFFF  }
0xa7: {  	s28 =	simm.s32 $_size_execute0_lowered;
	s3 =	sadd.s32 s3, s5;
	[dreg:$0x0] =	wrdreg $0x0  }
0xa8: {  	s5 =	sshll.u32 s28, $0x1;
	[dreg:$0x2] =	wrdreg s3  }
0xa9: {  	[dreg:$0x3] =	wrdreg s5  }
0xaa: {  	[dreg:$0x4] =	wrdreg $0xC0  }
0xab: {  	_ =	task [dreg:s7], $0x5FFFF  }
0xac: {  	[dreg:$0x1] =	wrdreg $0xFFFFFFFF  }
0xad: {  	[dreg:$0x0] =	wrdreg $0x60  }
0xae: {  	[dreg:$0x2] =	wrdreg s24  }
0xaf: {  	[dreg:$0x3] =	wrdreg s2  }
0xb0: {  	[dreg:$0x4] =	wrdreg $0x0  }
0xb1: {  	[dreg:$0x5] =	wrdreg $0x9  }
0xb2: {  	_ =	task.clear_ibuf [dreg:s7], $0x6FFFF;
	_ =	strace $0x90000049  }
0xb3: {  	s29 =	simm.s32 $0x9;
	_ =	strace $0x8000004B  }
0xb4: {  	_ =	swait.ge [sflag:s29], $0x1  }
0xb5: {  	[sflag:s29] =	ssyncadd.s32 $0xFFFFFFFF  }
0xb6: {  	_ =	strace $0x9000004B  }
0xb7: {  	_ =	sfence  }
0xb8: {  	s30 =	sld [smem:$0x0];
	_ =	sdelay $0x2  }
0xb9: {  	s31 =	sshll.u32 s1, $0xD;
	s1 =	sshrl.u32 s1, $0x2  }
0xba: {  	s3 =	sand.u32 $0x4000, s31;
	s1 =	sadd.s32 s1, s30  }
0xbb: {  	s0 =	sor.u32 s3, s0;
	s1 =	sshll.u32 s1, $0x11  }
0xbc: {  	s0 =	sor.u32 s1, s0  }
0xbd: {  	s0 =	sadd.s32 $0x8F2B, s0  }
0xbe: {  	[sflag:s0] =	ssyncadd.remote.s32 $0x1  }
0xbf: {  	_ =	sfence.sel $0xFFFF  }
0xc0: {  	[dreg:$0x0] =	wrdreg $0xFFFFFFFF;
	(pc) =	sbr.abs _section_cstart, $3  }
0xc1: {  	[dreg:$0x1] =	wrdreg $0xFFFFFFFF  }
0xc2: {  	_ =	task.clear_ibuf [dreg:s7], $0x2FFFF;
	_ =	strace $0x9FFFFFFF  }
0xc3: {  	(tm) =	ssettm $0x7FFFFFFF  }
tec
execute0_lowered:
.L_overlay_start_1:
0x0: {  	(tag) =	ssettag $0x1  }
0x1: {  	s0 =	rddreg [dreg:$0x0];
	s1 =	srdreg.scid  }
0x2: {  	s12 =	stileid.u32;
	s3 =	rddreg [dreg:$0x1]  }
0x3: {  	s2 =	rddreg [dreg:$0x2];
	s6 =	simm.s32 $0x0;
	s15 =	simm.s32 $0x50  }
0x4: {  	s22 =	simm.s32 $0x11E40;
	s23 =	simm.s32 $0xF640;
	s28 =	simm.s32 $0x12840  }
0x5: {  	s29 =	simm.s32 $0x1;
	s30 =	simm.s32 $0x6;
	s20 =	simm.s32 $0x8  }
0x6: {  	s16 =	simm.s32 $0xF;
	s17 =	simm.s32 $0x14;
	s1 =	sand.u32 $0x1, s1  }
0x7: {  	s4 =	smul.u32 $0xA000, s12;
	[smem:$0x7FF] =	sst s6;
	s7 =	sadd.s32 $0x2B800, s0  }
0x8: {  	s11 =	smul.u32 $0x4E20, s12;
	s25 =	sshll.u32 s12, $0x6;
	s12 =	simm.s32 $0x13  }
0x9: {  	s5 =	smul.u32 $0xA0000, s1;
	_ =	strace $0x8000004A;
	s8 =	ssub.s32 $0x2, s1  }
0xa: {  	s9 =	smul.u32 $0x4E200, s1;
	s1 =	sxor.u32 $0x1, s1;
	s19 =	sor.u32 $0x1C15, s25  }
0xb: {  	s25 =	simm.s32 $0x10040;
	s10 =	sshrl.u32 s8, $0x1;
	s1 =	smul.u32 $0x4E200, s1  }
0xc: {  	[dreg:$0x5] =	wrdreg s19;
	s24 =	sadd.s32 s4, s5;
	s10 =	ssub.s32 s8, s10  }
0xd: {  	s4 =	sshrl.u32 s4, $0x1;
	s26 =	sadd.s32 s11, s9;
	s5 =	sshrl.u32 s5, $0x4  }
0xe: {  	s9 =	simm.s32 $0xEC40;
	s6 =	sshrl.u32 s24, $0x4;
	s4 =	sadd.s32 s4, s2  }
0xf: {  	s1 =	sadd.s32 s11, s1;
	s8 =	sadd.s32 s7, s5;
	s31 =	smax.u32 s10, $0x1  }
0x10: {  	s11 =	simm.s32 $0xE;
	s10 =	simm.s32 $0x3;
	s0 =	sadd.s32 s6, s0  }
0x11: {  	s6 =	sadd.s32 s7, s6;
	s1 =	sshrl.u32 s1, $0x3;
	[dreg:$0x9] =	wrdreg s31  }
0x12: {  	s7 =	simm.s32 $0x15;
	[dreg:$0x4] =	wrdreg s6;
	s1 =	sadd.s32 s3, s1  }
0x13: {  	s6 =	sshrl.u32 s26, $0x3;
	s0 =	sadd.s32 $0x3F800, s0;
	[dreg:$0x7] =	wrdreg s1  }
0x14: {  	s26 =	simm.s32 $0x4;
	s6 =	sadd.s32 s3, s6;
	[dreg:$0x8] =	wrdreg s0  }
0x15: {  	s3 =	sshrl.u32 s4, $0x3;
	s0 =	simm.s32 $0x0;
	[dreg:$0x6] =	wrdreg s6  }
0x16: {  	s4 =	simm.s32 $0x2;
	[dreg:$0xa] =	wrdreg s3;
	s6 =	simm.s32 $0x7  }
.LBB2_1:
0x17: {  	[dreg:$0xb] =	wrdreg s0  }
0x18: {  	s1 =	rddreg [dreg:$0x4]  }
0x19: {  	[spmem:s3], [sflag:s19] =	dma.local [hbm:s1], $0xA00  }
0x1a: {  	_ =	swait.ge [sflag:s7], $0xA00  }
0x1b: {  	s5 =	simm.s32 $0x0;
	[sflag:s7] =	ssyncset.done $0x0  }
0x1c: {  	s14 =	simm.s32 $0x5000;
	s13 =	rddreg [dreg:$0x6];
	[sflag:s7] =	ssyncadd.s32 $0xFFFFF600  }
0x1d: {  	[tilespmem:s14], [sflag:$0x15] =	stream.linear.gather [hbm4b:s13+s5], $0x4E20, $0x38;
	[tilespmem:$0x15040] =	vst v63  }
0x1e: {  	_ =	swait.ge [sflag:s7], $0x4E20  }
0x1f: {  	[sflag:s7] =	ssyncset.done $0x0  }
0x20: {  	s21 =	simm.s32 $0x9E20;
	s18 =	rddreg [dreg:$0x7];
	[sflag:s7] =	ssyncadd.s32 $0xFFFFB1E0  }
0x21: {  	[tilespmem:s21], [sflag:$0x15] =	stream.linear.gather [hbm4b:s18+s5], $0x4E20, $0x38;
	[tilespmem:$0x15040] =	vst v63  }
0x22: {  	_ =	swait.ge [sflag:s7], $0x4E20  }
0x23: {  	[sflag:s7] =	ssyncset.done $0x0  }
0x24: {  	[sflag:s7] =	ssyncadd.s32 $0xFFFFB1E0  }
0x25: {  	[bflag:$0x0] =	sbarrier.arrive $0xFFFF  }
0x26: {  	[tilespmem:s9], [sflag:$0x1] =	stream.indirect.gather [hbm4b:s8+s15], $0x20, s14, s15, $0xb8;
	[tilespmem:$0x15040] =	vst v63  }
0x27: {  	_ = 	snop  }
0x28: {  	[tilespmem:s22], [sflag:$0x6] =	stream.indirect.gather [hbm4b:s8+s15], $0x20, s21, s15, $0xb8;
	[tilespmem:$0x15040] =	vst v63  }
0x29: {  	s24 =	simm.s32 $0x5050  }
0x2a: {  	[tilespmem:s23], [sflag:$0x2] =	stream.indirect.gather [hbm4b:s8+s15], $0x20, s24, s15, $0xb8;
	[tilespmem:$0x15040] =	vst v63  }
0x2b: {  	s31 =	simm.s32 $0x9E70  }
0x2c: {  	[tilespmem:s28], [sflag:$0x7] =	stream.indirect.gather [hbm4b:s8+s15], $0x20, s31, s15, $0xb8;
	[tilespmem:$0x15040] =	vst v63  }
0x2d: {  	_ =	swait.ge [sflag:s29], $0xA00  }
0x2e: {  	[sflag:s29] =	ssyncset.done $0x0  }
0x2f: {  	[sflag:s29] =	ssyncadd.s32 $0xFFFFF600  }
0x30: {  	[spmem:s2] =	stream.indirect.scatter.add.bf16 [tilespmem:s9], [sflag:$0xB], $0x20, s21, s15, $0xb8;
	[tilespmem:$0x15040] =	vst v63  }
0x31: {  	_ =	swait.ge [sflag:s30], $0xA00  }
0x32: {  	[sflag:s30] =	ssyncset.done $0x0  }
0x33: {  	[sflag:s30] =	ssyncadd.s32 $0xFFFFF600  }
0x34: {  	[spmem:s2] =	stream.indirect.scatter.add.bf16 [tilespmem:s22], [sflag:$0x10], $0x20, s14, s15, $0xb8;
	[tilespmem:$0x15040] =	vst v63  }
0x35: {  	s0 =	simm.s32 $0x50A0  }
0x36: {  	[tilespmem:s25], [sflag:$0x3] =	stream.indirect.gather [hbm4b:s8+s15], $0x20, s0, s15, $0xb8;
	[tilespmem:$0x15040] =	vst v63  }
0x37: {  	s5 =	simm.s32 $0x9EC0;
	s18 =	simm.s32 $0x13240  }
0x38: {  	[tilespmem:s18], [sflag:$0x8] =	stream.indirect.gather [hbm4b:s8+s15], $0x20, s5, s15, $0xb8;
	[tilespmem:$0x15040] =	vst v63  }
0x39: {  	_ =	swait.ge [sflag:s4], $0xA00  }
0x3a: {  	[sflag:s4] =	ssyncset.done $0x0  }
0x3b: {  	[sflag:s4] =	ssyncadd.s32 $0xFFFFF600  }
0x3c: {  	[spmem:s2] =	stream.indirect.scatter.add.bf16 [tilespmem:s23], [sflag:$0xC], $0x20, s31, s15, $0xb8;
	[tilespmem:$0x15040] =	vst v63  }
0x3d: {  	_ =	swait.ge [sflag:s6], $0xA00  }
0x3e: {  	[sflag:s6] =	ssyncset.done $0x0  }
0x3f: {  	[sflag:s6] =	ssyncadd.s32 $0xFFFFF600  }
0x40: {  	[spmem:s2] =	stream.indirect.scatter.add.bf16 [tilespmem:s28], [sflag:$0x11], $0x20, s24, s15, $0xb8;
	[tilespmem:$0x15040] =	vst v63  }
0x41: {  	s13 =	simm.s32 $0x10A40;
	s14 =	simm.s32 $0x50F0  }
0x42: {  	[tilespmem:s13], [sflag:$0x4] =	stream.indirect.gather [hbm4b:s8+s15], $0x20, s14, s15, $0xb8;
	[tilespmem:$0x15040] =	vst v63  }
0x43: {  	s21 =	simm.s32 $0x9F10;
	s24 =	simm.s32 $0x13C40  }
0x44: {  	[tilespmem:s24], [sflag:$0x9] =	stream.indirect.gather [hbm4b:s8+s15], $0x20, s21, s15, $0xb8;
	[tilespmem:$0x15040] =	vst v63  }
0x45: {  	_ =	swait.ge [sflag:s10], $0xA00  }
0x46: {  	[sflag:s10] =	ssyncset.done $0x0  }
0x47: {  	[sflag:s10] =	ssyncadd.s32 $0xFFFFF600  }
0x48: {  	[spmem:s2] =	stream.indirect.scatter.add.bf16 [tilespmem:s25], [sflag:$0xD], $0x20, s5, s15, $0xb8;
	[tilespmem:$0x15040] =	vst v63  }
0x49: {  	_ =	swait.ge [sflag:s20], $0xA00  }
0x4a: {  	[sflag:s20] =	ssyncset.done $0x0  }
0x4b: {  	[sflag:s20] =	ssyncadd.s32 $0xFFFFF600  }
0x4c: {  	[spmem:s2] =	stream.indirect.scatter.add.bf16 [tilespmem:s18], [sflag:$0x12], $0x20, s0, s15, $0xb8;
	[tilespmem:$0x15040] =	vst v63  }
0x4d: {  	s31 =	simm.s32 $0x11440;
	s25 =	simm.s32 $0x5140  }
0x4e: {  	[tilespmem:s31], [sflag:$0x5] =	stream.indirect.gather [hbm4b:s8+s15], $0x20, s25, s15, $0xb8;
	[tilespmem:$0x15040] =	vst v63  }
0x4f: {  	s5 =	simm.s32 $0x14640;
	s0 =	simm.s32 $0x9F60  }
0x50: {  	[tilespmem:s5], [sflag:$0xA] =	stream.indirect.gather [hbm4b:s8+s15], $0x20, s0, s15, $0xb8;
	[tilespmem:$0x15040] =	vst v63  }
0x51: {  	_ =	swait.ge [sflag:s26], $0xA00  }
0x52: {  	[sflag:s26] =	ssyncset.done $0x0  }
0x53: {  	s0 =	simm.s32 $0x9;
	[sflag:s26] =	ssyncadd.s32 $0xFFFFF600  }
0x54: {  	[spmem:s2] =	stream.indirect.scatter.add.bf16 [tilespmem:s13], [sflag:$0xE], $0x20, s21, s15, $0xb8;
	[tilespmem:$0x15040] =	vst v63  }
0x55: {  	_ =	swait.ge [sflag:s0], $0xA00  }
0x56: {  	[sflag:s0] =	ssyncset.done $0x0  }
0x57: {  	s3 =	simm.s32 $0xB;
	[sflag:s0] =	ssyncadd.s32 $0xFFFFF600  }
0x58: {  	[spmem:s2] =	stream.indirect.scatter.add.bf16 [tilespmem:s24], [sflag:$0x13], $0x20, s14, s15, $0xb8;
	[tilespmem:$0x15040] =	vst v63  }
0x59: {  	_ =	swait.ge [sflag:s3], $0xA00  }
0x5a: {  	[sflag:s3] =	ssyncset.done $0x0  }
0x5b: {  	s7 =	simm.s32 $0x10;
	[sflag:s3] =	ssyncadd.s32 $0xFFFFF600  }
0x5c: {  	_ =	swait.ge [sflag:s7], $0xA00  }
0x5d: {  	[sflag:s7] =	ssyncset.done $0x0  }
0x5e: {  	s14 =	simm.s32 $0x5190;
	[sflag:s7] =	ssyncadd.s32 $0xFFFFF600  }
0x5f: {  	[tilespmem:s9], [sflag:$0x1] =	stream.indirect.gather [hbm4b:s8+s15], $0x20, s14, s15, $0xb8;
	[tilespmem:$0x15040] =	vst v63  }
0x60: {  	s21 =	simm.s32 $0x9FB0;
	s9 =	simm.s32 $0x5  }
0x61: {  	[tilespmem:s22], [sflag:$0x6] =	stream.indirect.gather [hbm4b:s8+s15], $0x20, s21, s15, $0xb8;
	[tilespmem:$0x15040] =	vst v63  }
0x62: {  	_ =	swait.ge [sflag:s9], $0xA00  }
0x63: {  	[sflag:s9] =	ssyncset.done $0x0  }
0x64: {  	s19 =	simm.s32 $0x9F60;
	s25 =	simm.s32 $0xA;
	[sflag:s9] =	ssyncadd.s32 $0xFFFFF600  }
0x65: {  	[spmem:s2] =	stream.indirect.scatter.add.bf16 [tilespmem:s31], [sflag:$0xF], $0x20, s19, s15, $0xb8;
	[tilespmem:$0x15040] =	vst v63  }
0x66: {  	_ =	swait.ge [sflag:s25], $0xA00  }
0x67: {  	[sflag:s25] =	ssyncset.done $0x0  }
0x68: {  	s9 =	simm.s32 $0x5140;
	s19 =	simm.s32 $0xC;
	[sflag:s25] =	ssyncadd.s32 $0xFFFFF600  }
0x69: {  	[spmem:s2] =	stream.indirect.scatter.add.bf16 [tilespmem:s5], [sflag:$0x14], $0x20, s9, s15, $0xb8;
	[tilespmem:$0x15040] =	vst v63  }
0x6a: {  	_ =	swait.ge [sflag:s19], $0xA00  }
0x6b: {  	[sflag:s19] =	ssyncset.done $0x0  }
0x6c: {  	s25 =	simm.s32 $0x11;
	[sflag:s19] =	ssyncadd.s32 $0xFFFFF600  }
0x6d: {  	_ =	swait.ge [sflag:s25], $0xA00  }
0x6e: {  	[sflag:s25] =	ssyncset.done $0x0  }
0x6f: {  	[sflag:s25] =	ssyncadd.s32 $0xFFFFF600;
	s25 =	simm.s32 $0x51E0  }
0x70: {  	[tilespmem:s23], [sflag:$0x2] =	stream.indirect.gather [hbm4b:s8+s15], $0x20, s25, s15, $0xb8;
	[tilespmem:$0x15040] =	vst v63  }
0x71: {  	s19 =	simm.s32 $0xA000  }
0x72: {  	[tilespmem:s28], [sflag:$0x7] =	stream.indirect.gather [hbm4b:s8+s15], $0x20, s19, s15, $0xb8;
	[tilespmem:$0x15040] =	vst v63  }
0x73: {  	_ =	swait.ge [sflag:s29], $0xA00  }
0x74: {  	[sflag:s29] =	ssyncset.done $0x0  }
0x75: {  	s3 =	simm.s32 $0xEC40;
	[sflag:s29] =	ssyncadd.s32 $0xFFFFF600  }
0x76: {  	[spmem:s2] =	stream.indirect.scatter.add.bf16 [tilespmem:s3], [sflag:$0xB], $0x20, s21, s15, $0xb8;
	[tilespmem:$0x15040] =	vst v63  }
0x77: {  	_ =	swait.ge [sflag:s30], $0xA00  }
0x78: {  	[sflag:s30] =	ssyncset.done $0x0  }
0x79: {  	s3 =	simm.s32 $0xD;
	[sflag:s30] =	ssyncadd.s32 $0xFFFFF600  }
0x7a: {  	[spmem:s2] =	stream.indirect.scatter.add.bf16 [tilespmem:s22], [sflag:$0x10], $0x20, s14, s15, $0xb8;
	[tilespmem:$0x15040] =	vst v63  }
0x7b: {  	_ =	swait.ge [sflag:s3], $0xA00  }
0x7c: {  	[sflag:s3] =	ssyncset.done $0x0  }
0x7d: {  	s9 =	simm.s32 $0x12;
	[sflag:s3] =	ssyncadd.s32 $0xFFFFF600  }
0x7e: {  	_ =	swait.ge [sflag:s9], $0xA00  }
0x7f: {  	[sflag:s9] =	ssyncset.done $0x0  }
0x80: {  	s7 =	simm.s32 $0x10040;
	s14 =	simm.s32 $0x5230;
	[sflag:s9] =	ssyncadd.s32 $0xFFFFF600  }
0x81: {  	[tilespmem:s7], [sflag:$0x3] =	stream.indirect.gather [hbm4b:s8+s15], $0x20, s14, s15, $0xb8;
	[tilespmem:$0x15040] =	vst v63  }
0x82: {  	s22 =	simm.s32 $0xA050  }
0x83: {  	[tilespmem:s18], [sflag:$0x8] =	stream.indirect.gather [hbm4b:s8+s15], $0x20, s22, s15, $0xb8;
	[tilespmem:$0x15040] =	vst v63  }
0x84: {  	_ =	swait.ge [sflag:s4], $0xA00  }
0x85: {  	[sflag:s4] =	ssyncset.done $0x0  }
0x86: {  	[sflag:s4] =	ssyncadd.s32 $0xFFFFF600  }
0x87: {  	[spmem:s2] =	stream.indirect.scatter.add.bf16 [tilespmem:s23], [sflag:$0xC], $0x20, s19, s15, $0xb8;
	[tilespmem:$0x15040] =	vst v63  }
0x88: {  	_ =	swait.ge [sflag:s6], $0xA00  }
0x89: {  	[sflag:s6] =	ssyncset.done $0x0  }
0x8a: {  	[sflag:s6] =	ssyncadd.s32 $0xFFFFF600  }
0x8b: {  	[spmem:s2] =	stream.indirect.scatter.add.bf16 [tilespmem:s28], [sflag:$0x11], $0x20, s25, s15, $0xb8;
	[tilespmem:$0x15040] =	vst v63  }
0x8c: {  	_ =	swait.ge [sflag:s11], $0xA00  }
0x8d: {  	[sflag:s11] =	ssyncset.done $0x0  }
0x8e: {  	[sflag:s11] =	ssyncadd.s32 $0xFFFFF600  }
0x8f: {  	_ =	swait.ge [sflag:s12], $0xA00  }
0x90: {  	[sflag:s12] =	ssyncset.done $0x0  }
0x91: {  	s25 =	simm.s32 $0x5280;
	[sflag:s12] =	ssyncadd.s32 $0xFFFFF600  }
0x92: {  	[tilespmem:s13], [sflag:$0x4] =	stream.indirect.gather [hbm4b:s8+s15], $0x20, s25, s15, $0xb8;
	[tilespmem:$0x15040] =	vst v63  }
0x93: {  	s23 =	simm.s32 $0xA0A0  }
0x94: {  	[tilespmem:s24], [sflag:$0x9] =	stream.indirect.gather [hbm4b:s8+s15], $0x20, s23, s15, $0xb8;
	[tilespmem:$0x15040] =	vst v63  }
0x95: {  	_ =	swait.ge [sflag:s10], $0xA00  }
0x96: {  	[sflag:s10] =	ssyncset.done $0x0  }
0x97: {  	[sflag:s10] =	ssyncadd.s32 $0xFFFFF600  }
0x98: {  	[spmem:s2] =	stream.indirect.scatter.add.bf16 [tilespmem:s7], [sflag:$0xD], $0x20, s22, s15, $0xb8;
	[tilespmem:$0x15040] =	vst v63  }
0x99: {  	_ =	swait.ge [sflag:s20], $0xA00  }
0x9a: {  	[sflag:s20] =	ssyncset.done $0x0  }
0x9b: {  	[sflag:s20] =	ssyncadd.s32 $0xFFFFF600  }
0x9c: {  	[spmem:s2] =	stream.indirect.scatter.add.bf16 [tilespmem:s18], [sflag:$0x12], $0x20, s14, s15, $0xb8;
	[tilespmem:$0x15040] =	vst v63  }
0x9d: {  	_ =	swait.ge [sflag:s16], $0xA00  }
0x9e: {  	[sflag:s16] =	ssyncset.done $0x0  }
0x9f: {  	[sflag:s16] =	ssyncadd.s32 $0xFFFFF600  }
0xa0: {  	_ =	swait.ge [sflag:s17], $0xA00  }
0xa1: {  	[sflag:s17] =	ssyncset.done $0x0  }
0xa2: {  	s28 =	simm.s32 $0x52D0;
	[sflag:s17] =	ssyncadd.s32 $0xFFFFF600  }
0xa3: {  	[tilespmem:s31], [sflag:$0x5] =	stream.indirect.gather [hbm4b:s8+s15], $0x20, s28, s15, $0xb8;
	[tilespmem:$0x15040] =	vst v63  }
0xa4: {  	s31 =	simm.s32 $0xA0F0  }
0xa5: {  	[tilespmem:s5], [sflag:$0xA] =	stream.indirect.gather [hbm4b:s8+s15], $0x20, s31, s15, $0xb8;
	[tilespmem:$0x15040] =	vst v63  }
0xa6: {  	_ =	swait.ge [sflag:s26], $0xA00  }
0xa7: {  	[sflag:s26] =	ssyncset.done $0x0  }
0xa8: {  	s29 =	simm.s32 $0x12840;
	[sflag:s26] =	ssyncadd.s32 $0xFFFFF600  }
0xa9: {  	[spmem:s2] =	stream.indirect.scatter.add.bf16 [tilespmem:s13], [sflag:$0xE], $0x20, s23, s15, $0xb8;
	[tilespmem:$0x15040] =	vst v63  }
0xaa: {  	s30 =	simm.s32 $0x1;
	s9 =	simm.s32 $0x6;
	_ =	swait.ge [sflag:s0], $0xA00  }
0xab: {  	s19 =	simm.s32 $0x640;
	s24 =	simm.s32 $0x8;
	[sflag:s0] =	ssyncset.done $0x0  }
0xac: {  	s22 =	simm.s32 $0x11E40;
	s23 =	simm.s32 $0xF640;
	[sflag:s0] =	ssyncadd.s32 $0xFFFFF600  }
.LBB2_2:
0xad: {  	s18 =	simm.s32 $0x13C40;
	s21 =	smov.u32 s19;
	s1 =	simm.s32 $0xB  }
0xae: {  	[spmem:s2] =	stream.indirect.scatter.add.bf16 [tilespmem:s18], [sflag:$0x13], $0x20, s25, s15, $0xb8;
	[tilespmem:$0x15040] =	vst v63  }
0xaf: {  	p0 =	sne.s32 s19, $0x12C00;
	s19 =	sadd.s32 $0x640, s19;
	_ =	swait.ge [sflag:s1], $0xA00  }
0xb0: {  	[sflag:s1] =	ssyncset.done $0x0  }
0xb1: {  	[sflag:s1] =	ssyncadd.s32 $0xFFFFF600;
	s1 =	simm.s32 $0x10  }
0xb2: {  	_ =	swait.ge [sflag:s1], $0xA00  }
0xb3: {  	s21 =	sshra.s32 s21, $0x2;
	[sflag:s1] =	ssyncset.done $0x0  }
0xb4: {  	s7 =	simm.s32 $0xEC40;
	s25 =	sadd.s32 $0x5190, s21;
	[sflag:s1] =	ssyncadd.s32 $0xFFFFF600  }
0xb5: {  	[tilespmem:s7], [sflag:$0x1] =	stream.indirect.gather [hbm4b:s8+s15], $0x20, s25, s15, $0xb8;
	[tilespmem:$0x15040] =	vst v63  }
0xb6: {  	s28 =	sadd.s32 $0x9FB0, s21;
	s1 =	simm.s32 $0x5  }
0xb7: {  	[tilespmem:s22], [sflag:$0x6] =	stream.indirect.gather [hbm4b:s8+s15], $0x20, s28, s15, $0xb8;
	[tilespmem:$0x15040] =	vst v63  }
0xb8: {  	_ =	swait.ge [sflag:s1], $0xA00  }
0xb9: {  	[sflag:s1] =	ssyncset.done $0x0  }
0xba: {  	s26 =	simm.s32 $0x11440;
	[sflag:s1] =	ssyncadd.s32 $0xFFFFF600;
	s1 =	sadd.s32 $0x9F60, s21  }
0xbb: {  	[spmem:s2] =	stream.indirect.scatter.add.bf16 [tilespmem:s26], [sflag:$0xF], $0x20, s1, s15, $0xb8;
	[tilespmem:$0x15040] =	vst v63  }
0xbc: {  	s1 =	simm.s32 $0xA  }
0xbd: {  	_ =	swait.ge [sflag:s1], $0xA00  }
0xbe: {  	[sflag:s1] =	ssyncset.done $0x0  }
0xbf: {  	s31 =	simm.s32 $0x14640;
	[sflag:s1] =	ssyncadd.s32 $0xFFFFF600;
	s1 =	sadd.s32 $0x5140, s21  }
0xc0: {  	[spmem:s2] =	stream.indirect.scatter.add.bf16 [tilespmem:s31], [sflag:$0x14], $0x20, s1, s15, $0xb8;
	[tilespmem:$0x15040] =	vst v63  }
0xc1: {  	s1 =	simm.s32 $0xC  }
0xc2: {  	_ =	swait.ge [sflag:s1], $0xA00  }
0xc3: {  	[sflag:s1] =	ssyncset.done $0x0  }
0xc4: {  	[sflag:s1] =	ssyncadd.s32 $0xFFFFF600;
	s1 =	simm.s32 $0x11  }
0xc5: {  	_ =	swait.ge [sflag:s1], $0xA00  }
0xc6: {  	[sflag:s1] =	ssyncset.done $0x0  }
0xc7: {  	[sflag:s1] =	ssyncadd.s32 $0xFFFFF600;
	s1 =	sadd.s32 $0x51E0, s21  }
0xc8: {  	[tilespmem:s23], [sflag:$0x2] =	stream.indirect.gather [hbm4b:s8+s15], $0x20, s1, s15, $0xb8;
	[tilespmem:$0x15040] =	vst v63  }
0xc9: {  	s3 =	sadd.s32 $0xA000, s21  }
0xca: {  	[tilespmem:s29], [sflag:$0x7] =	stream.indirect.gather [hbm4b:s8+s15], $0x20, s3, s15, $0xb8;
	[tilespmem:$0x15040] =	vst v63  }
0xcb: {  	_ =	swait.ge [sflag:s30], $0xA00  }
0xcc: {  	[sflag:s30] =	ssyncset.done $0x0  }
0xcd: {  	[sflag:s30] =	ssyncadd.s32 $0xFFFFF600  }
0xce: {  	[spmem:s2] =	stream.indirect.scatter.add.bf16 [tilespmem:s7], [sflag:$0xB], $0x20, s28, s15, $0xb8;
	[tilespmem:$0x15040] =	vst v63  }
0xcf: {  	_ =	swait.ge [sflag:s9], $0xA00  }
0xd0: {  	[sflag:s9] =	ssyncset.done $0x0  }
0xd1: {  	s7 =	simm.s32 $0xD;
	[sflag:s9] =	ssyncadd.s32 $0xFFFFF600  }
0xd2: {  	[spmem:s2] =	stream.indirect.scatter.add.bf16 [tilespmem:s22], [sflag:$0x10], $0x20, s25, s15, $0xb8;
	[tilespmem:$0x15040] =	vst v63  }
0xd3: {  	_ =	swait.ge [sflag:s7], $0xA00  }
0xd4: {  	[sflag:s7] =	ssyncset.done $0x0  }
0xd5: {  	s5 =	simm.s32 $0x12;
	[sflag:s7] =	ssyncadd.s32 $0xFFFFF600  }
0xd6: {  	_ =	swait.ge [sflag:s5], $0xA00  }
0xd7: {  	[sflag:s5] =	ssyncset.done $0x0  }
0xd8: {  	s28 =	sadd.s32 $0x5230, s21;
	[sflag:s5] =	ssyncadd.s32 $0xFFFFF600;
	s5 =	simm.s32 $0x10040  }
0xd9: {  	[tilespmem:s5], [sflag:$0x3] =	stream.indirect.gather [hbm4b:s8+s15], $0x20, s28, s15, $0xb8;
	[tilespmem:$0x15040] =	vst v63  }
0xda: {  	s13 =	simm.s32 $0x13240;
	s7 =	sadd.s32 $0xA050, s21  }
0xdb: {  	[tilespmem:s13], [sflag:$0x8] =	stream.indirect.gather [hbm4b:s8+s15], $0x20, s7, s15, $0xb8;
	[tilespmem:$0x15040] =	vst v63  }
0xdc: {  	_ =	swait.ge [sflag:s4], $0xA00  }
0xdd: {  	[sflag:s4] =	ssyncset.done $0x0  }
0xde: {  	[sflag:s4] =	ssyncadd.s32 $0xFFFFF600  }
0xdf: {  	[spmem:s2] =	stream.indirect.scatter.add.bf16 [tilespmem:s23], [sflag:$0xC], $0x20, s3, s15, $0xb8;
	[tilespmem:$0x15040] =	vst v63  }
0xe0: {  	_ =	swait.ge [sflag:s6], $0xA00  }
0xe1: {  	[sflag:s6] =	ssyncset.done $0x0  }
0xe2: {  	[sflag:s6] =	ssyncadd.s32 $0xFFFFF600  }
0xe3: {  	[spmem:s2] =	stream.indirect.scatter.add.bf16 [tilespmem:s29], [sflag:$0x11], $0x20, s1, s15, $0xb8;
	[tilespmem:$0x15040] =	vst v63  }
0xe4: {  	_ =	swait.ge [sflag:s11], $0xA00  }
0xe5: {  	[sflag:s11] =	ssyncset.done $0x0  }
0xe6: {  	[sflag:s11] =	ssyncadd.s32 $0xFFFFF600  }
0xe7: {  	_ =	swait.ge [sflag:s12], $0xA00  }
0xe8: {  	[sflag:s12] =	ssyncset.done $0x0  }
0xe9: {  	s14 =	simm.s32 $0x10A40;
	s25 =	sadd.s32 $0x5280, s21;
	[sflag:s12] =	ssyncadd.s32 $0xFFFFF600  }
0xea: {  	[tilespmem:s14], [sflag:$0x4] =	stream.indirect.gather [hbm4b:s8+s15], $0x20, s25, s15, $0xb8;
	[tilespmem:$0x15040] =	vst v63  }
0xeb: {  	s20 =	simm.s32 $0x13C40;
	s1 =	sadd.s32 $0xA0A0, s21  }
0xec: {  	[tilespmem:s18], [sflag:$0x9] =	stream.indirect.gather [hbm4b:s8+s15], $0x20, s1, s15, $0xb8;
	[tilespmem:$0x15040] =	vst v63  }
0xed: {  	_ =	swait.ge [sflag:s10], $0xA00  }
0xee: {  	[sflag:s10] =	ssyncset.done $0x0  }
0xef: {  	[sflag:s10] =	ssyncadd.s32 $0xFFFFF600  }
0xf0: {  	[spmem:s2] =	stream.indirect.scatter.add.bf16 [tilespmem:s5], [sflag:$0xD], $0x20, s7, s15, $0xb8;
	[tilespmem:$0x15040] =	vst v63  }
0xf1: {  	_ =	swait.ge [sflag:s24], $0xA00  }
0xf2: {  	[sflag:s24] =	ssyncset.done $0x0  }
0xf3: {  	[sflag:s24] =	ssyncadd.s32 $0xFFFFF600  }
0xf4: {  	[spmem:s2] =	stream.indirect.scatter.add.bf16 [tilespmem:s13], [sflag:$0x12], $0x20, s28, s15, $0xb8;
	[tilespmem:$0x15040] =	vst v63  }
0xf5: {  	_ =	swait.ge [sflag:s16], $0xA00  }
0xf6: {  	[sflag:s16] =	ssyncset.done $0x0  }
0xf7: {  	[sflag:s16] =	ssyncadd.s32 $0xFFFFF600  }
0xf8: {  	_ =	swait.ge [sflag:s17], $0xA00  }
0xf9: {  	[sflag:s17] =	ssyncset.done $0x0  }
0xfa: {  	s3 =	sadd.s32 $0x52D0, s21;
	[sflag:s17] =	ssyncadd.s32 $0xFFFFF600  }
0xfb: {  	[tilespmem:s26], [sflag:$0x5] =	stream.indirect.gather [hbm4b:s8+s15], $0x20, s3, s15, $0xb8;
	[tilespmem:$0x15040] =	vst v63  }
0xfc: {  	s7 =	simm.s32 $0x11440;
	s26 =	simm.s32 $0x4  }
0xfd: {  	s18 =	simm.s32 $0x14640;
	s3 =	sadd.s32 $0xA0F0, s21  }
0xfe: {  	[tilespmem:s31], [sflag:$0xA] =	stream.indirect.gather [hbm4b:s8+s15], $0x20, s3, s15, $0xb8;
	[tilespmem:$0x15040] =	vst v63  }
0xff: {  	_ =	swait.ge [sflag:s26], $0xA00  }
0x100: {  	[sflag:s26] =	ssyncset.done $0x0  }
.Ltmp0:
0x101: {  	[sflag:s26] =	ssyncadd.s32 $0xFFFFF600;
	(pc) =	sbr.rel @p0 .LBB2_2-.Ltmp0, $4  }
0x102: {  	[spmem:s2] =	stream.indirect.scatter.add.bf16 [tilespmem:s14], [sflag:$0xE], $0x20, s1, s15, $0xb8;
	[tilespmem:$0x15040] =	vst v63  }
0x103: {  	_ =	swait.ge [sflag:s0], $0xA00  }
0x104: {  	[sflag:s0] =	ssyncset.done $0x0  }
0x105: {  	[sflag:s0] =	ssyncadd.s32 $0xFFFFF600  }
0x106: {  	[spmem:s2] =	stream.indirect.scatter.add.bf16 [tilespmem:s20], [sflag:$0x13], $0x20, s25, s15, $0xb8;
	[tilespmem:$0x15040] =	vst v63  }
0x107: {  	s0 =	simm.s32 $0x5  }
0x108: {  	_ =	swait.ge [sflag:s0], $0xA00  }
0x109: {  	[sflag:s0] =	ssyncset.done $0x0  }
0x10a: {  	s9 =	simm.s32 $0xEBF0;
	s13 =	simm.s32 $0xA;
	[sflag:s0] =	ssyncadd.s32 $0xFFFFF600  }
0x10b: {  	[spmem:s2] =	stream.indirect.scatter.add.bf16 [tilespmem:s7], [sflag:$0xF], $0x20, s9, s15, $0xb8;
	[tilespmem:$0x15040] =	vst v63  }
0x10c: {  	_ =	swait.ge [sflag:s13], $0xA00  }
0x10d: {  	[sflag:s13] =	ssyncset.done $0x0  }
0x10e: {  	s14 =	simm.s32 $0x9DD0;
	s19 =	simm.s32 $0xB;
	[sflag:s13] =	ssyncadd.s32 $0xFFFFF600  }
0x10f: {  	[spmem:s2] =	stream.indirect.scatter.add.bf16 [tilespmem:s18], [sflag:$0x14], $0x20, s14, s15, $0xb8;
	[tilespmem:$0x15040] =	vst v63  }
0x110: {  	_ =	swait.ge [sflag:s19], $0xA00  }
0x111: {  	[sflag:s19] =	ssyncset.done $0x0  }
0x112: {  	s20 =	simm.s32 $0x10;
	[sflag:s19] =	ssyncadd.s32 $0xFFFFF600  }
0x113: {  	_ =	swait.ge [sflag:s20], $0xA00  }
0x114: {  	[sflag:s20] =	ssyncset.done $0x0  }
0x115: {  	s21 =	simm.s32 $0xC;
	[sflag:s20] =	ssyncadd.s32 $0xFFFFF600  }
0x116: {  	_ =	swait.ge [sflag:s21], $0xA00  }
0x117: {  	[sflag:s21] =	ssyncset.done $0x0  }
0x118: {  	s22 =	simm.s32 $0x11;
	[sflag:s21] =	ssyncadd.s32 $0xFFFFF600  }
0x119: {  	_ =	swait.ge [sflag:s22], $0xA00  }
0x11a: {  	[sflag:s22] =	ssyncset.done $0x0  }
0x11b: {  	s23 =	simm.s32 $0xD;
	[sflag:s22] =	ssyncadd.s32 $0xFFFFF600  }
0x11c: {  	_ =	swait.ge [sflag:s23], $0xA00  }
0x11d: {  	[sflag:s23] =	ssyncset.done $0x0  }
0x11e: {  	s24 =	simm.s32 $0x12;
	[sflag:s23] =	ssyncadd.s32 $0xFFFFF600  }
0x11f: {  	_ =	swait.ge [sflag:s24], $0xA00  }
0x120: {  	[sflag:s24] =	ssyncset.done $0x0  }
0x121: {  	[sflag:s24] =	ssyncadd.s32 $0xFFFFF600  }
0x122: {  	_ =	swait.ge [sflag:s11], $0xA00  }
0x123: {  	[sflag:s11] =	ssyncset.done $0x0  }
0x124: {  	[sflag:s11] =	ssyncadd.s32 $0xFFFFF600  }
0x125: {  	_ =	swait.ge [sflag:s12], $0xA00  }
0x126: {  	[sflag:s12] =	ssyncset.done $0x0  }
0x127: {  	[sflag:s12] =	ssyncadd.s32 $0xFFFFF600  }
0x128: {  	_ =	swait.ge [sflag:s16], $0xA00  }
0x129: {  	[sflag:s16] =	ssyncset.done $0x0  }
0x12a: {  	[sflag:s16] =	ssyncadd.s32 $0xFFFFF600  }
0x12b: {  	_ =	swait.ge [sflag:s17], $0xA00  }
0x12c: {  	[sflag:s17] =	ssyncset.done $0x0  }
0x12d: {  	[sflag:s17] =	ssyncadd.s32 $0xFFFFF600  }
0x12e: {  	[bflag:$0x0] =	sbarrier.arrive $0xFFFF  }
0x12f: {  	s19 =	rddreg [dreg:$0x5]  }
0x130: {  	s1 =	rddreg [dreg:$0x8]  }
0x131: {  	s7 =	simm.s32 $0x15;
	s3 =	rddreg [dreg:$0xa]  }
0x132: {  	[hbm:s1], [sflag:s19] =	dma.local [spmem:s3], $0xA00  }
0x133: {  	_ =	swait.ge [sflag:s7], $0xA00  }
0x134: {  	s25 =	rddreg [dreg:$0xb]  }
0x135: {  	s31 =	rddreg [dreg:$0x9];
	s0 =	sadd.s32 $0x1, s25  }
0x136: {  	p0 =	sne.s32 s0, s31  }
.Ltmp1:
0x137: {  	_ = 	snop;
	(pc) =	sbr.rel @p0 .LBB2_1-.Ltmp1, $4  }
0x138: {  	s28 =	simm.s32 $0x12840  }
0x139: {  	s29 =	simm.s32 $0x1;
	s30 =	simm.s32 $0x6;
	s9 =	simm.s32 $0xEC40  }
0x13a: {  	s20 =	simm.s32 $0x8;
	s22 =	simm.s32 $0x11E40;
	[sflag:s7] =	ssyncset.done $0x0  }
0x13b: {  	s23 =	simm.s32 $0xF640;
	[sflag:s7] =	ssyncadd.s32 $0xFFFFF600;
	s25 =	simm.s32 $0x10040  }
0x13c: {  	_ =	sfence.sel $0x180000  }
0x13d: {  	[bflag:$0x0] =	sbarrier.arrive $0xFFFF  }
0x13e: {  	_ =	strace $0x9000004A  }
0x13f: {  	s0 =	stileid.u32;
	[bflag:$0x2] =	sbarrier.arrive $0xFFFF  }
0x140: {  	p0 =	sne.s32 s0, $0x0;
	s0 =	rddreg [dreg:$0x3]  }
0x141: {  	s0 =	sadd.s32 @!p0 $0x100000, s0  }
0x142: {  	[sflag:s0] =	ssyncadd.tile.s32 @!p0 $0x1;
	_ =	shalt  }
.Lfunc_end2:
_tile_overlayer_lowered:
.L_overlay_start_2:
0x143: {  	(tag) =	ssettag $0x2  }
0x144: {  	s0 =	rddreg [dreg:$0x0];
	s2 =	stileid.u32  }
0x145: {  	s1 =	rddreg [dreg:$0x1];
	p0 =	sne.s32 s2, $0x0  }
0x146: {  	s3 =	rddreg [dreg:$0x2];
	[bflag:$0x3] =	sbarrier.arrive $0xFFFF;
	s2 =	simm.s32 @!p0 $0x1C15  }
0x147: {  	[timem:s3], [sflag:s2] =	dma.local @!p0 [hbm:s0], s1  }
0x148: {  	s0 =	simm.s32 @!p0 $0x15  }
0x149: {  	_ =	swait.ge @!p0 [sflag:s0], s1  }
0x14a: {  	s1 =	ssub.s32 @!p0 $0x0, s1;
	[sflag:s0] =	ssyncset.done @!p0 $0x0  }
0x14b: {  	[sflag:s0] =	ssyncadd.s32 @!p0 s1  }
0x14c: {  	[bflag:$0x3] =	sbarrier.arrive $0xFFFF  }
0x14d: {  	_ =	shalt  }

</sc_bundles>
